<compile_context>
chip_gen: v7x
topology: tpu7x:2x2x1
jax: 0.10.2.dev20260603
libtpu: 0.0.44.dev20260713+nightly
codegen_flags: <defaults>
</compile_context>

<pallas_src>
import functools

import jax
import jax.numpy as jnp
from jax import lax
from jax.experimental import pallas as pl
from jax.experimental.pallas import tpu as pltpu
from jax.experimental.pallas import tpu_sc as plsc

_CHUNK = 128
_NC = 2
_NS = 16
_IBLK = 8
_NRB = 2


def _copy_plan(total):
    plan = []
    off = 0
    while off < total:
        sz = min(_CHUNK, total - off)
        plan.append((off, sz))
        off += sz
    return plan


@functools.lru_cache(maxsize=None)
def _make_agg(n, cap, d):
    nch = cap // _CHUNK
    assert cap == nch * _CHUNK and d % 16 == 0 and n % 8 == 0
    base_rows = ((n + _NS - 1) // _NS + 7) // 8 * 8
    tail_rows = n - (_NS - 1) * base_rows
    assert 0 <= tail_rows <= base_rows and tail_rows % 8 == 0
    mesh = plsc.VectorSubcoreMesh(core_axis_name="c", subcore_axis_name="s")

    @functools.partial(
        pl.kernel,
        mesh=mesh,
        out_type=jax.ShapeDtypeStruct((_NC * n, d), jnp.float32),
        scratch_types=[
            pltpu.VMEM((2, _IBLK, _CHUNK), jnp.int32),
            pltpu.VMEM((2, _IBLK, _CHUNK), jnp.int32),
            pltpu.VMEM((_CHUNK, d), jnp.float32),
            pltpu.VMEM((_CHUNK, d), jnp.float32),
            pltpu.VMEM_SHARED((n + 8, d), jnp.float32),
            pltpu.SemaphoreType.DMA,
            pltpu.SemaphoreType.DMA,
            pltpu.SemaphoreType.DMA,
            pltpu.SemaphoreType.DMA,
            pltpu.SemaphoreType.DMA,
            pltpu.SemaphoreType.DMA,
        ],
    )
    def agg(h_hbm, ei_hbm, out_hbm, ibuf0, ibuf1,
            r0, r1, acc_sh, isem0, isem1, g0, g1, s0, s1):
        cid = lax.axis_index("c")
        sid = lax.axis_index("s")
        zbuf_v = r1
        rows = (r0, r1)
        gsem = (g0, g1)
        ssem = (s0, s1)
        ibuf = (ibuf0, ibuf1)
        isem = (isem0, isem1)

        zeros16 = jnp.zeros((16,), jnp.float32)

        def zrow(r, carry):
            for cc in range(d // 16):
                zbuf_v[r, pl.ds(cc * 16, 16)] = zeros16
            return carry

        lax.fori_loop(0, _CHUNK, zrow, None)
        row0 = sid * base_rows

        def zero_slice(nrows):
            for off, sz in _copy_plan(nrows):
                pltpu.sync_copy(zbuf_v.at[pl.ds(0, sz)],
                                acc_sh.at[pl.ds(row0 + off, sz)])

        @pl.when(sid < _NS - 1)
        def _():
            zero_slice(base_rows)

        @pl.when(sid == _NS - 1)
        def _():
            zero_slice(tail_rows + 8)

        plsc.subcore_barrier()

        tl = cid * _NS + sid
        cnt = (nch - tl + _NS * _NC - 1) // (_NS * _NC)

        def chunk_body(i, carry):
            c = tl + i * (_NS * _NC)
            pltpu.sync_copy(ei_hbm.at[:, c], ibuf0.at[:, 0])
            pltpu.async_copy(h_hbm.at[ibuf0.at[0, 0]], r0, g0)
            pltpu.make_async_copy(h_hbm.at[ibuf0.at[0, 0]], r0, g0).wait()
            pltpu.async_copy(r0, acc_sh.at[ibuf0.at[1, 0]], s0, add=True)
            pltpu.make_async_copy(r0, acc_sh.at[ibuf0.at[1, 0]], s0).wait()
            return carry

        lax.fori_loop(0, cnt, chunk_body, None)
        plsc.subcore_barrier()

        out_row0 = cid * n + row0

        def write_slice(nrows):
            for off, sz in _copy_plan(nrows):
                pltpu.sync_copy(acc_sh.at[pl.ds(row0 + off, sz)],
                                zbuf_v.at[pl.ds(0, sz)])
                pltpu.sync_copy(zbuf_v.at[pl.ds(0, sz)],
                                out_hbm.at[pl.ds(out_row0 + off, sz)])

        @pl.when(sid < _NS - 1)
        def _():
            write_slice(base_rows)

        @pl.when(sid == _NS - 1)
        def _():
            write_slice(tail_rows)

    return agg


def _linear_body(x_ref, w_ref, b_ref, o_ref):
    o_ref[...] = (jnp.dot(x_ref[...], w_ref[...],
                          preferred_element_type=jnp.float32) + b_ref[...])


def _mlp_body(h_ref, a0_ref, a1_ref, w1_ref, b1_ref, w2_ref, b2_ref, o_ref):
    z = h_ref[...] + a0_ref[...] + a1_ref[...]
    t = jnp.maximum(jnp.dot(z, w1_ref[...],
                            preferred_element_type=jnp.float32) + b1_ref[...],
                    0.0)
    t = jnp.dot(t, w2_ref[...], preferred_element_type=jnp.float32) + b2_ref[...]
    o_ref[...] = jnp.maximum(t, 0.0)


def _row_block(n):
    for blk in (2000, 1000, 500, 250, 125):
        if n % blk == 0:
            return blk
    return n


def _linear(x, w, b):
    n, _ = x.shape
    d = w.shape[1]
    blk = _row_block(n)
    return pl.pallas_call(
        _linear_body,
        grid=(n // blk,),
        in_specs=[
            pl.BlockSpec((blk, x.shape[1]), lambda i: (i, 0)),
            pl.BlockSpec((x.shape[1], d), lambda i: (0, 0)),
            pl.BlockSpec((1, d), lambda i: (0, 0)),
        ],
        out_specs=pl.BlockSpec((blk, d), lambda i: (i, 0)),
        out_shape=jax.ShapeDtypeStruct((n, d), jnp.float32),
    )(x, w, b.reshape(1, d))


def _mlp(h, a0, a1, w1, b1, w2, b2):
    n, d = h.shape
    blk = _row_block(n)
    return pl.pallas_call(
        _mlp_body,
        grid=(n // blk,),
        in_specs=[
            pl.BlockSpec((blk, d), lambda i: (i, 0)),
            pl.BlockSpec((blk, d), lambda i: (i, 0)),
            pl.BlockSpec((blk, d), lambda i: (i, 0)),
            pl.BlockSpec((d, d), lambda i: (0, 0)),
            pl.BlockSpec((1, d), lambda i: (0, 0)),
            pl.BlockSpec((d, d), lambda i: (0, 0)),
            pl.BlockSpec((1, d), lambda i: (0, 0)),
        ],
        out_specs=pl.BlockSpec((blk, d), lambda i: (i, 0)),
        out_shape=jax.ShapeDtypeStruct((n, d), jnp.float32),
    )(h, a0, a1, w1, b1.reshape(1, d), w2, b2.reshape(1, d))


def kernel(x, edge_index, W_pre, b_pre, Ws1, bs1, Ws2, bs2):
    n = x.shape[0]
    d = W_pre.shape[1]
    e = edge_index.shape[1]
    layers = Ws1.shape[0]

    cap = -(-e // _CHUNK) * _CHUNK
    pad = cap - e
    src = jnp.concatenate(
        [edge_index[0].astype(jnp.int32), jnp.zeros((pad,), jnp.int32)])
    dst = jnp.concatenate(
        [edge_index[1].astype(jnp.int32), jnp.full((pad,), n, jnp.int32)])
    ei3 = jnp.stack([src, dst]).reshape(2, cap // _CHUNK, _CHUNK)

    agg_fn = _make_agg(n, cap, d)
    h = _linear(x, W_pre, b_pre)
    for l in range(layers):
        parts = agg_fn(h, ei3)
        h = _mlp(h, parts[:n], parts[n:], Ws1[l], bs1[l], Ws2[l], bs2[l])
    return h

# --- scband reference (transcript-rebuilt; emitter-appended) ---
"""Pipeline reference for scband-feature-gin-20212116095375 (READ-ONLY COPY).

The authoritative reference and input builder live on the scoring server;
editing this copy changes nothing except your own understanding.
"""

import jax, jax.numpy as jnp
import numpy as np

N = 10000
E = 320000
NFEAT = 128
NHID = 128
L = 3


def setup_inputs(seed: int = 0) -> dict:
    key = jax.random.key(seed)
    ks = jax.random.split(key, 10)
    x = jax.random.normal(ks[0], (N, NFEAT), dtype=jnp.float32)
    edge_index = jax.random.randint(ks[1], (2, E), 0, N, dtype=jnp.int32)
    W_pre = jax.random.normal(ks[2], (NFEAT, NHID), dtype=jnp.float32) * 0.05
    b_pre = jnp.zeros((NHID,), dtype=jnp.float32)
    Ws1 = jax.random.normal(ks[3], (L, NHID, NHID), dtype=jnp.float32) * 0.05
    bs1 = jnp.zeros((L, NHID), dtype=jnp.float32)
    Ws2 = jax.random.normal(ks[4], (L, NHID, NHID), dtype=jnp.float32) * 0.05
    bs2 = jnp.zeros((L, NHID), dtype=jnp.float32)
    return {
        "x": x,
        "edge_index": edge_index,
        "W_pre": W_pre,
        "b_pre": b_pre,
        "Ws1": Ws1,
        "bs1": bs1,
        "Ws2": Ws2,
        "bs2": bs2,
    }


def reference(x, edge_index, W_pre, b_pre, Ws1, bs1, Ws2, bs2):
    # pre: Linear(nfeat -> nhid)
    h = x @ W_pre + b_pre
    src = edge_index[0]
    dst = edge_index[1]
    eps = 0.0
    for l in range(L):
        # GINConv: nn((1+eps)*h + sum_{j in N(i)} h_j)
        msgs = jnp.take(h, src, axis=0)
        agg = jax.ops.segment_sum(msgs, dst, num_segments=N)
        z = (1.0 + eps) * h + agg
        z = jnp.maximum(z @ Ws1[l] + bs1[l], 0.0) @ Ws2[l] + bs2[l]
        # post-conv ReLU (dropout is identity in eval mode)
        h = jnp.maximum(z, 0.0)
    return h

if __name__ == "__main__":
    import jax
    _d = setup_inputs()
    print(jax.jit(kernel)(*tuple(_d.values())))

</pallas_src>

<mosaic_0001>
#map = affine_map<(d0, d1) -> (0, 0)>
#map1 = affine_map<(d0, d1) -> (0, 0, 0)>
module attributes {stable_mosaic.version = 14 : i64} {
  func.func @agg(%arg0: i32, %arg1: i32, %arg2: memref<10000x128xf32, #tpu.memory_space<hbm>>, %arg3: memref<2x2500x128xi32, #tpu.memory_space<hbm>>, %arg4: memref<20000x128xf32, #tpu.memory_space<hbm>>, %arg5: memref<2x8x128xi32, #tpu.memory_space<vmem>>, %arg6: memref<2x8x128xi32, #tpu.memory_space<vmem>>, %arg7: memref<128x128xf32, #tpu.memory_space<vmem>>, %arg8: memref<128x128xf32, #tpu.memory_space<vmem>>, %arg9: memref<10008x128xf32, #tpu.memory_space<vmem_shared>>, %arg10: memref<!tpu.dma_semaphore, #tpu.memory_space<semaphore_mem>>, %arg11: memref<!tpu.dma_semaphore, #tpu.memory_space<semaphore_mem>>, %arg12: memref<!tpu.dma_semaphore, #tpu.memory_space<semaphore_mem>>, %arg13: memref<!tpu.dma_semaphore, #tpu.memory_space<semaphore_mem>>, %arg14: memref<!tpu.dma_semaphore, #tpu.memory_space<semaphore_mem>>, %arg15: memref<!tpu.dma_semaphore, #tpu.memory_space<semaphore_mem>>) attributes {dimension_semantics = [#tpu.dimension_semantics<core_parallel>, #tpu.dimension_semantics<subcore_parallel>], iteration_bounds = array<i64: 2, 16>, scalar_prefetch = 0 : i64, scratch_operands = 11 : i64, tpu.core_type = #tpu.core_type<sc_vector_subcore>, window_params = [{transform_indices = #map}, {transform_indices = #map1}, {transform_indices = #map}]} {
    %broadcast_in_dim3A = arith.constant 0.000000e+00 : f32
    %broadcast_in_dim3A_0 = vector.broadcast %broadcast_in_dim3A : f32 to vector<16xf32>
    %scan3A = arith.constant 0 : i32
    %scan3A_1 = arith.constant 128 : i32
    %scan3A_2 = arith.addi %scan3A, %scan3A_1 : i32
    %scan3A_3 = arith.constant 1 : i32
    scf.for %scan3A_58 = %scan3A to %scan3A_2 step %scan3A_3  : i32 {
      %swap3A = arith.index_cast %scan3A_58 : i32 to index
      %swap3A_59 = arith.constant 0 : index
      %swap3A_60 = tpu.vector_load %arg8[%swap3A, %swap3A_59] {strides = array<i32>} : memref<128x128xf32, #tpu.memory_space<vmem>>, vector<1x16xf32>,
      %swap3A_61 = vector.shape_cast %swap3A_60 : vector<1x16xf32> to vector<16xf32>
      %swap3A_62 = vector.shape_cast %broadcast_in_dim3A_0 : vector<16xf32> to vector<1x16xf32>
      tpu.vector_store %arg8[%swap3A, %swap3A_59], %swap3A_62 {strides = array<i32>} : memref<128x128xf32, #tpu.memory_space<vmem>>, vector<1x16xf32>,
      %swap3A_63 = arith.index_cast %scan3A_58 : i32 to index
      %swap3A_64 = arith.constant 16 : index
      %swap3A_65 = tpu.vector_load %arg8[%swap3A_63, %swap3A_64] {strides = array<i32>} : memref<128x128xf32, #tpu.memory_space<vmem>>, vector<1x16xf32>,
      %swap3A_66 = vector.shape_cast %swap3A_65 : vector<1x16xf32> to vector<16xf32>
      %swap3A_67 = vector.shape_cast %broadcast_in_dim3A_0 : vector<16xf32> to vector<1x16xf32>
      tpu.vector_store %arg8[%swap3A_63, %swap3A_64], %swap3A_67 {strides = array<i32>} : memref<128x128xf32, #tpu.memory_space<vmem>>, vector<1x16xf32>,
      %swap3A_68 = arith.index_cast %scan3A_58 : i32 to index
      %swap3A_69 = arith.constant 32 : index
      %swap3A_70 = tpu.vector_load %arg8[%swap3A_68, %swap3A_69] {strides = array<i32>} : memref<128x128xf32, #tpu.memory_space<vmem>>, vector<1x16xf32>,
      %swap3A_71 = vector.shape_cast %swap3A_70 : vector<1x16xf32> to vector<16xf32>
      %swap3A_72 = vector.shape_cast %broadcast_in_dim3A_0 : vector<16xf32> to vector<1x16xf32>
      tpu.vector_store %arg8[%swap3A_68, %swap3A_69], %swap3A_72 {strides = array<i32>} : memref<128x128xf32, #tpu.memory_space<vmem>>, vector<1x16xf32>,
      %swap3A_73 = arith.index_cast %scan3A_58 : i32 to index
      %swap3A_74 = arith.constant 48 : index
      %swap3A_75 = tpu.vector_load %arg8[%swap3A_73, %swap3A_74] {strides = array<i32>} : memref<128x128xf32, #tpu.memory_space<vmem>>, vector<1x16xf32>,
      %swap3A_76 = vector.shape_cast %swap3A_75 : vector<1x16xf32> to vector<16xf32>
      %swap3A_77 = vector.shape_cast %broadcast_in_dim3A_0 : vector<16xf32> to vector<1x16xf32>
      tpu.vector_store %arg8[%swap3A_73, %swap3A_74], %swap3A_77 {strides = array<i32>} : memref<128x128xf32, #tpu.memory_space<vmem>>, vector<1x16xf32>,
      %swap3A_78 = arith.index_cast %scan3A_58 : i32 to index
      %swap3A_79 = arith.constant 64 : index
      %swap3A_80 = tpu.vector_load %arg8[%swap3A_78, %swap3A_79] {strides = array<i32>} : memref<128x128xf32, #tpu.memory_space<vmem>>, vector<1x16xf32>,
      %swap3A_81 = vector.shape_cast %swap3A_80 : vector<1x16xf32> to vector<16xf32>
      %swap3A_82 = vector.shape_cast %broadcast_in_dim3A_0 : vector<16xf32> to vector<1x16xf32>
      tpu.vector_store %arg8[%swap3A_78, %swap3A_79], %swap3A_82 {strides = array<i32>} : memref<128x128xf32, #tpu.memory_space<vmem>>, vector<1x16xf32>,
      %swap3A_83 = arith.index_cast %scan3A_58 : i32 to index
      %swap3A_84 = arith.constant 80 : index
      %swap3A_85 = tpu.vector_load %arg8[%swap3A_83, %swap3A_84] {strides = array<i32>} : memref<128x128xf32, #tpu.memory_space<vmem>>, vector<1x16xf32>,
      %swap3A_86 = vector.shape_cast %swap3A_85 : vector<1x16xf32> to vector<16xf32>
      %swap3A_87 = vector.shape_cast %broadcast_in_dim3A_0 : vector<16xf32> to vector<1x16xf32>
      tpu.vector_store %arg8[%swap3A_83, %swap3A_84], %swap3A_87 {strides = array<i32>} : memref<128x128xf32, #tpu.memory_space<vmem>>, vector<1x16xf32>,
      %swap3A_88 = arith.index_cast %scan3A_58 : i32 to index
      %swap3A_89 = arith.constant 96 : index
      %swap3A_90 = tpu.vector_load %arg8[%swap3A_88, %swap3A_89] {strides = array<i32>} : memref<128x128xf32, #tpu.memory_space<vmem>>, vector<1x16xf32>,
      %swap3A_91 = vector.shape_cast %swap3A_90 : vector<1x16xf32> to vector<16xf32>
      %swap3A_92 = vector.shape_cast %broadcast_in_dim3A_0 : vector<16xf32> to vector<1x16xf32>
      tpu.vector_store %arg8[%swap3A_88, %swap3A_89], %swap3A_92 {strides = array<i32>} : memref<128x128xf32, #tpu.memory_space<vmem>>, vector<1x16xf32>,
      %swap3A_93 = arith.index_cast %scan3A_58 : i32 to index
      %swap3A_94 = arith.constant 112 : index
      %swap3A_95 = tpu.vector_load %arg8[%swap3A_93, %swap3A_94] {strides = array<i32>} : memref<128x128xf32, #tpu.memory_space<vmem>>, vector<1x16xf32>,
      %swap3A_96 = vector.shape_cast %swap3A_95 : vector<1x16xf32> to vector<16xf32>
      %swap3A_97 = vector.shape_cast %broadcast_in_dim3A_0 : vector<16xf32> to vector<1x16xf32>
      tpu.vector_store %arg8[%swap3A_93, %swap3A_94], %swap3A_97 {strides = array<i32>} : memref<128x128xf32, #tpu.memory_space<vmem>>, vector<1x16xf32>,
    }
    %scan3A_4 = arith.constant 128 : i32
    %mul3A = arith.constant 632 : i32
    %mul3A_5 = arith.muli %arg1, %mul3A : i32
    %lt3A = arith.constant 15 : i32
    %lt3A_6 = arith.cmpi slt, %arg1, %lt3A : i32
    %convert_element_type3A = arith.extui %lt3A_6 : i1 to i32
    %cond3A = arith.constant 0 : i32
    %cond3A_7 = arith.cmpi ne, %convert_element_type3A, %cond3A : i32
    scf.if %cond3A_7 {
      %add3A_58 = arith.constant 0 : i32
      %add3A_59 = arith.addi %mul3A_5, %add3A_58 : i32
      "tpu.region"() ({
        %run_scoped3A = tpu.sem_alloc : memref<!tpu.dma_semaphore, #tpu.memory_space<semaphore_mem>>
        %dma_start3A = arith.constant 0 : i32
        %dma_start3A_68 = arith.constant 0 : i32
        %dma_start3A_69 = tpu.memref_slice %arg8[%dma_start3A, %dma_start3A_68] : memref<128x128xf32, #tpu.memory_space<vmem>> -> memref<128x128xf32, #tpu.memory_space<vmem>>
        %dma_start3A_70 = arith.constant 0 : i32
        %dma_start3A_71 = tpu.memref_slice %arg9[%add3A_59, %dma_start3A_70] : memref<10008x128xf32, #tpu.memory_space<vmem_shared>> -> memref<128x128xf32, #tpu.memory_space<vmem_shared>>
        %dma_start3A_72 = arith.constant 0 : i32
        %dma_start3A_73 = tpu.memref_slice %arg9[%add3A_59, %dma_start3A_72] : memref<10008x128xf32, #tpu.memory_space<vmem_shared>> -> memref<128x128xf32, #tpu.memory_space<vmem_shared>>
        %dma_start3A_74 = arith.constant 0 : i32
        %dma_start3A_75 = arith.constant 0 : i32
        %dma_start3A_76 = tpu.memref_slice %arg8[%dma_start3A_74, %dma_start3A_75] : memref<128x128xf32, #tpu.memory_space<vmem>> -> memref<128x128xf32, #tpu.memory_space<vmem>>
        tpu.enqueue_dma source(%dma_start3A_76 : memref<128x128xf32, #tpu.memory_space<vmem>>) target(%dma_start3A_73 : memref<128x128xf32, #tpu.memory_space<vmem_shared>>) target_semaphore(%run_scoped3A : memref<!tpu.dma_semaphore, #tpu.memory_space<semaphore_mem>>)
        %dma_wait3A = arith.constant 0 : i32
        %dma_wait3A_77 = arith.constant 0 : i32
        %dma_wait3A_78 = tpu.memref_slice %arg8[%dma_wait3A, %dma_wait3A_77] : memref<128x128xf32, #tpu.memory_space<vmem>> -> memref<128x128xf32, #tpu.memory_space<vmem>>
        %dma_wait3A_79 = arith.constant 0 : i32
        %dma_wait3A_80 = tpu.memref_slice %arg9[%add3A_59, %dma_wait3A_79] : memref<10008x128xf32, #tpu.memory_space<vmem_shared>> -> memref<128x128xf32, #tpu.memory_space<vmem_shared>>
        %dma_wait3A_81 = arith.constant 0 : i32
        %dma_wait3A_82 = tpu.memref_slice %arg9[%add3A_59, %dma_wait3A_81] : memref<10008x128xf32, #tpu.memory_space<vmem_shared>> -> memref<128x128xf32, #tpu.memory_space<vmem_shared>>
        %dma_wait3A_83 = arith.constant 0 : i32
        %dma_wait3A_84 = arith.constant 0 : i32
        %dma_wait3A_85 = tpu.memref_slice %arg8[%dma_wait3A_83, %dma_wait3A_84] : memref<128x128xf32, #tpu.memory_space<vmem>> -> memref<128x128xf32, #tpu.memory_space<vmem>>
        tpu.wait_dma2 semaphore(%run_scoped3A : memref<!tpu.dma_semaphore, #tpu.memory_space<semaphore_mem>>) src(%dma_wait3A_85 : memref<128x128xf32, #tpu.memory_space<vmem>>) dst(%dma_wait3A_82 : memref<128x128xf32, #tpu.memory_space<vmem_shared>>)
        tpu.yield
      }) : () -> ()
      %add3A_60 = arith.constant 128 : i32
      %add3A_61 = arith.addi %mul3A_5, %add3A_60 : i32
      "tpu.region"() ({
        %run_scoped3A = tpu.sem_alloc : memref<!tpu.dma_semaphore, #tpu.memory_space<semaphore_mem>>
        %dma_start3A = arith.constant 0 : i32
        %dma_start3A_68 = arith.constant 0 : i32
        %dma_start3A_69 = tpu.memref_slice %arg8[%dma_start3A, %dma_start3A_68] : memref<128x128xf32, #tpu.memory_space<vmem>> -> memref<128x128xf32, #tpu.memory_space<vmem>>
        %dma_start3A_70 = arith.constant 0 : i32
        %dma_start3A_71 = tpu.memref_slice %arg9[%add3A_61, %dma_start3A_70] : memref<10008x128xf32, #tpu.memory_space<vmem_shared>> -> memref<128x128xf32, #tpu.memory_space<vmem_shared>>
        %dma_start3A_72 = arith.constant 0 : i32
        %dma_start3A_73 = tpu.memref_slice %arg9[%add3A_61, %dma_start3A_72] : memref<10008x128xf32, #tpu.memory_space<vmem_shared>> -> memref<128x128xf32, #tpu.memory_space<vmem_shared>>
        %dma_start3A_74 = arith.constant 0 : i32
        %dma_start3A_75 = arith.constant 0 : i32
        %dma_start3A_76 = tpu.memref_slice %arg8[%dma_start3A_74, %dma_start3A_75] : memref<128x128xf32, #tpu.memory_space<vmem>> -> memref<128x128xf32, #tpu.memory_space<vmem>>
        tpu.enqueue_dma source(%dma_start3A_76 : memref<128x128xf32, #tpu.memory_space<vmem>>) target(%dma_start3A_73 : memref<128x128xf32, #tpu.memory_space<vmem_shared>>) target_semaphore(%run_scoped3A : memref<!tpu.dma_semaphore, #tpu.memory_space<semaphore_mem>>)
        %dma_wait3A = arith.constant 0 : i32
        %dma_wait3A_77 = arith.constant 0 : i32
        %dma_wait3A_78 = tpu.memref_slice %arg8[%dma_wait3A, %dma_wait3A_77] : memref<128x128xf32, #tpu.memory_space<vmem>> -> memref<128x128xf32, #tpu.memory_space<vmem>>
        %dma_wait3A_79 = arith.constant 0 : i32
        %dma_wait3A_80 = tpu.memref_slice %arg9[%add3A_61, %dma_wait3A_79] : memref<10008x128xf32, #tpu.memory_space<vmem_shared>> -> memref<128x128xf32, #tpu.memory_space<vmem_shared>>
        %dma_wait3A_81 = arith.constant 0 : i32
        %dma_wait3A_82 = tpu.memref_slice %arg9[%add3A_61, %dma_wait3A_81] : memref<10008x128xf32, #tpu.memory_space<vmem_shared>> -> memref<128x128xf32, #tpu.memory_space<vmem_shared>>
        %dma_wait3A_83 = arith.constant 0 : i32
        %dma_wait3A_84 = arith.constant 0 : i32
        %dma_wait3A_85 = tpu.memref_slice %arg8[%dma_wait3A_83, %dma_wait3A_84] : memref<128x128xf32, #tpu.memory_space<vmem>> -> memref<128x128xf32, #tpu.memory_space<vmem>>
        tpu.wait_dma2 semaphore(%run_scoped3A : memref<!tpu.dma_semaphore, #tpu.memory_space<semaphore_mem>>) src(%dma_wait3A_85 : memref<128x128xf32, #tpu.memory_space<vmem>>) dst(%dma_wait3A_82 : memref<128x128xf32, #tpu.memory_space<vmem_shared>>)
        tpu.yield
      }) : () -> ()
      %add3A_62 = arith.constant 256 : i32
      %add3A_63 = arith.addi %mul3A_5, %add3A_62 : i32
      "tpu.region"() ({
        %run_scoped3A = tpu.sem_alloc : memref<!tpu.dma_semaphore, #tpu.memory_space<semaphore_mem>>
        %dma_start3A = arith.constant 0 : i32
        %dma_start3A_68 = arith.constant 0 : i32
        %dma_start3A_69 = tpu.memref_slice %arg8[%dma_start3A, %dma_start3A_68] : memref<128x128xf32, #tpu.memory_space<vmem>> -> memref<128x128xf32, #tpu.memory_space<vmem>>
        %dma_start3A_70 = arith.constant 0 : i32
        %dma_start3A_71 = tpu.memref_slice %arg9[%add3A_63, %dma_start3A_70] : memref<10008x128xf32, #tpu.memory_space<vmem_shared>> -> memref<128x128xf32, #tpu.memory_space<vmem_shared>>
        %dma_start3A_72 = arith.constant 0 : i32
        %dma_start3A_73 = tpu.memref_slice %arg9[%add3A_63, %dma_start3A_72] : memref<10008x128xf32, #tpu.memory_space<vmem_shared>> -> memref<128x128xf32, #tpu.memory_space<vmem_shared>>
        %dma_start3A_74 = arith.constant 0 : i32
        %dma_start3A_75 = arith.constant 0 : i32
        %dma_start3A_76 = tpu.memref_slice %arg8[%dma_start3A_74, %dma_start3A_75] : memref<128x128xf32, #tpu.memory_space<vmem>> -> memref<128x128xf32, #tpu.memory_space<vmem>>
        tpu.enqueue_dma source(%dma_start3A_76 : memref<128x128xf32, #tpu.memory_space<vmem>>) target(%dma_start3A_73 : memref<128x128xf32, #tpu.memory_space<vmem_shared>>) target_semaphore(%run_scoped3A : memref<!tpu.dma_semaphore, #tpu.memory_space<semaphore_mem>>)
        %dma_wait3A = arith.constant 0 : i32
        %dma_wait3A_77 = arith.constant 0 : i32
        %dma_wait3A_78 = tpu.memref_slice %arg8[%dma_wait3A, %dma_wait3A_77] : memref<128x128xf32, #tpu.memory_space<vmem>> -> memref<128x128xf32, #tpu.memory_space<vmem>>
        %dma_wait3A_79 = arith.constant 0 : i32
        %dma_wait3A_80 = tpu.memref_slice %arg9[%add3A_63, %dma_wait3A_79] : memref<10008x128xf32, #tpu.memory_space<vmem_shared>> -> memref<128x128xf32, #tpu.memory_space<vmem_shared>>
        %dma_wait3A_81 = arith.constant 0 : i32
        %dma_wait3A_82 = tpu.memref_slice %arg9[%add3A_63, %dma_wait3A_81] : memref<10008x128xf32, #tpu.memory_space<vmem_shared>> -> memref<128x128xf32, #tpu.memory_space<vmem_shared>>
        %dma_wait3A_83 = arith.constant 0 : i32
        %dma_wait3A_84 = arith.constant 0 : i32
        %dma_wait3A_85 = tpu.memref_slice %arg8[%dma_wait3A_83, %dma_wait3A_84] : memref<128x128xf32, #tpu.memory_space<vmem>> -> memref<128x128xf32, #tpu.memory_space<vmem>>
        tpu.wait_dma2 semaphore(%run_scoped3A : memref<!tpu.dma_semaphore, #tpu.memory_space<semaphore_mem>>) src(%dma_wait3A_85 : memref<128x128xf32, #tpu.memory_space<vmem>>) dst(%dma_wait3A_82 : memref<128x128xf32, #tpu.memory_space<vmem_shared>>)
        tpu.yield
      }) : () -> ()
      %add3A_64 = arith.constant 384 : i32
      %add3A_65 = arith.addi %mul3A_5, %add3A_64 : i32
      "tpu.region"() ({
        %run_scoped3A = tpu.sem_alloc : memref<!tpu.dma_semaphore, #tpu.memory_space<semaphore_mem>>
        %dma_start3A = arith.constant 0 : i32
        %dma_start3A_68 = arith.constant 0 : i32
        %dma_start3A_69 = tpu.memref_slice %arg8[%dma_start3A, %dma_start3A_68] : memref<128x128xf32, #tpu.memory_space<vmem>> -> memref<128x128xf32, #tpu.memory_space<vmem>>
        %dma_start3A_70 = arith.constant 0 : i32
        %dma_start3A_71 = tpu.memref_slice %arg9[%add3A_65, %dma_start3A_70] : memref<10008x128xf32, #tpu.memory_space<vmem_shared>> -> memref<128x128xf32, #tpu.memory_space<vmem_shared>>
        %dma_start3A_72 = arith.constant 0 : i32
        %dma_start3A_73 = tpu.memref_slice %arg9[%add3A_65, %dma_start3A_72] : memref<10008x128xf32, #tpu.memory_space<vmem_shared>> -> memref<128x128xf32, #tpu.memory_space<vmem_shared>>
        %dma_start3A_74 = arith.constant 0 : i32
        %dma_start3A_75 = arith.constant 0 : i32
        %dma_start3A_76 = tpu.memref_slice %arg8[%dma_start3A_74, %dma_start3A_75] : memref<128x128xf32, #tpu.memory_space<vmem>> -> memref<128x128xf32, #tpu.memory_space<vmem>>
        tpu.enqueue_dma source(%dma_start3A_76 : memref<128x128xf32, #tpu.memory_space<vmem>>) target(%dma_start3A_73 : memref<128x128xf32, #tpu.memory_space<vmem_shared>>) target_semaphore(%run_scoped3A : memref<!tpu.dma_semaphore, #tpu.memory_space<semaphore_mem>>)
        %dma_wait3A = arith.constant 0 : i32
        %dma_wait3A_77 = arith.constant 0 : i32
        %dma_wait3A_78 = tpu.memref_slice %arg8[%dma_wait3A, %dma_wait3A_77] : memref<128x128xf32, #tpu.memory_space<vmem>> -> memref<128x128xf32, #tpu.memory_space<vmem>>
        %dma_wait3A_79 = arith.constant 0 : i32
        %dma_wait3A_80 = tpu.memref_slice %arg9[%add3A_65, %dma_wait3A_79] : memref<10008x128xf32, #tpu.memory_space<vmem_shared>> -> memref<128x128xf32, #tpu.memory_space<vmem_shared>>
        %dma_wait3A_81 = arith.constant 0 : i32
        %dma_wait3A_82 = tpu.memref_slice %arg9[%add3A_65, %dma_wait3A_81] : memref<10008x128xf32, #tpu.memory_space<vmem_shared>> -> memref<128x128xf32, #tpu.memory_space<vmem_shared>>
        %dma_wait3A_83 = arith.constant 0 : i32
        %dma_wait3A_84 = arith.constant 0 : i32
        %dma_wait3A_85 = tpu.memref_slice %arg8[%dma_wait3A_83, %dma_wait3A_84] : memref<128x128xf32, #tpu.memory_space<vmem>> -> memref<128x128xf32, #tpu.memory_space<vmem>>
        tpu.wait_dma2 semaphore(%run_scoped3A : memref<!tpu.dma_semaphore, #tpu.memory_space<semaphore_mem>>) src(%dma_wait3A_85 : memref<128x128xf32, #tpu.memory_space<vmem>>) dst(%dma_wait3A_82 : memref<128x128xf32, #tpu.memory_space<vmem_shared>>)
        tpu.yield
      }) : () -> ()
      %add3A_66 = arith.constant 512 : i32
      %add3A_67 = arith.addi %mul3A_5, %add3A_66 : i32
      "tpu.region"() ({
        %run_scoped3A = tpu.sem_alloc : memref<!tpu.dma_semaphore, #tpu.memory_space<semaphore_mem>>
        %dma_start3A = arith.constant 0 : i32
        %dma_start3A_68 = arith.constant 0 : i32
        %dma_start3A_69 = tpu.memref_slice %arg8[%dma_start3A, %dma_start3A_68] : memref<128x128xf32, #tpu.memory_space<vmem>> -> memref<120x128xf32, #tpu.memory_space<vmem>>
        %dma_start3A_70 = arith.constant 0 : i32
        %dma_start3A_71 = tpu.memref_slice %arg9[%add3A_67, %dma_start3A_70] : memref<10008x128xf32, #tpu.memory_space<vmem_shared>> -> memref<120x128xf32, #tpu.memory_space<vmem_shared>>
        %dma_start3A_72 = arith.constant 0 : i32
        %dma_start3A_73 = tpu.memref_slice %arg9[%add3A_67, %dma_start3A_72] : memref<10008x128xf32, #tpu.memory_space<vmem_shared>> -> memref<120x128xf32, #tpu.memory_space<vmem_shared>>
        %dma_start3A_74 = arith.constant 0 : i32
        %dma_start3A_75 = arith.constant 0 : i32
        %dma_start3A_76 = tpu.memref_slice %arg8[%dma_start3A_74, %dma_start3A_75] : memref<128x128xf32, #tpu.memory_space<vmem>> -> memref<120x128xf32, #tpu.memory_space<vmem>>
        tpu.enqueue_dma source(%dma_start3A_76 : memref<120x128xf32, #tpu.memory_space<vmem>>) target(%dma_start3A_73 : memref<120x128xf32, #tpu.memory_space<vmem_shared>>) target_semaphore(%run_scoped3A : memref<!tpu.dma_semaphore, #tpu.memory_space<semaphore_mem>>)
        %dma_wait3A = arith.constant 0 : i32
        %dma_wait3A_77 = arith.constant 0 : i32
        %dma_wait3A_78 = tpu.memref_slice %arg8[%dma_wait3A, %dma_wait3A_77] : memref<128x128xf32, #tpu.memory_space<vmem>> -> memref<120x128xf32, #tpu.memory_space<vmem>>
        %dma_wait3A_79 = arith.constant 0 : i32
        %dma_wait3A_80 = tpu.memref_slice %arg9[%add3A_67, %dma_wait3A_79] : memref<10008x128xf32, #tpu.memory_space<vmem_shared>> -> memref<120x128xf32, #tpu.memory_space<vmem_shared>>
        %dma_wait3A_81 = arith.constant 0 : i32
        %dma_wait3A_82 = tpu.memref_slice %arg9[%add3A_67, %dma_wait3A_81] : memref<10008x128xf32, #tpu.memory_space<vmem_shared>> -> memref<120x128xf32, #tpu.memory_space<vmem_shared>>
        %dma_wait3A_83 = arith.constant 0 : i32
        %dma_wait3A_84 = arith.constant 0 : i32
        %dma_wait3A_85 = tpu.memref_slice %arg8[%dma_wait3A_83, %dma_wait3A_84] : memref<128x128xf32, #tpu.memory_space<vmem>> -> memref<120x128xf32, #tpu.memory_space<vmem>>
        tpu.wait_dma2 semaphore(%run_scoped3A : memref<!tpu.dma_semaphore, #tpu.memory_space<semaphore_mem>>) src(%dma_wait3A_85 : memref<120x128xf32, #tpu.memory_space<vmem>>) dst(%dma_wait3A_82 : memref<120x128xf32, #tpu.memory_space<vmem_shared>>)
        tpu.yield
      }) : () -> ()
    } else {
    }
    %eq3A = arith.constant 15 : i32
    %eq3A_8 = arith.cmpi eq, %arg1, %eq3A : i32
    %convert_element_type3A_9 = arith.extui %eq3A_8 : i1 to i32
    %cond3A_10 = arith.constant 0 : i32
    %cond3A_11 = arith.cmpi ne, %convert_element_type3A_9, %cond3A_10 : i32
    scf.if %cond3A_11 {
      %add3A_58 = arith.constant 0 : i32
      %add3A_59 = arith.addi %mul3A_5, %add3A_58 : i32
      "tpu.region"() ({
        %run_scoped3A = tpu.sem_alloc : memref<!tpu.dma_semaphore, #tpu.memory_space<semaphore_mem>>
        %dma_start3A = arith.constant 0 : i32
        %dma_start3A_68 = arith.constant 0 : i32
        %dma_start3A_69 = tpu.memref_slice %arg8[%dma_start3A, %dma_start3A_68] : memref<128x128xf32, #tpu.memory_space<vmem>> -> memref<128x128xf32, #tpu.memory_space<vmem>>
        %dma_start3A_70 = arith.constant 0 : i32
        %dma_start3A_71 = tpu.memref_slice %arg9[%add3A_59, %dma_start3A_70] : memref<10008x128xf32, #tpu.memory_space<vmem_shared>> -> memref<128x128xf32, #tpu.memory_space<vmem_shared>>
        %dma_start3A_72 = arith.constant 0 : i32
        %dma_start3A_73 = tpu.memref_slice %arg9[%add3A_59, %dma_start3A_72] : memref<10008x128xf32, #tpu.memory_space<vmem_shared>> -> memref<128x128xf32, #tpu.memory_space<vmem_shared>>
        %dma_start3A_74 = arith.constant 0 : i32
        %dma_start3A_75 = arith.constant 0 : i32
        %dma_start3A_76 = tpu.memref_slice %arg8[%dma_start3A_74, %dma_start3A_75] : memref<128x128xf32, #tpu.memory_space<vmem>> -> memref<128x128xf32, #tpu.memory_space<vmem>>
        tpu.enqueue_dma source(%dma_start3A_76 : memref<128x128xf32, #tpu.memory_space<vmem>>) target(%dma_start3A_73 : memref<128x128xf32, #tpu.memory_space<vmem_shared>>) target_semaphore(%run_scoped3A : memref<!tpu.dma_semaphore, #tpu.memory_space<semaphore_mem>>)
        %dma_wait3A = arith.constant 0 : i32
        %dma_wait3A_77 = arith.constant 0 : i32
        %dma_wait3A_78 = tpu.memref_slice %arg8[%dma_wait3A, %dma_wait3A_77] : memref<128x128xf32, #tpu.memory_space<vmem>> -> memref<128x128xf32, #tpu.memory_space<vmem>>
        %dma_wait3A_79 = arith.constant 0 : i32
        %dma_wait3A_80 = tpu.memref_slice %arg9[%add3A_59, %dma_wait3A_79] : memref<10008x128xf32, #tpu.memory_space<vmem_shared>> -> memref<128x128xf32, #tpu.memory_space<vmem_shared>>
        %dma_wait3A_81 = arith.constant 0 : i32
        %dma_wait3A_82 = tpu.memref_slice %arg9[%add3A_59, %dma_wait3A_81] : memref<10008x128xf32, #tpu.memory_space<vmem_shared>> -> memref<128x128xf32, #tpu.memory_space<vmem_shared>>
        %dma_wait3A_83 = arith.constant 0 : i32
        %dma_wait3A_84 = arith.constant 0 : i32
        %dma_wait3A_85 = tpu.memref_slice %arg8[%dma_wait3A_83, %dma_wait3A_84] : memref<128x128xf32, #tpu.memory_space<vmem>> -> memref<128x128xf32, #tpu.memory_space<vmem>>
        tpu.wait_dma2 semaphore(%run_scoped3A : memref<!tpu.dma_semaphore, #tpu.memory_space<semaphore_mem>>) src(%dma_wait3A_85 : memref<128x128xf32, #tpu.memory_space<vmem>>) dst(%dma_wait3A_82 : memref<128x128xf32, #tpu.memory_space<vmem_shared>>)
        tpu.yield
      }) : () -> ()
      %add3A_60 = arith.constant 128 : i32
      %add3A_61 = arith.addi %mul3A_5, %add3A_60 : i32
      "tpu.region"() ({
        %run_scoped3A = tpu.sem_alloc : memref<!tpu.dma_semaphore, #tpu.memory_space<semaphore_mem>>
        %dma_start3A = arith.constant 0 : i32
        %dma_start3A_68 = arith.constant 0 : i32
        %dma_start3A_69 = tpu.memref_slice %arg8[%dma_start3A, %dma_start3A_68] : memref<128x128xf32, #tpu.memory_space<vmem>> -> memref<128x128xf32, #tpu.memory_space<vmem>>
        %dma_start3A_70 = arith.constant 0 : i32
        %dma_start3A_71 = tpu.memref_slice %arg9[%add3A_61, %dma_start3A_70] : memref<10008x128xf32, #tpu.memory_space<vmem_shared>> -> memref<128x128xf32, #tpu.memory_space<vmem_shared>>
        %dma_start3A_72 = arith.constant 0 : i32
        %dma_start3A_73 = tpu.memref_slice %arg9[%add3A_61, %dma_start3A_72] : memref<10008x128xf32, #tpu.memory_space<vmem_shared>> -> memref<128x128xf32, #tpu.memory_space<vmem_shared>>
        %dma_start3A_74 = arith.constant 0 : i32
        %dma_start3A_75 = arith.constant 0 : i32
        %dma_start3A_76 = tpu.memref_slice %arg8[%dma_start3A_74, %dma_start3A_75] : memref<128x128xf32, #tpu.memory_space<vmem>> -> memref<128x128xf32, #tpu.memory_space<vmem>>
        tpu.enqueue_dma source(%dma_start3A_76 : memref<128x128xf32, #tpu.memory_space<vmem>>) target(%dma_start3A_73 : memref<128x128xf32, #tpu.memory_space<vmem_shared>>) target_semaphore(%run_scoped3A : memref<!tpu.dma_semaphore, #tpu.memory_space<semaphore_mem>>)
        %dma_wait3A = arith.constant 0 : i32
        %dma_wait3A_77 = arith.constant 0 : i32
        %dma_wait3A_78 = tpu.memref_slice %arg8[%dma_wait3A, %dma_wait3A_77] : memref<128x128xf32, #tpu.memory_space<vmem>> -> memref<128x128xf32, #tpu.memory_space<vmem>>
        %dma_wait3A_79 = arith.constant 0 : i32
        %dma_wait3A_80 = tpu.memref_slice %arg9[%add3A_61, %dma_wait3A_79] : memref<10008x128xf32, #tpu.memory_space<vmem_shared>> -> memref<128x128xf32, #tpu.memory_space<vmem_shared>>
        %dma_wait3A_81 = arith.constant 0 : i32
        %dma_wait3A_82 = tpu.memref_slice %arg9[%add3A_61, %dma_wait3A_81] : memref<10008x128xf32, #tpu.memory_space<vmem_shared>> -> memref<128x128xf32, #tpu.memory_space<vmem_shared>>
        %dma_wait3A_83 = arith.constant 0 : i32
        %dma_wait3A_84 = arith.constant 0 : i32
        %dma_wait3A_85 = tpu.memref_slice %arg8[%dma_wait3A_83, %dma_wait3A_84] : memref<128x128xf32, #tpu.memory_space<vmem>> -> memref<128x128xf32, #tpu.memory_space<vmem>>
        tpu.wait_dma2 semaphore(%run_scoped3A : memref<!tpu.dma_semaphore, #tpu.memory_space<semaphore_mem>>) src(%dma_wait3A_85 : memref<128x128xf32, #tpu.memory_space<vmem>>) dst(%dma_wait3A_82 : memref<128x128xf32, #tpu.memory_space<vmem_shared>>)
        tpu.yield
      }) : () -> ()
      %add3A_62 = arith.constant 256 : i32
      %add3A_63 = arith.addi %mul3A_5, %add3A_62 : i32
      "tpu.region"() ({
        %run_scoped3A = tpu.sem_alloc : memref<!tpu.dma_semaphore, #tpu.memory_space<semaphore_mem>>
        %dma_start3A = arith.constant 0 : i32
        %dma_start3A_68 = arith.constant 0 : i32
        %dma_start3A_69 = tpu.memref_slice %arg8[%dma_start3A, %dma_start3A_68] : memref<128x128xf32, #tpu.memory_space<vmem>> -> memref<128x128xf32, #tpu.memory_space<vmem>>
        %dma_start3A_70 = arith.constant 0 : i32
        %dma_start3A_71 = tpu.memref_slice %arg9[%add3A_63, %dma_start3A_70] : memref<10008x128xf32, #tpu.memory_space<vmem_shared>> -> memref<128x128xf32, #tpu.memory_space<vmem_shared>>
        %dma_start3A_72 = arith.constant 0 : i32
        %dma_start3A_73 = tpu.memref_slice %arg9[%add3A_63, %dma_start3A_72] : memref<10008x128xf32, #tpu.memory_space<vmem_shared>> -> memref<128x128xf32, #tpu.memory_space<vmem_shared>>
        %dma_start3A_74 = arith.constant 0 : i32
        %dma_start3A_75 = arith.constant 0 : i32
        %dma_start3A_76 = tpu.memref_slice %arg8[%dma_start3A_74, %dma_start3A_75] : memref<128x128xf32, #tpu.memory_space<vmem>> -> memref<128x128xf32, #tpu.memory_space<vmem>>
        tpu.enqueue_dma source(%dma_start3A_76 : memref<128x128xf32, #tpu.memory_space<vmem>>) target(%dma_start3A_73 : memref<128x128xf32, #tpu.memory_space<vmem_shared>>) target_semaphore(%run_scoped3A : memref<!tpu.dma_semaphore, #tpu.memory_space<semaphore_mem>>)
        %dma_wait3A = arith.constant 0 : i32
        %dma_wait3A_77 = arith.constant 0 : i32
        %dma_wait3A_78 = tpu.memref_slice %arg8[%dma_wait3A, %dma_wait3A_77] : memref<128x128xf32, #tpu.memory_space<vmem>> -> memref<128x128xf32, #tpu.memory_space<vmem>>
        %dma_wait3A_79 = arith.constant 0 : i32
        %dma_wait3A_80 = tpu.memref_slice %arg9[%add3A_63, %dma_wait3A_79] : memref<10008x128xf32, #tpu.memory_space<vmem_shared>> -> memref<128x128xf32, #tpu.memory_space<vmem_shared>>
        %dma_wait3A_81 = arith.constant 0 : i32
        %dma_wait3A_82 = tpu.memref_slice %arg9[%add3A_63, %dma_wait3A_81] : memref<10008x128xf32, #tpu.memory_space<vmem_shared>> -> memref<128x128xf32, #tpu.memory_space<vmem_shared>>
        %dma_wait3A_83 = arith.constant 0 : i32
        %dma_wait3A_84 = arith.constant 0 : i32
        %dma_wait3A_85 = tpu.memref_slice %arg8[%dma_wait3A_83, %dma_wait3A_84] : memref<128x128xf32, #tpu.memory_space<vmem>> -> memref<128x128xf32, #tpu.memory_space<vmem>>
        tpu.wait_dma2 semaphore(%run_scoped3A : memref<!tpu.dma_semaphore, #tpu.memory_space<semaphore_mem>>) src(%dma_wait3A_85 : memref<128x128xf32, #tpu.memory_space<vmem>>) dst(%dma_wait3A_82 : memref<128x128xf32, #tpu.memory_space<vmem_shared>>)
        tpu.yield
      }) : () -> ()
      %add3A_64 = arith.constant 384 : i32
      %add3A_65 = arith.addi %mul3A_5, %add3A_64 : i32
      "tpu.region"() ({
        %run_scoped3A = tpu.sem_alloc : memref<!tpu.dma_semaphore, #tpu.memory_space<semaphore_mem>>
        %dma_start3A = arith.constant 0 : i32
        %dma_start3A_68 = arith.constant 0 : i32
        %dma_start3A_69 = tpu.memref_slice %arg8[%dma_start3A, %dma_start3A_68] : memref<128x128xf32, #tpu.memory_space<vmem>> -> memref<128x128xf32, #tpu.memory_space<vmem>>
        %dma_start3A_70 = arith.constant 0 : i32
        %dma_start3A_71 = tpu.memref_slice %arg9[%add3A_65, %dma_start3A_70] : memref<10008x128xf32, #tpu.memory_space<vmem_shared>> -> memref<128x128xf32, #tpu.memory_space<vmem_shared>>
        %dma_start3A_72 = arith.constant 0 : i32
        %dma_start3A_73 = tpu.memref_slice %arg9[%add3A_65, %dma_start3A_72] : memref<10008x128xf32, #tpu.memory_space<vmem_shared>> -> memref<128x128xf32, #tpu.memory_space<vmem_shared>>
        %dma_start3A_74 = arith.constant 0 : i32
        %dma_start3A_75 = arith.constant 0 : i32
        %dma_start3A_76 = tpu.memref_slice %arg8[%dma_start3A_74, %dma_start3A_75] : memref<128x128xf32, #tpu.memory_space<vmem>> -> memref<128x128xf32, #tpu.memory_space<vmem>>
        tpu.enqueue_dma source(%dma_start3A_76 : memref<128x128xf32, #tpu.memory_space<vmem>>) target(%dma_start3A_73 : memref<128x128xf32, #tpu.memory_space<vmem_shared>>) target_semaphore(%run_scoped3A : memref<!tpu.dma_semaphore, #tpu.memory_space<semaphore_mem>>)
        %dma_wait3A = arith.constant 0 : i32
        %dma_wait3A_77 = arith.constant 0 : i32
        %dma_wait3A_78 = tpu.memref_slice %arg8[%dma_wait3A, %dma_wait3A_77] : memref<128x128xf32, #tpu.memory_space<vmem>> -> memref<128x128xf32, #tpu.memory_space<vmem>>
        %dma_wait3A_79 = arith.constant 0 : i32
        %dma_wait3A_80 = tpu.memref_slice %arg9[%add3A_65, %dma_wait3A_79] : memref<10008x128xf32, #tpu.memory_space<vmem_shared>> -> memref<128x128xf32, #tpu.memory_space<vmem_shared>>
        %dma_wait3A_81 = arith.constant 0 : i32
        %dma_wait3A_82 = tpu.memref_slice %arg9[%add3A_65, %dma_wait3A_81] : memref<10008x128xf32, #tpu.memory_space<vmem_shared>> -> memref<128x128xf32, #tpu.memory_space<vmem_shared>>
        %dma_wait3A_83 = arith.constant 0 : i32
        %dma_wait3A_84 = arith.constant 0 : i32
        %dma_wait3A_85 = tpu.memref_slice %arg8[%dma_wait3A_83, %dma_wait3A_84] : memref<128x128xf32, #tpu.memory_space<vmem>> -> memref<128x128xf32, #tpu.memory_space<vmem>>
        tpu.wait_dma2 semaphore(%run_scoped3A : memref<!tpu.dma_semaphore, #tpu.memory_space<semaphore_mem>>) src(%dma_wait3A_85 : memref<128x128xf32, #tpu.memory_space<vmem>>) dst(%dma_wait3A_82 : memref<128x128xf32, #tpu.memory_space<vmem_shared>>)
        tpu.yield
      }) : () -> ()
      %add3A_66 = arith.constant 512 : i32
      %add3A_67 = arith.addi %mul3A_5, %add3A_66 : i32
      "tpu.region"() ({
        %run_scoped3A = tpu.sem_alloc : memref<!tpu.dma_semaphore, #tpu.memory_space<semaphore_mem>>
        %dma_start3A = arith.constant 0 : i32
        %dma_start3A_68 = arith.constant 0 : i32
        %dma_start3A_69 = tpu.memref_slice %arg8[%dma_start3A, %dma_start3A_68] : memref<128x128xf32, #tpu.memory_space<vmem>> -> memref<16x128xf32, #tpu.memory_space<vmem>>
        %dma_start3A_70 = arith.constant 0 : i32
        %dma_start3A_71 = tpu.memref_slice %arg9[%add3A_67, %dma_start3A_70] : memref<10008x128xf32, #tpu.memory_space<vmem_shared>> -> memref<16x128xf32, #tpu.memory_space<vmem_shared>>
        %dma_start3A_72 = arith.constant 0 : i32
        %dma_start3A_73 = tpu.memref_slice %arg9[%add3A_67, %dma_start3A_72] : memref<10008x128xf32, #tpu.memory_space<vmem_shared>> -> memref<16x128xf32, #tpu.memory_space<vmem_shared>>
        %dma_start3A_74 = arith.constant 0 : i32
        %dma_start3A_75 = arith.constant 0 : i32
        %dma_start3A_76 = tpu.memref_slice %arg8[%dma_start3A_74, %dma_start3A_75] : memref<128x128xf32, #tpu.memory_space<vmem>> -> memref<16x128xf32, #tpu.memory_space<vmem>>
        tpu.enqueue_dma source(%dma_start3A_76 : memref<16x128xf32, #tpu.memory_space<vmem>>) target(%dma_start3A_73 : memref<16x128xf32, #tpu.memory_space<vmem_shared>>) target_semaphore(%run_scoped3A : memref<!tpu.dma_semaphore, #tpu.memory_space<semaphore_mem>>)
        %dma_wait3A = arith.constant 0 : i32
        %dma_wait3A_77 = arith.constant 0 : i32
        %dma_wait3A_78 = tpu.memref_slice %arg8[%dma_wait3A, %dma_wait3A_77] : memref<128x128xf32, #tpu.memory_space<vmem>> -> memref<16x128xf32, #tpu.memory_space<vmem>>
        %dma_wait3A_79 = arith.constant 0 : i32
        %dma_wait3A_80 = tpu.memref_slice %arg9[%add3A_67, %dma_wait3A_79] : memref<10008x128xf32, #tpu.memory_space<vmem_shared>> -> memref<16x128xf32, #tpu.memory_space<vmem_shared>>
        %dma_wait3A_81 = arith.constant 0 : i32
        %dma_wait3A_82 = tpu.memref_slice %arg9[%add3A_67, %dma_wait3A_81] : memref<10008x128xf32, #tpu.memory_space<vmem_shared>> -> memref<16x128xf32, #tpu.memory_space<vmem_shared>>
        %dma_wait3A_83 = arith.constant 0 : i32
        %dma_wait3A_84 = arith.constant 0 : i32
        %dma_wait3A_85 = tpu.memref_slice %arg8[%dma_wait3A_83, %dma_wait3A_84] : memref<128x128xf32, #tpu.memory_space<vmem>> -> memref<16x128xf32, #tpu.memory_space<vmem>>
        tpu.wait_dma2 semaphore(%run_scoped3A : memref<!tpu.dma_semaphore, #tpu.memory_space<semaphore_mem>>) src(%dma_wait3A_85 : memref<16x128xf32, #tpu.memory_space<vmem>>) dst(%dma_wait3A_82 : memref<16x128xf32, #tpu.memory_space<vmem_shared>>)
        tpu.yield
      }) : () -> ()
    } else {
    }
    %barrier3A = arith.constant 0 : index
    tpu.barrier barrier_id(%barrier3A)
    %mul3A_12 = arith.constant 16 : i32
    %mul3A_13 = arith.muli %arg0, %mul3A_12 : i32
    %add3A = arith.addi %mul3A_13, %arg1 : i32
    %sub3A = arith.constant 2500 : i32
    %sub3A_14 = arith.subi %sub3A, %add3A : i32
    %add3A_15 = arith.constant 32 : i32
    %add3A_16 = arith.addi %sub3A_14, %add3A_15 : i32
    %sub3A_17 = arith.constant 1 : i32
    %sub3A_18 = arith.subi %add3A_16, %sub3A_17 : i32
    %jit3A = arith.constant 32 : i32
    %div3A = arith.divsi %sub3A_18, %jit3A : i32
    %sign3A = arith.constant 0 : i32
    %sign3A_19 = arith.cmpi sgt, %sub3A_18, %sign3A : i32
    %sign3A_20 = arith.extui %sign3A_19 : i1 to i32
    %sign3A_21 = arith.constant 0 : i32
    %sign3A_22 = arith.cmpi slt, %sub3A_18, %sign3A_21 : i32
    %sign3A_23 = arith.extui %sign3A_22 : i1 to i32
    %sign3A_24 = arith.subi %sign3A_20, %sign3A_23 : i32
    %sign3A_25 = arith.constant 0 : i32
    %sign3A_26 = arith.cmpi sgt, %jit3A, %sign3A_25 : i32
    %sign3A_27 = arith.extui %sign3A_26 : i1 to i32
    %sign3A_28 = arith.constant 0 : i32
    %sign3A_29 = arith.cmpi slt, %jit3A, %sign3A_28 : i32
    %sign3A_30 = arith.extui %sign3A_29 : i1 to i32
    %sign3A_31 = arith.subi %sign3A_27, %sign3A_30 : i32
    %ne3A = arith.cmpi ne, %sign3A_24, %sign3A_31 : i32
    %rem3A = arith.remsi %sub3A_18, %jit3A : i32
    %ne3A_32 = arith.constant 0 : i32
    %ne3A_33 = arith.cmpi ne, %rem3A, %ne3A_32 : i32
    %and3A = arith.andi %ne3A, %ne3A_33 : i1
    %sub3A_34 = arith.constant 1 : i32
    %sub3A_35 = arith.subi %div3A, %sub3A_34 : i32
    %select_n3A = arith.select %and3A, %sub3A_35, %div3A : i32
    %while3A = arith.constant 0 : i32
    %while3A_36 = arith.subi %select_n3A, %while3A : i32
    %while3A_37 = arith.addi %while3A, %while3A_36 : i32
    %while3A_38 = arith.constant 1 : i32
    %while3A_39 = arith.divsi %while3A_36, %while3A_38 : i32
    %while3A_40 = arith.muli %while3A_39, %while3A_38 : i32
    %while3A_41 = arith.addi %while3A, %while3A_40 : i32
    %while3A_42 = arith.constant 1 : i32
    scf.for %while3A_58 = %while3A to %while3A_41 step %while3A_42  : i32 {
      %mul3A_59 = arith.constant 32 : i32
      %mul3A_60 = arith.muli %while3A_58, %mul3A_59 : i32
      %add3A_61 = arith.addi %add3A, %mul3A_60 : i32
      %run_scoped3A = arith.constant 0 : i32
      "tpu.region"() ({
        %run_scoped3A_92 = tpu.sem_alloc : memref<!tpu.dma_semaphore, #tpu.memory_space<semaphore_mem>>
        %dma_start3A_93 = arith.constant 0 : i32
        %dma_start3A_94 = arith.constant 0 : i32
        %dma_start3A_95 = tpu.memref_slice %arg5[%dma_start3A_93, %run_scoped3A, %dma_start3A_94] : memref<2x8x128xi32, #tpu.memory_space<vmem>> -> memref<2x1x128xi32, #tpu.memory_space<vmem>>
        %dma_start3A_96 = tpu.memref_squeeze %dma_start3A_95 : memref<2x1x128xi32, #tpu.memory_space<vmem>> -> memref<2x128xi32, #tpu.memory_space<vmem>>
        %dma_start3A_97 = arith.constant 0 : i32
        %dma_start3A_98 = arith.constant 0 : i32
        %dma_start3A_99 = tpu.memref_slice %arg3[%dma_start3A_97, %add3A_61, %dma_start3A_98] : memref<2x2500x128xi32, #tpu.memory_space<hbm>> -> memref<2x1x128xi32, #tpu.memory_space<hbm>>
        %dma_start3A_100 = tpu.memref_squeeze %dma_start3A_99 : memref<2x1x128xi32, #tpu.memory_space<hbm>> -> memref<2x128xi32, #tpu.memory_space<hbm>>
        %dma_start3A_101 = arith.constant 0 : i32
        %dma_start3A_102 = arith.constant 0 : i32
        %dma_start3A_103 = tpu.memref_slice %arg5[%dma_start3A_101, %run_scoped3A, %dma_start3A_102] : memref<2x8x128xi32, #tpu.memory_space<vmem>> -> memref<2x1x128xi32, #tpu.memory_space<vmem>>
        %dma_start3A_104 = tpu.memref_squeeze %dma_start3A_103 : memref<2x1x128xi32, #tpu.memory_space<vmem>> -> memref<2x128xi32, #tpu.memory_space<vmem>>
        %dma_start3A_105 = arith.constant 0 : i32
        %dma_start3A_106 = arith.constant 0 : i32
        %dma_start3A_107 = tpu.memref_slice %arg3[%dma_start3A_105, %add3A_61, %dma_start3A_106] : memref<2x2500x128xi32, #tpu.memory_space<hbm>> -> memref<2x1x128xi32, #tpu.memory_space<hbm>>
        %dma_start3A_108 = tpu.memref_squeeze %dma_start3A_107 : memref<2x1x128xi32, #tpu.memory_space<hbm>> -> memref<2x128xi32, #tpu.memory_space<hbm>>
        tpu.enqueue_dma source(%dma_start3A_108 : memref<2x128xi32, #tpu.memory_space<hbm>>) target(%dma_start3A_104 : memref<2x128xi32, #tpu.memory_space<vmem>>) target_semaphore(%run_scoped3A_92 : memref<!tpu.dma_semaphore, #tpu.memory_space<semaphore_mem>>)
        %dma_wait3A_109 = arith.constant 0 : i32
        %dma_wait3A_110 = arith.constant 0 : i32
        %dma_wait3A_111 = tpu.memref_slice %arg5[%dma_wait3A_109, %run_scoped3A, %dma_wait3A_110] : memref<2x8x128xi32, #tpu.memory_space<vmem>> -> memref<2x1x128xi32, #tpu.memory_space<vmem>>
        %dma_wait3A_112 = tpu.memref_squeeze %dma_wait3A_111 : memref<2x1x128xi32, #tpu.memory_space<vmem>> -> memref<2x128xi32, #tpu.memory_space<vmem>>
        %dma_wait3A_113 = arith.constant 0 : i32
        %dma_wait3A_114 = arith.constant 0 : i32
        %dma_wait3A_115 = tpu.memref_slice %arg3[%dma_wait3A_113, %add3A_61, %dma_wait3A_114] : memref<2x2500x128xi32, #tpu.memory_space<hbm>> -> memref<2x1x128xi32, #tpu.memory_space<hbm>>
        %dma_wait3A_116 = tpu.memref_squeeze %dma_wait3A_115 : memref<2x1x128xi32, #tpu.memory_space<hbm>> -> memref<2x128xi32, #tpu.memory_space<hbm>>
        %dma_wait3A_117 = arith.constant 0 : i32
        %dma_wait3A_118 = arith.constant 0 : i32
        %dma_wait3A_119 = tpu.memref_slice %arg5[%dma_wait3A_117, %run_scoped3A, %dma_wait3A_118] : memref<2x8x128xi32, #tpu.memory_space<vmem>> -> memref<2x1x128xi32, #tpu.memory_space<vmem>>
        %dma_wait3A_120 = tpu.memref_squeeze %dma_wait3A_119 : memref<2x1x128xi32, #tpu.memory_space<vmem>> -> memref<2x128xi32, #tpu.memory_space<vmem>>
        %dma_wait3A_121 = arith.constant 0 : i32
        %dma_wait3A_122 = arith.constant 0 : i32
        %dma_wait3A_123 = tpu.memref_slice %arg3[%dma_wait3A_121, %add3A_61, %dma_wait3A_122] : memref<2x2500x128xi32, #tpu.memory_space<hbm>> -> memref<2x1x128xi32, #tpu.memory_space<hbm>>
        %dma_wait3A_124 = tpu.memref_squeeze %dma_wait3A_123 : memref<2x1x128xi32, #tpu.memory_space<hbm>> -> memref<2x128xi32, #tpu.memory_space<hbm>>
        tpu.wait_dma2 semaphore(%run_scoped3A_92 : memref<!tpu.dma_semaphore, #tpu.memory_space<semaphore_mem>>) src(%dma_wait3A_124 : memref<2x128xi32, #tpu.memory_space<hbm>>) dst(%dma_wait3A_120 : memref<2x128xi32, #tpu.memory_space<vmem>>)
        tpu.yield
      }) : () -> ()
      %dma_start3A = arith.constant 0 : i32
      %dma_start3A_62 = arith.constant 0 : i32
      %dma_start3A_63 = arith.constant 0 : i32
      %dma_start3A_64 = tpu.memref_slice %arg5[%dma_start3A, %dma_start3A_62, %dma_start3A_63] : memref<2x8x128xi32, #tpu.memory_space<vmem>> -> memref<1x1x128xi32, #tpu.memory_space<vmem>>
      %dma_start3A_65 = tpu.memref_squeeze %dma_start3A_64 : memref<1x1x128xi32, #tpu.memory_space<vmem>> -> memref<128xi32, #tpu.memory_space<vmem>>
      %dma_start3A_66 = arith.constant 0 : i32
      %dma_start3A_67 = arith.constant 0 : i32
      %dma_start3A_68 = tpu.memref_slice %arg2[%dma_start3A_66, %dma_start3A_67] : memref<10000x128xf32, #tpu.memory_space<hbm>> -> memref<10000x128xf32, #tpu.memory_space<hbm>>
      tpu.enqueue_indirect_dma source(%dma_start3A_68 : memref<10000x128xf32, #tpu.memory_space<hbm>>) target(%arg7 : memref<128x128xf32, #tpu.memory_space<vmem>>) offsets(%dma_start3A_65 : memref<128xi32, #tpu.memory_space<vmem>>) semaphore(%arg12 : memref<!tpu.dma_semaphore, #tpu.memory_space<semaphore_mem>>)
      %dma_wait3A = arith.constant 0 : i32
      %dma_wait3A_69 = arith.constant 0 : i32
      %dma_wait3A_70 = arith.constant 0 : i32
      %dma_wait3A_71 = tpu.memref_slice %arg5[%dma_wait3A, %dma_wait3A_69, %dma_wait3A_70] : memref<2x8x128xi32, #tpu.memory_space<vmem>> -> memref<1x1x128xi32, #tpu.memory_space<vmem>>
      %dma_wait3A_72 = tpu.memref_squeeze %dma_wait3A_71 : memref<1x1x128xi32, #tpu.memory_space<vmem>> -> memref<128xi32, #tpu.memory_space<vmem>>
      %dma_wait3A_73 = arith.constant 0 : i32
      %dma_wait3A_74 = arith.constant 0 : i32
      %dma_wait3A_75 = tpu.memref_slice %arg2[%dma_wait3A_73, %dma_wait3A_74] : memref<10000x128xf32, #tpu.memory_space<hbm>> -> memref<10000x128xf32, #tpu.memory_space<hbm>>
      tpu.wait_indirect_dma semaphore(%arg12 : memref<!tpu.dma_semaphore, #tpu.memory_space<semaphore_mem>>) src(%dma_wait3A_75 : memref<10000x128xf32, #tpu.memory_space<hbm>>) dst(%arg7 : memref<128x128xf32, #tpu.memory_space<vmem>>)
      %dma_start3A_76 = arith.constant 1 : i32
      %dma_start3A_77 = arith.constant 0 : i32
      %dma_start3A_78 = arith.constant 0 : i32
      %dma_start3A_79 = tpu.memref_slice %arg5[%dma_start3A_76, %dma_start3A_77, %dma_start3A_78] : memref<2x8x128xi32, #tpu.memory_space<vmem>> -> memref<1x1x128xi32, #tpu.memory_space<vmem>>
      %dma_start3A_80 = tpu.memref_squeeze %dma_start3A_79 : memref<1x1x128xi32, #tpu.memory_space<vmem>> -> memref<128xi32, #tpu.memory_space<vmem>>
      %dma_start3A_81 = arith.constant 0 : i32
      %dma_start3A_82 = arith.constant 0 : i32
      %dma_start3A_83 = tpu.memref_slice %arg9[%dma_start3A_81, %dma_start3A_82] : memref<10008x128xf32, #tpu.memory_space<vmem_shared>> -> memref<10008x128xf32, #tpu.memory_space<vmem_shared>>
      tpu.enqueue_indirect_dma source(%arg7 : memref<128x128xf32, #tpu.memory_space<vmem>>) target(%dma_start3A_83 : memref<10008x128xf32, #tpu.memory_space<vmem_shared>>) offsets(%dma_start3A_80 : memref<128xi32, #tpu.memory_space<vmem>>) semaphore(%arg14 : memref<!tpu.dma_semaphore, #tpu.memory_space<semaphore_mem>>) {add = true}
      %dma_wait3A_84 = arith.constant 1 : i32
      %dma_wait3A_85 = arith.constant 0 : i32
      %dma_wait3A_86 = arith.constant 0 : i32
      %dma_wait3A_87 = tpu.memref_slice %arg5[%dma_wait3A_84, %dma_wait3A_85, %dma_wait3A_86] : memref<2x8x128xi32, #tpu.memory_space<vmem>> -> memref<1x1x128xi32, #tpu.memory_space<vmem>>
      %dma_wait3A_88 = tpu.memref_squeeze %dma_wait3A_87 : memref<1x1x128xi32, #tpu.memory_space<vmem>> -> memref<128xi32, #tpu.memory_space<vmem>>
      %dma_wait3A_89 = arith.constant 0 : i32
      %dma_wait3A_90 = arith.constant 0 : i32
      %dma_wait3A_91 = tpu.memref_slice %arg9[%dma_wait3A_89, %dma_wait3A_90] : memref<10008x128xf32, #tpu.memory_space<vmem_shared>> -> memref<10008x128xf32, #tpu.memory_space<vmem_shared>>
      tpu.wait_indirect_dma semaphore(%arg14 : memref<!tpu.dma_semaphore, #tpu.memory_space<semaphore_mem>>) src(%arg7 : memref<128x128xf32, #tpu.memory_space<vmem>>) dst(%dma_wait3A_91 : memref<10008x128xf32, #tpu.memory_space<vmem_shared>>)
    }
    %while3A_43 = arith.constant 1 : i32
    scf.for %while3A_58 = %while3A_41 to %while3A_37 step %while3A_43  : i32 {
      %mul3A_59 = arith.constant 32 : i32
      %mul3A_60 = arith.muli %while3A_58, %mul3A_59 : i32
      %add3A_61 = arith.addi %add3A, %mul3A_60 : i32
      %run_scoped3A = arith.constant 0 : i32
      "tpu.region"() ({
        %run_scoped3A_92 = tpu.sem_alloc : memref<!tpu.dma_semaphore, #tpu.memory_space<semaphore_mem>>
        %dma_start3A_93 = arith.constant 0 : i32
        %dma_start3A_94 = arith.constant 0 : i32
        %dma_start3A_95 = tpu.memref_slice %arg5[%dma_start3A_93, %run_scoped3A, %dma_start3A_94] : memref<2x8x128xi32, #tpu.memory_space<vmem>> -> memref<2x1x128xi32, #tpu.memory_space<vmem>>
        %dma_start3A_96 = tpu.memref_squeeze %dma_start3A_95 : memref<2x1x128xi32, #tpu.memory_space<vmem>> -> memref<2x128xi32, #tpu.memory_space<vmem>>
        %dma_start3A_97 = arith.constant 0 : i32
        %dma_start3A_98 = arith.constant 0 : i32
        %dma_start3A_99 = tpu.memref_slice %arg3[%dma_start3A_97, %add3A_61, %dma_start3A_98] : memref<2x2500x128xi32, #tpu.memory_space<hbm>> -> memref<2x1x128xi32, #tpu.memory_space<hbm>>
        %dma_start3A_100 = tpu.memref_squeeze %dma_start3A_99 : memref<2x1x128xi32, #tpu.memory_space<hbm>> -> memref<2x128xi32, #tpu.memory_space<hbm>>
        %dma_start3A_101 = arith.constant 0 : i32
        %dma_start3A_102 = arith.constant 0 : i32
        %dma_start3A_103 = tpu.memref_slice %arg5[%dma_start3A_101, %run_scoped3A, %dma_start3A_102] : memref<2x8x128xi32, #tpu.memory_space<vmem>> -> memref<2x1x128xi32, #tpu.memory_space<vmem>>
        %dma_start3A_104 = tpu.memref_squeeze %dma_start3A_103 : memref<2x1x128xi32, #tpu.memory_space<vmem>> -> memref<2x128xi32, #tpu.memory_space<vmem>>
        %dma_start3A_105 = arith.constant 0 : i32
        %dma_start3A_106 = arith.constant 0 : i32
        %dma_start3A_107 = tpu.memref_slice %arg3[%dma_start3A_105, %add3A_61, %dma_start3A_106] : memref<2x2500x128xi32, #tpu.memory_space<hbm>> -> memref<2x1x128xi32, #tpu.memory_space<hbm>>
        %dma_start3A_108 = tpu.memref_squeeze %dma_start3A_107 : memref<2x1x128xi32, #tpu.memory_space<hbm>> -> memref<2x128xi32, #tpu.memory_space<hbm>>
        tpu.enqueue_dma source(%dma_start3A_108 : memref<2x128xi32, #tpu.memory_space<hbm>>) target(%dma_start3A_104 : memref<2x128xi32, #tpu.memory_space<vmem>>) target_semaphore(%run_scoped3A_92 : memref<!tpu.dma_semaphore, #tpu.memory_space<semaphore_mem>>)
        %dma_wait3A_109 = arith.constant 0 : i32
        %dma_wait3A_110 = arith.constant 0 : i32
        %dma_wait3A_111 = tpu.memref_slice %arg5[%dma_wait3A_109, %run_scoped3A, %dma_wait3A_110] : memref<2x8x128xi32, #tpu.memory_space<vmem>> -> memref<2x1x128xi32, #tpu.memory_space<vmem>>
        %dma_wait3A_112 = tpu.memref_squeeze %dma_wait3A_111 : memref<2x1x128xi32, #tpu.memory_space<vmem>> -> memref<2x128xi32, #tpu.memory_space<vmem>>
        %dma_wait3A_113 = arith.constant 0 : i32
        %dma_wait3A_114 = arith.constant 0 : i32
        %dma_wait3A_115 = tpu.memref_slice %arg3[%dma_wait3A_113, %add3A_61, %dma_wait3A_114] : memref<2x2500x128xi32, #tpu.memory_space<hbm>> -> memref<2x1x128xi32, #tpu.memory_space<hbm>>
        %dma_wait3A_116 = tpu.memref_squeeze %dma_wait3A_115 : memref<2x1x128xi32, #tpu.memory_space<hbm>> -> memref<2x128xi32, #tpu.memory_space<hbm>>
        %dma_wait3A_117 = arith.constant 0 : i32
        %dma_wait3A_118 = arith.constant 0 : i32
        %dma_wait3A_119 = tpu.memref_slice %arg5[%dma_wait3A_117, %run_scoped3A, %dma_wait3A_118] : memref<2x8x128xi32, #tpu.memory_space<vmem>> -> memref<2x1x128xi32, #tpu.memory_space<vmem>>
        %dma_wait3A_120 = tpu.memref_squeeze %dma_wait3A_119 : memref<2x1x128xi32, #tpu.memory_space<vmem>> -> memref<2x128xi32, #tpu.memory_space<vmem>>
        %dma_wait3A_121 = arith.constant 0 : i32
        %dma_wait3A_122 = arith.constant 0 : i32
        %dma_wait3A_123 = tpu.memref_slice %arg3[%dma_wait3A_121, %add3A_61, %dma_wait3A_122] : memref<2x2500x128xi32, #tpu.memory_space<hbm>> -> memref<2x1x128xi32, #tpu.memory_space<hbm>>
        %dma_wait3A_124 = tpu.memref_squeeze %dma_wait3A_123 : memref<2x1x128xi32, #tpu.memory_space<hbm>> -> memref<2x128xi32, #tpu.memory_space<hbm>>
        tpu.wait_dma2 semaphore(%run_scoped3A_92 : memref<!tpu.dma_semaphore, #tpu.memory_space<semaphore_mem>>) src(%dma_wait3A_124 : memref<2x128xi32, #tpu.memory_space<hbm>>) dst(%dma_wait3A_120 : memref<2x128xi32, #tpu.memory_space<vmem>>)
        tpu.yield
      }) : () -> ()
      %dma_start3A = arith.constant 0 : i32
      %dma_start3A_62 = arith.constant 0 : i32
      %dma_start3A_63 = arith.constant 0 : i32
      %dma_start3A_64 = tpu.memref_slice %arg5[%dma_start3A, %dma_start3A_62, %dma_start3A_63] : memref<2x8x128xi32, #tpu.memory_space<vmem>> -> memref<1x1x128xi32, #tpu.memory_space<vmem>>
      %dma_start3A_65 = tpu.memref_squeeze %dma_start3A_64 : memref<1x1x128xi32, #tpu.memory_space<vmem>> -> memref<128xi32, #tpu.memory_space<vmem>>
      %dma_start3A_66 = arith.constant 0 : i32
      %dma_start3A_67 = arith.constant 0 : i32
      %dma_start3A_68 = tpu.memref_slice %arg2[%dma_start3A_66, %dma_start3A_67] : memref<10000x128xf32, #tpu.memory_space<hbm>> -> memref<10000x128xf32, #tpu.memory_space<hbm>>
      tpu.enqueue_indirect_dma source(%dma_start3A_68 : memref<10000x128xf32, #tpu.memory_space<hbm>>) target(%arg7 : memref<128x128xf32, #tpu.memory_space<vmem>>) offsets(%dma_start3A_65 : memref<128xi32, #tpu.memory_space<vmem>>) semaphore(%arg12 : memref<!tpu.dma_semaphore, #tpu.memory_space<semaphore_mem>>)
      %dma_wait3A = arith.constant 0 : i32
      %dma_wait3A_69 = arith.constant 0 : i32
      %dma_wait3A_70 = arith.constant 0 : i32
      %dma_wait3A_71 = tpu.memref_slice %arg5[%dma_wait3A, %dma_wait3A_69, %dma_wait3A_70] : memref<2x8x128xi32, #tpu.memory_space<vmem>> -> memref<1x1x128xi32, #tpu.memory_space<vmem>>
      %dma_wait3A_72 = tpu.memref_squeeze %dma_wait3A_71 : memref<1x1x128xi32, #tpu.memory_space<vmem>> -> memref<128xi32, #tpu.memory_space<vmem>>
      %dma_wait3A_73 = arith.constant 0 : i32
      %dma_wait3A_74 = arith.constant 0 : i32
      %dma_wait3A_75 = tpu.memref_slice %arg2[%dma_wait3A_73, %dma_wait3A_74] : memref<10000x128xf32, #tpu.memory_space<hbm>> -> memref<10000x128xf32, #tpu.memory_space<hbm>>
      tpu.wait_indirect_dma semaphore(%arg12 : memref<!tpu.dma_semaphore, #tpu.memory_space<semaphore_mem>>) src(%dma_wait3A_75 : memref<10000x128xf32, #tpu.memory_space<hbm>>) dst(%arg7 : memref<128x128xf32, #tpu.memory_space<vmem>>)
      %dma_start3A_76 = arith.constant 1 : i32
      %dma_start3A_77 = arith.constant 0 : i32
      %dma_start3A_78 = arith.constant 0 : i32
      %dma_start3A_79 = tpu.memref_slice %arg5[%dma_start3A_76, %dma_start3A_77, %dma_start3A_78] : memref<2x8x128xi32, #tpu.memory_space<vmem>> -> memref<1x1x128xi32, #tpu.memory_space<vmem>>
      %dma_start3A_80 = tpu.memref_squeeze %dma_start3A_79 : memref<1x1x128xi32, #tpu.memory_space<vmem>> -> memref<128xi32, #tpu.memory_space<vmem>>
      %dma_start3A_81 = arith.constant 0 : i32
      %dma_start3A_82 = arith.constant 0 : i32
      %dma_start3A_83 = tpu.memref_slice %arg9[%dma_start3A_81, %dma_start3A_82] : memref<10008x128xf32, #tpu.memory_space<vmem_shared>> -> memref<10008x128xf32, #tpu.memory_space<vmem_shared>>
      tpu.enqueue_indirect_dma source(%arg7 : memref<128x128xf32, #tpu.memory_space<vmem>>) target(%dma_start3A_83 : memref<10008x128xf32, #tpu.memory_space<vmem_shared>>) offsets(%dma_start3A_80 : memref<128xi32, #tpu.memory_space<vmem>>) semaphore(%arg14 : memref<!tpu.dma_semaphore, #tpu.memory_space<semaphore_mem>>) {add = true}
      %dma_wait3A_84 = arith.constant 1 : i32
      %dma_wait3A_85 = arith.constant 0 : i32
      %dma_wait3A_86 = arith.constant 0 : i32
      %dma_wait3A_87 = tpu.memref_slice %arg5[%dma_wait3A_84, %dma_wait3A_85, %dma_wait3A_86] : memref<2x8x128xi32, #tpu.memory_space<vmem>> -> memref<1x1x128xi32, #tpu.memory_space<vmem>>
      %dma_wait3A_88 = tpu.memref_squeeze %dma_wait3A_87 : memref<1x1x128xi32, #tpu.memory_space<vmem>> -> memref<128xi32, #tpu.memory_space<vmem>>
      %dma_wait3A_89 = arith.constant 0 : i32
      %dma_wait3A_90 = arith.constant 0 : i32
      %dma_wait3A_91 = tpu.memref_slice %arg9[%dma_wait3A_89, %dma_wait3A_90] : memref<10008x128xf32, #tpu.memory_space<vmem_shared>> -> memref<10008x128xf32, #tpu.memory_space<vmem_shared>>
      tpu.wait_indirect_dma semaphore(%arg14 : memref<!tpu.dma_semaphore, #tpu.memory_space<semaphore_mem>>) src(%arg7 : memref<128x128xf32, #tpu.memory_space<vmem>>) dst(%dma_wait3A_91 : memref<10008x128xf32, #tpu.memory_space<vmem_shared>>)
    }
    %barrier3A_44 = arith.constant 0 : index
    tpu.barrier barrier_id(%barrier3A_44)
    %mul3A_45 = arith.constant 10000 : i32
    %mul3A_46 = arith.muli %arg0, %mul3A_45 : i32
    %add3A_47 = arith.addi %mul3A_46, %mul3A_5 : i32
    %lt3A_48 = arith.constant 15 : i32
    %lt3A_49 = arith.cmpi slt, %arg1, %lt3A_48 : i32
    %convert_element_type3A_50 = arith.extui %lt3A_49 : i1 to i32
    %cond3A_51 = arith.constant 0 : i32
    %cond3A_52 = arith.cmpi ne, %convert_element_type3A_50, %cond3A_51 : i32
    scf.if %cond3A_52 {
      %add3A_58 = arith.constant 0 : i32
      %add3A_59 = arith.addi %mul3A_5, %add3A_58 : i32
      "tpu.region"() ({
        %run_scoped3A = tpu.sem_alloc : memref<!tpu.dma_semaphore, #tpu.memory_space<semaphore_mem>>
        %dma_start3A = arith.constant 0 : i32
        %dma_start3A_78 = arith.constant 0 : i32
        %dma_start3A_79 = tpu.memref_slice %arg8[%dma_start3A, %dma_start3A_78] : memref<128x128xf32, #tpu.memory_space<vmem>> -> memref<128x128xf32, #tpu.memory_space<vmem>>
        %dma_start3A_80 = arith.constant 0 : i32
        %dma_start3A_81 = tpu.memref_slice %arg9[%add3A_59, %dma_start3A_80] : memref<10008x128xf32, #tpu.memory_space<vmem_shared>> -> memref<128x128xf32, #tpu.memory_space<vmem_shared>>
        %dma_start3A_82 = arith.constant 0 : i32
        %dma_start3A_83 = arith.constant 0 : i32
        %dma_start3A_84 = tpu.memref_slice %arg8[%dma_start3A_82, %dma_start3A_83] : memref<128x128xf32, #tpu.memory_space<vmem>> -> memref<128x128xf32, #tpu.memory_space<vmem>>
        %dma_start3A_85 = arith.constant 0 : i32
        %dma_start3A_86 = tpu.memref_slice %arg9[%add3A_59, %dma_start3A_85] : memref<10008x128xf32, #tpu.memory_space<vmem_shared>> -> memref<128x128xf32, #tpu.memory_space<vmem_shared>>
        tpu.enqueue_dma source(%dma_start3A_86 : memref<128x128xf32, #tpu.memory_space<vmem_shared>>) target(%dma_start3A_84 : memref<128x128xf32, #tpu.memory_space<vmem>>) target_semaphore(%run_scoped3A : memref<!tpu.dma_semaphore, #tpu.memory_space<semaphore_mem>>)
        %dma_wait3A = arith.constant 0 : i32
        %dma_wait3A_87 = arith.constant 0 : i32
        %dma_wait3A_88 = tpu.memref_slice %arg8[%dma_wait3A, %dma_wait3A_87] : memref<128x128xf32, #tpu.memory_space<vmem>> -> memref<128x128xf32, #tpu.memory_space<vmem>>
        %dma_wait3A_89 = arith.constant 0 : i32
        %dma_wait3A_90 = tpu.memref_slice %arg9[%add3A_59, %dma_wait3A_89] : memref<10008x128xf32, #tpu.memory_space<vmem_shared>> -> memref<128x128xf32, #tpu.memory_space<vmem_shared>>
        %dma_wait3A_91 = arith.constant 0 : i32
        %dma_wait3A_92 = arith.constant 0 : i32
        %dma_wait3A_93 = tpu.memref_slice %arg8[%dma_wait3A_91, %dma_wait3A_92] : memref<128x128xf32, #tpu.memory_space<vmem>> -> memref<128x128xf32, #tpu.memory_space<vmem>>
        %dma_wait3A_94 = arith.constant 0 : i32
        %dma_wait3A_95 = tpu.memref_slice %arg9[%add3A_59, %dma_wait3A_94] : memref<10008x128xf32, #tpu.memory_space<vmem_shared>> -> memref<128x128xf32, #tpu.memory_space<vmem_shared>>
        tpu.wait_dma2 semaphore(%run_scoped3A : memref<!tpu.dma_semaphore, #tpu.memory_space<semaphore_mem>>) src(%dma_wait3A_95 : memref<128x128xf32, #tpu.memory_space<vmem_shared>>) dst(%dma_wait3A_93 : memref<128x128xf32, #tpu.memory_space<vmem>>)
        tpu.yield
      }) : () -> ()
      %add3A_60 = arith.constant 0 : i32
      %add3A_61 = arith.addi %add3A_47, %add3A_60 : i32
      "tpu.region"() ({
        %run_scoped3A = tpu.sem_alloc : memref<!tpu.dma_semaphore, #tpu.memory_space<semaphore_mem>>
        %dma_start3A = arith.constant 0 : i32
        %dma_start3A_78 = arith.constant 0 : i32
        %dma_start3A_79 = tpu.memref_slice %arg8[%dma_start3A, %dma_start3A_78] : memref<128x128xf32, #tpu.memory_space<vmem>> -> memref<128x128xf32, #tpu.memory_space<vmem>>
        %dma_start3A_80 = arith.constant 0 : i32
        %dma_start3A_81 = tpu.memref_slice %arg4[%add3A_61, %dma_start3A_80] : memref<20000x128xf32, #tpu.memory_space<hbm>> -> memref<128x128xf32, #tpu.memory_space<hbm>>
        %dma_start3A_82 = arith.constant 0 : i32
        %dma_start3A_83 = tpu.memref_slice %arg4[%add3A_61, %dma_start3A_82] : memref<20000x128xf32, #tpu.memory_space<hbm>> -> memref<128x128xf32, #tpu.memory_space<hbm>>
        %dma_start3A_84 = arith.constant 0 : i32
        %dma_start3A_85 = arith.constant 0 : i32
        %dma_start3A_86 = tpu.memref_slice %arg8[%dma_start3A_84, %dma_start3A_85] : memref<128x128xf32, #tpu.memory_space<vmem>> -> memref<128x128xf32, #tpu.memory_space<vmem>>
        tpu.enqueue_dma source(%dma_start3A_86 : memref<128x128xf32, #tpu.memory_space<vmem>>) target(%dma_start3A_83 : memref<128x128xf32, #tpu.memory_space<hbm>>) target_semaphore(%run_scoped3A : memref<!tpu.dma_semaphore, #tpu.memory_space<semaphore_mem>>)
        %dma_wait3A = arith.constant 0 : i32
        %dma_wait3A_87 = arith.constant 0 : i32
        %dma_wait3A_88 = tpu.memref_slice %arg8[%dma_wait3A, %dma_wait3A_87] : memref<128x128xf32, #tpu.memory_space<vmem>> -> memref<128x128xf32, #tpu.memory_space<vmem>>
        %dma_wait3A_89 = arith.constant 0 : i32
        %dma_wait3A_90 = tpu.memref_slice %arg4[%add3A_61, %dma_wait3A_89] : memref<20000x128xf32, #tpu.memory_space<hbm>> -> memref<128x128xf32, #tpu.memory_space<hbm>>
        %dma_wait3A_91 = arith.constant 0 : i32
        %dma_wait3A_92 = tpu.memref_slice %arg4[%add3A_61, %dma_wait3A_91] : memref<20000x128xf32, #tpu.memory_space<hbm>> -> memref<128x128xf32, #tpu.memory_space<hbm>>
        %dma_wait3A_93 = arith.constant 0 : i32
        %dma_wait3A_94 = arith.constant 0 : i32
        %dma_wait3A_95 = tpu.memref_slice %arg8[%dma_wait3A_93, %dma_wait3A_94] : memref<128x128xf32, #tpu.memory_space<vmem>> -> memref<128x128xf32, #tpu.memory_space<vmem>>
        tpu.wait_dma2 semaphore(%run_scoped3A : memref<!tpu.dma_semaphore, #tpu.memory_space<semaphore_mem>>) src(%dma_wait3A_95 : memref<128x128xf32, #tpu.memory_space<vmem>>) dst(%dma_wait3A_92 : memref<128x128xf32, #tpu.memory_space<hbm>>)
        tpu.yield
      }) : () -> ()
      %add3A_62 = arith.constant 128 : i32
      %add3A_63 = arith.addi %mul3A_5, %add3A_62 : i32
      "tpu.region"() ({
        %run_scoped3A = tpu.sem_alloc : memref<!tpu.dma_semaphore, #tpu.memory_space<semaphore_mem>>
        %dma_start3A = arith.constant 0 : i32
        %dma_start3A_78 = arith.constant 0 : i32
        %dma_start3A_79 = tpu.memref_slice %arg8[%dma_start3A, %dma_start3A_78] : memref<128x128xf32, #tpu.memory_space<vmem>> -> memref<128x128xf32, #tpu.memory_space<vmem>>
        %dma_start3A_80 = arith.constant 0 : i32
        %dma_start3A_81 = tpu.memref_slice %arg9[%add3A_63, %dma_start3A_80] : memref<10008x128xf32, #tpu.memory_space<vmem_shared>> -> memref<128x128xf32, #tpu.memory_space<vmem_shared>>
        %dma_start3A_82 = arith.constant 0 : i32
        %dma_start3A_83 = arith.constant 0 : i32
        %dma_start3A_84 = tpu.memref_slice %arg8[%dma_start3A_82, %dma_start3A_83] : memref<128x128xf32, #tpu.memory_space<vmem>> -> memref<128x128xf32, #tpu.memory_space<vmem>>
        %dma_start3A_85 = arith.constant 0 : i32
        %dma_start3A_86 = tpu.memref_slice %arg9[%add3A_63, %dma_start3A_85] : memref<10008x128xf32, #tpu.memory_space<vmem_shared>> -> memref<128x128xf32, #tpu.memory_space<vmem_shared>>
        tpu.enqueue_dma source(%dma_start3A_86 : memref<128x128xf32, #tpu.memory_space<vmem_shared>>) target(%dma_start3A_84 : memref<128x128xf32, #tpu.memory_space<vmem>>) target_semaphore(%run_scoped3A : memref<!tpu.dma_semaphore, #tpu.memory_space<semaphore_mem>>)
        %dma_wait3A = arith.constant 0 : i32
        %dma_wait3A_87 = arith.constant 0 : i32
        %dma_wait3A_88 = tpu.memref_slice %arg8[%dma_wait3A, %dma_wait3A_87] : memref<128x128xf32, #tpu.memory_space<vmem>> -> memref<128x128xf32, #tpu.memory_space<vmem>>
        %dma_wait3A_89 = arith.constant 0 : i32
        %dma_wait3A_90 = tpu.memref_slice %arg9[%add3A_63, %dma_wait3A_89] : memref<10008x128xf32, #tpu.memory_space<vmem_shared>> -> memref<128x128xf32, #tpu.memory_space<vmem_shared>>
        %dma_wait3A_91 = arith.constant 0 : i32
        %dma_wait3A_92 = arith.constant 0 : i32
        %dma_wait3A_93 = tpu.memref_slice %arg8[%dma_wait3A_91, %dma_wait3A_92] : memref<128x128xf32, #tpu.memory_space<vmem>> -> memref<128x128xf32, #tpu.memory_space<vmem>>
        %dma_wait3A_94 = arith.constant 0 : i32
        %dma_wait3A_95 = tpu.memref_slice %arg9[%add3A_63, %dma_wait3A_94] : memref<10008x128xf32, #tpu.memory_space<vmem_shared>> -> memref<128x128xf32, #tpu.memory_space<vmem_shared>>
        tpu.wait_dma2 semaphore(%run_scoped3A : memref<!tpu.dma_semaphore, #tpu.memory_space<semaphore_mem>>) src(%dma_wait3A_95 : memref<128x128xf32, #tpu.memory_space<vmem_shared>>) dst(%dma_wait3A_93 : memref<128x128xf32, #tpu.memory_space<vmem>>)
        tpu.yield
      }) : () -> ()
      %add3A_64 = arith.constant 128 : i32
      %add3A_65 = arith.addi %add3A_47, %add3A_64 : i32
      "tpu.region"() ({
        %run_scoped3A = tpu.sem_alloc : memref<!tpu.dma_semaphore, #tpu.memory_space<semaphore_mem>>
        %dma_start3A = arith.constant 0 : i32
        %dma_start3A_78 = arith.constant 0 : i32
        %dma_start3A_79 = tpu.memref_slice %arg8[%dma_start3A, %dma_start3A_78] : memref<128x128xf32, #tpu.memory_space<vmem>> -> memref<128x128xf32, #tpu.memory_space<vmem>>
        %dma_start3A_80 = arith.constant 0 : i32
        %dma_start3A_81 = tpu.memref_slice %arg4[%add3A_65, %dma_start3A_80] : memref<20000x128xf32, #tpu.memory_space<hbm>> -> memref<128x128xf32, #tpu.memory_space<hbm>>
        %dma_start3A_82 = arith.constant 0 : i32
        %dma_start3A_83 = tpu.memref_slice %arg4[%add3A_65, %dma_start3A_82] : memref<20000x128xf32, #tpu.memory_space<hbm>> -> memref<128x128xf32, #tpu.memory_space<hbm>>
        %dma_start3A_84 = arith.constant 0 : i32
        %dma_start3A_85 = arith.constant 0 : i32
        %dma_start3A_86 = tpu.memref_slice %arg8[%dma_start3A_84, %dma_start3A_85] : memref<128x128xf32, #tpu.memory_space<vmem>> -> memref<128x128xf32, #tpu.memory_space<vmem>>
        tpu.enqueue_dma source(%dma_start3A_86 : memref<128x128xf32, #tpu.memory_space<vmem>>) target(%dma_start3A_83 : memref<128x128xf32, #tpu.memory_space<hbm>>) target_semaphore(%run_scoped3A : memref<!tpu.dma_semaphore, #tpu.memory_space<semaphore_mem>>)
        %dma_wait3A = arith.constant 0 : i32
        %dma_wait3A_87 = arith.constant 0 : i32
        %dma_wait3A_88 = tpu.memref_slice %arg8[%dma_wait3A, %dma_wait3A_87] : memref<128x128xf32, #tpu.memory_space<vmem>> -> memref<128x128xf32, #tpu.memory_space<vmem>>
        %dma_wait3A_89 = arith.constant 0 : i32
        %dma_wait3A_90 = tpu.memref_slice %arg4[%add3A_65, %dma_wait3A_89] : memref<20000x128xf32, #tpu.memory_space<hbm>> -> memref<128x128xf32, #tpu.memory_space<hbm>>
        %dma_wait3A_91 = arith.constant 0 : i32
        %dma_wait3A_92 = tpu.memref_slice %arg4[%add3A_65, %dma_wait3A_91] : memref<20000x128xf32, #tpu.memory_space<hbm>> -> memref<128x128xf32, #tpu.memory_space<hbm>>
        %dma_wait3A_93 = arith.constant 0 : i32
        %dma_wait3A_94 = arith.constant 0 : i32
        %dma_wait3A_95 = tpu.memref_slice %arg8[%dma_wait3A_93, %dma_wait3A_94] : memref<128x128xf32, #tpu.memory_space<vmem>> -> memref<128x128xf32, #tpu.memory_space<vmem>>
        tpu.wait_dma2 semaphore(%run_scoped3A : memref<!tpu.dma_semaphore, #tpu.memory_space<semaphore_mem>>) src(%dma_wait3A_95 : memref<128x128xf32, #tpu.memory_space<vmem>>) dst(%dma_wait3A_92 : memref<128x128xf32, #tpu.memory_space<hbm>>)
        tpu.yield
      }) : () -> ()
      %add3A_66 = arith.constant 256 : i32
      %add3A_67 = arith.addi %mul3A_5, %add3A_66 : i32
      "tpu.region"() ({
        %run_scoped3A = tpu.sem_alloc : memref<!tpu.dma_semaphore, #tpu.memory_space<semaphore_mem>>
        %dma_start3A = arith.constant 0 : i32
        %dma_start3A_78 = arith.constant 0 : i32
        %dma_start3A_79 = tpu.memref_slice %arg8[%dma_start3A, %dma_start3A_78] : memref<128x128xf32, #tpu.memory_space<vmem>> -> memref<128x128xf32, #tpu.memory_space<vmem>>
        %dma_start3A_80 = arith.constant 0 : i32
        %dma_start3A_81 = tpu.memref_slice %arg9[%add3A_67, %dma_start3A_80] : memref<10008x128xf32, #tpu.memory_space<vmem_shared>> -> memref<128x128xf32, #tpu.memory_space<vmem_shared>>
        %dma_start3A_82 = arith.constant 0 : i32
        %dma_start3A_83 = arith.constant 0 : i32
        %dma_start3A_84 = tpu.memref_slice %arg8[%dma_start3A_82, %dma_start3A_83] : memref<128x128xf32, #tpu.memory_space<vmem>> -> memref<128x128xf32, #tpu.memory_space<vmem>>
        %dma_start3A_85 = arith.constant 0 : i32
        %dma_start3A_86 = tpu.memref_slice %arg9[%add3A_67, %dma_start3A_85] : memref<10008x128xf32, #tpu.memory_space<vmem_shared>> -> memref<128x128xf32, #tpu.memory_space<vmem_shared>>
        tpu.enqueue_dma source(%dma_start3A_86 : memref<128x128xf32, #tpu.memory_space<vmem_shared>>) target(%dma_start3A_84 : memref<128x128xf32, #tpu.memory_space<vmem>>) target_semaphore(%run_scoped3A : memref<!tpu.dma_semaphore, #tpu.memory_space<semaphore_mem>>)
        %dma_wait3A = arith.constant 0 : i32
        %dma_wait3A_87 = arith.constant 0 : i32
        %dma_wait3A_88 = tpu.memref_slice %arg8[%dma_wait3A, %dma_wait3A_87] : memref<128x128xf32, #tpu.memory_space<vmem>> -> memref<128x128xf32, #tpu.memory_space<vmem>>
        %dma_wait3A_89 = arith.constant 0 : i32
        %dma_wait3A_90 = tpu.memref_slice %arg9[%add3A_67, %dma_wait3A_89] : memref<10008x128xf32, #tpu.memory_space<vmem_shared>> -> memref<128x128xf32, #tpu.memory_space<vmem_shared>>
        %dma_wait3A_91 = arith.constant 0 : i32
        %dma_wait3A_92 = arith.constant 0 : i32
        %dma_wait3A_93 = tpu.memref_slice %arg8[%dma_wait3A_91, %dma_wait3A_92] : memref<128x128xf32, #tpu.memory_space<vmem>> -> memref<128x128xf32, #tpu.memory_space<vmem>>
        %dma_wait3A_94 = arith.constant 0 : i32
        %dma_wait3A_95 = tpu.memref_slice %arg9[%add3A_67, %dma_wait3A_94] : memref<10008x128xf32, #tpu.memory_space<vmem_shared>> -> memref<128x128xf32, #tpu.memory_space<vmem_shared>>
        tpu.wait_dma2 semaphore(%run_scoped3A : memref<!tpu.dma_semaphore, #tpu.memory_space<semaphore_mem>>) src(%dma_wait3A_95 : memref<128x128xf32, #tpu.memory_space<vmem_shared>>) dst(%dma_wait3A_93 : memref<128x128xf32, #tpu.memory_space<vmem>>)
        tpu.yield
      }) : () -> ()
      %add3A_68 = arith.constant 256 : i32
      %add3A_69 = arith.addi %add3A_47, %add3A_68 : i32
      "tpu.region"() ({
        %run_scoped3A = tpu.sem_alloc : memref<!tpu.dma_semaphore, #tpu.memory_space<semaphore_mem>>
        %dma_start3A = arith.constant 0 : i32
        %dma_start3A_78 = arith.constant 0 : i32
        %dma_start3A_79 = tpu.memref_slice %arg8[%dma_start3A, %dma_start3A_78] : memref<128x128xf32, #tpu.memory_space<vmem>> -> memref<128x128xf32, #tpu.memory_space<vmem>>
        %dma_start3A_80 = arith.constant 0 : i32
        %dma_start3A_81 = tpu.memref_slice %arg4[%add3A_69, %dma_start3A_80] : memref<20000x128xf32, #tpu.memory_space<hbm>> -> memref<128x128xf32, #tpu.memory_space<hbm>>
        %dma_start3A_82 = arith.constant 0 : i32
        %dma_start3A_83 = tpu.memref_slice %arg4[%add3A_69, %dma_start3A_82] : memref<20000x128xf32, #tpu.memory_space<hbm>> -> memref<128x128xf32, #tpu.memory_space<hbm>>
        %dma_start3A_84 = arith.constant 0 : i32
        %dma_start3A_85 = arith.constant 0 : i32
        %dma_start3A_86 = tpu.memref_slice %arg8[%dma_start3A_84, %dma_start3A_85] : memref<128x128xf32, #tpu.memory_space<vmem>> -> memref<128x128xf32, #tpu.memory_space<vmem>>
        tpu.enqueue_dma source(%dma_start3A_86 : memref<128x128xf32, #tpu.memory_space<vmem>>) target(%dma_start3A_83 : memref<128x128xf32, #tpu.memory_space<hbm>>) target_semaphore(%run_scoped3A : memref<!tpu.dma_semaphore, #tpu.memory_space<semaphore_mem>>)
        %dma_wait3A = arith.constant 0 : i32
        %dma_wait3A_87 = arith.constant 0 : i32
        %dma_wait3A_88 = tpu.memref_slice %arg8[%dma_wait3A, %dma_wait3A_87] : memref<128x128xf32, #tpu.memory_space<vmem>> -> memref<128x128xf32, #tpu.memory_space<vmem>>
        %dma_wait3A_89 = arith.constant 0 : i32
        %dma_wait3A_90 = tpu.memref_slice %arg4[%add3A_69, %dma_wait3A_89] : memref<20000x128xf32, #tpu.memory_space<hbm>> -> memref<128x128xf32, #tpu.memory_space<hbm>>
        %dma_wait3A_91 = arith.constant 0 : i32
        %dma_wait3A_92 = tpu.memref_slice %arg4[%add3A_69, %dma_wait3A_91] : memref<20000x128xf32, #tpu.memory_space<hbm>> -> memref<128x128xf32, #tpu.memory_space<hbm>>
        %dma_wait3A_93 = arith.constant 0 : i32
        %dma_wait3A_94 = arith.constant 0 : i32
        %dma_wait3A_95 = tpu.memref_slice %arg8[%dma_wait3A_93, %dma_wait3A_94] : memref<128x128xf32, #tpu.memory_space<vmem>> -> memref<128x128xf32, #tpu.memory_space<vmem>>
        tpu.wait_dma2 semaphore(%run_scoped3A : memref<!tpu.dma_semaphore, #tpu.memory_space<semaphore_mem>>) src(%dma_wait3A_95 : memref<128x128xf32, #tpu.memory_space<vmem>>) dst(%dma_wait3A_92 : memref<128x128xf32, #tpu.memory_space<hbm>>)
        tpu.yield
      }) : () -> ()
      %add3A_70 = arith.constant 384 : i32
      %add3A_71 = arith.addi %mul3A_5, %add3A_70 : i32
      "tpu.region"() ({
        %run_scoped3A = tpu.sem_alloc : memref<!tpu.dma_semaphore, #tpu.memory_space<semaphore_mem>>
        %dma_start3A = arith.constant 0 : i32
        %dma_start3A_78 = arith.constant 0 : i32
        %dma_start3A_79 = tpu.memref_slice %arg8[%dma_start3A, %dma_start3A_78] : memref<128x128xf32, #tpu.memory_space<vmem>> -> memref<128x128xf32, #tpu.memory_space<vmem>>
        %dma_start3A_80 = arith.constant 0 : i32
        %dma_start3A_81 = tpu.memref_slice %arg9[%add3A_71, %dma_start3A_80] : memref<10008x128xf32, #tpu.memory_space<vmem_shared>> -> memref<128x128xf32, #tpu.memory_space<vmem_shared>>
        %dma_start3A_82 = arith.constant 0 : i32
        %dma_start3A_83 = arith.constant 0 : i32
        %dma_start3A_84 = tpu.memref_slice %arg8[%dma_start3A_82, %dma_start3A_83] : memref<128x128xf32, #tpu.memory_space<vmem>> -> memref<128x128xf32, #tpu.memory_space<vmem>>
        %dma_start3A_85 = arith.constant 0 : i32
        %dma_start3A_86 = tpu.memref_slice %arg9[%add3A_71, %dma_start3A_85] : memref<10008x128xf32, #tpu.memory_space<vmem_shared>> -> memref<128x128xf32, #tpu.memory_space<vmem_shared>>
        tpu.enqueue_dma source(%dma_start3A_86 : memref<128x128xf32, #tpu.memory_space<vmem_shared>>) target(%dma_start3A_84 : memref<128x128xf32, #tpu.memory_space<vmem>>) target_semaphore(%run_scoped3A : memref<!tpu.dma_semaphore, #tpu.memory_space<semaphore_mem>>)
        %dma_wait3A = arith.constant 0 : i32
        %dma_wait3A_87 = arith.constant 0 : i32
        %dma_wait3A_88 = tpu.memref_slice %arg8[%dma_wait3A, %dma_wait3A_87] : memref<128x128xf32, #tpu.memory_space<vmem>> -> memref<128x128xf32, #tpu.memory_space<vmem>>
        %dma_wait3A_89 = arith.constant 0 : i32
        %dma_wait3A_90 = tpu.memref_slice %arg9[%add3A_71, %dma_wait3A_89] : memref<10008x128xf32, #tpu.memory_space<vmem_shared>> -> memref<128x128xf32, #tpu.memory_space<vmem_shared>>
        %dma_wait3A_91 = arith.constant 0 : i32
        %dma_wait3A_92 = arith.constant 0 : i32
        %dma_wait3A_93 = tpu.memref_slice %arg8[%dma_wait3A_91, %dma_wait3A_92] : memref<128x128xf32, #tpu.memory_space<vmem>> -> memref<128x128xf32, #tpu.memory_space<vmem>>
        %dma_wait3A_94 = arith.constant 0 : i32
        %dma_wait3A_95 = tpu.memref_slice %arg9[%add3A_71, %dma_wait3A_94] : memref<10008x128xf32, #tpu.memory_space<vmem_shared>> -> memref<128x128xf32, #tpu.memory_space<vmem_shared>>
        tpu.wait_dma2 semaphore(%run_scoped3A : memref<!tpu.dma_semaphore, #tpu.memory_space<semaphore_mem>>) src(%dma_wait3A_95 : memref<128x128xf32, #tpu.memory_space<vmem_shared>>) dst(%dma_wait3A_93 : memref<128x128xf32, #tpu.memory_space<vmem>>)
        tpu.yield
      }) : () -> ()
      %add3A_72 = arith.constant 384 : i32
      %add3A_73 = arith.addi %add3A_47, %add3A_72 : i32
      "tpu.region"() ({
        %run_scoped3A = tpu.sem_alloc : memref<!tpu.dma_semaphore, #tpu.memory_space<semaphore_mem>>
        %dma_start3A = arith.constant 0 : i32
        %dma_start3A_78 = arith.constant 0 : i32
        %dma_start3A_79 = tpu.memref_slice %arg8[%dma_start3A, %dma_start3A_78] : memref<128x128xf32, #tpu.memory_space<vmem>> -> memref<128x128xf32, #tpu.memory_space<vmem>>
        %dma_start3A_80 = arith.constant 0 : i32
        %dma_start3A_81 = tpu.memref_slice %arg4[%add3A_73, %dma_start3A_80] : memref<20000x128xf32, #tpu.memory_space<hbm>> -> memref<128x128xf32, #tpu.memory_space<hbm>>
        %dma_start3A_82 = arith.constant 0 : i32
        %dma_start3A_83 = tpu.memref_slice %arg4[%add3A_73, %dma_start3A_82] : memref<20000x128xf32, #tpu.memory_space<hbm>> -> memref<128x128xf32, #tpu.memory_space<hbm>>
        %dma_start3A_84 = arith.constant 0 : i32
        %dma_start3A_85 = arith.constant 0 : i32
        %dma_start3A_86 = tpu.memref_slice %arg8[%dma_start3A_84, %dma_start3A_85] : memref<128x128xf32, #tpu.memory_space<vmem>> -> memref<128x128xf32, #tpu.memory_space<vmem>>
        tpu.enqueue_dma source(%dma_start3A_86 : memref<128x128xf32, #tpu.memory_space<vmem>>) target(%dma_start3A_83 : memref<128x128xf32, #tpu.memory_space<hbm>>) target_semaphore(%run_scoped3A : memref<!tpu.dma_semaphore, #tpu.memory_space<semaphore_mem>>)
        %dma_wait3A = arith.constant 0 : i32
        %dma_wait3A_87 = arith.constant 0 : i32
        %dma_wait3A_88 = tpu.memref_slice %arg8[%dma_wait3A, %dma_wait3A_87] : memref<128x128xf32, #tpu.memory_space<vmem>> -> memref<128x128xf32, #tpu.memory_space<vmem>>
        %dma_wait3A_89 = arith.constant 0 : i32
        %dma_wait3A_90 = tpu.memref_slice %arg4[%add3A_73, %dma_wait3A_89] : memref<20000x128xf32, #tpu.memory_space<hbm>> -> memref<128x128xf32, #tpu.memory_space<hbm>>
        %dma_wait3A_91 = arith.constant 0 : i32
        %dma_wait3A_92 = tpu.memref_slice %arg4[%add3A_73, %dma_wait3A_91] : memref<20000x128xf32, #tpu.memory_space<hbm>> -> memref<128x128xf32, #tpu.memory_space<hbm>>
        %dma_wait3A_93 = arith.constant 0 : i32
        %dma_wait3A_94 = arith.constant 0 : i32
        %dma_wait3A_95 = tpu.memref_slice %arg8[%dma_wait3A_93, %dma_wait3A_94] : memref<128x128xf32, #tpu.memory_space<vmem>> -> memref<128x128xf32, #tpu.memory_space<vmem>>
        tpu.wait_dma2 semaphore(%run_scoped3A : memref<!tpu.dma_semaphore, #tpu.memory_space<semaphore_mem>>) src(%dma_wait3A_95 : memref<128x128xf32, #tpu.memory_space<vmem>>) dst(%dma_wait3A_92 : memref<128x128xf32, #tpu.memory_space<hbm>>)
        tpu.yield
      }) : () -> ()
      %add3A_74 = arith.constant 512 : i32
      %add3A_75 = arith.addi %mul3A_5, %add3A_74 : i32
      "tpu.region"() ({
        %run_scoped3A = tpu.sem_alloc : memref<!tpu.dma_semaphore, #tpu.memory_space<semaphore_mem>>
        %dma_start3A = arith.constant 0 : i32
        %dma_start3A_78 = arith.constant 0 : i32
        %dma_start3A_79 = tpu.memref_slice %arg8[%dma_start3A, %dma_start3A_78] : memref<128x128xf32, #tpu.memory_space<vmem>> -> memref<120x128xf32, #tpu.memory_space<vmem>>
        %dma_start3A_80 = arith.constant 0 : i32
        %dma_start3A_81 = tpu.memref_slice %arg9[%add3A_75, %dma_start3A_80] : memref<10008x128xf32, #tpu.memory_space<vmem_shared>> -> memref<120x128xf32, #tpu.memory_space<vmem_shared>>
        %dma_start3A_82 = arith.constant 0 : i32
        %dma_start3A_83 = arith.constant 0 : i32
        %dma_start3A_84 = tpu.memref_slice %arg8[%dma_start3A_82, %dma_start3A_83] : memref<128x128xf32, #tpu.memory_space<vmem>> -> memref<120x128xf32, #tpu.memory_space<vmem>>
        %dma_start3A_85 = arith.constant 0 : i32
        %dma_start3A_86 = tpu.memref_slice %arg9[%add3A_75, %dma_start3A_85] : memref<10008x128xf32, #tpu.memory_space<vmem_shared>> -> memref<120x128xf32, #tpu.memory_space<vmem_shared>>
        tpu.enqueue_dma source(%dma_start3A_86 : memref<120x128xf32, #tpu.memory_space<vmem_shared>>) target(%dma_start3A_84 : memref<120x128xf32, #tpu.memory_space<vmem>>) target_semaphore(%run_scoped3A : memref<!tpu.dma_semaphore, #tpu.memory_space<semaphore_mem>>)
        %dma_wait3A = arith.constant 0 : i32
        %dma_wait3A_87 = arith.constant 0 : i32
        %dma_wait3A_88 = tpu.memref_slice %arg8[%dma_wait3A, %dma_wait3A_87] : memref<128x128xf32, #tpu.memory_space<vmem>> -> memref<120x128xf32, #tpu.memory_space<vmem>>
        %dma_wait3A_89 = arith.constant 0 : i32
        %dma_wait3A_90 = tpu.memref_slice %arg9[%add3A_75, %dma_wait3A_89] : memref<10008x128xf32, #tpu.memory_space<vmem_shared>> -> memref<120x128xf32, #tpu.memory_space<vmem_shared>>
        %dma_wait3A_91 = arith.constant 0 : i32
        %dma_wait3A_92 = arith.constant 0 : i32
        %dma_wait3A_93 = tpu.memref_slice %arg8[%dma_wait3A_91, %dma_wait3A_92] : memref<128x128xf32, #tpu.memory_space<vmem>> -> memref<120x128xf32, #tpu.memory_space<vmem>>
        %dma_wait3A_94 = arith.constant 0 : i32
        %dma_wait3A_95 = tpu.memref_slice %arg9[%add3A_75, %dma_wait3A_94] : memref<10008x128xf32, #tpu.memory_space<vmem_shared>> -> memref<120x128xf32, #tpu.memory_space<vmem_shared>>
        tpu.wait_dma2 semaphore(%run_scoped3A : memref<!tpu.dma_semaphore, #tpu.memory_space<semaphore_mem>>) src(%dma_wait3A_95 : memref<120x128xf32, #tpu.memory_space<vmem_shared>>) dst(%dma_wait3A_93 : memref<120x128xf32, #tpu.memory_space<vmem>>)
        tpu.yield
      }) : () -> ()
      %add3A_76 = arith.constant 512 : i32
      %add3A_77 = arith.addi %add3A_47, %add3A_76 : i32
      "tpu.region"() ({
        %run_scoped3A = tpu.sem_alloc : memref<!tpu.dma_semaphore, #tpu.memory_space<semaphore_mem>>
        %dma_start3A = arith.constant 0 : i32
        %dma_start3A_78 = arith.constant 0 : i32
        %dma_start3A_79 = tpu.memref_slice %arg8[%dma_start3A, %dma_start3A_78] : memref<128x128xf32, #tpu.memory_space<vmem>> -> memref<120x128xf32, #tpu.memory_space<vmem>>
        %dma_start3A_80 = arith.constant 0 : i32
        %dma_start3A_81 = tpu.memref_slice %arg4[%add3A_77, %dma_start3A_80] : memref<20000x128xf32, #tpu.memory_space<hbm>> -> memref<120x128xf32, #tpu.memory_space<hbm>>
        %dma_start3A_82 = arith.constant 0 : i32
        %dma_start3A_83 = tpu.memref_slice %arg4[%add3A_77, %dma_start3A_82] : memref<20000x128xf32, #tpu.memory_space<hbm>> -> memref<120x128xf32, #tpu.memory_space<hbm>>
        %dma_start3A_84 = arith.constant 0 : i32
        %dma_start3A_85 = arith.constant 0 : i32
        %dma_start3A_86 = tpu.memref_slice %arg8[%dma_start3A_84, %dma_start3A_85] : memref<128x128xf32, #tpu.memory_space<vmem>> -> memref<120x128xf32, #tpu.memory_space<vmem>>
        tpu.enqueue_dma source(%dma_start3A_86 : memref<120x128xf32, #tpu.memory_space<vmem>>) target(%dma_start3A_83 : memref<120x128xf32, #tpu.memory_space<hbm>>) target_semaphore(%run_scoped3A : memref<!tpu.dma_semaphore, #tpu.memory_space<semaphore_mem>>)
        %dma_wait3A = arith.constant 0 : i32
        %dma_wait3A_87 = arith.constant 0 : i32
        %dma_wait3A_88 = tpu.memref_slice %arg8[%dma_wait3A, %dma_wait3A_87] : memref<128x128xf32, #tpu.memory_space<vmem>> -> memref<120x128xf32, #tpu.memory_space<vmem>>
        %dma_wait3A_89 = arith.constant 0 : i32
        %dma_wait3A_90 = tpu.memref_slice %arg4[%add3A_77, %dma_wait3A_89] : memref<20000x128xf32, #tpu.memory_space<hbm>> -> memref<120x128xf32, #tpu.memory_space<hbm>>
        %dma_wait3A_91 = arith.constant 0 : i32
        %dma_wait3A_92 = tpu.memref_slice %arg4[%add3A_77, %dma_wait3A_91] : memref<20000x128xf32, #tpu.memory_space<hbm>> -> memref<120x128xf32, #tpu.memory_space<hbm>>
        %dma_wait3A_93 = arith.constant 0 : i32
        %dma_wait3A_94 = arith.constant 0 : i32
        %dma_wait3A_95 = tpu.memref_slice %arg8[%dma_wait3A_93, %dma_wait3A_94] : memref<128x128xf32, #tpu.memory_space<vmem>> -> memref<120x128xf32, #tpu.memory_space<vmem>>
        tpu.wait_dma2 semaphore(%run_scoped3A : memref<!tpu.dma_semaphore, #tpu.memory_space<semaphore_mem>>) src(%dma_wait3A_95 : memref<120x128xf32, #tpu.memory_space<vmem>>) dst(%dma_wait3A_92 : memref<120x128xf32, #tpu.memory_space<hbm>>)
        tpu.yield
      }) : () -> ()
    } else {
    }
    %eq3A_53 = arith.constant 15 : i32
    %eq3A_54 = arith.cmpi eq, %arg1, %eq3A_53 : i32
    %convert_element_type3A_55 = arith.extui %eq3A_54 : i1 to i32
    %cond3A_56 = arith.constant 0 : i32
    %cond3A_57 = arith.cmpi ne, %convert_element_type3A_55, %cond3A_56 : i32
    scf.if %cond3A_57 {
      %add3A_58 = arith.constant 0 : i32
      %add3A_59 = arith.addi %mul3A_5, %add3A_58 : i32
      "tpu.region"() ({
        %run_scoped3A = tpu.sem_alloc : memref<!tpu.dma_semaphore, #tpu.memory_space<semaphore_mem>>
        %dma_start3A = arith.constant 0 : i32
        %dma_start3A_78 = arith.constant 0 : i32
        %dma_start3A_79 = tpu.memref_slice %arg8[%dma_start3A, %dma_start3A_78] : memref<128x128xf32, #tpu.memory_space<vmem>> -> memref<128x128xf32, #tpu.memory_space<vmem>>
        %dma_start3A_80 = arith.constant 0 : i32
        %dma_start3A_81 = tpu.memref_slice %arg9[%add3A_59, %dma_start3A_80] : memref<10008x128xf32, #tpu.memory_space<vmem_shared>> -> memref<128x128xf32, #tpu.memory_space<vmem_shared>>
        %dma_start3A_82 = arith.constant 0 : i32
        %dma_start3A_83 = arith.constant 0 : i32
        %dma_start3A_84 = tpu.memref_slice %arg8[%dma_start3A_82, %dma_start3A_83] : memref<128x128xf32, #tpu.memory_space<vmem>> -> memref<128x128xf32, #tpu.memory_space<vmem>>
        %dma_start3A_85 = arith.constant 0 : i32
        %dma_start3A_86 = tpu.memref_slice %arg9[%add3A_59, %dma_start3A_85] : memref<10008x128xf32, #tpu.memory_space<vmem_shared>> -> memref<128x128xf32, #tpu.memory_space<vmem_shared>>
        tpu.enqueue_dma source(%dma_start3A_86 : memref<128x128xf32, #tpu.memory_space<vmem_shared>>) target(%dma_start3A_84 : memref<128x128xf32, #tpu.memory_space<vmem>>) target_semaphore(%run_scoped3A : memref<!tpu.dma_semaphore, #tpu.memory_space<semaphore_mem>>)
        %dma_wait3A = arith.constant 0 : i32
        %dma_wait3A_87 = arith.constant 0 : i32
        %dma_wait3A_88 = tpu.memref_slice %arg8[%dma_wait3A, %dma_wait3A_87] : memref<128x128xf32, #tpu.memory_space<vmem>> -> memref<128x128xf32, #tpu.memory_space<vmem>>
        %dma_wait3A_89 = arith.constant 0 : i32
        %dma_wait3A_90 = tpu.memref_slice %arg9[%add3A_59, %dma_wait3A_89] : memref<10008x128xf32, #tpu.memory_space<vmem_shared>> -> memref<128x128xf32, #tpu.memory_space<vmem_shared>>
        %dma_wait3A_91 = arith.constant 0 : i32
        %dma_wait3A_92 = arith.constant 0 : i32
        %dma_wait3A_93 = tpu.memref_slice %arg8[%dma_wait3A_91, %dma_wait3A_92] : memref<128x128xf32, #tpu.memory_space<vmem>> -> memref<128x128xf32, #tpu.memory_space<vmem>>
        %dma_wait3A_94 = arith.constant 0 : i32
        %dma_wait3A_95 = tpu.memref_slice %arg9[%add3A_59, %dma_wait3A_94] : memref<10008x128xf32, #tpu.memory_space<vmem_shared>> -> memref<128x128xf32, #tpu.memory_space<vmem_shared>>
        tpu.wait_dma2 semaphore(%run_scoped3A : memref<!tpu.dma_semaphore, #tpu.memory_space<semaphore_mem>>) src(%dma_wait3A_95 : memref<128x128xf32, #tpu.memory_space<vmem_shared>>) dst(%dma_wait3A_93 : memref<128x128xf32, #tpu.memory_space<vmem>>)
        tpu.yield
      }) : () -> ()
      %add3A_60 = arith.constant 0 : i32
      %add3A_61 = arith.addi %add3A_47, %add3A_60 : i32
      "tpu.region"() ({
        %run_scoped3A = tpu.sem_alloc : memref<!tpu.dma_semaphore, #tpu.memory_space<semaphore_mem>>
        %dma_start3A = arith.constant 0 : i32
        %dma_start3A_78 = arith.constant 0 : i32
        %dma_start3A_79 = tpu.memref_slice %arg8[%dma_start3A, %dma_start3A_78] : memref<128x128xf32, #tpu.memory_space<vmem>> -> memref<128x128xf32, #tpu.memory_space<vmem>>
        %dma_start3A_80 = arith.constant 0 : i32
        %dma_start3A_81 = tpu.memref_slice %arg4[%add3A_61, %dma_start3A_80] : memref<20000x128xf32, #tpu.memory_space<hbm>> -> memref<128x128xf32, #tpu.memory_space<hbm>>
        %dma_start3A_82 = arith.constant 0 : i32
        %dma_start3A_83 = tpu.memref_slice %arg4[%add3A_61, %dma_start3A_82] : memref<20000x128xf32, #tpu.memory_space<hbm>> -> memref<128x128xf32, #tpu.memory_space<hbm>>
        %dma_start3A_84 = arith.constant 0 : i32
        %dma_start3A_85 = arith.constant 0 : i32
        %dma_start3A_86 = tpu.memref_slice %arg8[%dma_start3A_84, %dma_start3A_85] : memref<128x128xf32, #tpu.memory_space<vmem>> -> memref<128x128xf32, #tpu.memory_space<vmem>>
        tpu.enqueue_dma source(%dma_start3A_86 : memref<128x128xf32, #tpu.memory_space<vmem>>) target(%dma_start3A_83 : memref<128x128xf32, #tpu.memory_space<hbm>>) target_semaphore(%run_scoped3A : memref<!tpu.dma_semaphore, #tpu.memory_space<semaphore_mem>>)
        %dma_wait3A = arith.constant 0 : i32
        %dma_wait3A_87 = arith.constant 0 : i32
        %dma_wait3A_88 = tpu.memref_slice %arg8[%dma_wait3A, %dma_wait3A_87] : memref<128x128xf32, #tpu.memory_space<vmem>> -> memref<128x128xf32, #tpu.memory_space<vmem>>
        %dma_wait3A_89 = arith.constant 0 : i32
        %dma_wait3A_90 = tpu.memref_slice %arg4[%add3A_61, %dma_wait3A_89] : memref<20000x128xf32, #tpu.memory_space<hbm>> -> memref<128x128xf32, #tpu.memory_space<hbm>>
        %dma_wait3A_91 = arith.constant 0 : i32
        %dma_wait3A_92 = tpu.memref_slice %arg4[%add3A_61, %dma_wait3A_91] : memref<20000x128xf32, #tpu.memory_space<hbm>> -> memref<128x128xf32, #tpu.memory_space<hbm>>
        %dma_wait3A_93 = arith.constant 0 : i32
        %dma_wait3A_94 = arith.constant 0 : i32
        %dma_wait3A_95 = tpu.memref_slice %arg8[%dma_wait3A_93, %dma_wait3A_94] : memref<128x128xf32, #tpu.memory_space<vmem>> -> memref<128x128xf32, #tpu.memory_space<vmem>>
        tpu.wait_dma2 semaphore(%run_scoped3A : memref<!tpu.dma_semaphore, #tpu.memory_space<semaphore_mem>>) src(%dma_wait3A_95 : memref<128x128xf32, #tpu.memory_space<vmem>>) dst(%dma_wait3A_92 : memref<128x128xf32, #tpu.memory_space<hbm>>)
        tpu.yield
      }) : () -> ()
      %add3A_62 = arith.constant 128 : i32
      %add3A_63 = arith.addi %mul3A_5, %add3A_62 : i32
      "tpu.region"() ({
        %run_scoped3A = tpu.sem_alloc : memref<!tpu.dma_semaphore, #tpu.memory_space<semaphore_mem>>
        %dma_start3A = arith.constant 0 : i32
        %dma_start3A_78 = arith.constant 0 : i32
        %dma_start3A_79 = tpu.memref_slice %arg8[%dma_start3A, %dma_start3A_78] : memref<128x128xf32, #tpu.memory_space<vmem>> -> memref<128x128xf32, #tpu.memory_space<vmem>>
        %dma_start3A_80 = arith.constant 0 : i32
        %dma_start3A_81 = tpu.memref_slice %arg9[%add3A_63, %dma_start3A_80] : memref<10008x128xf32, #tpu.memory_space<vmem_shared>> -> memref<128x128xf32, #tpu.memory_space<vmem_shared>>
        %dma_start3A_82 = arith.constant 0 : i32
        %dma_start3A_83 = arith.constant 0 : i32
        %dma_start3A_84 = tpu.memref_slice %arg8[%dma_start3A_82, %dma_start3A_83] : memref<128x128xf32, #tpu.memory_space<vmem>> -> memref<128x128xf32, #tpu.memory_space<vmem>>
        %dma_start3A_85 = arith.constant 0 : i32
        %dma_start3A_86 = tpu.memref_slice %arg9[%add3A_63, %dma_start3A_85] : memref<10008x128xf32, #tpu.memory_space<vmem_shared>> -> memref<128x128xf32, #tpu.memory_space<vmem_shared>>
        tpu.enqueue_dma source(%dma_start3A_86 : memref<128x128xf32, #tpu.memory_space<vmem_shared>>) target(%dma_start3A_84 : memref<128x128xf32, #tpu.memory_space<vmem>>) target_semaphore(%run_scoped3A : memref<!tpu.dma_semaphore, #tpu.memory_space<semaphore_mem>>)
        %dma_wait3A = arith.constant 0 : i32
        %dma_wait3A_87 = arith.constant 0 : i32
        %dma_wait3A_88 = tpu.memref_slice %arg8[%dma_wait3A, %dma_wait3A_87] : memref<128x128xf32, #tpu.memory_space<vmem>> -> memref<128x128xf32, #tpu.memory_space<vmem>>
        %dma_wait3A_89 = arith.constant 0 : i32
        %dma_wait3A_90 = tpu.memref_slice %arg9[%add3A_63, %dma_wait3A_89] : memref<10008x128xf32, #tpu.memory_space<vmem_shared>> -> memref<128x128xf32, #tpu.memory_space<vmem_shared>>
        %dma_wait3A_91 = arith.constant 0 : i32
        %dma_wait3A_92 = arith.constant 0 : i32
        %dma_wait3A_93 = tpu.memref_slice %arg8[%dma_wait3A_91, %dma_wait3A_92] : memref<128x128xf32, #tpu.memory_space<vmem>> -> memref<128x128xf32, #tpu.memory_space<vmem>>
        %dma_wait3A_94 = arith.constant 0 : i32
        %dma_wait3A_95 = tpu.memref_slice %arg9[%add3A_63, %dma_wait3A_94] : memref<10008x128xf32, #tpu.memory_space<vmem_shared>> -> memref<128x128xf32, #tpu.memory_space<vmem_shared>>
        tpu.wait_dma2 semaphore(%run_scoped3A : memref<!tpu.dma_semaphore, #tpu.memory_space<semaphore_mem>>) src(%dma_wait3A_95 : memref<128x128xf32, #tpu.memory_space<vmem_shared>>) dst(%dma_wait3A_93 : memref<128x128xf32, #tpu.memory_space<vmem>>)
        tpu.yield
      }) : () -> ()
      %add3A_64 = arith.constant 128 : i32
      %add3A_65 = arith.addi %add3A_47, %add3A_64 : i32
      "tpu.region"() ({
        %run_scoped3A = tpu.sem_alloc : memref<!tpu.dma_semaphore, #tpu.memory_space<semaphore_mem>>
        %dma_start3A = arith.constant 0 : i32
        %dma_start3A_78 = arith.constant 0 : i32
        %dma_start3A_79 = tpu.memref_slice %arg8[%dma_start3A, %dma_start3A_78] : memref<128x128xf32, #tpu.memory_space<vmem>> -> memref<128x128xf32, #tpu.memory_space<vmem>>
        %dma_start3A_80 = arith.constant 0 : i32
        %dma_start3A_81 = tpu.memref_slice %arg4[%add3A_65, %dma_start3A_80] : memref<20000x128xf32, #tpu.memory_space<hbm>> -> memref<128x128xf32, #tpu.memory_space<hbm>>
        %dma_start3A_82 = arith.constant 0 : i32
        %dma_start3A_83 = tpu.memref_slice %arg4[%add3A_65, %dma_start3A_82] : memref<20000x128xf32, #tpu.memory_space<hbm>> -> memref<128x128xf32, #tpu.memory_space<hbm>>
        %dma_start3A_84 = arith.constant 0 : i32
        %dma_start3A_85 = arith.constant 0 : i32
        %dma_start3A_86 = tpu.memref_slice %arg8[%dma_start3A_84, %dma_start3A_85] : memref<128x128xf32, #tpu.memory_space<vmem>> -> memref<128x128xf32, #tpu.memory_space<vmem>>
        tpu.enqueue_dma source(%dma_start3A_86 : memref<128x128xf32, #tpu.memory_space<vmem>>) target(%dma_start3A_83 : memref<128x128xf32, #tpu.memory_space<hbm>>) target_semaphore(%run_scoped3A : memref<!tpu.dma_semaphore, #tpu.memory_space<semaphore_mem>>)
        %dma_wait3A = arith.constant 0 : i32
        %dma_wait3A_87 = arith.constant 0 : i32
        %dma_wait3A_88 = tpu.memref_slice %arg8[%dma_wait3A, %dma_wait3A_87] : memref<128x128xf32, #tpu.memory_space<vmem>> -> memref<128x128xf32, #tpu.memory_space<vmem>>
        %dma_wait3A_89 = arith.constant 0 : i32
        %dma_wait3A_90 = tpu.memref_slice %arg4[%add3A_65, %dma_wait3A_89] : memref<20000x128xf32, #tpu.memory_space<hbm>> -> memref<128x128xf32, #tpu.memory_space<hbm>>
        %dma_wait3A_91 = arith.constant 0 : i32
        %dma_wait3A_92 = tpu.memref_slice %arg4[%add3A_65, %dma_wait3A_91] : memref<20000x128xf32, #tpu.memory_space<hbm>> -> memref<128x128xf32, #tpu.memory_space<hbm>>
        %dma_wait3A_93 = arith.constant 0 : i32
        %dma_wait3A_94 = arith.constant 0 : i32
        %dma_wait3A_95 = tpu.memref_slice %arg8[%dma_wait3A_93, %dma_wait3A_94] : memref<128x128xf32, #tpu.memory_space<vmem>> -> memref<128x128xf32, #tpu.memory_space<vmem>>
        tpu.wait_dma2 semaphore(%run_scoped3A : memref<!tpu.dma_semaphore, #tpu.memory_space<semaphore_mem>>) src(%dma_wait3A_95 : memref<128x128xf32, #tpu.memory_space<vmem>>) dst(%dma_wait3A_92 : memref<128x128xf32, #tpu.memory_space<hbm>>)
        tpu.yield
      }) : () -> ()
      %add3A_66 = arith.constant 256 : i32
      %add3A_67 = arith.addi %mul3A_5, %add3A_66 : i32
      "tpu.region"() ({
        %run_scoped3A = tpu.sem_alloc : memref<!tpu.dma_semaphore, #tpu.memory_space<semaphore_mem>>
        %dma_start3A = arith.constant 0 : i32
        %dma_start3A_78 = arith.constant 0 : i32
        %dma_start3A_79 = tpu.memref_slice %arg8[%dma_start3A, %dma_start3A_78] : memref<128x128xf32, #tpu.memory_space<vmem>> -> memref<128x128xf32, #tpu.memory_space<vmem>>
        %dma_start3A_80 = arith.constant 0 : i32
        %dma_start3A_81 = tpu.memref_slice %arg9[%add3A_67, %dma_start3A_80] : memref<10008x128xf32, #tpu.memory_space<vmem_shared>> -> memref<128x128xf32, #tpu.memory_space<vmem_shared>>
        %dma_start3A_82 = arith.constant 0 : i32
        %dma_start3A_83 = arith.constant 0 : i32
        %dma_start3A_84 = tpu.memref_slice %arg8[%dma_start3A_82, %dma_start3A_83] : memref<128x128xf32, #tpu.memory_space<vmem>> -> memref<128x128xf32, #tpu.memory_space<vmem>>
        %dma_start3A_85 = arith.constant 0 : i32
        %dma_start3A_86 = tpu.memref_slice %arg9[%add3A_67, %dma_start3A_85] : memref<10008x128xf32, #tpu.memory_space<vmem_shared>> -> memref<128x128xf32, #tpu.memory_space<vmem_shared>>
        tpu.enqueue_dma source(%dma_start3A_86 : memref<128x128xf32, #tpu.memory_space<vmem_shared>>) target(%dma_start3A_84 : memref<128x128xf32, #tpu.memory_space<vmem>>) target_semaphore(%run_scoped3A : memref<!tpu.dma_semaphore, #tpu.memory_space<semaphore_mem>>)
        %dma_wait3A = arith.constant 0 : i32
        %dma_wait3A_87 = arith.constant 0 : i32
        %dma_wait3A_88 = tpu.memref_slice %arg8[%dma_wait3A, %dma_wait3A_87] : memref<128x128xf32, #tpu.memory_space<vmem>> -> memref<128x128xf32, #tpu.memory_space<vmem>>
        %dma_wait3A_89 = arith.constant 0 : i32
        %dma_wait3A_90 = tpu.memref_slice %arg9[%add3A_67, %dma_wait3A_89] : memref<10008x128xf32, #tpu.memory_space<vmem_shared>> -> memref<128x128xf32, #tpu.memory_space<vmem_shared>>
        %dma_wait3A_91 = arith.constant 0 : i32
        %dma_wait3A_92 = arith.constant 0 : i32
        %dma_wait3A_93 = tpu.memref_slice %arg8[%dma_wait3A_91, %dma_wait3A_92] : memref<128x128xf32, #tpu.memory_space<vmem>> -> memref<128x128xf32, #tpu.memory_space<vmem>>
        %dma_wait3A_94 = arith.constant 0 : i32
        %dma_wait3A_95 = tpu.memref_slice %arg9[%add3A_67, %dma_wait3A_94] : memref<10008x128xf32, #tpu.memory_space<vmem_shared>> -> memref<128x128xf32, #tpu.memory_space<vmem_shared>>
        tpu.wait_dma2 semaphore(%run_scoped3A : memref<!tpu.dma_semaphore, #tpu.memory_space<semaphore_mem>>) src(%dma_wait3A_95 : memref<128x128xf32, #tpu.memory_space<vmem_shared>>) dst(%dma_wait3A_93 : memref<128x128xf32, #tpu.memory_space<vmem>>)
        tpu.yield
      }) : () -> ()
      %add3A_68 = arith.constant 256 : i32
      %add3A_69 = arith.addi %add3A_47, %add3A_68 : i32
      "tpu.region"() ({
        %run_scoped3A = tpu.sem_alloc : memref<!tpu.dma_semaphore, #tpu.memory_space<semaphore_mem>>
        %dma_start3A = arith.constant 0 : i32
        %dma_start3A_78 = arith.constant 0 : i32
        %dma_start3A_79 = tpu.memref_slice %arg8[%dma_start3A, %dma_start3A_78] : memref<128x128xf32, #tpu.memory_space<vmem>> -> memref<128x128xf32, #tpu.memory_space<vmem>>
        %dma_start3A_80 = arith.constant 0 : i32
        %dma_start3A_81 = tpu.memref_slice %arg4[%add3A_69, %dma_start3A_80] : memref<20000x128xf32, #tpu.memory_space<hbm>> -> memref<128x128xf32, #tpu.memory_space<hbm>>
        %dma_start3A_82 = arith.constant 0 : i32
        %dma_start3A_83 = tpu.memref_slice %arg4[%add3A_69, %dma_start3A_82] : memref<20000x128xf32, #tpu.memory_space<hbm>> -> memref<128x128xf32, #tpu.memory_space<hbm>>
        %dma_start3A_84 = arith.constant 0 : i32
        %dma_start3A_85 = arith.constant 0 : i32
        %dma_start3A_86 = tpu.memref_slice %arg8[%dma_start3A_84, %dma_start3A_85] : memref<128x128xf32, #tpu.memory_space<vmem>> -> memref<128x128xf32, #tpu.memory_space<vmem>>
        tpu.enqueue_dma source(%dma_start3A_86 : memref<128x128xf32, #tpu.memory_space<vmem>>) target(%dma_start3A_83 : memref<128x128xf32, #tpu.memory_space<hbm>>) target_semaphore(%run_scoped3A : memref<!tpu.dma_semaphore, #tpu.memory_space<semaphore_mem>>)
        %dma_wait3A = arith.constant 0 : i32
        %dma_wait3A_87 = arith.constant 0 : i32
        %dma_wait3A_88 = tpu.memref_slice %arg8[%dma_wait3A, %dma_wait3A_87] : memref<128x128xf32, #tpu.memory_space<vmem>> -> memref<128x128xf32, #tpu.memory_space<vmem>>
        %dma_wait3A_89 = arith.constant 0 : i32
        %dma_wait3A_90 = tpu.memref_slice %arg4[%add3A_69, %dma_wait3A_89] : memref<20000x128xf32, #tpu.memory_space<hbm>> -> memref<128x128xf32, #tpu.memory_space<hbm>>
        %dma_wait3A_91 = arith.constant 0 : i32
        %dma_wait3A_92 = tpu.memref_slice %arg4[%add3A_69, %dma_wait3A_91] : memref<20000x128xf32, #tpu.memory_space<hbm>> -> memref<128x128xf32, #tpu.memory_space<hbm>>
        %dma_wait3A_93 = arith.constant 0 : i32
        %dma_wait3A_94 = arith.constant 0 : i32
        %dma_wait3A_95 = tpu.memref_slice %arg8[%dma_wait3A_93, %dma_wait3A_94] : memref<128x128xf32, #tpu.memory_space<vmem>> -> memref<128x128xf32, #tpu.memory_space<vmem>>
        tpu.wait_dma2 semaphore(%run_scoped3A : memref<!tpu.dma_semaphore, #tpu.memory_space<semaphore_mem>>) src(%dma_wait3A_95 : memref<128x128xf32, #tpu.memory_space<vmem>>) dst(%dma_wait3A_92 : memref<128x128xf32, #tpu.memory_space<hbm>>)
        tpu.yield
      }) : () -> ()
      %add3A_70 = arith.constant 384 : i32
      %add3A_71 = arith.addi %mul3A_5, %add3A_70 : i32
      "tpu.region"() ({
        %run_scoped3A = tpu.sem_alloc : memref<!tpu.dma_semaphore, #tpu.memory_space<semaphore_mem>>
        %dma_start3A = arith.constant 0 : i32
        %dma_start3A_78 = arith.constant 0 : i32
        %dma_start3A_79 = tpu.memref_slice %arg8[%dma_start3A, %dma_start3A_78] : memref<128x128xf32, #tpu.memory_space<vmem>> -> memref<128x128xf32, #tpu.memory_space<vmem>>
        %dma_start3A_80 = arith.constant 0 : i32
        %dma_start3A_81 = tpu.memref_slice %arg9[%add3A_71, %dma_start3A_80] : memref<10008x128xf32, #tpu.memory_space<vmem_shared>> -> memref<128x128xf32, #tpu.memory_space<vmem_shared>>
        %dma_start3A_82 = arith.constant 0 : i32
        %dma_start3A_83 = arith.constant 0 : i32
        %dma_start3A_84 = tpu.memref_slice %arg8[%dma_start3A_82, %dma_start3A_83] : memref<128x128xf32, #tpu.memory_space<vmem>> -> memref<128x128xf32, #tpu.memory_space<vmem>>
        %dma_start3A_85 = arith.constant 0 : i32
        %dma_start3A_86 = tpu.memref_slice %arg9[%add3A_71, %dma_start3A_85] : memref<10008x128xf32, #tpu.memory_space<vmem_shared>> -> memref<128x128xf32, #tpu.memory_space<vmem_shared>>
        tpu.enqueue_dma source(%dma_start3A_86 : memref<128x128xf32, #tpu.memory_space<vmem_shared>>) target(%dma_start3A_84 : memref<128x128xf32, #tpu.memory_space<vmem>>) target_semaphore(%run_scoped3A : memref<!tpu.dma_semaphore, #tpu.memory_space<semaphore_mem>>)
        %dma_wait3A = arith.constant 0 : i32
        %dma_wait3A_87 = arith.constant 0 : i32
        %dma_wait3A_88 = tpu.memref_slice %arg8[%dma_wait3A, %dma_wait3A_87] : memref<128x128xf32, #tpu.memory_space<vmem>> -> memref<128x128xf32, #tpu.memory_space<vmem>>
        %dma_wait3A_89 = arith.constant 0 : i32
        %dma_wait3A_90 = tpu.memref_slice %arg9[%add3A_71, %dma_wait3A_89] : memref<10008x128xf32, #tpu.memory_space<vmem_shared>> -> memref<128x128xf32, #tpu.memory_space<vmem_shared>>
        %dma_wait3A_91 = arith.constant 0 : i32
        %dma_wait3A_92 = arith.constant 0 : i32
        %dma_wait3A_93 = tpu.memref_slice %arg8[%dma_wait3A_91, %dma_wait3A_92] : memref<128x128xf32, #tpu.memory_space<vmem>> -> memref<128x128xf32, #tpu.memory_space<vmem>>
        %dma_wait3A_94 = arith.constant 0 : i32
        %dma_wait3A_95 = tpu.memref_slice %arg9[%add3A_71, %dma_wait3A_94] : memref<10008x128xf32, #tpu.memory_space<vmem_shared>> -> memref<128x128xf32, #tpu.memory_space<vmem_shared>>
        tpu.wait_dma2 semaphore(%run_scoped3A : memref<!tpu.dma_semaphore, #tpu.memory_space<semaphore_mem>>) src(%dma_wait3A_95 : memref<128x128xf32, #tpu.memory_space<vmem_shared>>) dst(%dma_wait3A_93 : memref<128x128xf32, #tpu.memory_space<vmem>>)
        tpu.yield
      }) : () -> ()
      %add3A_72 = arith.constant 384 : i32
      %add3A_73 = arith.addi %add3A_47, %add3A_72 : i32
      "tpu.region"() ({
        %run_scoped3A = tpu.sem_alloc : memref<!tpu.dma_semaphore, #tpu.memory_space<semaphore_mem>>
        %dma_start3A = arith.constant 0 : i32
        %dma_start3A_78 = arith.constant 0 : i32
        %dma_start3A_79 = tpu.memref_slice %arg8[%dma_start3A, %dma_start3A_78] : memref<128x128xf32, #tpu.memory_space<vmem>> -> memref<128x128xf32, #tpu.memory_space<vmem>>
        %dma_start3A_80 = arith.constant 0 : i32
        %dma_start3A_81 = tpu.memref_slice %arg4[%add3A_73, %dma_start3A_80] : memref<20000x128xf32, #tpu.memory_space<hbm>> -> memref<128x128xf32, #tpu.memory_space<hbm>>
        %dma_start3A_82 = arith.constant 0 : i32
        %dma_start3A_83 = tpu.memref_slice %arg4[%add3A_73, %dma_start3A_82] : memref<20000x128xf32, #tpu.memory_space<hbm>> -> memref<128x128xf32, #tpu.memory_space<hbm>>
        %dma_start3A_84 = arith.constant 0 : i32
        %dma_start3A_85 = arith.constant 0 : i32
        %dma_start3A_86 = tpu.memref_slice %arg8[%dma_start3A_84, %dma_start3A_85] : memref<128x128xf32, #tpu.memory_space<vmem>> -> memref<128x128xf32, #tpu.memory_space<vmem>>
        tpu.enqueue_dma source(%dma_start3A_86 : memref<128x128xf32, #tpu.memory_space<vmem>>) target(%dma_start3A_83 : memref<128x128xf32, #tpu.memory_space<hbm>>) target_semaphore(%run_scoped3A : memref<!tpu.dma_semaphore, #tpu.memory_space<semaphore_mem>>)
        %dma_wait3A = arith.constant 0 : i32
        %dma_wait3A_87 = arith.constant 0 : i32
        %dma_wait3A_88 = tpu.memref_slice %arg8[%dma_wait3A, %dma_wait3A_87] : memref<128x128xf32, #tpu.memory_space<vmem>> -> memref<128x128xf32, #tpu.memory_space<vmem>>
        %dma_wait3A_89 = arith.constant 0 : i32
        %dma_wait3A_90 = tpu.memref_slice %arg4[%add3A_73, %dma_wait3A_89] : memref<20000x128xf32, #tpu.memory_space<hbm>> -> memref<128x128xf32, #tpu.memory_space<hbm>>
        %dma_wait3A_91 = arith.constant 0 : i32
        %dma_wait3A_92 = tpu.memref_slice %arg4[%add3A_73, %dma_wait3A_91] : memref<20000x128xf32, #tpu.memory_space<hbm>> -> memref<128x128xf32, #tpu.memory_space<hbm>>
        %dma_wait3A_93 = arith.constant 0 : i32
        %dma_wait3A_94 = arith.constant 0 : i32
        %dma_wait3A_95 = tpu.memref_slice %arg8[%dma_wait3A_93, %dma_wait3A_94] : memref<128x128xf32, #tpu.memory_space<vmem>> -> memref<128x128xf32, #tpu.memory_space<vmem>>
        tpu.wait_dma2 semaphore(%run_scoped3A : memref<!tpu.dma_semaphore, #tpu.memory_space<semaphore_mem>>) src(%dma_wait3A_95 : memref<128x128xf32, #tpu.memory_space<vmem>>) dst(%dma_wait3A_92 : memref<128x128xf32, #tpu.memory_space<hbm>>)
        tpu.yield
      }) : () -> ()
      %add3A_74 = arith.constant 512 : i32
      %add3A_75 = arith.addi %mul3A_5, %add3A_74 : i32
      "tpu.region"() ({
        %run_scoped3A = tpu.sem_alloc : memref<!tpu.dma_semaphore, #tpu.memory_space<semaphore_mem>>
        %dma_start3A = arith.constant 0 : i32
        %dma_start3A_78 = arith.constant 0 : i32
        %dma_start3A_79 = tpu.memref_slice %arg8[%dma_start3A, %dma_start3A_78] : memref<128x128xf32, #tpu.memory_space<vmem>> -> memref<8x128xf32, #tpu.memory_space<vmem>>
        %dma_start3A_80 = arith.constant 0 : i32
        %dma_start3A_81 = tpu.memref_slice %arg9[%add3A_75, %dma_start3A_80] : memref<10008x128xf32, #tpu.memory_space<vmem_shared>> -> memref<8x128xf32, #tpu.memory_space<vmem_shared>>
        %dma_start3A_82 = arith.constant 0 : i32
        %dma_start3A_83 = arith.constant 0 : i32
        %dma_start3A_84 = tpu.memref_slice %arg8[%dma_start3A_82, %dma_start3A_83] : memref<128x128xf32, #tpu.memory_space<vmem>> -> memref<8x128xf32, #tpu.memory_space<vmem>>
        %dma_start3A_85 = arith.constant 0 : i32
        %dma_start3A_86 = tpu.memref_slice %arg9[%add3A_75, %dma_start3A_85] : memref<10008x128xf32, #tpu.memory_space<vmem_shared>> -> memref<8x128xf32, #tpu.memory_space<vmem_shared>>
        tpu.enqueue_dma source(%dma_start3A_86 : memref<8x128xf32, #tpu.memory_space<vmem_shared>>) target(%dma_start3A_84 : memref<8x128xf32, #tpu.memory_space<vmem>>) target_semaphore(%run_scoped3A : memref<!tpu.dma_semaphore, #tpu.memory_space<semaphore_mem>>)
        %dma_wait3A = arith.constant 0 : i32
        %dma_wait3A_87 = arith.constant 0 : i32
        %dma_wait3A_88 = tpu.memref_slice %arg8[%dma_wait3A, %dma_wait3A_87] : memref<128x128xf32, #tpu.memory_space<vmem>> -> memref<8x128xf32, #tpu.memory_space<vmem>>
        %dma_wait3A_89 = arith.constant 0 : i32
        %dma_wait3A_90 = tpu.memref_slice %arg9[%add3A_75, %dma_wait3A_89] : memref<10008x128xf32, #tpu.memory_space<vmem_shared>> -> memref<8x128xf32, #tpu.memory_space<vmem_shared>>
        %dma_wait3A_91 = arith.constant 0 : i32
        %dma_wait3A_92 = arith.constant 0 : i32
        %dma_wait3A_93 = tpu.memref_slice %arg8[%dma_wait3A_91, %dma_wait3A_92] : memref<128x128xf32, #tpu.memory_space<vmem>> -> memref<8x128xf32, #tpu.memory_space<vmem>>
        %dma_wait3A_94 = arith.constant 0 : i32
        %dma_wait3A_95 = tpu.memref_slice %arg9[%add3A_75, %dma_wait3A_94] : memref<10008x128xf32, #tpu.memory_space<vmem_shared>> -> memref<8x128xf32, #tpu.memory_space<vmem_shared>>
        tpu.wait_dma2 semaphore(%run_scoped3A : memref<!tpu.dma_semaphore, #tpu.memory_space<semaphore_mem>>) src(%dma_wait3A_95 : memref<8x128xf32, #tpu.memory_space<vmem_shared>>) dst(%dma_wait3A_93 : memref<8x128xf32, #tpu.memory_space<vmem>>)
        tpu.yield
      }) : () -> ()
      %add3A_76 = arith.constant 512 : i32
      %add3A_77 = arith.addi %add3A_47, %add3A_76 : i32
      "tpu.region"() ({
        %run_scoped3A = tpu.sem_alloc : memref<!tpu.dma_semaphore, #tpu.memory_space<semaphore_mem>>
        %dma_start3A = arith.constant 0 : i32
        %dma_start3A_78 = arith.constant 0 : i32
        %dma_start3A_79 = tpu.memref_slice %arg8[%dma_start3A, %dma_start3A_78] : memref<128x128xf32, #tpu.memory_space<vmem>> -> memref<8x128xf32, #tpu.memory_space<vmem>>
        %dma_start3A_80 = arith.constant 0 : i32
        %dma_start3A_81 = tpu.memref_slice %arg4[%add3A_77, %dma_start3A_80] : memref<20000x128xf32, #tpu.memory_space<hbm>> -> memref<8x128xf32, #tpu.memory_space<hbm>>
        %dma_start3A_82 = arith.constant 0 : i32
        %dma_start3A_83 = tpu.memref_slice %arg4[%add3A_77, %dma_start3A_82] : memref<20000x128xf32, #tpu.memory_space<hbm>> -> memref<8x128xf32, #tpu.memory_space<hbm>>
        %dma_start3A_84 = arith.constant 0 : i32
        %dma_start3A_85 = arith.constant 0 : i32
        %dma_start3A_86 = tpu.memref_slice %arg8[%dma_start3A_84, %dma_start3A_85] : memref<128x128xf32, #tpu.memory_space<vmem>> -> memref<8x128xf32, #tpu.memory_space<vmem>>
        tpu.enqueue_dma source(%dma_start3A_86 : memref<8x128xf32, #tpu.memory_space<vmem>>) target(%dma_start3A_83 : memref<8x128xf32, #tpu.memory_space<hbm>>) target_semaphore(%run_scoped3A : memref<!tpu.dma_semaphore, #tpu.memory_space<semaphore_mem>>)
        %dma_wait3A = arith.constant 0 : i32
        %dma_wait3A_87 = arith.constant 0 : i32
        %dma_wait3A_88 = tpu.memref_slice %arg8[%dma_wait3A, %dma_wait3A_87] : memref<128x128xf32, #tpu.memory_space<vmem>> -> memref<8x128xf32, #tpu.memory_space<vmem>>
        %dma_wait3A_89 = arith.constant 0 : i32
        %dma_wait3A_90 = tpu.memref_slice %arg4[%add3A_77, %dma_wait3A_89] : memref<20000x128xf32, #tpu.memory_space<hbm>> -> memref<8x128xf32, #tpu.memory_space<hbm>>
        %dma_wait3A_91 = arith.constant 0 : i32
        %dma_wait3A_92 = tpu.memref_slice %arg4[%add3A_77, %dma_wait3A_91] : memref<20000x128xf32, #tpu.memory_space<hbm>> -> memref<8x128xf32, #tpu.memory_space<hbm>>
        %dma_wait3A_93 = arith.constant 0 : i32
        %dma_wait3A_94 = arith.constant 0 : i32
        %dma_wait3A_95 = tpu.memref_slice %arg8[%dma_wait3A_93, %dma_wait3A_94] : memref<128x128xf32, #tpu.memory_space<vmem>> -> memref<8x128xf32, #tpu.memory_space<vmem>>
        tpu.wait_dma2 semaphore(%run_scoped3A : memref<!tpu.dma_semaphore, #tpu.memory_space<semaphore_mem>>) src(%dma_wait3A_95 : memref<8x128xf32, #tpu.memory_space<vmem>>) dst(%dma_wait3A_92 : memref<8x128xf32, #tpu.memory_space<hbm>>)
        tpu.yield
      }) : () -> ()
    } else {
    }
    return
  }
}

#map = affine_map<(d0, d1) -> (0, 0)>
#map1 = affine_map<(d0, d1) -> (0, 0, 0)>
module attributes {stable_mosaic.version = 14 : i64} {
  func.func @agg(%arg0: i32, %arg1: i32, %arg2: memref<10000x128xf32, #tpu.memory_space<hbm>>, %arg3: memref<2x2500x128xi32, #tpu.memory_space<hbm>>, %arg4: memref<20000x128xf32, #tpu.memory_space<hbm>>, %arg5: memref<2x8x128xi32, #tpu.memory_space<vmem>>, %arg6: memref<2x8x128xi32, #tpu.memory_space<vmem>>, %arg7: memref<128x128xf32, #tpu.memory_space<vmem>>, %arg8: memref<128x128xf32, #tpu.memory_space<vmem>>, %arg9: memref<10008x128xf32, #tpu.memory_space<vmem_shared>>, %arg10: memref<!tpu.dma_semaphore, #tpu.memory_space<semaphore_mem>>, %arg11: memref<!tpu.dma_semaphore, #tpu.memory_space<semaphore_mem>>, %arg12: memref<!tpu.dma_semaphore, #tpu.memory_space<semaphore_mem>>, %arg13: memref<!tpu.dma_semaphore, #tpu.memory_space<semaphore_mem>>, %arg14: memref<!tpu.dma_semaphore, #tpu.memory_space<semaphore_mem>>, %arg15: memref<!tpu.dma_semaphore, #tpu.memory_space<semaphore_mem>>) attributes {dimension_semantics = [#tpu.dimension_semantics<core_parallel>, #tpu.dimension_semantics<subcore_parallel>], iteration_bounds = array<i64: 2, 16>, scalar_prefetch = 0 : i64, scratch_operands = 11 : i64, tpu.core_type = #tpu.core_type<sc_vector_subcore>, window_params = [{transform_indices = #map}, {transform_indices = #map1}, {transform_indices = #map}]} {
    %broadcast_in_dim3A = arith.constant 0.000000e+00 : f32
    %broadcast_in_dim3A_0 = vector.broadcast %broadcast_in_dim3A : f32 to vector<16xf32>
    %scan3A = arith.constant 0 : i32
    %scan3A_1 = arith.constant 128 : i32
    %scan3A_2 = arith.addi %scan3A, %scan3A_1 : i32
    %scan3A_3 = arith.constant 1 : i32
    scf.for %scan3A_58 = %scan3A to %scan3A_2 step %scan3A_3  : i32 {
      %swap3A = arith.index_cast %scan3A_58 : i32 to index
      %swap3A_59 = arith.constant 0 : index
      %swap3A_60 = tpu.vector_load %arg8[%swap3A, %swap3A_59] {strides = array<i32>} : memref<128x128xf32, #tpu.memory_space<vmem>>, vector<1x16xf32>,
      %swap3A_61 = vector.shape_cast %swap3A_60 : vector<1x16xf32> to vector<16xf32>
      %swap3A_62 = vector.shape_cast %broadcast_in_dim3A_0 : vector<16xf32> to vector<1x16xf32>
      tpu.vector_store %arg8[%swap3A, %swap3A_59], %swap3A_62 {strides = array<i32>} : memref<128x128xf32, #tpu.memory_space<vmem>>, vector<1x16xf32>,
      %swap3A_63 = arith.index_cast %scan3A_58 : i32 to index
      %swap3A_64 = arith.constant 16 : index
      %swap3A_65 = tpu.vector_load %arg8[%swap3A_63, %swap3A_64] {strides = array<i32>} : memref<128x128xf32, #tpu.memory_space<vmem>>, vector<1x16xf32>,
      %swap3A_66 = vector.shape_cast %swap3A_65 : vector<1x16xf32> to vector<16xf32>
      %swap3A_67 = vector.shape_cast %broadcast_in_dim3A_0 : vector<16xf32> to vector<1x16xf32>
      tpu.vector_store %arg8[%swap3A_63, %swap3A_64], %swap3A_67 {strides = array<i32>} : memref<128x128xf32, #tpu.memory_space<vmem>>, vector<1x16xf32>,
      %swap3A_68 = arith.index_cast %scan3A_58 : i32 to index
      %swap3A_69 = arith.constant 32 : index
      %swap3A_70 = tpu.vector_load %arg8[%swap3A_68, %swap3A_69] {strides = array<i32>} : memref<128x128xf32, #tpu.memory_space<vmem>>, vector<1x16xf32>,
      %swap3A_71 = vector.shape_cast %swap3A_70 : vector<1x16xf32> to vector<16xf32>
      %swap3A_72 = vector.shape_cast %broadcast_in_dim3A_0 : vector<16xf32> to vector<1x16xf32>
      tpu.vector_store %arg8[%swap3A_68, %swap3A_69], %swap3A_72 {strides = array<i32>} : memref<128x128xf32, #tpu.memory_space<vmem>>, vector<1x16xf32>,
      %swap3A_73 = arith.index_cast %scan3A_58 : i32 to index
      %swap3A_74 = arith.constant 48 : index
      %swap3A_75 = tpu.vector_load %arg8[%swap3A_73, %swap3A_74] {strides = array<i32>} : memref<128x128xf32, #tpu.memory_space<vmem>>, vector<1x16xf32>,
      %swap3A_76 = vector.shape_cast %swap3A_75 : vector<1x16xf32> to vector<16xf32>
      %swap3A_77 = vector.shape_cast %broadcast_in_dim3A_0 : vector<16xf32> to vector<1x16xf32>
      tpu.vector_store %arg8[%swap3A_73, %swap3A_74], %swap3A_77 {strides = array<i32>} : memref<128x128xf32, #tpu.memory_space<vmem>>, vector<1x16xf32>,
      %swap3A_78 = arith.index_cast %scan3A_58 : i32 to index
      %swap3A_79 = arith.constant 64 : index
      %swap3A_80 = tpu.vector_load %arg8[%swap3A_78, %swap3A_79] {strides = array<i32>} : memref<128x128xf32, #tpu.memory_space<vmem>>, vector<1x16xf32>,
      %swap3A_81 = vector.shape_cast %swap3A_80 : vector<1x16xf32> to vector<16xf32>
      %swap3A_82 = vector.shape_cast %broadcast_in_dim3A_0 : vector<16xf32> to vector<1x16xf32>
      tpu.vector_store %arg8[%swap3A_78, %swap3A_79], %swap3A_82 {strides = array<i32>} : memref<128x128xf32, #tpu.memory_space<vmem>>, vector<1x16xf32>,
      %swap3A_83 = arith.index_cast %scan3A_58 : i32 to index
      %swap3A_84 = arith.constant 80 : index
      %swap3A_85 = tpu.vector_load %arg8[%swap3A_83, %swap3A_84] {strides = array<i32>} : memref<128x128xf32, #tpu.memory_space<vmem>>, vector<1x16xf32>,
      %swap3A_86 = vector.shape_cast %swap3A_85 : vector<1x16xf32> to vector<16xf32>
      %swap3A_87 = vector.shape_cast %broadcast_in_dim3A_0 : vector<16xf32> to vector<1x16xf32>
      tpu.vector_store %arg8[%swap3A_83, %swap3A_84], %swap3A_87 {strides = array<i32>} : memref<128x128xf32, #tpu.memory_space<vmem>>, vector<1x16xf32>,
      %swap3A_88 = arith.index_cast %scan3A_58 : i32 to index
      %swap3A_89 = arith.constant 96 : index
      %swap3A_90 = tpu.vector_load %arg8[%swap3A_88, %swap3A_89] {strides = array<i32>} : memref<128x128xf32, #tpu.memory_space<vmem>>, vector<1x16xf32>,
      %swap3A_91 = vector.shape_cast %swap3A_90 : vector<1x16xf32> to vector<16xf32>
      %swap3A_92 = vector.shape_cast %broadcast_in_dim3A_0 : vector<16xf32> to vector<1x16xf32>
      tpu.vector_store %arg8[%swap3A_88, %swap3A_89], %swap3A_92 {strides = array<i32>} : memref<128x128xf32, #tpu.memory_space<vmem>>, vector<1x16xf32>,
      %swap3A_93 = arith.index_cast %scan3A_58 : i32 to index
      %swap3A_94 = arith.constant 112 : index
      %swap3A_95 = tpu.vector_load %arg8[%swap3A_93, %swap3A_94] {strides = array<i32>} : memref<128x128xf32, #tpu.memory_space<vmem>>, vector<1x16xf32>,
      %swap3A_96 = vector.shape_cast %swap3A_95 : vector<1x16xf32> to vector<16xf32>
      %swap3A_97 = vector.shape_cast %broadcast_in_dim3A_0 : vector<16xf32> to vector<1x16xf32>
      tpu.vector_store %arg8[%swap3A_93, %swap3A_94], %swap3A_97 {strides = array<i32>} : memref<128x128xf32, #tpu.memory_space<vmem>>, vector<1x16xf32>,
    }
    %scan3A_4 = arith.constant 128 : i32
    %mul3A = arith.constant 632 : i32
    %mul3A_5 = arith.muli %arg1, %mul3A : i32
    %lt3A = arith.constant 15 : i32
    %lt3A_6 = arith.cmpi slt, %arg1, %lt3A : i32
    %convert_element_type3A = arith.extui %lt3A_6 : i1 to i32
    %cond3A = arith.constant 0 : i32
    %cond3A_7 = arith.cmpi ne, %convert_element_type3A, %cond3A : i32
    scf.if %cond3A_7 {
      %add3A_58 = arith.constant 0 : i32
      %add3A_59 = arith.addi %mul3A_5, %add3A_58 : i32
      "tpu.region"() ({
        %run_scoped3A = tpu.sem_alloc : memref<!tpu.dma_semaphore, #tpu.memory_space<semaphore_mem>>
        %dma_start3A = arith.constant 0 : i32
        %dma_start3A_68 = arith.constant 0 : i32
        %dma_start3A_69 = tpu.memref_slice %arg8[%dma_start3A, %dma_start3A_68] : memref<128x128xf32, #tpu.memory_space<vmem>> -> memref<128x128xf32, #tpu.memory_space<vmem>>
        %dma_start3A_70 = arith.constant 0 : i32
        %dma_start3A_71 = tpu.memref_slice %arg9[%add3A_59, %dma_start3A_70] : memref<10008x128xf32, #tpu.memory_space<vmem_shared>> -> memref<128x128xf32, #tpu.memory_space<vmem_shared>>
        %dma_start3A_72 = arith.constant 0 : i32
        %dma_start3A_73 = tpu.memref_slice %arg9[%add3A_59, %dma_start3A_72] : memref<10008x128xf32, #tpu.memory_space<vmem_shared>> -> memref<128x128xf32, #tpu.memory_space<vmem_shared>>
        %dma_start3A_74 = arith.constant 0 : i32
        %dma_start3A_75 = arith.constant 0 : i32
        %dma_start3A_76 = tpu.memref_slice %arg8[%dma_start3A_74, %dma_start3A_75] : memref<128x128xf32, #tpu.memory_space<vmem>> -> memref<128x128xf32, #tpu.memory_space<vmem>>
        tpu.enqueue_dma source(%dma_start3A_76 : memref<128x128xf32, #tpu.memory_space<vmem>>) target(%dma_start3A_73 : memref<128x128xf32, #tpu.memory_space<vmem_shared>>) target_semaphore(%run_scoped3A : memref<!tpu.dma_semaphore, #tpu.memory_space<semaphore_mem>>)
        %dma_wait3A = arith.constant 0 : i32
        %dma_wait3A_77 = arith.constant 0 : i32
        %dma_wait3A_78 = tpu.memref_slice %arg8[%dma_wait3A, %dma_wait3A_77] : memref<128x128xf32, #tpu.memory_space<vmem>> -> memref<128x128xf32, #tpu.memory_space<vmem>>
        %dma_wait3A_79 = arith.constant 0 : i32
        %dma_wait3A_80 = tpu.memref_slice %arg9[%add3A_59, %dma_wait3A_79] : memref<10008x128xf32, #tpu.memory_space<vmem_shared>> -> memref<128x128xf32, #tpu.memory_space<vmem_shared>>
        %dma_wait3A_81 = arith.constant 0 : i32
        %dma_wait3A_82 = tpu.memref_slice %arg9[%add3A_59, %dma_wait3A_81] : memref<10008x128xf32, #tpu.memory_space<vmem_shared>> -> memref<128x128xf32, #tpu.memory_space<vmem_shared>>
        %dma_wait3A_83 = arith.constant 0 : i32
        %dma_wait3A_84 = arith.constant 0 : i32
        %dma_wait3A_85 = tpu.memref_slice %arg8[%dma_wait3A_83, %dma_wait3A_84] : memref<128x128xf32, #tpu.memory_space<vmem>> -> memref<128x128xf32, #tpu.memory_space<vmem>>
        tpu.wait_dma2 semaphore(%run_scoped3A : memref<!tpu.dma_semaphore, #tpu.memory_space<semaphore_mem>>) src(%dma_wait3A_85 : memref<128x128xf32, #tpu.memory_space<vmem>>) dst(%dma_wait3A_82 : memref<128x128xf32, #tpu.memory_space<vmem_shared>>)
        tpu.yield
      }) : () -> ()
      %add3A_60 = arith.constant 128 : i32
      %add3A_61 = arith.addi %mul3A_5, %add3A_60 : i32
      "tpu.region"() ({
        %run_scoped3A = tpu.sem_alloc : memref<!tpu.dma_semaphore, #tpu.memory_space<semaphore_mem>>
        %dma_start3A = arith.constant 0 : i32
        %dma_start3A_68 = arith.constant 0 : i32
        %dma_start3A_69 = tpu.memref_slice %arg8[%dma_start3A, %dma_start3A_68] : memref<128x128xf32, #tpu.memory_space<vmem>> -> memref<128x128xf32, #tpu.memory_space<vmem>>
        %dma_start3A_70 = arith.constant 0 : i32
        %dma_start3A_71 = tpu.memref_slice %arg9[%add3A_61, %dma_start3A_70] : memref<10008x128xf32, #tpu.memory_space<vmem_shared>> -> memref<128x128xf32, #tpu.memory_space<vmem_shared>>
        %dma_start3A_72 = arith.constant 0 : i32
        %dma_start3A_73 = tpu.memref_slice %arg9[%add3A_61, %dma_start3A_72] : memref<10008x128xf32, #tpu.memory_space<vmem_shared>> -> memref<128x128xf32, #tpu.memory_space<vmem_shared>>
        %dma_start3A_74 = arith.constant 0 : i32
        %dma_start3A_75 = arith.constant 0 : i32
        %dma_start3A_76 = tpu.memref_slice %arg8[%dma_start3A_74, %dma_start3A_75] : memref<128x128xf32, #tpu.memory_space<vmem>> -> memref<128x128xf32, #tpu.memory_space<vmem>>
        tpu.enqueue_dma source(%dma_start3A_76 : memref<128x128xf32, #tpu.memory_space<vmem>>) target(%dma_start3A_73 : memref<128x128xf32, #tpu.memory_space<vmem_shared>>) target_semaphore(%run_scoped3A : memref<!tpu.dma_semaphore, #tpu.memory_space<semaphore_mem>>)
        %dma_wait3A = arith.constant 0 : i32
        %dma_wait3A_77 = arith.constant 0 : i32
        %dma_wait3A_78 = tpu.memref_slice %arg8[%dma_wait3A, %dma_wait3A_77] : memref<128x128xf32, #tpu.memory_space<vmem>> -> memref<128x128xf32, #tpu.memory_space<vmem>>
        %dma_wait3A_79 = arith.constant 0 : i32
        %dma_wait3A_80 = tpu.memref_slice %arg9[%add3A_61, %dma_wait3A_79] : memref<10008x128xf32, #tpu.memory_space<vmem_shared>> -> memref<128x128xf32, #tpu.memory_space<vmem_shared>>
        %dma_wait3A_81 = arith.constant 0 : i32
        %dma_wait3A_82 = tpu.memref_slice %arg9[%add3A_61, %dma_wait3A_81] : memref<10008x128xf32, #tpu.memory_space<vmem_shared>> -> memref<128x128xf32, #tpu.memory_space<vmem_shared>>
        %dma_wait3A_83 = arith.constant 0 : i32
        %dma_wait3A_84 = arith.constant 0 : i32
        %dma_wait3A_85 = tpu.memref_slice %arg8[%dma_wait3A_83, %dma_wait3A_84] : memref<128x128xf32, #tpu.memory_space<vmem>> -> memref<128x128xf32, #tpu.memory_space<vmem>>
        tpu.wait_dma2 semaphore(%run_scoped3A : memref<!tpu.dma_semaphore, #tpu.memory_space<semaphore_mem>>) src(%dma_wait3A_85 : memref<128x128xf32, #tpu.memory_space<vmem>>) dst(%dma_wait3A_82 : memref<128x128xf32, #tpu.memory_space<vmem_shared>>)
        tpu.yield
      }) : () -> ()
      %add3A_62 = arith.constant 256 : i32
      %add3A_63 = arith.addi %mul3A_5, %add3A_62 : i32
      "tpu.region"() ({
        %run_scoped3A = tpu.sem_alloc : memref<!tpu.dma_semaphore, #tpu.memory_space<semaphore_mem>>
        %dma_start3A = arith.constant 0 : i32
        %dma_start3A_68 = arith.constant 0 : i32
        %dma_start3A_69 = tpu.memref_slice %arg8[%dma_start3A, %dma_start3A_68] : memref<128x128xf32, #tpu.memory_space<vmem>> -> memref<128x128xf32, #tpu.memory_space<vmem>>
        %dma_start3A_70 = arith.constant 0 : i32
        %dma_start3A_71 = tpu.memref_slice %arg9[%add3A_63, %dma_start3A_70] : memref<10008x128xf32, #tpu.memory_space<vmem_shared>> -> memref<128x128xf32, #tpu.memory_space<vmem_shared>>
        %dma_start3A_72 = arith.constant 0 : i32
        %dma_start3A_73 = tpu.memref_slice %arg9[%add3A_63, %dma_start3A_72] : memref<10008x128xf32, #tpu.memory_space<vmem_shared>> -> memref<128x128xf32, #tpu.memory_space<vmem_shared>>
        %dma_start3A_74 = arith.constant 0 : i32
        %dma_start3A_75 = arith.constant 0 : i32
        %dma_start3A_76 = tpu.memref_slice %arg8[%dma_start3A_74, %dma_start3A_75] : memref<128x128xf32, #tpu.memory_space<vmem>> -> memref<128x128xf32, #tpu.memory_space<vmem>>
        tpu.enqueue_dma source(%dma_start3A_76 : memref<128x128xf32, #tpu.memory_space<vmem>>) target(%dma_start3A_73 : memref<128x128xf32, #tpu.memory_space<vmem_shared>>) target_semaphore(%run_scoped3A : memref<!tpu.dma_semaphore, #tpu.memory_space<semaphore_mem>>)
        %dma_wait3A = arith.constant 0 : i32
        %dma_wait3A_77 = arith.constant 0 : i32
        %dma_wait3A_78 = tpu.memref_slice %arg8[%dma_wait3A, %dma_wait3A_77] : memref<128x128xf32, #tpu.memory_space<vmem>> -> memref<128x128xf32, #tpu.memory_space<vmem>>
        %dma_wait3A_79 = arith.constant 0 : i32
        %dma_wait3A_80 = tpu.memref_slice %arg9[%add3A_63, %dma_wait3A_79] : memref<10008x128xf32, #tpu.memory_space<vmem_shared>> -> memref<128x128xf32, #tpu.memory_space<vmem_shared>>
        %dma_wait3A_81 = arith.constant 0 : i32
        %dma_wait3A_82 = tpu.memref_slice %arg9[%add3A_63, %dma_wait3A_81] : memref<10008x128xf32, #tpu.memory_space<vmem_shared>> -> memref<128x128xf32, #tpu.memory_space<vmem_shared>>
        %dma_wait3A_83 = arith.constant 0 : i32
        %dma_wait3A_84 = arith.constant 0 : i32
        %dma_wait3A_85 = tpu.memref_slice %arg8[%dma_wait3A_83, %dma_wait3A_84] : memref<128x128xf32, #tpu.memory_space<vmem>> -> memref<128x128xf32, #tpu.memory_space<vmem>>
        tpu.wait_dma2 semaphore(%run_scoped3A : memref<!tpu.dma_semaphore, #tpu.memory_space<semaphore_mem>>) src(%dma_wait3A_85 : memref<128x128xf32, #tpu.memory_space<vmem>>) dst(%dma_wait3A_82 : memref<128x128xf32, #tpu.memory_space<vmem_shared>>)
        tpu.yield
      }) : () -> ()
      %add3A_64 = arith.constant 384 : i32
      %add3A_65 = arith.addi %mul3A_5, %add3A_64 : i32
      "tpu.region"() ({
        %run_scoped3A = tpu.sem_alloc : memref<!tpu.dma_semaphore, #tpu.memory_space<semaphore_mem>>
        %dma_start3A = arith.constant 0 : i32
        %dma_start3A_68 = arith.constant 0 : i32
        %dma_start3A_69 = tpu.memref_slice %arg8[%dma_start3A, %dma_start3A_68] : memref<128x128xf32, #tpu.memory_space<vmem>> -> memref<128x128xf32, #tpu.memory_space<vmem>>
        %dma_start3A_70 = arith.constant 0 : i32
        %dma_start3A_71 = tpu.memref_slice %arg9[%add3A_65, %dma_start3A_70] : memref<10008x128xf32, #tpu.memory_space<vmem_shared>> -> memref<128x128xf32, #tpu.memory_space<vmem_shared>>
        %dma_start3A_72 = arith.constant 0 : i32
        %dma_start3A_73 = tpu.memref_slice %arg9[%add3A_65, %dma_start3A_72] : memref<10008x128xf32, #tpu.memory_space<vmem_shared>> -> memref<128x128xf32, #tpu.memory_space<vmem_shared>>
        %dma_start3A_74 = arith.constant 0 : i32
        %dma_start3A_75 = arith.constant 0 : i32
        %dma_start3A_76 = tpu.memref_slice %arg8[%dma_start3A_74, %dma_start3A_75] : memref<128x128xf32, #tpu.memory_space<vmem>> -> memref<128x128xf32, #tpu.memory_space<vmem>>
        tpu.enqueue_dma source(%dma_start3A_76 : memref<128x128xf32, #tpu.memory_space<vmem>>) target(%dma_start3A_73 : memref<128x128xf32, #tpu.memory_space<vmem_shared>>) target_semaphore(%run_scoped3A : memref<!tpu.dma_semaphore, #tpu.memory_space<semaphore_mem>>)
        %dma_wait3A = arith.constant 0 : i32
        %dma_wait3A_77 = arith.constant 0 : i32
        %dma_wait3A_78 = tpu.memref_slice %arg8[%dma_wait3A, %dma_wait3A_77] : memref<128x128xf32, #tpu.memory_space<vmem>> -> memref<128x128xf32, #tpu.memory_space<vmem>>
        %dma_wait3A_79 = arith.constant 0 : i32
        %dma_wait3A_80 = tpu.memref_slice %arg9[%add3A_65, %dma_wait3A_79] : memref<10008x128xf32, #tpu.memory_space<vmem_shared>> -> memref<128x128xf32, #tpu.memory_space<vmem_shared>>
        %dma_wait3A_81 = arith.constant 0 : i32
        %dma_wait3A_82 = tpu.memref_slice %arg9[%add3A_65, %dma_wait3A_81] : memref<10008x128xf32, #tpu.memory_space<vmem_shared>> -> memref<128x128xf32, #tpu.memory_space<vmem_shared>>
        %dma_wait3A_83 = arith.constant 0 : i32
        %dma_wait3A_84 = arith.constant 0 : i32
        %dma_wait3A_85 = tpu.memref_slice %arg8[%dma_wait3A_83, %dma_wait3A_84] : memref<128x128xf32, #tpu.memory_space<vmem>> -> memref<128x128xf32, #tpu.memory_space<vmem>>
        tpu.wait_dma2 semaphore(%run_scoped3A : memref<!tpu.dma_semaphore, #tpu.memory_space<semaphore_mem>>) src(%dma_wait3A_85 : memref<128x128xf32, #tpu.memory_space<vmem>>) dst(%dma_wait3A_82 : memref<128x128xf32, #tpu.memory_space<vmem_shared>>)
        tpu.yield
      }) : () -> ()
      %add3A_66 = arith.constant 512 : i32
      %add3A_67 = arith.addi %mul3A_5, %add3A_66 : i32
      "tpu.region"() ({
        %run_scoped3A = tpu.sem_alloc : memref<!tpu.dma_semaphore, #tpu.memory_space<semaphore_mem>>
        %dma_start3A = arith.constant 0 : i32
        %dma_start3A_68 = arith.constant 0 : i32
        %dma_start3A_69 = tpu.memref_slice %arg8[%dma_start3A, %dma_start3A_68] : memref<128x128xf32, #tpu.memory_space<vmem>> -> memref<120x128xf32, #tpu.memory_space<vmem>>
        %dma_start3A_70 = arith.constant 0 : i32
        %dma_start3A_71 = tpu.memref_slice %arg9[%add3A_67, %dma_start3A_70] : memref<10008x128xf32, #tpu.memory_space<vmem_shared>> -> memref<120x128xf32, #tpu.memory_space<vmem_shared>>
        %dma_start3A_72 = arith.constant 0 : i32
        %dma_start3A_73 = tpu.memref_slice %arg9[%add3A_67, %dma_start3A_72] : memref<10008x128xf32, #tpu.memory_space<vmem_shared>> -> memref<120x128xf32, #tpu.memory_space<vmem_shared>>
        %dma_start3A_74 = arith.constant 0 : i32
        %dma_start3A_75 = arith.constant 0 : i32
        %dma_start3A_76 = tpu.memref_slice %arg8[%dma_start3A_74, %dma_start3A_75] : memref<128x128xf32, #tpu.memory_space<vmem>> -> memref<120x128xf32, #tpu.memory_space<vmem>>
        tpu.enqueue_dma source(%dma_start3A_76 : memref<120x128xf32, #tpu.memory_space<vmem>>) target(%dma_start3A_73 : memref<120x128xf32, #tpu.memory_space<vmem_shared>>) target_semaphore(%run_scoped3A : memref<!tpu.dma_semaphore, #tpu.memory_space<semaphore_mem>>)
        %dma_wait3A = arith.constant 0 : i32
        %dma_wait3A_77 = arith.constant 0 : i32
        %dma_wait3A_78 = tpu.memref_slice %arg8[%dma_wait3A, %dma_wait3A_77] : memref<128x128xf32, #tpu.memory_space<vmem>> -> memref<120x128xf32, #tpu.memory_space<vmem>>
        %dma_wait3A_79 = arith.constant 0 : i32
        %dma_wait3A_80 = tpu.memref_slice %arg9[%add3A_67, %dma_wait3A_79] : memref<10008x128xf32, #tpu.memory_space<vmem_shared>> -> memref<120x128xf32, #tpu.memory_space<vmem_shared>>
        %dma_wait3A_81 = arith.constant 0 : i32
        %dma_wait3A_82 = tpu.memref_slice %arg9[%add3A_67, %dma_wait3A_81] : memref<10008x128xf32, #tpu.memory_space<vmem_shared>> -> memref<120x128xf32, #tpu.memory_space<vmem_shared>>
        %dma_wait3A_83 = arith.constant 0 : i32
        %dma_wait3A_84 = arith.constant 0 : i32
        %dma_wait3A_85 = tpu.memref_slice %arg8[%dma_wait3A_83, %dma_wait3A_84] : memref<128x128xf32, #tpu.memory_space<vmem>> -> memref<120x128xf32, #tpu.memory_space<vmem>>
        tpu.wait_dma2 semaphore(%run_scoped3A : memref<!tpu.dma_semaphore, #tpu.memory_space<semaphore_mem>>) src(%dma_wait3A_85 : memref<120x128xf32, #tpu.memory_space<vmem>>) dst(%dma_wait3A_82 : memref<120x128xf32, #tpu.memory_space<vmem_shared>>)
        tpu.yield
      }) : () -> ()
    } else {
    }
    %eq3A = arith.constant 15 : i32
    %eq3A_8 = arith.cmpi eq, %arg1, %eq3A : i32
    %convert_element_type3A_9 = arith.extui %eq3A_8 : i1 to i32
    %cond3A_10 = arith.constant 0 : i32
    %cond3A_11 = arith.cmpi ne, %convert_element_type3A_9, %cond3A_10 : i32
    scf.if %cond3A_11 {
      %add3A_58 = arith.constant 0 : i32
      %add3A_59 = arith.addi %mul3A_5, %add3A_58 : i32
      "tpu.region"() ({
        %run_scoped3A = tpu.sem_alloc : memref<!tpu.dma_semaphore, #tpu.memory_space<semaphore_mem>>
        %dma_start3A = arith.constant 0 : i32
        %dma_start3A_68 = arith.constant 0 : i32
        %dma_start3A_69 = tpu.memref_slice %arg8[%dma_start3A, %dma_start3A_68] : memref<128x128xf32, #tpu.memory_space<vmem>> -> memref<128x128xf32, #tpu.memory_space<vmem>>
        %dma_start3A_70 = arith.constant 0 : i32
        %dma_start3A_71 = tpu.memref_slice %arg9[%add3A_59, %dma_start3A_70] : memref<10008x128xf32, #tpu.memory_space<vmem_shared>> -> memref<128x128xf32, #tpu.memory_space<vmem_shared>>
        %dma_start3A_72 = arith.constant 0 : i32
        %dma_start3A_73 = tpu.memref_slice %arg9[%add3A_59, %dma_start3A_72] : memref<10008x128xf32, #tpu.memory_space<vmem_shared>> -> memref<128x128xf32, #tpu.memory_space<vmem_shared>>
        %dma_start3A_74 = arith.constant 0 : i32
        %dma_start3A_75 = arith.constant 0 : i32
        %dma_start3A_76 = tpu.memref_slice %arg8[%dma_start3A_74, %dma_start3A_75] : memref<128x128xf32, #tpu.memory_space<vmem>> -> memref<128x128xf32, #tpu.memory_space<vmem>>
        tpu.enqueue_dma source(%dma_start3A_76 : memref<128x128xf32, #tpu.memory_space<vmem>>) target(%dma_start3A_73 : memref<128x128xf32, #tpu.memory_space<vmem_shared>>) target_semaphore(%run_scoped3A : memref<!tpu.dma_semaphore, #tpu.memory_space<semaphore_mem>>)
        %dma_wait3A = arith.constant 0 : i32
        %dma_wait3A_77 = arith.constant 0 : i32
        %dma_wait3A_78 = tpu.memref_slice %arg8[%dma_wait3A, %dma_wait3A_77] : memref<128x128xf32, #tpu.memory_space<vmem>> -> memref<128x128xf32, #tpu.memory_space<vmem>>
        %dma_wait3A_79 = arith.constant 0 : i32
        %dma_wait3A_80 = tpu.memref_slice %arg9[%add3A_59, %dma_wait3A_79] : memref<10008x128xf32, #tpu.memory_space<vmem_shared>> -> memref<128x128xf32, #tpu.memory_space<vmem_shared>>
        %dma_wait3A_81 = arith.constant 0 : i32
        %dma_wait3A_82 = tpu.memref_slice %arg9[%add3A_59, %dma_wait3A_81] : memref<10008x128xf32, #tpu.memory_space<vmem_shared>> -> memref<128x128xf32, #tpu.memory_space<vmem_shared>>
        %dma_wait3A_83 = arith.constant 0 : i32
        %dma_wait3A_84 = arith.constant 0 : i32
        %dma_wait3A_85 = tpu.memref_slice %arg8[%dma_wait3A_83, %dma_wait3A_84] : memref<128x128xf32, #tpu.memory_space<vmem>> -> memref<128x128xf32, #tpu.memory_space<vmem>>
        tpu.wait_dma2 semaphore(%run_scoped3A : memref<!tpu.dma_semaphore, #tpu.memory_space<semaphore_mem>>) src(%dma_wait3A_85 : memref<128x128xf32, #tpu.memory_space<vmem>>) dst(%dma_wait3A_82 : memref<128x128xf32, #tpu.memory_space<vmem_shared>>)
        tpu.yield
      }) : () -> ()
      %add3A_60 = arith.constant 128 : i32
      %add3A_61 = arith.addi %mul3A_5, %add3A_60 : i32
      "tpu.region"() ({
        %run_scoped3A = tpu.sem_alloc : memref<!tpu.dma_semaphore, #tpu.memory_space<semaphore_mem>>
        %dma_start3A = arith.constant 0 : i32
        %dma_start3A_68 = arith.constant 0 : i32
        %dma_start3A_69 = tpu.memref_slice %arg8[%dma_start3A, %dma_start3A_68] : memref<128x128xf32, #tpu.memory_space<vmem>> -> memref<128x128xf32, #tpu.memory_space<vmem>>
        %dma_start3A_70 = arith.constant 0 : i32
        %dma_start3A_71 = tpu.memref_slice %arg9[%add3A_61, %dma_start3A_70] : memref<10008x128xf32, #tpu.memory_space<vmem_shared>> -> memref<128x128xf32, #tpu.memory_space<vmem_shared>>
        %dma_start3A_72 = arith.constant 0 : i32
        %dma_start3A_73 = tpu.memref_slice %arg9[%add3A_61, %dma_start3A_72] : memref<10008x128xf32, #tpu.memory_space<vmem_shared>> -> memref<128x128xf32, #tpu.memory_space<vmem_shared>>
        %dma_start3A_74 = arith.constant 0 : i32
        %dma_start3A_75 = arith.constant 0 : i32
        %dma_start3A_76 = tpu.memref_slice %arg8[%dma_start3A_74, %dma_start3A_75] : memref<128x128xf32, #tpu.memory_space<vmem>> -> memref<128x128xf32, #tpu.memory_space<vmem>>
        tpu.enqueue_dma source(%dma_start3A_76 : memref<128x128xf32, #tpu.memory_space<vmem>>) target(%dma_start3A_73 : memref<128x128xf32, #tpu.memory_space<vmem_shared>>) target_semaphore(%run_scoped3A : memref<!tpu.dma_semaphore, #tpu.memory_space<semaphore_mem>>)
        %dma_wait3A = arith.constant 0 : i32
        %dma_wait3A_77 = arith.constant 0 : i32
        %dma_wait3A_78 = tpu.memref_slice %arg8[%dma_wait3A, %dma_wait3A_77] : memref<128x128xf32, #tpu.memory_space<vmem>> -> memref<128x128xf32, #tpu.memory_space<vmem>>
        %dma_wait3A_79 = arith.constant 0 : i32
        %dma_wait3A_80 = tpu.memref_slice %arg9[%add3A_61, %dma_wait3A_79] : memref<10008x128xf32, #tpu.memory_space<vmem_shared>> -> memref<128x128xf32, #tpu.memory_space<vmem_shared>>
        %dma_wait3A_81 = arith.constant 0 : i32
        %dma_wait3A_82 = tpu.memref_slice %arg9[%add3A_61, %dma_wait3A_81] : memref<10008x128xf32, #tpu.memory_space<vmem_shared>> -> memref<128x128xf32, #tpu.memory_space<vmem_shared>>
        %dma_wait3A_83 = arith.constant 0 : i32
        %dma_wait3A_84 = arith.constant 0 : i32
        %dma_wait3A_85 = tpu.memref_slice %arg8[%dma_wait3A_83, %dma_wait3A_84] : memref<128x128xf32, #tpu.memory_space<vmem>> -> memref<128x128xf32, #tpu.memory_space<vmem>>
        tpu.wait_dma2 semaphore(%run_scoped3A : memref<!tpu.dma_semaphore, #tpu.memory_space<semaphore_mem>>) src(%dma_wait3A_85 : memref<128x128xf32, #tpu.memory_space<vmem>>) dst(%dma_wait3A_82 : memref<128x128xf32, #tpu.memory_space<vmem_shared>>)
        tpu.yield
      }) : () -> ()
      %add3A_62 = arith.constant 256 : i32
      %add3A_63 = arith.addi %mul3A_5, %add3A_62 : i32
      "tpu.region"() ({
        %run_scoped3A = tpu.sem_alloc : memref<!tpu.dma_semaphore, #tpu.memory_space<semaphore_mem>>
        %dma_start3A = arith.constant 0 : i32
        %dma_start3A_68 = arith.constant 0 : i32
        %dma_start3A_69 = tpu.memref_slice %arg8[%dma_start3A, %dma_start3A_68] : memref<128x128xf32, #tpu.memory_space<vmem>> -> memref<128x128xf32, #tpu.memory_space<vmem>>
        %dma_start3A_70 = arith.constant 0 : i32
        %dma_start3A_71 = tpu.memref_slice %arg9[%add3A_63, %dma_start3A_70] : memref<10008x128xf32, #tpu.memory_space<vmem_shared>> -> memref<128x128xf32, #tpu.memory_space<vmem_shared>>
        %dma_start3A_72 = arith.constant 0 : i32
        %dma_start3A_73 = tpu.memref_slice %arg9[%add3A_63, %dma_start3A_72] : memref<10008x128xf32, #tpu.memory_space<vmem_shared>> -> memref<128x128xf32, #tpu.memory_space<vmem_shared>>
        %dma_start3A_74 = arith.constant 0 : i32
        %dma_start3A_75 = arith.constant 0 : i32
        %dma_start3A_76 = tpu.memref_slice %arg8[%dma_start3A_74, %dma_start3A_75] : memref<128x128xf32, #tpu.memory_space<vmem>> -> memref<128x128xf32, #tpu.memory_space<vmem>>
        tpu.enqueue_dma source(%dma_start3A_76 : memref<128x128xf32, #tpu.memory_space<vmem>>) target(%dma_start3A_73 : memref<128x128xf32, #tpu.memory_space<vmem_shared>>) target_semaphore(%run_scoped3A : memref<!tpu.dma_semaphore, #tpu.memory_space<semaphore_mem>>)
        %dma_wait3A = arith.constant 0 : i32
        %dma_wait3A_77 = arith.constant 0 : i32
        %dma_wait3A_78 = tpu.memref_slice %arg8[%dma_wait3A, %dma_wait3A_77] : memref<128x128xf32, #tpu.memory_space<vmem>> -> memref<128x128xf32, #tpu.memory_space<vmem>>
        %dma_wait3A_79 = arith.constant 0 : i32
        %dma_wait3A_80 = tpu.memref_slice %arg9[%add3A_63, %dma_wait3A_79] : memref<10008x128xf32, #tpu.memory_space<vmem_shared>> -> memref<128x128xf32, #tpu.memory_space<vmem_shared>>
        %dma_wait3A_81 = arith.constant 0 : i32
        %dma_wait3A_82 = tpu.memref_slice %arg9[%add3A_63, %dma_wait3A_81] : memref<10008x128xf32, #tpu.memory_space<vmem_shared>> -> memref<128x128xf32, #tpu.memory_space<vmem_shared>>
        %dma_wait3A_83 = arith.constant 0 : i32
        %dma_wait3A_84 = arith.constant 0 : i32
        %dma_wait3A_85 = tpu.memref_slice %arg8[%dma_wait3A_83, %dma_wait3A_84] : memref<128x128xf32, #tpu.memory_space<vmem>> -> memref<128x128xf32, #tpu.memory_space<vmem>>
        tpu.wait_dma2 semaphore(%run_scoped3A : memref<!tpu.dma_semaphore, #tpu.memory_space<semaphore_mem>>) src(%dma_wait3A_85 : memref<128x128xf32, #tpu.memory_space<vmem>>) dst(%dma_wait3A_82 : memref<128x128xf32, #tpu.memory_space<vmem_shared>>)
        tpu.yield
      }) : () -> ()
      %add3A_64 = arith.constant 384 : i32
      %add3A_65 = arith.addi %mul3A_5, %add3A_64 : i32
      "tpu.region"() ({
        %run_scoped3A = tpu.sem_alloc : memref<!tpu.dma_semaphore, #tpu.memory_space<semaphore_mem>>
        %dma_start3A = arith.constant 0 : i32
        %dma_start3A_68 = arith.constant 0 : i32
        %dma_start3A_69 = tpu.memref_slice %arg8[%dma_start3A, %dma_start3A_68] : memref<128x128xf32, #tpu.memory_space<vmem>> -> memref<128x128xf32, #tpu.memory_space<vmem>>
        %dma_start3A_70 = arith.constant 0 : i32
        %dma_start3A_71 = tpu.memref_slice %arg9[%add3A_65, %dma_start3A_70] : memref<10008x128xf32, #tpu.memory_space<vmem_shared>> -> memref<128x128xf32, #tpu.memory_space<vmem_shared>>
        %dma_start3A_72 = arith.constant 0 : i32
        %dma_start3A_73 = tpu.memref_slice %arg9[%add3A_65, %dma_start3A_72] : memref<10008x128xf32, #tpu.memory_space<vmem_shared>> -> memref<128x128xf32, #tpu.memory_space<vmem_shared>>
        %dma_start3A_74 = arith.constant 0 : i32
        %dma_start3A_75 = arith.constant 0 : i32
        %dma_start3A_76 = tpu.memref_slice %arg8[%dma_start3A_74, %dma_start3A_75] : memref<128x128xf32, #tpu.memory_space<vmem>> -> memref<128x128xf32, #tpu.memory_space<vmem>>
        tpu.enqueue_dma source(%dma_start3A_76 : memref<128x128xf32, #tpu.memory_space<vmem>>) target(%dma_start3A_73 : memref<128x128xf32, #tpu.memory_space<vmem_shared>>) target_semaphore(%run_scoped3A : memref<!tpu.dma_semaphore, #tpu.memory_space<semaphore_mem>>)
        %dma_wait3A = arith.constant 0 : i32
        %dma_wait3A_77 = arith.constant 0 : i32
        %dma_wait3A_78 = tpu.memref_slice %arg8[%dma_wait3A, %dma_wait3A_77] : memref<128x128xf32, #tpu.memory_space<vmem>> -> memref<128x128xf32, #tpu.memory_space<vmem>>
        %dma_wait3A_79 = arith.constant 0 : i32
        %dma_wait3A_80 = tpu.memref_slice %arg9[%add3A_65, %dma_wait3A_79] : memref<10008x128xf32, #tpu.memory_space<vmem_shared>> -> memref<128x128xf32, #tpu.memory_space<vmem_shared>>
        %dma_wait3A_81 = arith.constant 0 : i32
        %dma_wait3A_82 = tpu.memref_slice %arg9[%add3A_65, %dma_wait3A_81] : memref<10008x128xf32, #tpu.memory_space<vmem_shared>> -> memref<128x128xf32, #tpu.memory_space<vmem_shared>>
        %dma_wait3A_83 = arith.constant 0 : i32
        %dma_wait3A_84 = arith.constant 0 : i32
        %dma_wait3A_85 = tpu.memref_slice %arg8[%dma_wait3A_83, %dma_wait3A_84] : memref<128x128xf32, #tpu.memory_space<vmem>> -> memref<128x128xf32, #tpu.memory_space<vmem>>
        tpu.wait_dma2 semaphore(%run_scoped3A : memref<!tpu.dma_semaphore, #tpu.memory_space<semaphore_mem>>) src(%dma_wait3A_85 : memref<128x128xf32, #tpu.memory_space<vmem>>) dst(%dma_wait3A_82 : memref<128x128xf32, #tpu.memory_space<vmem_shared>>)
        tpu.yield
      }) : () -> ()
      %add3A_66 = arith.constant 512 : i32
      %add3A_67 = arith.addi %mul3A_5, %add3A_66 : i32
      "tpu.region"() ({
        %run_scoped3A = tpu.sem_alloc : memref<!tpu.dma_semaphore, #tpu.memory_space<semaphore_mem>>
        %dma_start3A = arith.constant 0 : i32
        %dma_start3A_68 = arith.constant 0 : i32
        %dma_start3A_69 = tpu.memref_slice %arg8[%dma_start3A, %dma_start3A_68] : memref<128x128xf32, #tpu.memory_space<vmem>> -> memref<16x128xf32, #tpu.memory_space<vmem>>
        %dma_start3A_70 = arith.constant 0 : i32
        %dma_start3A_71 = tpu.memref_slice %arg9[%add3A_67, %dma_start3A_70] : memref<10008x128xf32, #tpu.memory_space<vmem_shared>> -> memref<16x128xf32, #tpu.memory_space<vmem_shared>>
        %dma_start3A_72 = arith.constant 0 : i32
        %dma_start3A_73 = tpu.memref_slice %arg9[%add3A_67, %dma_start3A_72] : memref<10008x128xf32, #tpu.memory_space<vmem_shared>> -> memref<16x128xf32, #tpu.memory_space<vmem_shared>>
        %dma_start3A_74 = arith.constant 0 : i32
        %dma_start3A_75 = arith.constant 0 : i32
        %dma_start3A_76 = tpu.memref_slice %arg8[%dma_start3A_74, %dma_start3A_75] : memref<128x128xf32, #tpu.memory_space<vmem>> -> memref<16x128xf32, #tpu.memory_space<vmem>>
        tpu.enqueue_dma source(%dma_start3A_76 : memref<16x128xf32, #tpu.memory_space<vmem>>) target(%dma_start3A_73 : memref<16x128xf32, #tpu.memory_space<vmem_shared>>) target_semaphore(%run_scoped3A : memref<!tpu.dma_semaphore, #tpu.memory_space<semaphore_mem>>)
        %dma_wait3A = arith.constant 0 : i32
        %dma_wait3A_77 = arith.constant 0 : i32
        %dma_wait3A_78 = tpu.memref_slice %arg8[%dma_wait3A, %dma_wait3A_77] : memref<128x128xf32, #tpu.memory_space<vmem>> -> memref<16x128xf32, #tpu.memory_space<vmem>>
        %dma_wait3A_79 = arith.constant 0 : i32
        %dma_wait3A_80 = tpu.memref_slice %arg9[%add3A_67, %dma_wait3A_79] : memref<10008x128xf32, #tpu.memory_space<vmem_shared>> -> memref<16x128xf32, #tpu.memory_space<vmem_shared>>
        %dma_wait3A_81 = arith.constant 0 : i32
        %dma_wait3A_82 = tpu.memref_slice %arg9[%add3A_67, %dma_wait3A_81] : memref<10008x128xf32, #tpu.memory_space<vmem_shared>> -> memref<16x128xf32, #tpu.memory_space<vmem_shared>>
        %dma_wait3A_83 = arith.constant 0 : i32
        %dma_wait3A_84 = arith.constant 0 : i32
        %dma_wait3A_85 = tpu.memref_slice %arg8[%dma_wait3A_83, %dma_wait3A_84] : memref<128x128xf32, #tpu.memory_space<vmem>> -> memref<16x128xf32, #tpu.memory_space<vmem>>
        tpu.wait_dma2 semaphore(%run_scoped3A : memref<!tpu.dma_semaphore, #tpu.memory_space<semaphore_mem>>) src(%dma_wait3A_85 : memref<16x128xf32, #tpu.memory_space<vmem>>) dst(%dma_wait3A_82 : memref<16x128xf32, #tpu.memory_space<vmem_shared>>)
        tpu.yield
      }) : () -> ()
    } else {
    }
    %barrier3A = arith.constant 0 : index
    tpu.barrier barrier_id(%barrier3A)
    %mul3A_12 = arith.constant 16 : i32
    %mul3A_13 = arith.muli %arg0, %mul3A_12 : i32
    %add3A = arith.addi %mul3A_13, %arg1 : i32
    %sub3A = arith.constant 2500 : i32
    %sub3A_14 = arith.subi %sub3A, %add3A : i32
    %add3A_15 = arith.constant 32 : i32
    %add3A_16 = arith.addi %sub3A_14, %add3A_15 : i32
    %sub3A_17 = arith.constant 1 : i32
    %sub3A_18 = arith.subi %add3A_16, %sub3A_17 : i32
    %jit3A = arith.constant 32 : i32
    %div3A = arith.divsi %sub3A_18, %jit3A : i32
    %sign3A = arith.constant 0 : i32
    %sign3A_19 = arith.cmpi sgt, %sub3A_18, %sign3A : i32
    %sign3A_20 = arith.extui %sign3A_19 : i1 to i32
    %sign3A_21 = arith.constant 0 : i32
    %sign3A_22 = arith.cmpi slt, %sub3A_18, %sign3A_21 : i32
    %sign3A_23 = arith.extui %sign3A_22 : i1 to i32
    %sign3A_24 = arith.subi %sign3A_20, %sign3A_23 : i32
    %sign3A_25 = arith.constant 0 : i32
    %sign3A_26 = arith.cmpi sgt, %jit3A, %sign3A_25 : i32
    %sign3A_27 = arith.extui %sign3A_26 : i1 to i32
    %sign3A_28 = arith.constant 0 : i32
    %sign3A_29 = arith.cmpi slt, %jit3A, %sign3A_28 : i32
    %sign3A_30 = arith.extui %sign3A_29 : i1 to i32
    %sign3A_31 = arith.subi %sign3A_27, %sign3A_30 : i32
    %ne3A = arith.cmpi ne, %sign3A_24, %sign3A_31 : i32
    %rem3A = arith.remsi %sub3A_18, %jit3A : i32
    %ne3A_32 = arith.constant 0 : i32
    %ne3A_33 = arith.cmpi ne, %rem3A, %ne3A_32 : i32
    %and3A = arith.andi %ne3A, %ne3A_33 : i1
    %sub3A_34 = arith.constant 1 : i32
    %sub3A_35 = arith.subi %div3A, %sub3A_34 : i32
    %select_n3A = arith.select %and3A, %sub3A_35, %div3A : i32
    %while3A = arith.constant 0 : i32
    %while3A_36 = arith.subi %select_n3A, %while3A : i32
    %while3A_37 = arith.addi %while3A, %while3A_36 : i32
    %while3A_38 = arith.constant 1 : i32
    %while3A_39 = arith.divsi %while3A_36, %while3A_38 : i32
    %while3A_40 = arith.muli %while3A_39, %while3A_38 : i32
    %while3A_41 = arith.addi %while3A, %while3A_40 : i32
    %while3A_42 = arith.constant 1 : i32
    scf.for %while3A_58 = %while3A to %while3A_41 step %while3A_42  : i32 {
      %mul3A_59 = arith.constant 32 : i32
      %mul3A_60 = arith.muli %while3A_58, %mul3A_59 : i32
      %add3A_61 = arith.addi %add3A, %mul3A_60 : i32
      %run_scoped3A = arith.constant 0 : i32
      "tpu.region"() ({
        %run_scoped3A_92 = tpu.sem_alloc : memref<!tpu.dma_semaphore, #tpu.memory_space<semaphore_mem>>
        %dma_start3A_93 = arith.constant 0 : i32
        %dma_start3A_94 = arith.constant 0 : i32
        %dma_start3A_95 = tpu.memref_slice %arg5[%dma_start3A_93, %run_scoped3A, %dma_start3A_94] : memref<2x8x128xi32, #tpu.memory_space<vmem>> -> memref<2x1x128xi32, #tpu.memory_space<vmem>>
        %dma_start3A_96 = tpu.memref_squeeze %dma_start3A_95 : memref<2x1x128xi32, #tpu.memory_space<vmem>> -> memref<2x128xi32, #tpu.memory_space<vmem>>
        %dma_start3A_97 = arith.constant 0 : i32
        %dma_start3A_98 = arith.constant 0 : i32
        %dma_start3A_99 = tpu.memref_slice %arg3[%dma_start3A_97, %add3A_61, %dma_start3A_98] : memref<2x2500x128xi32, #tpu.memory_space<hbm>> -> memref<2x1x128xi32, #tpu.memory_space<hbm>>
        %dma_start3A_100 = tpu.memref_squeeze %dma_start3A_99 : memref<2x1x128xi32, #tpu.memory_space<hbm>> -> memref<2x128xi32, #tpu.memory_space<hbm>>
        %dma_start3A_101 = arith.constant 0 : i32
        %dma_start3A_102 = arith.constant 0 : i32
        %dma_start3A_103 = tpu.memref_slice %arg5[%dma_start3A_101, %run_scoped3A, %dma_start3A_102] : memref<2x8x128xi32, #tpu.memory_space<vmem>> -> memref<2x1x128xi32, #tpu.memory_space<vmem>>
        %dma_start3A_104 = tpu.memref_squeeze %dma_start3A_103 : memref<2x1x128xi32, #tpu.memory_space<vmem>> -> memref<2x128xi32, #tpu.memory_space<vmem>>
        %dma_start3A_105 = arith.constant 0 : i32
        %dma_start3A_106 = arith.constant 0 : i32
        %dma_start3A_107 = tpu.memref_slice %arg3[%dma_start3A_105, %add3A_61, %dma_start3A_106] : memref<2x2500x128xi32, #tpu.memory_space<hbm>> -> memref<2x1x128xi32, #tpu.memory_space<hbm>>
        %dma_start3A_108 = tpu.memref_squeeze %dma_start3A_107 : memref<2x1x128xi32, #tpu.memory_space<hbm>> -> memref<2x128xi32, #tpu.memory_space<hbm>>
        tpu.enqueue_dma source(%dma_start3A_108 : memref<2x128xi32, #tpu.memory_space<hbm>>) target(%dma_start3A_104 : memref<2x128xi32, #tpu.memory_space<vmem>>) target_semaphore(%run_scoped3A_92 : memref<!tpu.dma_semaphore, #tpu.memory_space<semaphore_mem>>)
        %dma_wait3A_109 = arith.constant 0 : i32
        %dma_wait3A_110 = arith.constant 0 : i32
        %dma_wait3A_111 = tpu.memref_slice %arg5[%dma_wait3A_109, %run_scoped3A, %dma_wait3A_110] : memref<2x8x128xi32, #tpu.memory_space<vmem>> -> memref<2x1x128xi32, #tpu.memory_space<vmem>>
        %dma_wait3A_112 = tpu.memref_squeeze %dma_wait3A_111 : memref<2x1x128xi32, #tpu.memory_space<vmem>> -> memref<2x128xi32, #tpu.memory_space<vmem>>
        %dma_wait3A_113 = arith.constant 0 : i32
        %dma_wait3A_114 = arith.constant 0 : i32
        %dma_wait3A_115 = tpu.memref_slice %arg3[%dma_wait3A_113, %add3A_61, %dma_wait3A_114] : memref<2x2500x128xi32, #tpu.memory_space<hbm>> -> memref<2x1x128xi32, #tpu.memory_space<hbm>>
        %dma_wait3A_116 = tpu.memref_squeeze %dma_wait3A_115 : memref<2x1x128xi32, #tpu.memory_space<hbm>> -> memref<2x128xi32, #tpu.memory_space<hbm>>
        %dma_wait3A_117 = arith.constant 0 : i32
        %dma_wait3A_118 = arith.constant 0 : i32
        %dma_wait3A_119 = tpu.memref_slice %arg5[%dma_wait3A_117, %run_scoped3A, %dma_wait3A_118] : memref<2x8x128xi32, #tpu.memory_space<vmem>> -> memref<2x1x128xi32, #tpu.memory_space<vmem>>
        %dma_wait3A_120 = tpu.memref_squeeze %dma_wait3A_119 : memref<2x1x128xi32, #tpu.memory_space<vmem>> -> memref<2x128xi32, #tpu.memory_space<vmem>>
        %dma_wait3A_121 = arith.constant 0 : i32
        %dma_wait3A_122 = arith.constant 0 : i32
        %dma_wait3A_123 = tpu.memref_slice %arg3[%dma_wait3A_121, %add3A_61, %dma_wait3A_122] : memref<2x2500x128xi32, #tpu.memory_space<hbm>> -> memref<2x1x128xi32, #tpu.memory_space<hbm>>
        %dma_wait3A_124 = tpu.memref_squeeze %dma_wait3A_123 : memref<2x1x128xi32, #tpu.memory_space<hbm>> -> memref<2x128xi32, #tpu.memory_space<hbm>>
        tpu.wait_dma2 semaphore(%run_scoped3A_92 : memref<!tpu.dma_semaphore, #tpu.memory_space<semaphore_mem>>) src(%dma_wait3A_124 : memref<2x128xi32, #tpu.memory_space<hbm>>) dst(%dma_wait3A_120 : memref<2x128xi32, #tpu.memory_space<vmem>>)
        tpu.yield
      }) : () -> ()
      %dma_start3A = arith.constant 0 : i32
      %dma_start3A_62 = arith.constant 0 : i32
      %dma_start3A_63 = arith.constant 0 : i32
      %dma_start3A_64 = tpu.memref_slice %arg5[%dma_start3A, %dma_start3A_62, %dma_start3A_63] : memref<2x8x128xi32, #tpu.memory_space<vmem>> -> memref<1x1x128xi32, #tpu.memory_space<vmem>>
      %dma_start3A_65 = tpu.memref_squeeze %dma_start3A_64 : memref<1x1x128xi32, #tpu.memory_space<vmem>> -> memref<128xi32, #tpu.memory_space<vmem>>
      %dma_start3A_66 = arith.constant 0 : i32
      %dma_start3A_67 = arith.constant 0 : i32
      %dma_start3A_68 = tpu.memref_slice %arg2[%dma_start3A_66, %dma_start3A_67] : memref<10000x128xf32, #tpu.memory_space<hbm>> -> memref<10000x128xf32, #tpu.memory_space<hbm>>
      tpu.enqueue_indirect_dma source(%dma_start3A_68 : memref<10000x128xf32, #tpu.memory_space<hbm>>) target(%arg7 : memref<128x128xf32, #tpu.memory_space<vmem>>) offsets(%dma_start3A_65 : memref<128xi32, #tpu.memory_space<vmem>>) semaphore(%arg12 : memref<!tpu.dma_semaphore, #tpu.memory_space<semaphore_mem>>)
      %dma_wait3A = arith.constant 0 : i32
      %dma_wait3A_69 = arith.constant 0 : i32
      %dma_wait3A_70 = arith.constant 0 : i32
      %dma_wait3A_71 = tpu.memref_slice %arg5[%dma_wait3A, %dma_wait3A_69, %dma_wait3A_70] : memref<2x8x128xi32, #tpu.memory_space<vmem>> -> memref<1x1x128xi32, #tpu.memory_space<vmem>>
      %dma_wait3A_72 = tpu.memref_squeeze %dma_wait3A_71 : memref<1x1x128xi32, #tpu.memory_space<vmem>> -> memref<128xi32, #tpu.memory_space<vmem>>
      %dma_wait3A_73 = arith.constant 0 : i32
      %dma_wait3A_74 = arith.constant 0 : i32
      %dma_wait3A_75 = tpu.memref_slice %arg2[%dma_wait3A_73, %dma_wait3A_74] : memref<10000x128xf32, #tpu.memory_space<hbm>> -> memref<10000x128xf32, #tpu.memory_space<hbm>>
      tpu.wait_indirect_dma semaphore(%arg12 : memref<!tpu.dma_semaphore, #tpu.memory_space<semaphore_mem>>) src(%dma_wait3A_75 : memref<10000x128xf32, #tpu.memory_space<hbm>>) dst(%arg7 : memref<128x128xf32, #tpu.memory_space<vmem>>)
      %dma_start3A_76 = arith.constant 1 : i32
      %dma_start3A_77 = arith.constant 0 : i32
      %dma_start3A_78 = arith.constant 0 : i32
      %dma_start3A_79 = tpu.memref_slice %arg5[%dma_start3A_76, %dma_start3A_77, %dma_start3A_78] : memref<2x8x128xi32, #tpu.memory_space<vmem>> -> memref<1x1x128xi32, #tpu.memory_space<vmem>>
      %dma_start3A_80 = tpu.memref_squeeze %dma_start3A_79 : memref<1x1x128xi32, #tpu.memory_space<vmem>> -> memref<128xi32, #tpu.memory_space<vmem>>
      %dma_start3A_81 = arith.constant 0 : i32
      %dma_start3A_82 = arith.constant 0 : i32
      %dma_start3A_83 = tpu.memref_slice %arg9[%dma_start3A_81, %dma_start3A_82] : memref<10008x128xf32, #tpu.memory_space<vmem_shared>> -> memref<10008x128xf32, #tpu.memory_space<vmem_shared>>
      tpu.enqueue_indirect_dma source(%arg7 : memref<128x128xf32, #tpu.memory_space<vmem>>) target(%dma_start3A_83 : memref<10008x128xf32, #tpu.memory_space<vmem_shared>>) offsets(%dma_start3A_80 : memref<128xi32, #tpu.memory_space<vmem>>) semaphore(%arg14 : memref<!tpu.dma_semaphore, #tpu.memory_space<semaphore_mem>>) {add = true}
      %dma_wait3A_84 = arith.constant 1 : i32
      %dma_wait3A_85 = arith.constant 0 : i32
      %dma_wait3A_86 = arith.constant 0 : i32
      %dma_wait3A_87 = tpu.memref_slice %arg5[%dma_wait3A_84, %dma_wait3A_85, %dma_wait3A_86] : memref<2x8x128xi32, #tpu.memory_space<vmem>> -> memref<1x1x128xi32, #tpu.memory_space<vmem>>
      %dma_wait3A_88 = tpu.memref_squeeze %dma_wait3A_87 : memref<1x1x128xi32, #tpu.memory_space<vmem>> -> memref<128xi32, #tpu.memory_space<vmem>>
      %dma_wait3A_89 = arith.constant 0 : i32
      %dma_wait3A_90 = arith.constant 0 : i32
      %dma_wait3A_91 = tpu.memref_slice %arg9[%dma_wait3A_89, %dma_wait3A_90] : memref<10008x128xf32, #tpu.memory_space<vmem_shared>> -> memref<10008x128xf32, #tpu.memory_space<vmem_shared>>
      tpu.wait_indirect_dma semaphore(%arg14 : memref<!tpu.dma_semaphore, #tpu.memory_space<semaphore_mem>>) src(%arg7 : memref<128x128xf32, #tpu.memory_space<vmem>>) dst(%dma_wait3A_91 : memref<10008x128xf32, #tpu.memory_space<vmem_shared>>)
    }
    %while3A_43 = arith.constant 1 : i32
    scf.for %while3A_58 = %while3A_41 to %while3A_37 step %while3A_43  : i32 {
      %mul3A_59 = arith.constant 32 : i32
      %mul3A_60 = arith.muli %while3A_58, %mul3A_59 : i32
      %add3A_61 = arith.addi %add3A, %mul3A_60 : i32
      %run_scoped3A = arith.constant 0 : i32
      "tpu.region"() ({
        %run_scoped3A_92 = tpu.sem_alloc : memref<!tpu.dma_semaphore, #tpu.memory_space<semaphore_mem>>
        %dma_start3A_93 = arith.constant 0 : i32
        %dma_start3A_94 = arith.constant 0 : i32
        %dma_start3A_95 = tpu.memref_slice %arg5[%dma_start3A_93, %run_scoped3A, %dma_start3A_94] : memref<2x8x128xi32, #tpu.memory_space<vmem>> -> memref<2x1x128xi32, #tpu.memory_space<vmem>>
        %dma_start3A_96 = tpu.memref_squeeze %dma_start3A_95 : memref<2x1x128xi32, #tpu.memory_space<vmem>> -> memref<2x128xi32, #tpu.memory_space<vmem>>
        %dma_start3A_97 = arith.constant 0 : i32
        %dma_start3A_98 = arith.constant 0 : i32
        %dma_start3A_99 = tpu.memref_slice %arg3[%dma_start3A_97, %add3A_61, %dma_start3A_98] : memref<2x2500x128xi32, #tpu.memory_space<hbm>> -> memref<2x1x128xi32, #tpu.memory_space<hbm>>
        %dma_start3A_100 = tpu.memref_squeeze %dma_start3A_99 : memref<2x1x128xi32, #tpu.memory_space<hbm>> -> memref<2x128xi32, #tpu.memory_space<hbm>>
        %dma_start3A_101 = arith.constant 0 : i32
        %dma_start3A_102 = arith.constant 0 : i32
        %dma_start3A_103 = tpu.memref_slice %arg5[%dma_start3A_101, %run_scoped3A, %dma_start3A_102] : memref<2x8x128xi32, #tpu.memory_space<vmem>> -> memref<2x1x128xi32, #tpu.memory_space<vmem>>
        %dma_start3A_104 = tpu.memref_squeeze %dma_start3A_103 : memref<2x1x128xi32, #tpu.memory_space<vmem>> -> memref<2x128xi32, #tpu.memory_space<vmem>>
        %dma_start3A_105 = arith.constant 0 : i32
        %dma_start3A_106 = arith.constant 0 : i32
        %dma_start3A_107 = tpu.memref_slice %arg3[%dma_start3A_105, %add3A_61, %dma_start3A_106] : memref<2x2500x128xi32, #tpu.memory_space<hbm>> -> memref<2x1x128xi32, #tpu.memory_space<hbm>>
        %dma_start3A_108 = tpu.memref_squeeze %dma_start3A_107 : memref<2x1x128xi32, #tpu.memory_space<hbm>> -> memref<2x128xi32, #tpu.memory_space<hbm>>
        tpu.enqueue_dma source(%dma_start3A_108 : memref<2x128xi32, #tpu.memory_space<hbm>>) target(%dma_start3A_104 : memref<2x128xi32, #tpu.memory_space<vmem>>) target_semaphore(%run_scoped3A_92 : memref<!tpu.dma_semaphore, #tpu.memory_space<semaphore_mem>>)
        %dma_wait3A_109 = arith.constant 0 : i32
        %dma_wait3A_110 = arith.constant 0 : i32
        %dma_wait3A_111 = tpu.memref_slice %arg5[%dma_wait3A_109, %run_scoped3A, %dma_wait3A_110] : memref<2x8x128xi32, #tpu.memory_space<vmem>> -> memref<2x1x128xi32, #tpu.memory_space<vmem>>
        %dma_wait3A_112 = tpu.memref_squeeze %dma_wait3A_111 : memref<2x1x128xi32, #tpu.memory_space<vmem>> -> memref<2x128xi32, #tpu.memory_space<vmem>>
        %dma_wait3A_113 = arith.constant 0 : i32
        %dma_wait3A_114 = arith.constant 0 : i32
        %dma_wait3A_115 = tpu.memref_slice %arg3[%dma_wait3A_113, %add3A_61, %dma_wait3A_114] : memref<2x2500x128xi32, #tpu.memory_space<hbm>> -> memref<2x1x128xi32, #tpu.memory_space<hbm>>
        %dma_wait3A_116 = tpu.memref_squeeze %dma_wait3A_115 : memref<2x1x128xi32, #tpu.memory_space<hbm>> -> memref<2x128xi32, #tpu.memory_space<hbm>>
        %dma_wait3A_117 = arith.constant 0 : i32
        %dma_wait3A_118 = arith.constant 0 : i32
        %dma_wait3A_119 = tpu.memref_slice %arg5[%dma_wait3A_117, %run_scoped3A, %dma_wait3A_118] : memref<2x8x128xi32, #tpu.memory_space<vmem>> -> memref<2x1x128xi32, #tpu.memory_space<vmem>>
        %dma_wait3A_120 = tpu.memref_squeeze %dma_wait3A_119 : memref<2x1x128xi32, #tpu.memory_space<vmem>> -> memref<2x128xi32, #tpu.memory_space<vmem>>
        %dma_wait3A_121 = arith.constant 0 : i32
        %dma_wait3A_122 = arith.constant 0 : i32
        %dma_wait3A_123 = tpu.memref_slice %arg3[%dma_wait3A_121, %add3A_61, %dma_wait3A_122] : memref<2x2500x128xi32, #tpu.memory_space<hbm>> -> memref<2x1x128xi32, #tpu.memory_space<hbm>>
        %dma_wait3A_124 = tpu.memref_squeeze %dma_wait3A_123 : memref<2x1x128xi32, #tpu.memory_space<hbm>> -> memref<2x128xi32, #tpu.memory_space<hbm>>
        tpu.wait_dma2 semaphore(%run_scoped3A_92 : memref<!tpu.dma_semaphore, #tpu.memory_space<semaphore_mem>>) src(%dma_wait3A_124 : memref<2x128xi32, #tpu.memory_space<hbm>>) dst(%dma_wait3A_120 : memref<2x128xi32, #tpu.memory_space<vmem>>)
        tpu.yield
      }) : () -> ()
      %dma_start3A = arith.constant 0 : i32
      %dma_start3A_62 = arith.constant 0 : i32
      %dma_start3A_63 = arith.constant 0 : i32
      %dma_start3A_64 = tpu.memref_slice %arg5[%dma_start3A, %dma_start3A_62, %dma_start3A_63] : memref<2x8x128xi32, #tpu.memory_space<vmem>> -> memref<1x1x128xi32, #tpu.memory_space<vmem>>
      %dma_start3A_65 = tpu.memref_squeeze %dma_start3A_64 : memref<1x1x128xi32, #tpu.memory_space<vmem>> -> memref<128xi32, #tpu.memory_space<vmem>>
      %dma_start3A_66 = arith.constant 0 : i32
      %dma_start3A_67 = arith.constant 0 : i32
      %dma_start3A_68 = tpu.memref_slice %arg2[%dma_start3A_66, %dma_start3A_67] : memref<10000x128xf32, #tpu.memory_space<hbm>> -> memref<10000x128xf32, #tpu.memory_space<hbm>>
      tpu.enqueue_indirect_dma source(%dma_start3A_68 : memref<10000x128xf32, #tpu.memory_space<hbm>>) target(%arg7 : memref<128x128xf32, #tpu.memory_space<vmem>>) offsets(%dma_start3A_65 : memref<128xi32, #tpu.memory_space<vmem>>) semaphore(%arg12 : memref<!tpu.dma_semaphore, #tpu.memory_space<semaphore_mem>>)
      %dma_wait3A = arith.constant 0 : i32
      %dma_wait3A_69 = arith.constant 0 : i32
      %dma_wait3A_70 = arith.constant 0 : i32
      %dma_wait3A_71 = tpu.memref_slice %arg5[%dma_wait3A, %dma_wait3A_69, %dma_wait3A_70] : memref<2x8x128xi32, #tpu.memory_space<vmem>> -> memref<1x1x128xi32, #tpu.memory_space<vmem>>
      %dma_wait3A_72 = tpu.memref_squeeze %dma_wait3A_71 : memref<1x1x128xi32, #tpu.memory_space<vmem>> -> memref<128xi32, #tpu.memory_space<vmem>>
      %dma_wait3A_73 = arith.constant 0 : i32
      %dma_wait3A_74 = arith.constant 0 : i32
      %dma_wait3A_75 = tpu.memref_slice %arg2[%dma_wait3A_73, %dma_wait3A_74] : memref<10000x128xf32, #tpu.memory_space<hbm>> -> memref<10000x128xf32, #tpu.memory_space<hbm>>
      tpu.wait_indirect_dma semaphore(%arg12 : memref<!tpu.dma_semaphore, #tpu.memory_space<semaphore_mem>>) src(%dma_wait3A_75 : memref<10000x128xf32, #tpu.memory_space<hbm>>) dst(%arg7 : memref<128x128xf32, #tpu.memory_space<vmem>>)
      %dma_start3A_76 = arith.constant 1 : i32
      %dma_start3A_77 = arith.constant 0 : i32
      %dma_start3A_78 = arith.constant 0 : i32
      %dma_start3A_79 = tpu.memref_slice %arg5[%dma_start3A_76, %dma_start3A_77, %dma_start3A_78] : memref<2x8x128xi32, #tpu.memory_space<vmem>> -> memref<1x1x128xi32, #tpu.memory_space<vmem>>
      %dma_start3A_80 = tpu.memref_squeeze %dma_start3A_79 : memref<1x1x128xi32, #tpu.memory_space<vmem>> -> memref<128xi32, #tpu.memory_space<vmem>>
      %dma_start3A_81 = arith.constant 0 : i32
      %dma_start3A_82 = arith.constant 0 : i32
      %dma_start3A_83 = tpu.memref_slice %arg9[%dma_start3A_81, %dma_start3A_82] : memref<10008x128xf32, #tpu.memory_space<vmem_shared>> -> memref<10008x128xf32, #tpu.memory_space<vmem_shared>>
      tpu.enqueue_indirect_dma source(%arg7 : memref<128x128xf32, #tpu.memory_space<vmem>>) target(%dma_start3A_83 : memref<10008x128xf32, #tpu.memory_space<vmem_shared>>) offsets(%dma_start3A_80 : memref<128xi32, #tpu.memory_space<vmem>>) semaphore(%arg14 : memref<!tpu.dma_semaphore, #tpu.memory_space<semaphore_mem>>) {add = true}
      %dma_wait3A_84 = arith.constant 1 : i32
      %dma_wait3A_85 = arith.constant 0 : i32
      %dma_wait3A_86 = arith.constant 0 : i32
      %dma_wait3A_87 = tpu.memref_slice %arg5[%dma_wait3A_84, %dma_wait3A_85, %dma_wait3A_86] : memref<2x8x128xi32, #tpu.memory_space<vmem>> -> memref<1x1x128xi32, #tpu.memory_space<vmem>>
      %dma_wait3A_88 = tpu.memref_squeeze %dma_wait3A_87 : memref<1x1x128xi32, #tpu.memory_space<vmem>> -> memref<128xi32, #tpu.memory_space<vmem>>
      %dma_wait3A_89 = arith.constant 0 : i32
      %dma_wait3A_90 = arith.constant 0 : i32
      %dma_wait3A_91 = tpu.memref_slice %arg9[%dma_wait3A_89, %dma_wait3A_90] : memref<10008x128xf32, #tpu.memory_space<vmem_shared>> -> memref<10008x128xf32, #tpu.memory_space<vmem_shared>>
      tpu.wait_indirect_dma semaphore(%arg14 : memref<!tpu.dma_semaphore, #tpu.memory_space<semaphore_mem>>) src(%arg7 : memref<128x128xf32, #tpu.memory_space<vmem>>) dst(%dma_wait3A_91 : memref<10008x128xf32, #tpu.memory_space<vmem_shared>>)
    }
    %barrier3A_44 = arith.constant 0 : index
    tpu.barrier barrier_id(%barrier3A_44)
    %mul3A_45 = arith.constant 10000 : i32
    %mul3A_46 = arith.muli %arg0, %mul3A_45 : i32
    %add3A_47 = arith.addi %mul3A_46, %mul3A_5 : i32
    %lt3A_48 = arith.constant 15 : i32
    %lt3A_49 = arith.cmpi slt, %arg1, %lt3A_48 : i32
    %convert_element_type3A_50 = arith.extui %lt3A_49 : i1 to i32
    %cond3A_51 = arith.constant 0 : i32
    %cond3A_52 = arith.cmpi ne, %convert_element_type3A_50, %cond3A_51 : i32
    scf.if %cond3A_52 {
      %add3A_58 = arith.constant 0 : i32
      %add3A_59 = arith.addi %mul3A_5, %add3A_58 : i32
      "tpu.region"() ({
        %run_scoped3A = tpu.sem_alloc : memref<!tpu.dma_semaphore, #tpu.memory_space<semaphore_mem>>
        %dma_start3A = arith.constant 0 : i32
        %dma_start3A_78 = arith.constant 0 : i32
        %dma_start3A_79 = tpu.memref_slice %arg8[%dma_start3A, %dma_start3A_78] : memref<128x128xf32, #tpu.memory_space<vmem>> -> memref<128x128xf32, #tpu.memory_space<vmem>>
        %dma_start3A_80 = arith.constant 0 : i32
        %dma_start3A_81 = tpu.memref_slice %arg9[%add3A_59, %dma_start3A_80] : memref<10008x128xf32, #tpu.memory_space<vmem_shared>> -> memref<128x128xf32, #tpu.memory_space<vmem_shared>>
        %dma_start3A_82 = arith.constant 0 : i32
        %dma_start3A_83 = arith.constant 0 : i32
        %dma_start3A_84 = tpu.memref_slice %arg8[%dma_start3A_82, %dma_start3A_83] : memref<128x128xf32, #tpu.memory_space<vmem>> -> memref<128x128xf32, #tpu.memory_space<vmem>>
        %dma_start3A_85 = arith.constant 0 : i32
        %dma_start3A_86 = tpu.memref_slice %arg9[%add3A_59, %dma_start3A_85] : memref<10008x128xf32, #tpu.memory_space<vmem_shared>> -> memref<128x128xf32, #tpu.memory_space<vmem_shared>>
        tpu.enqueue_dma source(%dma_start3A_86 : memref<128x128xf32, #tpu.memory_space<vmem_shared>>) target(%dma_start3A_84 : memref<128x128xf32, #tpu.memory_space<vmem>>) target_semaphore(%run_scoped3A : memref<!tpu.dma_semaphore, #tpu.memory_space<semaphore_mem>>)
        %dma_wait3A = arith.constant 0 : i32
        %dma_wait3A_87 = arith.constant 0 : i32
        %dma_wait3A_88 = tpu.memref_slice %arg8[%dma_wait3A, %dma_wait3A_87] : memref<128x128xf32, #tpu.memory_space<vmem>> -> memref<128x128xf32, #tpu.memory_space<vmem>>
        %dma_wait3A_89 = arith.constant 0 : i32
        %dma_wait3A_90 = tpu.memref_slice %arg9[%add3A_59, %dma_wait3A_89] : memref<10008x128xf32, #tpu.memory_space<vmem_shared>> -> memref<128x128xf32, #tpu.memory_space<vmem_shared>>
        %dma_wait3A_91 = arith.constant 0 : i32
        %dma_wait3A_92 = arith.constant 0 : i32
        %dma_wait3A_93 = tpu.memref_slice %arg8[%dma_wait3A_91, %dma_wait3A_92] : memref<128x128xf32, #tpu.memory_space<vmem>> -> memref<128x128xf32, #tpu.memory_space<vmem>>
        %dma_wait3A_94 = arith.constant 0 : i32
        %dma_wait3A_95 = tpu.memref_slice %arg9[%add3A_59, %dma_wait3A_94] : memref<10008x128xf32, #tpu.memory_space<vmem_shared>> -> memref<128x128xf32, #tpu.memory_space<vmem_shared>>
        tpu.wait_dma2 semaphore(%run_scoped3A : memref<!tpu.dma_semaphore, #tpu.memory_space<semaphore_mem>>) src(%dma_wait3A_95 : memref<128x128xf32, #tpu.memory_space<vmem_shared>>) dst(%dma_wait3A_93 : memref<128x128xf32, #tpu.memory_space<vmem>>)
        tpu.yield
      }) : () -> ()
      %add3A_60 = arith.constant 0 : i32
      %add3A_61 = arith.addi %add3A_47, %add3A_60 : i32
      "tpu.region"() ({
        %run_scoped3A = tpu.sem_alloc : memref<!tpu.dma_semaphore, #tpu.memory_space<semaphore_mem>>
        %dma_start3A = arith.constant 0 : i32
        %dma_start3A_78 = arith.constant 0 : i32
        %dma_start3A_79 = tpu.memref_slice %arg8[%dma_start3A, %dma_start3A_78] : memref<128x128xf32, #tpu.memory_space<vmem>> -> memref<128x128xf32, #tpu.memory_space<vmem>>
        %dma_start3A_80 = arith.constant 0 : i32
        %dma_start3A_81 = tpu.memref_slice %arg4[%add3A_61, %dma_start3A_80] : memref<20000x128xf32, #tpu.memory_space<hbm>> -> memref<128x128xf32, #tpu.memory_space<hbm>>
        %dma_start3A_82 = arith.constant 0 : i32
        %dma_start3A_83 = tpu.memref_slice %arg4[%add3A_61, %dma_start3A_82] : memref<20000x128xf32, #tpu.memory_space<hbm>> -> memref<128x128xf32, #tpu.memory_space<hbm>>
        %dma_start3A_84 = arith.constant 0 : i32
        %dma_start3A_85 = arith.constant 0 : i32
        %dma_start3A_86 = tpu.memref_slice %arg8[%dma_start3A_84, %dma_start3A_85] : memref<128x128xf32, #tpu.memory_space<vmem>> -> memref<128x128xf32, #tpu.memory_space<vmem>>
        tpu.enqueue_dma source(%dma_start3A_86 : memref<128x128xf32, #tpu.memory_space<vmem>>) target(%dma_start3A_83 : memref<128x128xf32, #tpu.memory_space<hbm>>) target_semaphore(%run_scoped3A : memref<!tpu.dma_semaphore, #tpu.memory_space<semaphore_mem>>)
        %dma_wait3A = arith.constant 0 : i32
        %dma_wait3A_87 = arith.constant 0 : i32
        %dma_wait3A_88 = tpu.memref_slice %arg8[%dma_wait3A, %dma_wait3A_87] : memref<128x128xf32, #tpu.memory_space<vmem>> -> memref<128x128xf32, #tpu.memory_space<vmem>>
        %dma_wait3A_89 = arith.constant 0 : i32
        %dma_wait3A_90 = tpu.memref_slice %arg4[%add3A_61, %dma_wait3A_89] : memref<20000x128xf32, #tpu.memory_space<hbm>> -> memref<128x128xf32, #tpu.memory_space<hbm>>
        %dma_wait3A_91 = arith.constant 0 : i32
        %dma_wait3A_92 = tpu.memref_slice %arg4[%add3A_61, %dma_wait3A_91] : memref<20000x128xf32, #tpu.memory_space<hbm>> -> memref<128x128xf32, #tpu.memory_space<hbm>>
        %dma_wait3A_93 = arith.constant 0 : i32
        %dma_wait3A_94 = arith.constant 0 : i32
        %dma_wait3A_95 = tpu.memref_slice %arg8[%dma_wait3A_93, %dma_wait3A_94] : memref<128x128xf32, #tpu.memory_space<vmem>> -> memref<128x128xf32, #tpu.memory_space<vmem>>
        tpu.wait_dma2 semaphore(%run_scoped3A : memref<!tpu.dma_semaphore, #tpu.memory_space<semaphore_mem>>) src(%dma_wait3A_95 : memref<128x128xf32, #tpu.memory_space<vmem>>) dst(%dma_wait3A_92 : memref<128x128xf32, #tpu.memory_space<hbm>>)
        tpu.yield
      }) : () -> ()
      %add3A_62 = arith.constant 128 : i32
      %add3A_63 = arith.addi %mul3A_5, %add3A_62 : i32
      "tpu.region"() ({
        %run_scoped3A = tpu.sem_alloc : memref<!tpu.dma_semaphore, #tpu.memory_space<semaphore_mem>>
        %dma_start3A = arith.constant 0 : i32
        %dma_start3A_78 = arith.constant 0 : i32
        %dma_start3A_79 = tpu.memref_slice %arg8[%dma_start3A, %dma_start3A_78] : memref<128x128xf32, #tpu.memory_space<vmem>> -> memref<128x128xf32, #tpu.memory_space<vmem>>
        %dma_start3A_80 = arith.constant 0 : i32
        %dma_start3A_81 = tpu.memref_slice %arg9[%add3A_63, %dma_start3A_80] : memref<10008x128xf32, #tpu.memory_space<vmem_shared>> -> memref<128x128xf32, #tpu.memory_space<vmem_shared>>
        %dma_start3A_82 = arith.constant 0 : i32
        %dma_start3A_83 = arith.constant 0 : i32
        %dma_start3A_84 = tpu.memref_slice %arg8[%dma_start3A_82, %dma_start3A_83] : memref<128x128xf32, #tpu.memory_space<vmem>> -> memref<128x128xf32, #tpu.memory_space<vmem>>
        %dma_start3A_85 = arith.constant 0 : i32
        %dma_start3A_86 = tpu.memref_slice %arg9[%add3A_63, %dma_start3A_85] : memref<10008x128xf32, #tpu.memory_space<vmem_shared>> -> memref<128x128xf32, #tpu.memory_space<vmem_shared>>
        tpu.enqueue_dma source(%dma_start3A_86 : memref<128x128xf32, #tpu.memory_space<vmem_shared>>) target(%dma_start3A_84 : memref<128x128xf32, #tpu.memory_space<vmem>>) target_semaphore(%run_scoped3A : memref<!tpu.dma_semaphore, #tpu.memory_space<semaphore_mem>>)
        %dma_wait3A = arith.constant 0 : i32
        %dma_wait3A_87 = arith.constant 0 : i32
        %dma_wait3A_88 = tpu.memref_slice %arg8[%dma_wait3A, %dma_wait3A_87] : memref<128x128xf32, #tpu.memory_space<vmem>> -> memref<128x128xf32, #tpu.memory_space<vmem>>
        %dma_wait3A_89 = arith.constant 0 : i32
        %dma_wait3A_90 = tpu.memref_slice %arg9[%add3A_63, %dma_wait3A_89] : memref<10008x128xf32, #tpu.memory_space<vmem_shared>> -> memref<128x128xf32, #tpu.memory_space<vmem_shared>>
        %dma_wait3A_91 = arith.constant 0 : i32
        %dma_wait3A_92 = arith.constant 0 : i32
        %dma_wait3A_93 = tpu.memref_slice %arg8[%dma_wait3A_91, %dma_wait3A_92] : memref<128x128xf32, #tpu.memory_space<vmem>> -> memref<128x128xf32, #tpu.memory_space<vmem>>
        %dma_wait3A_94 = arith.constant 0 : i32
        %dma_wait3A_95 = tpu.memref_slice %arg9[%add3A_63, %dma_wait3A_94] : memref<10008x128xf32, #tpu.memory_space<vmem_shared>> -> memref<128x128xf32, #tpu.memory_space<vmem_shared>>
        tpu.wait_dma2 semaphore(%run_scoped3A : memref<!tpu.dma_semaphore, #tpu.memory_space<semaphore_mem>>) src(%dma_wait3A_95 : memref<128x128xf32, #tpu.memory_space<vmem_shared>>) dst(%dma_wait3A_93 : memref<128x128xf32, #tpu.memory_space<vmem>>)
        tpu.yield
      }) : () -> ()
      %add3A_64 = arith.constant 128 : i32
      %add3A_65 = arith.addi %add3A_47, %add3A_64 : i32
      "tpu.region"() ({
        %run_scoped3A = tpu.sem_alloc : memref<!tpu.dma_semaphore, #tpu.memory_space<semaphore_mem>>
        %dma_start3A = arith.constant 0 : i32
        %dma_start3A_78 = arith.constant 0 : i32
        %dma_start3A_79 = tpu.memref_slice %arg8[%dma_start3A, %dma_start3A_78] : memref<128x128xf32, #tpu.memory_space<vmem>> -> memref<128x128xf32, #tpu.memory_space<vmem>>
        %dma_start3A_80 = arith.constant 0 : i32
        %dma_start3A_81 = tpu.memref_slice %arg4[%add3A_65, %dma_start3A_80] : memref<20000x128xf32, #tpu.memory_space<hbm>> -> memref<128x128xf32, #tpu.memory_space<hbm>>
        %dma_start3A_82 = arith.constant 0 : i32
        %dma_start3A_83 = tpu.memref_slice %arg4[%add3A_65, %dma_start3A_82] : memref<20000x128xf32, #tpu.memory_space<hbm>> -> memref<128x128xf32, #tpu.memory_space<hbm>>
        %dma_start3A_84 = arith.constant 0 : i32
        %dma_start3A_85 = arith.constant 0 : i32
        %dma_start3A_86 = tpu.memref_slice %arg8[%dma_start3A_84, %dma_start3A_85] : memref<128x128xf32, #tpu.memory_space<vmem>> -> memref<128x128xf32, #tpu.memory_space<vmem>>
        tpu.enqueue_dma source(%dma_start3A_86 : memref<128x128xf32, #tpu.memory_space<vmem>>) target(%dma_start3A_83 : memref<128x128xf32, #tpu.memory_space<hbm>>) target_semaphore(%run_scoped3A : memref<!tpu.dma_semaphore, #tpu.memory_space<semaphore_mem>>)
        %dma_wait3A = arith.constant 0 : i32
        %dma_wait3A_87 = arith.constant 0 : i32
        %dma_wait3A_88 = tpu.memref_slice %arg8[%dma_wait3A, %dma_wait3A_87] : memref<128x128xf32, #tpu.memory_space<vmem>> -> memref<128x128xf32, #tpu.memory_space<vmem>>
        %dma_wait3A_89 = arith.constant 0 : i32
        %dma_wait3A_90 = tpu.memref_slice %arg4[%add3A_65, %dma_wait3A_89] : memref<20000x128xf32, #tpu.memory_space<hbm>> -> memref<128x128xf32, #tpu.memory_space<hbm>>
        %dma_wait3A_91 = arith.constant 0 : i32
        %dma_wait3A_92 = tpu.memref_slice %arg4[%add3A_65, %dma_wait3A_91] : memref<20000x128xf32, #tpu.memory_space<hbm>> -> memref<128x128xf32, #tpu.memory_space<hbm>>
        %dma_wait3A_93 = arith.constant 0 : i32
        %dma_wait3A_94 = arith.constant 0 : i32
        %dma_wait3A_95 = tpu.memref_slice %arg8[%dma_wait3A_93, %dma_wait3A_94] : memref<128x128xf32, #tpu.memory_space<vmem>> -> memref<128x128xf32, #tpu.memory_space<vmem>>
        tpu.wait_dma2 semaphore(%run_scoped3A : memref<!tpu.dma_semaphore, #tpu.memory_space<semaphore_mem>>) src(%dma_wait3A_95 : memref<128x128xf32, #tpu.memory_space<vmem>>) dst(%dma_wait3A_92 : memref<128x128xf32, #tpu.memory_space<hbm>>)
        tpu.yield
      }) : () -> ()
      %add3A_66 = arith.constant 256 : i32
      %add3A_67 = arith.addi %mul3A_5, %add3A_66 : i32
      "tpu.region"() ({
        %run_scoped3A = tpu.sem_alloc : memref<!tpu.dma_semaphore, #tpu.memory_space<semaphore_mem>>
        %dma_start3A = arith.constant 0 : i32
        %dma_start3A_78 = arith.constant 0 : i32
        %dma_start3A_79 = tpu.memref_slice %arg8[%dma_start3A, %dma_start3A_78] : memref<128x128xf32, #tpu.memory_space<vmem>> -> memref<128x128xf32, #tpu.memory_space<vmem>>
        %dma_start3A_80 = arith.constant 0 : i32
        %dma_start3A_81 = tpu.memref_slice %arg9[%add3A_67, %dma_start3A_80] : memref<10008x128xf32, #tpu.memory_space<vmem_shared>> -> memref<128x128xf32, #tpu.memory_space<vmem_shared>>
        %dma_start3A_82 = arith.constant 0 : i32
        %dma_start3A_83 = arith.constant 0 : i32
        %dma_start3A_84 = tpu.memref_slice %arg8[%dma_start3A_82, %dma_start3A_83] : memref<128x128xf32, #tpu.memory_space<vmem>> -> memref<128x128xf32, #tpu.memory_space<vmem>>
        %dma_start3A_85 = arith.constant 0 : i32
        %dma_start3A_86 = tpu.memref_slice %arg9[%add3A_67, %dma_start3A_85] : memref<10008x128xf32, #tpu.memory_space<vmem_shared>> -> memref<128x128xf32, #tpu.memory_space<vmem_shared>>
        tpu.enqueue_dma source(%dma_start3A_86 : memref<128x128xf32, #tpu.memory_space<vmem_shared>>) target(%dma_start3A_84 : memref<128x128xf32, #tpu.memory_space<vmem>>) target_semaphore(%run_scoped3A : memref<!tpu.dma_semaphore, #tpu.memory_space<semaphore_mem>>)
        %dma_wait3A = arith.constant 0 : i32
        %dma_wait3A_87 = arith.constant 0 : i32
        %dma_wait3A_88 = tpu.memref_slice %arg8[%dma_wait3A, %dma_wait3A_87] : memref<128x128xf32, #tpu.memory_space<vmem>> -> memref<128x128xf32, #tpu.memory_space<vmem>>
        %dma_wait3A_89 = arith.constant 0 : i32
        %dma_wait3A_90 = tpu.memref_slice %arg9[%add3A_67, %dma_wait3A_89] : memref<10008x128xf32, #tpu.memory_space<vmem_shared>> -> memref<128x128xf32, #tpu.memory_space<vmem_shared>>
        %dma_wait3A_91 = arith.constant 0 : i32
        %dma_wait3A_92 = arith.constant 0 : i32
        %dma_wait3A_93 = tpu.memref_slice %arg8[%dma_wait3A_91, %dma_wait3A_92] : memref<128x128xf32, #tpu.memory_space<vmem>> -> memref<128x128xf32, #tpu.memory_space<vmem>>
        %dma_wait3A_94 = arith.constant 0 : i32
        %dma_wait3A_95 = tpu.memref_slice %arg9[%add3A_67, %dma_wait3A_94] : memref<10008x128xf32, #tpu.memory_space<vmem_shared>> -> memref<128x128xf32, #tpu.memory_space<vmem_shared>>
        tpu.wait_dma2 semaphore(%run_scoped3A : memref<!tpu.dma_semaphore, #tpu.memory_space<semaphore_mem>>) src(%dma_wait3A_95 : memref<128x128xf32, #tpu.memory_space<vmem_shared>>) dst(%dma_wait3A_93 : memref<128x128xf32, #tpu.memory_space<vmem>>)
        tpu.yield
      }) : () -> ()
      %add3A_68 = arith.constant 256 : i32
      %add3A_69 = arith.addi %add3A_47, %add3A_68 : i32
      "tpu.region"() ({
        %run_scoped3A = tpu.sem_alloc : memref<!tpu.dma_semaphore, #tpu.memory_space<semaphore_mem>>
        %dma_start3A = arith.constant 0 : i32
        %dma_start3A_78 = arith.constant 0 : i32
        %dma_start3A_79 = tpu.memref_slice %arg8[%dma_start3A, %dma_start3A_78] : memref<128x128xf32, #tpu.memory_space<vmem>> -> memref<128x128xf32, #tpu.memory_space<vmem>>
        %dma_start3A_80 = arith.constant 0 : i32
        %dma_start3A_81 = tpu.memref_slice %arg4[%add3A_69, %dma_start3A_80] : memref<20000x128xf32, #tpu.memory_space<hbm>> -> memref<128x128xf32, #tpu.memory_space<hbm>>
        %dma_start3A_82 = arith.constant 0 : i32
        %dma_start3A_83 = tpu.memref_slice %arg4[%add3A_69, %dma_start3A_82] : memref<20000x128xf32, #tpu.memory_space<hbm>> -> memref<128x128xf32, #tpu.memory_space<hbm>>
        %dma_start3A_84 = arith.constant 0 : i32
        %dma_start3A_85 = arith.constant 0 : i32
        %dma_start3A_86 = tpu.memref_slice %arg8[%dma_start3A_84, %dma_start3A_85] : memref<128x128xf32, #tpu.memory_space<vmem>> -> memref<128x128xf32, #tpu.memory_space<vmem>>
        tpu.enqueue_dma source(%dma_start3A_86 : memref<128x128xf32, #tpu.memory_space<vmem>>) target(%dma_start3A_83 : memref<128x128xf32, #tpu.memory_space<hbm>>) target_semaphore(%run_scoped3A : memref<!tpu.dma_semaphore, #tpu.memory_space<semaphore_mem>>)
        %dma_wait3A = arith.constant 0 : i32
        %dma_wait3A_87 = arith.constant 0 : i32
        %dma_wait3A_88 = tpu.memref_slice %arg8[%dma_wait3A, %dma_wait3A_87] : memref<128x128xf32, #tpu.memory_space<vmem>> -> memref<128x128xf32, #tpu.memory_space<vmem>>
        %dma_wait3A_89 = arith.constant 0 : i32
        %dma_wait3A_90 = tpu.memref_slice %arg4[%add3A_69, %dma_wait3A_89] : memref<20000x128xf32, #tpu.memory_space<hbm>> -> memref<128x128xf32, #tpu.memory_space<hbm>>
        %dma_wait3A_91 = arith.constant 0 : i32
        %dma_wait3A_92 = tpu.memref_slice %arg4[%add3A_69, %dma_wait3A_91] : memref<20000x128xf32, #tpu.memory_space<hbm>> -> memref<128x128xf32, #tpu.memory_space<hbm>>
        %dma_wait3A_93 = arith.constant 0 : i32
        %dma_wait3A_94 = arith.constant 0 : i32
        %dma_wait3A_95 = tpu.memref_slice %arg8[%dma_wait3A_93, %dma_wait3A_94] : memref<128x128xf32, #tpu.memory_space<vmem>> -> memref<128x128xf32, #tpu.memory_space<vmem>>
        tpu.wait_dma2 semaphore(%run_scoped3A : memref<!tpu.dma_semaphore, #tpu.memory_space<semaphore_mem>>) src(%dma_wait3A_95 : memref<128x128xf32, #tpu.memory_space<vmem>>) dst(%dma_wait3A_92 : memref<128x128xf32, #tpu.memory_space<hbm>>)
        tpu.yield
      }) : () -> ()
      %add3A_70 = arith.constant 384 : i32
      %add3A_71 = arith.addi %mul3A_5, %add3A_70 : i32
      "tpu.region"() ({
        %run_scoped3A = tpu.sem_alloc : memref<!tpu.dma_semaphore, #tpu.memory_space<semaphore_mem>>
        %dma_start3A = arith.constant 0 : i32
        %dma_start3A_78 = arith.constant 0 : i32
        %dma_start3A_79 = tpu.memref_slice %arg8[%dma_start3A, %dma_start3A_78] : memref<128x128xf32, #tpu.memory_space<vmem>> -> memref<128x128xf32, #tpu.memory_space<vmem>>
        %dma_start3A_80 = arith.constant 0 : i32
        %dma_start3A_81 = tpu.memref_slice %arg9[%add3A_71, %dma_start3A_80] : memref<10008x128xf32, #tpu.memory_space<vmem_shared>> -> memref<128x128xf32, #tpu.memory_space<vmem_shared>>
        %dma_start3A_82 = arith.constant 0 : i32
        %dma_start3A_83 = arith.constant 0 : i32
        %dma_start3A_84 = tpu.memref_slice %arg8[%dma_start3A_82, %dma_start3A_83] : memref<128x128xf32, #tpu.memory_space<vmem>> -> memref<128x128xf32, #tpu.memory_space<vmem>>
        %dma_start3A_85 = arith.constant 0 : i32
        %dma_start3A_86 = tpu.memref_slice %arg9[%add3A_71, %dma_start3A_85] : memref<10008x128xf32, #tpu.memory_space<vmem_shared>> -> memref<128x128xf32, #tpu.memory_space<vmem_shared>>
        tpu.enqueue_dma source(%dma_start3A_86 : memref<128x128xf32, #tpu.memory_space<vmem_shared>>) target(%dma_start3A_84 : memref<128x128xf32, #tpu.memory_space<vmem>>) target_semaphore(%run_scoped3A : memref<!tpu.dma_semaphore, #tpu.memory_space<semaphore_mem>>)
        %dma_wait3A = arith.constant 0 : i32
        %dma_wait3A_87 = arith.constant 0 : i32
        %dma_wait3A_88 = tpu.memref_slice %arg8[%dma_wait3A, %dma_wait3A_87] : memref<128x128xf32, #tpu.memory_space<vmem>> -> memref<128x128xf32, #tpu.memory_space<vmem>>
        %dma_wait3A_89 = arith.constant 0 : i32
        %dma_wait3A_90 = tpu.memref_slice %arg9[%add3A_71, %dma_wait3A_89] : memref<10008x128xf32, #tpu.memory_space<vmem_shared>> -> memref<128x128xf32, #tpu.memory_space<vmem_shared>>
        %dma_wait3A_91 = arith.constant 0 : i32
        %dma_wait3A_92 = arith.constant 0 : i32
        %dma_wait3A_93 = tpu.memref_slice %arg8[%dma_wait3A_91, %dma_wait3A_92] : memref<128x128xf32, #tpu.memory_space<vmem>> -> memref<128x128xf32, #tpu.memory_space<vmem>>
        %dma_wait3A_94 = arith.constant 0 : i32
        %dma_wait3A_95 = tpu.memref_slice %arg9[%add3A_71, %dma_wait3A_94] : memref<10008x128xf32, #tpu.memory_space<vmem_shared>> -> memref<128x128xf32, #tpu.memory_space<vmem_shared>>
        tpu.wait_dma2 semaphore(%run_scoped3A : memref<!tpu.dma_semaphore, #tpu.memory_space<semaphore_mem>>) src(%dma_wait3A_95 : memref<128x128xf32, #tpu.memory_space<vmem_shared>>) dst(%dma_wait3A_93 : memref<128x128xf32, #tpu.memory_space<vmem>>)
        tpu.yield
      }) : () -> ()
      %add3A_72 = arith.constant 384 : i32
      %add3A_73 = arith.addi %add3A_47, %add3A_72 : i32
      "tpu.region"() ({
        %run_scoped3A = tpu.sem_alloc : memref<!tpu.dma_semaphore, #tpu.memory_space<semaphore_mem>>
        %dma_start3A = arith.constant 0 : i32
        %dma_start3A_78 = arith.constant 0 : i32
        %dma_start3A_79 = tpu.memref_slice %arg8[%dma_start3A, %dma_start3A_78] : memref<128x128xf32, #tpu.memory_space<vmem>> -> memref<128x128xf32, #tpu.memory_space<vmem>>
        %dma_start3A_80 = arith.constant 0 : i32
        %dma_start3A_81 = tpu.memref_slice %arg4[%add3A_73, %dma_start3A_80] : memref<20000x128xf32, #tpu.memory_space<hbm>> -> memref<128x128xf32, #tpu.memory_space<hbm>>
        %dma_start3A_82 = arith.constant 0 : i32
        %dma_start3A_83 = tpu.memref_slice %arg4[%add3A_73, %dma_start3A_82] : memref<20000x128xf32, #tpu.memory_space<hbm>> -> memref<128x128xf32, #tpu.memory_space<hbm>>
        %dma_start3A_84 = arith.constant 0 : i32
        %dma_start3A_85 = arith.constant 0 : i32
        %dma_start3A_86 = tpu.memref_slice %arg8[%dma_start3A_84, %dma_start3A_85] : memref<128x128xf32, #tpu.memory_space<vmem>> -> memref<128x128xf32, #tpu.memory_space<vmem>>
        tpu.enqueue_dma source(%dma_start3A_86 : memref<128x128xf32, #tpu.memory_space<vmem>>) target(%dma_start3A_83 : memref<128x128xf32, #tpu.memory_space<hbm>>) target_semaphore(%run_scoped3A : memref<!tpu.dma_semaphore, #tpu.memory_space<semaphore_mem>>)
        %dma_wait3A = arith.constant 0 : i32
        %dma_wait3A_87 = arith.constant 0 : i32
        %dma_wait3A_88 = tpu.memref_slice %arg8[%dma_wait3A, %dma_wait3A_87] : memref<128x128xf32, #tpu.memory_space<vmem>> -> memref<128x128xf32, #tpu.memory_space<vmem>>
        %dma_wait3A_89 = arith.constant 0 : i32
        %dma_wait3A_90 = tpu.memref_slice %arg4[%add3A_73, %dma_wait3A_89] : memref<20000x128xf32, #tpu.memory_space<hbm>> -> memref<128x128xf32, #tpu.memory_space<hbm>>
        %dma_wait3A_91 = arith.constant 0 : i32
        %dma_wait3A_92 = tpu.memref_slice %arg4[%add3A_73, %dma_wait3A_91] : memref<20000x128xf32, #tpu.memory_space<hbm>> -> memref<128x128xf32, #tpu.memory_space<hbm>>
        %dma_wait3A_93 = arith.constant 0 : i32
        %dma_wait3A_94 = arith.constant 0 : i32
        %dma_wait3A_95 = tpu.memref_slice %arg8[%dma_wait3A_93, %dma_wait3A_94] : memref<128x128xf32, #tpu.memory_space<vmem>> -> memref<128x128xf32, #tpu.memory_space<vmem>>
        tpu.wait_dma2 semaphore(%run_scoped3A : memref<!tpu.dma_semaphore, #tpu.memory_space<semaphore_mem>>) src(%dma_wait3A_95 : memref<128x128xf32, #tpu.memory_space<vmem>>) dst(%dma_wait3A_92 : memref<128x128xf32, #tpu.memory_space<hbm>>)
        tpu.yield
      }) : () -> ()
      %add3A_74 = arith.constant 512 : i32
      %add3A_75 = arith.addi %mul3A_5, %add3A_74 : i32
      "tpu.region"() ({
        %run_scoped3A = tpu.sem_alloc : memref<!tpu.dma_semaphore, #tpu.memory_space<semaphore_mem>>
        %dma_start3A = arith.constant 0 : i32
        %dma_start3A_78 = arith.constant 0 : i32
        %dma_start3A_79 = tpu.memref_slice %arg8[%dma_start3A, %dma_start3A_78] : memref<128x128xf32, #tpu.memory_space<vmem>> -> memref<120x128xf32, #tpu.memory_space<vmem>>
        %dma_start3A_80 = arith.constant 0 : i32
        %dma_start3A_81 = tpu.memref_slice %arg9[%add3A_75, %dma_start3A_80] : memref<10008x128xf32, #tpu.memory_space<vmem_shared>> -> memref<120x128xf32, #tpu.memory_space<vmem_shared>>
        %dma_start3A_82 = arith.constant 0 : i32
        %dma_start3A_83 = arith.constant 0 : i32
        %dma_start3A_84 = tpu.memref_slice %arg8[%dma_start3A_82, %dma_start3A_83] : memref<128x128xf32, #tpu.memory_space<vmem>> -> memref<120x128xf32, #tpu.memory_space<vmem>>
        %dma_start3A_85 = arith.constant 0 : i32
        %dma_start3A_86 = tpu.memref_slice %arg9[%add3A_75, %dma_start3A_85] : memref<10008x128xf32, #tpu.memory_space<vmem_shared>> -> memref<120x128xf32, #tpu.memory_space<vmem_shared>>
        tpu.enqueue_dma source(%dma_start3A_86 : memref<120x128xf32, #tpu.memory_space<vmem_shared>>) target(%dma_start3A_84 : memref<120x128xf32, #tpu.memory_space<vmem>>) target_semaphore(%run_scoped3A : memref<!tpu.dma_semaphore, #tpu.memory_space<semaphore_mem>>)
        %dma_wait3A = arith.constant 0 : i32
        %dma_wait3A_87 = arith.constant 0 : i32
        %dma_wait3A_88 = tpu.memref_slice %arg8[%dma_wait3A, %dma_wait3A_87] : memref<128x128xf32, #tpu.memory_space<vmem>> -> memref<120x128xf32, #tpu.memory_space<vmem>>
        %dma_wait3A_89 = arith.constant 0 : i32
        %dma_wait3A_90 = tpu.memref_slice %arg9[%add3A_75, %dma_wait3A_89] : memref<10008x128xf32, #tpu.memory_space<vmem_shared>> -> memref<120x128xf32, #tpu.memory_space<vmem_shared>>
        %dma_wait3A_91 = arith.constant 0 : i32
        %dma_wait3A_92 = arith.constant 0 : i32
        %dma_wait3A_93 = tpu.memref_slice %arg8[%dma_wait3A_91, %dma_wait3A_92] : memref<128x128xf32, #tpu.memory_space<vmem>> -> memref<120x128xf32, #tpu.memory_space<vmem>>
        %dma_wait3A_94 = arith.constant 0 : i32
        %dma_wait3A_95 = tpu.memref_slice %arg9[%add3A_75, %dma_wait3A_94] : memref<10008x128xf32, #tpu.memory_space<vmem_shared>> -> memref<120x128xf32, #tpu.memory_space<vmem_shared>>
        tpu.wait_dma2 semaphore(%run_scoped3A : memref<!tpu.dma_semaphore, #tpu.memory_space<semaphore_mem>>) src(%dma_wait3A_95 : memref<120x128xf32, #tpu.memory_space<vmem_shared>>) dst(%dma_wait3A_93 : memref<120x128xf32, #tpu.memory_space<vmem>>)
        tpu.yield
      }) : () -> ()
      %add3A_76 = arith.constant 512 : i32
      %add3A_77 = arith.addi %add3A_47, %add3A_76 : i32
      "tpu.region"() ({
        %run_scoped3A = tpu.sem_alloc : memref<!tpu.dma_semaphore, #tpu.memory_space<semaphore_mem>>
        %dma_start3A = arith.constant 0 : i32
        %dma_start3A_78 = arith.constant 0 : i32
        %dma_start3A_79 = tpu.memref_slice %arg8[%dma_start3A, %dma_start3A_78] : memref<128x128xf32, #tpu.memory_space<vmem>> -> memref<120x128xf32, #tpu.memory_space<vmem>>
        %dma_start3A_80 = arith.constant 0 : i32
        %dma_start3A_81 = tpu.memref_slice %arg4[%add3A_77, %dma_start3A_80] : memref<20000x128xf32, #tpu.memory_space<hbm>> -> memref<120x128xf32, #tpu.memory_space<hbm>>
        %dma_start3A_82 = arith.constant 0 : i32
        %dma_start3A_83 = tpu.memref_slice %arg4[%add3A_77, %dma_start3A_82] : memref<20000x128xf32, #tpu.memory_space<hbm>> -> memref<120x128xf32, #tpu.memory_space<hbm>>
        %dma_start3A_84 = arith.constant 0 : i32
        %dma_start3A_85 = arith.constant 0 : i32
        %dma_start3A_86 = tpu.memref_slice %arg8[%dma_start3A_84, %dma_start3A_85] : memref<128x128xf32, #tpu.memory_space<vmem>> -> memref<120x128xf32, #tpu.memory_space<vmem>>
        tpu.enqueue_dma source(%dma_start3A_86 : memref<120x128xf32, #tpu.memory_space<vmem>>) target(%dma_start3A_83 : memref<120x128xf32, #tpu.memory_space<hbm>>) target_semaphore(%run_scoped3A : memref<!tpu.dma_semaphore, #tpu.memory_space<semaphore_mem>>)
        %dma_wait3A = arith.constant 0 : i32
        %dma_wait3A_87 = arith.constant 0 : i32
        %dma_wait3A_88 = tpu.memref_slice %arg8[%dma_wait3A, %dma_wait3A_87] : memref<128x128xf32, #tpu.memory_space<vmem>> -> memref<120x128xf32, #tpu.memory_space<vmem>>
        %dma_wait3A_89 = arith.constant 0 : i32
        %dma_wait3A_90 = tpu.memref_slice %arg4[%add3A_77, %dma_wait3A_89] : memref<20000x128xf32, #tpu.memory_space<hbm>> -> memref<120x128xf32, #tpu.memory_space<hbm>>
        %dma_wait3A_91 = arith.constant 0 : i32
        %dma_wait3A_92 = tpu.memref_slice %arg4[%add3A_77, %dma_wait3A_91] : memref<20000x128xf32, #tpu.memory_space<hbm>> -> memref<120x128xf32, #tpu.memory_space<hbm>>
        %dma_wait3A_93 = arith.constant 0 : i32
        %dma_wait3A_94 = arith.constant 0 : i32
        %dma_wait3A_95 = tpu.memref_slice %arg8[%dma_wait3A_93, %dma_wait3A_94] : memref<128x128xf32, #tpu.memory_space<vmem>> -> memref<120x128xf32, #tpu.memory_space<vmem>>
        tpu.wait_dma2 semaphore(%run_scoped3A : memref<!tpu.dma_semaphore, #tpu.memory_space<semaphore_mem>>) src(%dma_wait3A_95 : memref<120x128xf32, #tpu.memory_space<vmem>>) dst(%dma_wait3A_92 : memref<120x128xf32, #tpu.memory_space<hbm>>)
        tpu.yield
      }) : () -> ()
    } else {
    }
    %eq3A_53 = arith.constant 15 : i32
    %eq3A_54 = arith.cmpi eq, %arg1, %eq3A_53 : i32
    %convert_element_type3A_55 = arith.extui %eq3A_54 : i1 to i32
    %cond3A_56 = arith.constant 0 : i32
    %cond3A_57 = arith.cmpi ne, %convert_element_type3A_55, %cond3A_56 : i32
    scf.if %cond3A_57 {
      %add3A_58 = arith.constant 0 : i32
      %add3A_59 = arith.addi %mul3A_5, %add3A_58 : i32
      "tpu.region"() ({
        %run_scoped3A = tpu.sem_alloc : memref<!tpu.dma_semaphore, #tpu.memory_space<semaphore_mem>>
        %dma_start3A = arith.constant 0 : i32
        %dma_start3A_78 = arith.constant 0 : i32
        %dma_start3A_79 = tpu.memref_slice %arg8[%dma_start3A, %dma_start3A_78] : memref<128x128xf32, #tpu.memory_space<vmem>> -> memref<128x128xf32, #tpu.memory_space<vmem>>
        %dma_start3A_80 = arith.constant 0 : i32
        %dma_start3A_81 = tpu.memref_slice %arg9[%add3A_59, %dma_start3A_80] : memref<10008x128xf32, #tpu.memory_space<vmem_shared>> -> memref<128x128xf32, #tpu.memory_space<vmem_shared>>
        %dma_start3A_82 = arith.constant 0 : i32
        %dma_start3A_83 = arith.constant 0 : i32
        %dma_start3A_84 = tpu.memref_slice %arg8[%dma_start3A_82, %dma_start3A_83] : memref<128x128xf32, #tpu.memory_space<vmem>> -> memref<128x128xf32, #tpu.memory_space<vmem>>
        %dma_start3A_85 = arith.constant 0 : i32
        %dma_start3A_86 = tpu.memref_slice %arg9[%add3A_59, %dma_start3A_85] : memref<10008x128xf32, #tpu.memory_space<vmem_shared>> -> memref<128x128xf32, #tpu.memory_space<vmem_shared>>
        tpu.enqueue_dma source(%dma_start3A_86 : memref<128x128xf32, #tpu.memory_space<vmem_shared>>) target(%dma_start3A_84 : memref<128x128xf32, #tpu.memory_space<vmem>>) target_semaphore(%run_scoped3A : memref<!tpu.dma_semaphore, #tpu.memory_space<semaphore_mem>>)
        %dma_wait3A = arith.constant 0 : i32
        %dma_wait3A_87 = arith.constant 0 : i32
        %dma_wait3A_88 = tpu.memref_slice %arg8[%dma_wait3A, %dma_wait3A_87] : memref<128x128xf32, #tpu.memory_space<vmem>> -> memref<128x128xf32, #tpu.memory_space<vmem>>
        %dma_wait3A_89 = arith.constant 0 : i32
        %dma_wait3A_90 = tpu.memref_slice %arg9[%add3A_59, %dma_wait3A_89] : memref<10008x128xf32, #tpu.memory_space<vmem_shared>> -> memref<128x128xf32, #tpu.memory_space<vmem_shared>>
        %dma_wait3A_91 = arith.constant 0 : i32
        %dma_wait3A_92 = arith.constant 0 : i32
        %dma_wait3A_93 = tpu.memref_slice %arg8[%dma_wait3A_91, %dma_wait3A_92] : memref<128x128xf32, #tpu.memory_space<vmem>> -> memref<128x128xf32, #tpu.memory_space<vmem>>
        %dma_wait3A_94 = arith.constant 0 : i32
        %dma_wait3A_95 = tpu.memref_slice %arg9[%add3A_59, %dma_wait3A_94] : memref<10008x128xf32, #tpu.memory_space<vmem_shared>> -> memref<128x128xf32, #tpu.memory_space<vmem_shared>>
        tpu.wait_dma2 semaphore(%run_scoped3A : memref<!tpu.dma_semaphore, #tpu.memory_space<semaphore_mem>>) src(%dma_wait3A_95 : memref<128x128xf32, #tpu.memory_space<vmem_shared>>) dst(%dma_wait3A_93 : memref<128x128xf32, #tpu.memory_space<vmem>>)
        tpu.yield
      }) : () -> ()
      %add3A_60 = arith.constant 0 : i32
      %add3A_61 = arith.addi %add3A_47, %add3A_60 : i32
      "tpu.region"() ({
        %run_scoped3A = tpu.sem_alloc : memref<!tpu.dma_semaphore, #tpu.memory_space<semaphore_mem>>
        %dma_start3A = arith.constant 0 : i32
        %dma_start3A_78 = arith.constant 0 : i32
        %dma_start3A_79 = tpu.memref_slice %arg8[%dma_start3A, %dma_start3A_78] : memref<128x128xf32, #tpu.memory_space<vmem>> -> memref<128x128xf32, #tpu.memory_space<vmem>>
        %dma_start3A_80 = arith.constant 0 : i32
        %dma_start3A_81 = tpu.memref_slice %arg4[%add3A_61, %dma_start3A_80] : memref<20000x128xf32, #tpu.memory_space<hbm>> -> memref<128x128xf32, #tpu.memory_space<hbm>>
        %dma_start3A_82 = arith.constant 0 : i32
        %dma_start3A_83 = tpu.memref_slice %arg4[%add3A_61, %dma_start3A_82] : memref<20000x128xf32, #tpu.memory_space<hbm>> -> memref<128x128xf32, #tpu.memory_space<hbm>>
        %dma_start3A_84 = arith.constant 0 : i32
        %dma_start3A_85 = arith.constant 0 : i32
        %dma_start3A_86 = tpu.memref_slice %arg8[%dma_start3A_84, %dma_start3A_85] : memref<128x128xf32, #tpu.memory_space<vmem>> -> memref<128x128xf32, #tpu.memory_space<vmem>>
        tpu.enqueue_dma source(%dma_start3A_86 : memref<128x128xf32, #tpu.memory_space<vmem>>) target(%dma_start3A_83 : memref<128x128xf32, #tpu.memory_space<hbm>>) target_semaphore(%run_scoped3A : memref<!tpu.dma_semaphore, #tpu.memory_space<semaphore_mem>>)
        %dma_wait3A = arith.constant 0 : i32
        %dma_wait3A_87 = arith.constant 0 : i32
        %dma_wait3A_88 = tpu.memref_slice %arg8[%dma_wait3A, %dma_wait3A_87] : memref<128x128xf32, #tpu.memory_space<vmem>> -> memref<128x128xf32, #tpu.memory_space<vmem>>
        %dma_wait3A_89 = arith.constant 0 : i32
        %dma_wait3A_90 = tpu.memref_slice %arg4[%add3A_61, %dma_wait3A_89] : memref<20000x128xf32, #tpu.memory_space<hbm>> -> memref<128x128xf32, #tpu.memory_space<hbm>>
        %dma_wait3A_91 = arith.constant 0 : i32
        %dma_wait3A_92 = tpu.memref_slice %arg4[%add3A_61, %dma_wait3A_91] : memref<20000x128xf32, #tpu.memory_space<hbm>> -> memref<128x128xf32, #tpu.memory_space<hbm>>
        %dma_wait3A_93 = arith.constant 0 : i32
        %dma_wait3A_94 = arith.constant 0 : i32
        %dma_wait3A_95 = tpu.memref_slice %arg8[%dma_wait3A_93, %dma_wait3A_94] : memref<128x128xf32, #tpu.memory_space<vmem>> -> memref<128x128xf32, #tpu.memory_space<vmem>>
        tpu.wait_dma2 semaphore(%run_scoped3A : memref<!tpu.dma_semaphore, #tpu.memory_space<semaphore_mem>>) src(%dma_wait3A_95 : memref<128x128xf32, #tpu.memory_space<vmem>>) dst(%dma_wait3A_92 : memref<128x128xf32, #tpu.memory_space<hbm>>)
        tpu.yield
      }) : () -> ()
      %add3A_62 = arith.constant 128 : i32
      %add3A_63 = arith.addi %mul3A_5, %add3A_62 : i32
      "tpu.region"() ({
        %run_scoped3A = tpu.sem_alloc : memref<!tpu.dma_semaphore, #tpu.memory_space<semaphore_mem>>
        %dma_start3A = arith.constant 0 : i32
        %dma_start3A_78 = arith.constant 0 : i32
        %dma_start3A_79 = tpu.memref_slice %arg8[%dma_start3A, %dma_start3A_78] : memref<128x128xf32, #tpu.memory_space<vmem>> -> memref<128x128xf32, #tpu.memory_space<vmem>>
        %dma_start3A_80 = arith.constant 0 : i32
        %dma_start3A_81 = tpu.memref_slice %arg9[%add3A_63, %dma_start3A_80] : memref<10008x128xf32, #tpu.memory_space<vmem_shared>> -> memref<128x128xf32, #tpu.memory_space<vmem_shared>>
        %dma_start3A_82 = arith.constant 0 : i32
        %dma_start3A_83 = arith.constant 0 : i32
        %dma_start3A_84 = tpu.memref_slice %arg8[%dma_start3A_82, %dma_start3A_83] : memref<128x128xf32, #tpu.memory_space<vmem>> -> memref<128x128xf32, #tpu.memory_space<vmem>>
        %dma_start3A_85 = arith.constant 0 : i32
        %dma_start3A_86 = tpu.memref_slice %arg9[%add3A_63, %dma_start3A_85] : memref<10008x128xf32, #tpu.memory_space<vmem_shared>> -> memref<128x128xf32, #tpu.memory_space<vmem_shared>>
        tpu.enqueue_dma source(%dma_start3A_86 : memref<128x128xf32, #tpu.memory_space<vmem_shared>>) target(%dma_start3A_84 : memref<128x128xf32, #tpu.memory_space<vmem>>) target_semaphore(%run_scoped3A : memref<!tpu.dma_semaphore, #tpu.memory_space<semaphore_mem>>)
        %dma_wait3A = arith.constant 0 : i32
        %dma_wait3A_87 = arith.constant 0 : i32
        %dma_wait3A_88 = tpu.memref_slice %arg8[%dma_wait3A, %dma_wait3A_87] : memref<128x128xf32, #tpu.memory_space<vmem>> -> memref<128x128xf32, #tpu.memory_space<vmem>>
        %dma_wait3A_89 = arith.constant 0 : i32
        %dma_wait3A_90 = tpu.memref_slice %arg9[%add3A_63, %dma_wait3A_89] : memref<10008x128xf32, #tpu.memory_space<vmem_shared>> -> memref<128x128xf32, #tpu.memory_space<vmem_shared>>
        %dma_wait3A_91 = arith.constant 0 : i32
        %dma_wait3A_92 = arith.constant 0 : i32
        %dma_wait3A_93 = tpu.memref_slice %arg8[%dma_wait3A_91, %dma_wait3A_92] : memref<128x128xf32, #tpu.memory_space<vmem>> -> memref<128x128xf32, #tpu.memory_space<vmem>>
        %dma_wait3A_94 = arith.constant 0 : i32
        %dma_wait3A_95 = tpu.memref_slice %arg9[%add3A_63, %dma_wait3A_94] : memref<10008x128xf32, #tpu.memory_space<vmem_shared>> -> memref<128x128xf32, #tpu.memory_space<vmem_shared>>
        tpu.wait_dma2 semaphore(%run_scoped3A : memref<!tpu.dma_semaphore, #tpu.memory_space<semaphore_mem>>) src(%dma_wait3A_95 : memref<128x128xf32, #tpu.memory_space<vmem_shared>>) dst(%dma_wait3A_93 : memref<128x128xf32, #tpu.memory_space<vmem>>)
        tpu.yield
      }) : () -> ()
      %add3A_64 = arith.constant 128 : i32
      %add3A_65 = arith.addi %add3A_47, %add3A_64 : i32
      "tpu.region"() ({
        %run_scoped3A = tpu.sem_alloc : memref<!tpu.dma_semaphore, #tpu.memory_space<semaphore_mem>>
        %dma_start3A = arith.constant 0 : i32
        %dma_start3A_78 = arith.constant 0 : i32
        %dma_start3A_79 = tpu.memref_slice %arg8[%dma_start3A, %dma_start3A_78] : memref<128x128xf32, #tpu.memory_space<vmem>> -> memref<128x128xf32, #tpu.memory_space<vmem>>
        %dma_start3A_80 = arith.constant 0 : i32
        %dma_start3A_81 = tpu.memref_slice %arg4[%add3A_65, %dma_start3A_80] : memref<20000x128xf32, #tpu.memory_space<hbm>> -> memref<128x128xf32, #tpu.memory_space<hbm>>
        %dma_start3A_82 = arith.constant 0 : i32
        %dma_start3A_83 = tpu.memref_slice %arg4[%add3A_65, %dma_start3A_82] : memref<20000x128xf32, #tpu.memory_space<hbm>> -> memref<128x128xf32, #tpu.memory_space<hbm>>
        %dma_start3A_84 = arith.constant 0 : i32
        %dma_start3A_85 = arith.constant 0 : i32
        %dma_start3A_86 = tpu.memref_slice %arg8[%dma_start3A_84, %dma_start3A_85] : memref<128x128xf32, #tpu.memory_space<vmem>> -> memref<128x128xf32, #tpu.memory_space<vmem>>
        tpu.enqueue_dma source(%dma_start3A_86 : memref<128x128xf32, #tpu.memory_space<vmem>>) target(%dma_start3A_83 : memref<128x128xf32, #tpu.memory_space<hbm>>) target_semaphore(%run_scoped3A : memref<!tpu.dma_semaphore, #tpu.memory_space<semaphore_mem>>)
        %dma_wait3A = arith.constant 0 : i32
        %dma_wait3A_87 = arith.constant 0 : i32
        %dma_wait3A_88 = tpu.memref_slice %arg8[%dma_wait3A, %dma_wait3A_87] : memref<128x128xf32, #tpu.memory_space<vmem>> -> memref<128x128xf32, #tpu.memory_space<vmem>>
        %dma_wait3A_89 = arith.constant 0 : i32
        %dma_wait3A_90 = tpu.memref_slice %arg4[%add3A_65, %dma_wait3A_89] : memref<20000x128xf32, #tpu.memory_space<hbm>> -> memref<128x128xf32, #tpu.memory_space<hbm>>
        %dma_wait3A_91 = arith.constant 0 : i32
        %dma_wait3A_92 = tpu.memref_slice %arg4[%add3A_65, %dma_wait3A_91] : memref<20000x128xf32, #tpu.memory_space<hbm>> -> memref<128x128xf32, #tpu.memory_space<hbm>>
        %dma_wait3A_93 = arith.constant 0 : i32
        %dma_wait3A_94 = arith.constant 0 : i32
        %dma_wait3A_95 = tpu.memref_slice %arg8[%dma_wait3A_93, %dma_wait3A_94] : memref<128x128xf32, #tpu.memory_space<vmem>> -> memref<128x128xf32, #tpu.memory_space<vmem>>
        tpu.wait_dma2 semaphore(%run_scoped3A : memref<!tpu.dma_semaphore, #tpu.memory_space<semaphore_mem>>) src(%dma_wait3A_95 : memref<128x128xf32, #tpu.memory_space<vmem>>) dst(%dma_wait3A_92 : memref<128x128xf32, #tpu.memory_space<hbm>>)
        tpu.yield
      }) : () -> ()
      %add3A_66 = arith.constant 256 : i32
      %add3A_67 = arith.addi %mul3A_5, %add3A_66 : i32
      "tpu.region"() ({
        %run_scoped3A = tpu.sem_alloc : memref<!tpu.dma_semaphore, #tpu.memory_space<semaphore_mem>>
        %dma_start3A = arith.constant 0 : i32
        %dma_start3A_78 = arith.constant 0 : i32
        %dma_start3A_79 = tpu.memref_slice %arg8[%dma_start3A, %dma_start3A_78] : memref<128x128xf32, #tpu.memory_space<vmem>> -> memref<128x128xf32, #tpu.memory_space<vmem>>
        %dma_start3A_80 = arith.constant 0 : i32
        %dma_start3A_81 = tpu.memref_slice %arg9[%add3A_67, %dma_start3A_80] : memref<10008x128xf32, #tpu.memory_space<vmem_shared>> -> memref<128x128xf32, #tpu.memory_space<vmem_shared>>
        %dma_start3A_82 = arith.constant 0 : i32
        %dma_start3A_83 = arith.constant 0 : i32
        %dma_start3A_84 = tpu.memref_slice %arg8[%dma_start3A_82, %dma_start3A_83] : memref<128x128xf32, #tpu.memory_space<vmem>> -> memref<128x128xf32, #tpu.memory_space<vmem>>
        %dma_start3A_85 = arith.constant 0 : i32
        %dma_start3A_86 = tpu.memref_slice %arg9[%add3A_67, %dma_start3A_85] : memref<10008x128xf32, #tpu.memory_space<vmem_shared>> -> memref<128x128xf32, #tpu.memory_space<vmem_shared>>
        tpu.enqueue_dma source(%dma_start3A_86 : memref<128x128xf32, #tpu.memory_space<vmem_shared>>) target(%dma_start3A_84 : memref<128x128xf32, #tpu.memory_space<vmem>>) target_semaphore(%run_scoped3A : memref<!tpu.dma_semaphore, #tpu.memory_space<semaphore_mem>>)
        %dma_wait3A = arith.constant 0 : i32
        %dma_wait3A_87 = arith.constant 0 : i32
        %dma_wait3A_88 = tpu.memref_slice %arg8[%dma_wait3A, %dma_wait3A_87] : memref<128x128xf32, #tpu.memory_space<vmem>> -> memref<128x128xf32, #tpu.memory_space<vmem>>
        %dma_wait3A_89 = arith.constant 0 : i32
        %dma_wait3A_90 = tpu.memref_slice %arg9[%add3A_67, %dma_wait3A_89] : memref<10008x128xf32, #tpu.memory_space<vmem_shared>> -> memref<128x128xf32, #tpu.memory_space<vmem_shared>>
        %dma_wait3A_91 = arith.constant 0 : i32
        %dma_wait3A_92 = arith.constant 0 : i32
        %dma_wait3A_93 = tpu.memref_slice %arg8[%dma_wait3A_91, %dma_wait3A_92] : memref<128x128xf32, #tpu.memory_space<vmem>> -> memref<128x128xf32, #tpu.memory_space<vmem>>
        %dma_wait3A_94 = arith.constant 0 : i32
        %dma_wait3A_95 = tpu.memref_slice %arg9[%add3A_67, %dma_wait3A_94] : memref<10008x128xf32, #tpu.memory_space<vmem_shared>> -> memref<128x128xf32, #tpu.memory_space<vmem_shared>>
        tpu.wait_dma2 semaphore(%run_scoped3A : memref<!tpu.dma_semaphore, #tpu.memory_space<semaphore_mem>>) src(%dma_wait3A_95 : memref<128x128xf32, #tpu.memory_space<vmem_shared>>) dst(%dma_wait3A_93 : memref<128x128xf32, #tpu.memory_space<vmem>>)
        tpu.yield
      }) : () -> ()
      %add3A_68 = arith.constant 256 : i32
      %add3A_69 = arith.addi %add3A_47, %add3A_68 : i32
      "tpu.region"() ({
        %run_scoped3A = tpu.sem_alloc : memref<!tpu.dma_semaphore, #tpu.memory_space<semaphore_mem>>
        %dma_start3A = arith.constant 0 : i32
        %dma_start3A_78 = arith.constant 0 : i32
        %dma_start3A_79 = tpu.memref_slice %arg8[%dma_start3A, %dma_start3A_78] : memref<128x128xf32, #tpu.memory_space<vmem>> -> memref<128x128xf32, #tpu.memory_space<vmem>>
        %dma_start3A_80 = arith.constant 0 : i32
        %dma_start3A_81 = tpu.memref_slice %arg4[%add3A_69, %dma_start3A_80] : memref<20000x128xf32, #tpu.memory_space<hbm>> -> memref<128x128xf32, #tpu.memory_space<hbm>>
        %dma_start3A_82 = arith.constant 0 : i32
        %dma_start3A_83 = tpu.memref_slice %arg4[%add3A_69, %dma_start3A_82] : memref<20000x128xf32, #tpu.memory_space<hbm>> -> memref<128x128xf32, #tpu.memory_space<hbm>>
        %dma_start3A_84 = arith.constant 0 : i32
        %dma_start3A_85 = arith.constant 0 : i32
        %dma_start3A_86 = tpu.memref_slice %arg8[%dma_start3A_84, %dma_start3A_85] : memref<128x128xf32, #tpu.memory_space<vmem>> -> memref<128x128xf32, #tpu.memory_space<vmem>>
        tpu.enqueue_dma source(%dma_start3A_86 : memref<128x128xf32, #tpu.memory_space<vmem>>) target(%dma_start3A_83 : memref<128x128xf32, #tpu.memory_space<hbm>>) target_semaphore(%run_scoped3A : memref<!tpu.dma_semaphore, #tpu.memory_space<semaphore_mem>>)
        %dma_wait3A = arith.constant 0 : i32
        %dma_wait3A_87 = arith.constant 0 : i32
        %dma_wait3A_88 = tpu.memref_slice %arg8[%dma_wait3A, %dma_wait3A_87] : memref<128x128xf32, #tpu.memory_space<vmem>> -> memref<128x128xf32, #tpu.memory_space<vmem>>
        %dma_wait3A_89 = arith.constant 0 : i32
        %dma_wait3A_90 = tpu.memref_slice %arg4[%add3A_69, %dma_wait3A_89] : memref<20000x128xf32, #tpu.memory_space<hbm>> -> memref<128x128xf32, #tpu.memory_space<hbm>>
        %dma_wait3A_91 = arith.constant 0 : i32
        %dma_wait3A_92 = tpu.memref_slice %arg4[%add3A_69, %dma_wait3A_91] : memref<20000x128xf32, #tpu.memory_space<hbm>> -> memref<128x128xf32, #tpu.memory_space<hbm>>
        %dma_wait3A_93 = arith.constant 0 : i32
        %dma_wait3A_94 = arith.constant 0 : i32
        %dma_wait3A_95 = tpu.memref_slice %arg8[%dma_wait3A_93, %dma_wait3A_94] : memref<128x128xf32, #tpu.memory_space<vmem>> -> memref<128x128xf32, #tpu.memory_space<vmem>>
        tpu.wait_dma2 semaphore(%run_scoped3A : memref<!tpu.dma_semaphore, #tpu.memory_space<semaphore_mem>>) src(%dma_wait3A_95 : memref<128x128xf32, #tpu.memory_space<vmem>>) dst(%dma_wait3A_92 : memref<128x128xf32, #tpu.memory_space<hbm>>)
        tpu.yield
      }) : () -> ()
      %add3A_70 = arith.constant 384 : i32
      %add3A_71 = arith.addi %mul3A_5, %add3A_70 : i32
      "tpu.region"() ({
        %run_scoped3A = tpu.sem_alloc : memref<!tpu.dma_semaphore, #tpu.memory_space<semaphore_mem>>
        %dma_start3A = arith.constant 0 : i32
        %dma_start3A_78 = arith.constant 0 : i32
        %dma_start3A_79 = tpu.memref_slice %arg8[%dma_start3A, %dma_start3A_78] : memref<128x128xf32, #tpu.memory_space<vmem>> -> memref<128x128xf32, #tpu.memory_space<vmem>>
        %dma_start3A_80 = arith.constant 0 : i32
        %dma_start3A_81 = tpu.memref_slice %arg9[%add3A_71, %dma_start3A_80] : memref<10008x128xf32, #tpu.memory_space<vmem_shared>> -> memref<128x128xf32, #tpu.memory_space<vmem_shared>>
        %dma_start3A_82 = arith.constant 0 : i32
        %dma_start3A_83 = arith.constant 0 : i32
        %dma_start3A_84 = tpu.memref_slice %arg8[%dma_start3A_82, %dma_start3A_83] : memref<128x128xf32, #tpu.memory_space<vmem>> -> memref<128x128xf32, #tpu.memory_space<vmem>>
        %dma_start3A_85 = arith.constant 0 : i32
        %dma_start3A_86 = tpu.memref_slice %arg9[%add3A_71, %dma_start3A_85] : memref<10008x128xf32, #tpu.memory_space<vmem_shared>> -> memref<128x128xf32, #tpu.memory_space<vmem_shared>>
        tpu.enqueue_dma source(%dma_start3A_86 : memref<128x128xf32, #tpu.memory_space<vmem_shared>>) target(%dma_start3A_84 : memref<128x128xf32, #tpu.memory_space<vmem>>) target_semaphore(%run_scoped3A : memref<!tpu.dma_semaphore, #tpu.memory_space<semaphore_mem>>)
        %dma_wait3A = arith.constant 0 : i32
        %dma_wait3A_87 = arith.constant 0 : i32
        %dma_wait3A_88 = tpu.memref_slice %arg8[%dma_wait3A, %dma_wait3A_87] : memref<128x128xf32, #tpu.memory_space<vmem>> -> memref<128x128xf32, #tpu.memory_space<vmem>>
        %dma_wait3A_89 = arith.constant 0 : i32
        %dma_wait3A_90 = tpu.memref_slice %arg9[%add3A_71, %dma_wait3A_89] : memref<10008x128xf32, #tpu.memory_space<vmem_shared>> -> memref<128x128xf32, #tpu.memory_space<vmem_shared>>
        %dma_wait3A_91 = arith.constant 0 : i32
        %dma_wait3A_92 = arith.constant 0 : i32
        %dma_wait3A_93 = tpu.memref_slice %arg8[%dma_wait3A_91, %dma_wait3A_92] : memref<128x128xf32, #tpu.memory_space<vmem>> -> memref<128x128xf32, #tpu.memory_space<vmem>>
        %dma_wait3A_94 = arith.constant 0 : i32
        %dma_wait3A_95 = tpu.memref_slice %arg9[%add3A_71, %dma_wait3A_94] : memref<10008x128xf32, #tpu.memory_space<vmem_shared>> -> memref<128x128xf32, #tpu.memory_space<vmem_shared>>
        tpu.wait_dma2 semaphore(%run_scoped3A : memref<!tpu.dma_semaphore, #tpu.memory_space<semaphore_mem>>) src(%dma_wait3A_95 : memref<128x128xf32, #tpu.memory_space<vmem_shared>>) dst(%dma_wait3A_93 : memref<128x128xf32, #tpu.memory_space<vmem>>)
        tpu.yield
      }) : () -> ()
      %add3A_72 = arith.constant 384 : i32
      %add3A_73 = arith.addi %add3A_47, %add3A_72 : i32
      "tpu.region"() ({
        %run_scoped3A = tpu.sem_alloc : memref<!tpu.dma_semaphore, #tpu.memory_space<semaphore_mem>>
        %dma_start3A = arith.constant 0 : i32
        %dma_start3A_78 = arith.constant 0 : i32
        %dma_start3A_79 = tpu.memref_slice %arg8[%dma_start3A, %dma_start3A_78] : memref<128x128xf32, #tpu.memory_space<vmem>> -> memref<128x128xf32, #tpu.memory_space<vmem>>
        %dma_start3A_80 = arith.constant 0 : i32
        %dma_start3A_81 = tpu.memref_slice %arg4[%add3A_73, %dma_start3A_80] : memref<20000x128xf32, #tpu.memory_space<hbm>> -> memref<128x128xf32, #tpu.memory_space<hbm>>
        %dma_start3A_82 = arith.constant 0 : i32
        %dma_start3A_83 = tpu.memref_slice %arg4[%add3A_73, %dma_start3A_82] : memref<20000x128xf32, #tpu.memory_space<hbm>> -> memref<128x128xf32, #tpu.memory_space<hbm>>
        %dma_start3A_84 = arith.constant 0 : i32
        %dma_start3A_85 = arith.constant 0 : i32
        %dma_start3A_86 = tpu.memref_slice %arg8[%dma_start3A_84, %dma_start3A_85] : memref<128x128xf32, #tpu.memory_space<vmem>> -> memref<128x128xf32, #tpu.memory_space<vmem>>
        tpu.enqueue_dma source(%dma_start3A_86 : memref<128x128xf32, #tpu.memory_space<vmem>>) target(%dma_start3A_83 : memref<128x128xf32, #tpu.memory_space<hbm>>) target_semaphore(%run_scoped3A : memref<!tpu.dma_semaphore, #tpu.memory_space<semaphore_mem>>)
        %dma_wait3A = arith.constant 0 : i32
        %dma_wait3A_87 = arith.constant 0 : i32
        %dma_wait3A_88 = tpu.memref_slice %arg8[%dma_wait3A, %dma_wait3A_87] : memref<128x128xf32, #tpu.memory_space<vmem>> -> memref<128x128xf32, #tpu.memory_space<vmem>>
        %dma_wait3A_89 = arith.constant 0 : i32
        %dma_wait3A_90 = tpu.memref_slice %arg4[%add3A_73, %dma_wait3A_89] : memref<20000x128xf32, #tpu.memory_space<hbm>> -> memref<128x128xf32, #tpu.memory_space<hbm>>
        %dma_wait3A_91 = arith.constant 0 : i32
        %dma_wait3A_92 = tpu.memref_slice %arg4[%add3A_73, %dma_wait3A_91] : memref<20000x128xf32, #tpu.memory_space<hbm>> -> memref<128x128xf32, #tpu.memory_space<hbm>>
        %dma_wait3A_93 = arith.constant 0 : i32
        %dma_wait3A_94 = arith.constant 0 : i32
        %dma_wait3A_95 = tpu.memref_slice %arg8[%dma_wait3A_93, %dma_wait3A_94] : memref<128x128xf32, #tpu.memory_space<vmem>> -> memref<128x128xf32, #tpu.memory_space<vmem>>
        tpu.wait_dma2 semaphore(%run_scoped3A : memref<!tpu.dma_semaphore, #tpu.memory_space<semaphore_mem>>) src(%dma_wait3A_95 : memref<128x128xf32, #tpu.memory_space<vmem>>) dst(%dma_wait3A_92 : memref<128x128xf32, #tpu.memory_space<hbm>>)
        tpu.yield
      }) : () -> ()
      %add3A_74 = arith.constant 512 : i32
      %add3A_75 = arith.addi %mul3A_5, %add3A_74 : i32
      "tpu.region"() ({
        %run_scoped3A = tpu.sem_alloc : memref<!tpu.dma_semaphore, #tpu.memory_space<semaphore_mem>>
        %dma_start3A = arith.constant 0 : i32
        %dma_start3A_78 = arith.constant 0 : i32
        %dma_start3A_79 = tpu.memref_slice %arg8[%dma_start3A, %dma_start3A_78] : memref<128x128xf32, #tpu.memory_space<vmem>> -> memref<8x128xf32, #tpu.memory_space<vmem>>
        %dma_start3A_80 = arith.constant 0 : i32
        %dma_start3A_81 = tpu.memref_slice %arg9[%add3A_75, %dma_start3A_80] : memref<10008x128xf32, #tpu.memory_space<vmem_shared>> -> memref<8x128xf32, #tpu.memory_space<vmem_shared>>
        %dma_start3A_82 = arith.constant 0 : i32
        %dma_start3A_83 = arith.constant 0 : i32
        %dma_start3A_84 = tpu.memref_slice %arg8[%dma_start3A_82, %dma_start3A_83] : memref<128x128xf32, #tpu.memory_space<vmem>> -> memref<8x128xf32, #tpu.memory_space<vmem>>
        %dma_start3A_85 = arith.constant 0 : i32
        %dma_start3A_86 = tpu.memref_slice %arg9[%add3A_75, %dma_start3A_85] : memref<10008x128xf32, #tpu.memory_space<vmem_shared>> -> memref<8x128xf32, #tpu.memory_space<vmem_shared>>
        tpu.enqueue_dma source(%dma_start3A_86 : memref<8x128xf32, #tpu.memory_space<vmem_shared>>) target(%dma_start3A_84 : memref<8x128xf32, #tpu.memory_space<vmem>>) target_semaphore(%run_scoped3A : memref<!tpu.dma_semaphore, #tpu.memory_space<semaphore_mem>>)
        %dma_wait3A = arith.constant 0 : i32
        %dma_wait3A_87 = arith.constant 0 : i32
        %dma_wait3A_88 = tpu.memref_slice %arg8[%dma_wait3A, %dma_wait3A_87] : memref<128x128xf32, #tpu.memory_space<vmem>> -> memref<8x128xf32, #tpu.memory_space<vmem>>
        %dma_wait3A_89 = arith.constant 0 : i32
        %dma_wait3A_90 = tpu.memref_slice %arg9[%add3A_75, %dma_wait3A_89] : memref<10008x128xf32, #tpu.memory_space<vmem_shared>> -> memref<8x128xf32, #tpu.memory_space<vmem_shared>>
        %dma_wait3A_91 = arith.constant 0 : i32
        %dma_wait3A_92 = arith.constant 0 : i32
        %dma_wait3A_93 = tpu.memref_slice %arg8[%dma_wait3A_91, %dma_wait3A_92] : memref<128x128xf32, #tpu.memory_space<vmem>> -> memref<8x128xf32, #tpu.memory_space<vmem>>
        %dma_wait3A_94 = arith.constant 0 : i32
        %dma_wait3A_95 = tpu.memref_slice %arg9[%add3A_75, %dma_wait3A_94] : memref<10008x128xf32, #tpu.memory_space<vmem_shared>> -> memref<8x128xf32, #tpu.memory_space<vmem_shared>>
        tpu.wait_dma2 semaphore(%run_scoped3A : memref<!tpu.dma_semaphore, #tpu.memory_space<semaphore_mem>>) src(%dma_wait3A_95 : memref<8x128xf32, #tpu.memory_space<vmem_shared>>) dst(%dma_wait3A_93 : memref<8x128xf32, #tpu.memory_space<vmem>>)
        tpu.yield
      }) : () -> ()
      %add3A_76 = arith.constant 512 : i32
      %add3A_77 = arith.addi %add3A_47, %add3A_76 : i32
      "tpu.region"() ({
        %run_scoped3A = tpu.sem_alloc : memref<!tpu.dma_semaphore, #tpu.memory_space<semaphore_mem>>
        %dma_start3A = arith.constant 0 : i32
        %dma_start3A_78 = arith.constant 0 : i32
        %dma_start3A_79 = tpu.memref_slice %arg8[%dma_start3A, %dma_start3A_78] : memref<128x128xf32, #tpu.memory_space<vmem>> -> memref<8x128xf32, #tpu.memory_space<vmem>>
        %dma_start3A_80 = arith.constant 0 : i32
        %dma_start3A_81 = tpu.memref_slice %arg4[%add3A_77, %dma_start3A_80] : memref<20000x128xf32, #tpu.memory_space<hbm>> -> memref<8x128xf32, #tpu.memory_space<hbm>>
        %dma_start3A_82 = arith.constant 0 : i32
        %dma_start3A_83 = tpu.memref_slice %arg4[%add3A_77, %dma_start3A_82] : memref<20000x128xf32, #tpu.memory_space<hbm>> -> memref<8x128xf32, #tpu.memory_space<hbm>>
        %dma_start3A_84 = arith.constant 0 : i32
        %dma_start3A_85 = arith.constant 0 : i32
        %dma_start3A_86 = tpu.memref_slice %arg8[%dma_start3A_84, %dma_start3A_85] : memref<128x128xf32, #tpu.memory_space<vmem>> -> memref<8x128xf32, #tpu.memory_space<vmem>>
        tpu.enqueue_dma source(%dma_start3A_86 : memref<8x128xf32, #tpu.memory_space<vmem>>) target(%dma_start3A_83 : memref<8x128xf32, #tpu.memory_space<hbm>>) target_semaphore(%run_scoped3A : memref<!tpu.dma_semaphore, #tpu.memory_space<semaphore_mem>>)
        %dma_wait3A = arith.constant 0 : i32
        %dma_wait3A_87 = arith.constant 0 : i32
        %dma_wait3A_88 = tpu.memref_slice %arg8[%dma_wait3A, %dma_wait3A_87] : memref<128x128xf32, #tpu.memory_space<vmem>> -> memref<8x128xf32, #tpu.memory_space<vmem>>
        %dma_wait3A_89 = arith.constant 0 : i32
        %dma_wait3A_90 = tpu.memref_slice %arg4[%add3A_77, %dma_wait3A_89] : memref<20000x128xf32, #tpu.memory_space<hbm>> -> memref<8x128xf32, #tpu.memory_space<hbm>>
        %dma_wait3A_91 = arith.constant 0 : i32
        %dma_wait3A_92 = tpu.memref_slice %arg4[%add3A_77, %dma_wait3A_91] : memref<20000x128xf32, #tpu.memory_space<hbm>> -> memref<8x128xf32, #tpu.memory_space<hbm>>
        %dma_wait3A_93 = arith.constant 0 : i32
        %dma_wait3A_94 = arith.constant 0 : i32
        %dma_wait3A_95 = tpu.memref_slice %arg8[%dma_wait3A_93, %dma_wait3A_94] : memref<128x128xf32, #tpu.memory_space<vmem>> -> memref<8x128xf32, #tpu.memory_space<vmem>>
        tpu.wait_dma2 semaphore(%run_scoped3A : memref<!tpu.dma_semaphore, #tpu.memory_space<semaphore_mem>>) src(%dma_wait3A_95 : memref<8x128xf32, #tpu.memory_space<vmem>>) dst(%dma_wait3A_92 : memref<8x128xf32, #tpu.memory_space<hbm>>)
        tpu.yield
      }) : () -> ()
    } else {
    }
    return
  }
}

#map = affine_map<(d0, d1) -> (0, 0)>
#map1 = affine_map<(d0, d1) -> (0, 0, 0)>
module attributes {stable_mosaic.version = 14 : i64} {
  func.func @agg(%arg0: i32, %arg1: i32, %arg2: memref<10000x128xf32, #tpu.memory_space<hbm>>, %arg3: memref<2x2500x128xi32, #tpu.memory_space<hbm>>, %arg4: memref<20000x128xf32, #tpu.memory_space<hbm>>, %arg5: memref<2x8x128xi32, #tpu.memory_space<vmem>>, %arg6: memref<2x8x128xi32, #tpu.memory_space<vmem>>, %arg7: memref<128x128xf32, #tpu.memory_space<vmem>>, %arg8: memref<128x128xf32, #tpu.memory_space<vmem>>, %arg9: memref<10008x128xf32, #tpu.memory_space<vmem_shared>>, %arg10: memref<!tpu.dma_semaphore, #tpu.memory_space<semaphore_mem>>, %arg11: memref<!tpu.dma_semaphore, #tpu.memory_space<semaphore_mem>>, %arg12: memref<!tpu.dma_semaphore, #tpu.memory_space<semaphore_mem>>, %arg13: memref<!tpu.dma_semaphore, #tpu.memory_space<semaphore_mem>>, %arg14: memref<!tpu.dma_semaphore, #tpu.memory_space<semaphore_mem>>, %arg15: memref<!tpu.dma_semaphore, #tpu.memory_space<semaphore_mem>>) attributes {dimension_semantics = [#tpu.dimension_semantics<core_parallel>, #tpu.dimension_semantics<subcore_parallel>], iteration_bounds = array<i64: 2, 16>, scalar_prefetch = 0 : i64, scratch_operands = 11 : i64, tpu.core_type = #tpu.core_type<sc_vector_subcore>, window_params = [{transform_indices = #map}, {transform_indices = #map1}, {transform_indices = #map}]} {
    %broadcast_in_dim3A = arith.constant 0.000000e+00 : f32
    %broadcast_in_dim3A_0 = vector.broadcast %broadcast_in_dim3A : f32 to vector<16xf32>
    %scan3A = arith.constant 0 : i32
    %scan3A_1 = arith.constant 128 : i32
    %scan3A_2 = arith.addi %scan3A, %scan3A_1 : i32
    %scan3A_3 = arith.constant 1 : i32
    scf.for %scan3A_58 = %scan3A to %scan3A_2 step %scan3A_3  : i32 {
      %swap3A = arith.index_cast %scan3A_58 : i32 to index
      %swap3A_59 = arith.constant 0 : index
      %swap3A_60 = tpu.vector_load %arg8[%swap3A, %swap3A_59] {strides = array<i32>} : memref<128x128xf32, #tpu.memory_space<vmem>>, vector<1x16xf32>,
      %swap3A_61 = vector.shape_cast %swap3A_60 : vector<1x16xf32> to vector<16xf32>
      %swap3A_62 = vector.shape_cast %broadcast_in_dim3A_0 : vector<16xf32> to vector<1x16xf32>
      tpu.vector_store %arg8[%swap3A, %swap3A_59], %swap3A_62 {strides = array<i32>} : memref<128x128xf32, #tpu.memory_space<vmem>>, vector<1x16xf32>,
      %swap3A_63 = arith.index_cast %scan3A_58 : i32 to index
      %swap3A_64 = arith.constant 16 : index
      %swap3A_65 = tpu.vector_load %arg8[%swap3A_63, %swap3A_64] {strides = array<i32>} : memref<128x128xf32, #tpu.memory_space<vmem>>, vector<1x16xf32>,
      %swap3A_66 = vector.shape_cast %swap3A_65 : vector<1x16xf32> to vector<16xf32>
      %swap3A_67 = vector.shape_cast %broadcast_in_dim3A_0 : vector<16xf32> to vector<1x16xf32>
      tpu.vector_store %arg8[%swap3A_63, %swap3A_64], %swap3A_67 {strides = array<i32>} : memref<128x128xf32, #tpu.memory_space<vmem>>, vector<1x16xf32>,
      %swap3A_68 = arith.index_cast %scan3A_58 : i32 to index
      %swap3A_69 = arith.constant 32 : index
      %swap3A_70 = tpu.vector_load %arg8[%swap3A_68, %swap3A_69] {strides = array<i32>} : memref<128x128xf32, #tpu.memory_space<vmem>>, vector<1x16xf32>,
      %swap3A_71 = vector.shape_cast %swap3A_70 : vector<1x16xf32> to vector<16xf32>
      %swap3A_72 = vector.shape_cast %broadcast_in_dim3A_0 : vector<16xf32> to vector<1x16xf32>
      tpu.vector_store %arg8[%swap3A_68, %swap3A_69], %swap3A_72 {strides = array<i32>} : memref<128x128xf32, #tpu.memory_space<vmem>>, vector<1x16xf32>,
      %swap3A_73 = arith.index_cast %scan3A_58 : i32 to index
      %swap3A_74 = arith.constant 48 : index
      %swap3A_75 = tpu.vector_load %arg8[%swap3A_73, %swap3A_74] {strides = array<i32>} : memref<128x128xf32, #tpu.memory_space<vmem>>, vector<1x16xf32>,
      %swap3A_76 = vector.shape_cast %swap3A_75 : vector<1x16xf32> to vector<16xf32>
      %swap3A_77 = vector.shape_cast %broadcast_in_dim3A_0 : vector<16xf32> to vector<1x16xf32>
      tpu.vector_store %arg8[%swap3A_73, %swap3A_74], %swap3A_77 {strides = array<i32>} : memref<128x128xf32, #tpu.memory_space<vmem>>, vector<1x16xf32>,
      %swap3A_78 = arith.index_cast %scan3A_58 : i32 to index
      %swap3A_79 = arith.constant 64 : index
      %swap3A_80 = tpu.vector_load %arg8[%swap3A_78, %swap3A_79] {strides = array<i32>} : memref<128x128xf32, #tpu.memory_space<vmem>>, vector<1x16xf32>,
      %swap3A_81 = vector.shape_cast %swap3A_80 : vector<1x16xf32> to vector<16xf32>
      %swap3A_82 = vector.shape_cast %broadcast_in_dim3A_0 : vector<16xf32> to vector<1x16xf32>
      tpu.vector_store %arg8[%swap3A_78, %swap3A_79], %swap3A_82 {strides = array<i32>} : memref<128x128xf32, #tpu.memory_space<vmem>>, vector<1x16xf32>,
      %swap3A_83 = arith.index_cast %scan3A_58 : i32 to index
      %swap3A_84 = arith.constant 80 : index
      %swap3A_85 = tpu.vector_load %arg8[%swap3A_83, %swap3A_84] {strides = array<i32>} : memref<128x128xf32, #tpu.memory_space<vmem>>, vector<1x16xf32>,
      %swap3A_86 = vector.shape_cast %swap3A_85 : vector<1x16xf32> to vector<16xf32>
      %swap3A_87 = vector.shape_cast %broadcast_in_dim3A_0 : vector<16xf32> to vector<1x16xf32>
      tpu.vector_store %arg8[%swap3A_83, %swap3A_84], %swap3A_87 {strides = array<i32>} : memref<128x128xf32, #tpu.memory_space<vmem>>, vector<1x16xf32>,
      %swap3A_88 = arith.index_cast %scan3A_58 : i32 to index
      %swap3A_89 = arith.constant 96 : index
      %swap3A_90 = tpu.vector_load %arg8[%swap3A_88, %swap3A_89] {strides = array<i32>} : memref<128x128xf32, #tpu.memory_space<vmem>>, vector<1x16xf32>,
      %swap3A_91 = vector.shape_cast %swap3A_90 : vector<1x16xf32> to vector<16xf32>
      %swap3A_92 = vector.shape_cast %broadcast_in_dim3A_0 : vector<16xf32> to vector<1x16xf32>
      tpu.vector_store %arg8[%swap3A_88, %swap3A_89], %swap3A_92 {strides = array<i32>} : memref<128x128xf32, #tpu.memory_space<vmem>>, vector<1x16xf32>,
      %swap3A_93 = arith.index_cast %scan3A_58 : i32 to index
      %swap3A_94 = arith.constant 112 : index
      %swap3A_95 = tpu.vector_load %arg8[%swap3A_93, %swap3A_94] {strides = array<i32>} : memref<128x128xf32, #tpu.memory_space<vmem>>, vector<1x16xf32>,
      %swap3A_96 = vector.shape_cast %swap3A_95 : vector<1x16xf32> to vector<16xf32>
      %swap3A_97 = vector.shape_cast %broadcast_in_dim3A_0 : vector<16xf32> to vector<1x16xf32>
      tpu.vector_store %arg8[%swap3A_93, %swap3A_94], %swap3A_97 {strides = array<i32>} : memref<128x128xf32, #tpu.memory_space<vmem>>, vector<1x16xf32>,
    }
    %scan3A_4 = arith.constant 128 : i32
    %mul3A = arith.constant 632 : i32
    %mul3A_5 = arith.muli %arg1, %mul3A : i32
    %lt3A = arith.constant 15 : i32
    %lt3A_6 = arith.cmpi slt, %arg1, %lt3A : i32
    %convert_element_type3A = arith.extui %lt3A_6 : i1 to i32
    %cond3A = arith.constant 0 : i32
    %cond3A_7 = arith.cmpi ne, %convert_element_type3A, %cond3A : i32
    scf.if %cond3A_7 {
      %add3A_58 = arith.constant 0 : i32
      %add3A_59 = arith.addi %mul3A_5, %add3A_58 : i32
      "tpu.region"() ({
        %run_scoped3A = tpu.sem_alloc : memref<!tpu.dma_semaphore, #tpu.memory_space<semaphore_mem>>
        %dma_start3A = arith.constant 0 : i32
        %dma_start3A_68 = arith.constant 0 : i32
        %dma_start3A_69 = tpu.memref_slice %arg8[%dma_start3A, %dma_start3A_68] : memref<128x128xf32, #tpu.memory_space<vmem>> -> memref<128x128xf32, #tpu.memory_space<vmem>>
        %dma_start3A_70 = arith.constant 0 : i32
        %dma_start3A_71 = tpu.memref_slice %arg9[%add3A_59, %dma_start3A_70] : memref<10008x128xf32, #tpu.memory_space<vmem_shared>> -> memref<128x128xf32, #tpu.memory_space<vmem_shared>>
        %dma_start3A_72 = arith.constant 0 : i32
        %dma_start3A_73 = tpu.memref_slice %arg9[%add3A_59, %dma_start3A_72] : memref<10008x128xf32, #tpu.memory_space<vmem_shared>> -> memref<128x128xf32, #tpu.memory_space<vmem_shared>>
        %dma_start3A_74 = arith.constant 0 : i32
        %dma_start3A_75 = arith.constant 0 : i32
        %dma_start3A_76 = tpu.memref_slice %arg8[%dma_start3A_74, %dma_start3A_75] : memref<128x128xf32, #tpu.memory_space<vmem>> -> memref<128x128xf32, #tpu.memory_space<vmem>>
        tpu.enqueue_dma source(%dma_start3A_76 : memref<128x128xf32, #tpu.memory_space<vmem>>) target(%dma_start3A_73 : memref<128x128xf32, #tpu.memory_space<vmem_shared>>) target_semaphore(%run_scoped3A : memref<!tpu.dma_semaphore, #tpu.memory_space<semaphore_mem>>)
        %dma_wait3A = arith.constant 0 : i32
        %dma_wait3A_77 = arith.constant 0 : i32
        %dma_wait3A_78 = tpu.memref_slice %arg8[%dma_wait3A, %dma_wait3A_77] : memref<128x128xf32, #tpu.memory_space<vmem>> -> memref<128x128xf32, #tpu.memory_space<vmem>>
        %dma_wait3A_79 = arith.constant 0 : i32
        %dma_wait3A_80 = tpu.memref_slice %arg9[%add3A_59, %dma_wait3A_79] : memref<10008x128xf32, #tpu.memory_space<vmem_shared>> -> memref<128x128xf32, #tpu.memory_space<vmem_shared>>
        %dma_wait3A_81 = arith.constant 0 : i32
        %dma_wait3A_82 = tpu.memref_slice %arg9[%add3A_59, %dma_wait3A_81] : memref<10008x128xf32, #tpu.memory_space<vmem_shared>> -> memref<128x128xf32, #tpu.memory_space<vmem_shared>>
        %dma_wait3A_83 = arith.constant 0 : i32
        %dma_wait3A_84 = arith.constant 0 : i32
        %dma_wait3A_85 = tpu.memref_slice %arg8[%dma_wait3A_83, %dma_wait3A_84] : memref<128x128xf32, #tpu.memory_space<vmem>> -> memref<128x128xf32, #tpu.memory_space<vmem>>
        tpu.wait_dma2 semaphore(%run_scoped3A : memref<!tpu.dma_semaphore, #tpu.memory_space<semaphore_mem>>) src(%dma_wait3A_85 : memref<128x128xf32, #tpu.memory_space<vmem>>) dst(%dma_wait3A_82 : memref<128x128xf32, #tpu.memory_space<vmem_shared>>)
        tpu.yield
      }) : () -> ()
      %add3A_60 = arith.constant 128 : i32
      %add3A_61 = arith.addi %mul3A_5, %add3A_60 : i32
      "tpu.region"() ({
        %run_scoped3A = tpu.sem_alloc : memref<!tpu.dma_semaphore, #tpu.memory_space<semaphore_mem>>
        %dma_start3A = arith.constant 0 : i32
        %dma_start3A_68 = arith.constant 0 : i32
        %dma_start3A_69 = tpu.memref_slice %arg8[%dma_start3A, %dma_start3A_68] : memref<128x128xf32, #tpu.memory_space<vmem>> -> memref<128x128xf32, #tpu.memory_space<vmem>>
        %dma_start3A_70 = arith.constant 0 : i32
        %dma_start3A_71 = tpu.memref_slice %arg9[%add3A_61, %dma_start3A_70] : memref<10008x128xf32, #tpu.memory_space<vmem_shared>> -> memref<128x128xf32, #tpu.memory_space<vmem_shared>>
        %dma_start3A_72 = arith.constant 0 : i32
        %dma_start3A_73 = tpu.memref_slice %arg9[%add3A_61, %dma_start3A_72] : memref<10008x128xf32, #tpu.memory_space<vmem_shared>> -> memref<128x128xf32, #tpu.memory_space<vmem_shared>>
        %dma_start3A_74 = arith.constant 0 : i32
        %dma_start3A_75 = arith.constant 0 : i32
        %dma_start3A_76 = tpu.memref_slice %arg8[%dma_start3A_74, %dma_start3A_75] : memref<128x128xf32, #tpu.memory_space<vmem>> -> memref<128x128xf32, #tpu.memory_space<vmem>>
        tpu.enqueue_dma source(%dma_start3A_76 : memref<128x128xf32, #tpu.memory_space<vmem>>) target(%dma_start3A_73 : memref<128x128xf32, #tpu.memory_space<vmem_shared>>) target_semaphore(%run_scoped3A : memref<!tpu.dma_semaphore, #tpu.memory_space<semaphore_mem>>)
        %dma_wait3A = arith.constant 0 : i32
        %dma_wait3A_77 = arith.constant 0 : i32
        %dma_wait3A_78 = tpu.memref_slice %arg8[%dma_wait3A, %dma_wait3A_77] : memref<128x128xf32, #tpu.memory_space<vmem>> -> memref<128x128xf32, #tpu.memory_space<vmem>>
        %dma_wait3A_79 = arith.constant 0 : i32
        %dma_wait3A_80 = tpu.memref_slice %arg9[%add3A_61, %dma_wait3A_79] : memref<10008x128xf32, #tpu.memory_space<vmem_shared>> -> memref<128x128xf32, #tpu.memory_space<vmem_shared>>
        %dma_wait3A_81 = arith.constant 0 : i32
        %dma_wait3A_82 = tpu.memref_slice %arg9[%add3A_61, %dma_wait3A_81] : memref<10008x128xf32, #tpu.memory_space<vmem_shared>> -> memref<128x128xf32, #tpu.memory_space<vmem_shared>>
        %dma_wait3A_83 = arith.constant 0 : i32
        %dma_wait3A_84 = arith.constant 0 : i32
        %dma_wait3A_85 = tpu.memref_slice %arg8[%dma_wait3A_83, %dma_wait3A_84] : memref<128x128xf32, #tpu.memory_space<vmem>> -> memref<128x128xf32, #tpu.memory_space<vmem>>
        tpu.wait_dma2 semaphore(%run_scoped3A : memref<!tpu.dma_semaphore, #tpu.memory_space<semaphore_mem>>) src(%dma_wait3A_85 : memref<128x128xf32, #tpu.memory_space<vmem>>) dst(%dma_wait3A_82 : memref<128x128xf32, #tpu.memory_space<vmem_shared>>)
        tpu.yield
      }) : () -> ()
      %add3A_62 = arith.constant 256 : i32
      %add3A_63 = arith.addi %mul3A_5, %add3A_62 : i32
      "tpu.region"() ({
        %run_scoped3A = tpu.sem_alloc : memref<!tpu.dma_semaphore, #tpu.memory_space<semaphore_mem>>
        %dma_start3A = arith.constant 0 : i32
        %dma_start3A_68 = arith.constant 0 : i32
        %dma_start3A_69 = tpu.memref_slice %arg8[%dma_start3A, %dma_start3A_68] : memref<128x128xf32, #tpu.memory_space<vmem>> -> memref<128x128xf32, #tpu.memory_space<vmem>>
        %dma_start3A_70 = arith.constant 0 : i32
        %dma_start3A_71 = tpu.memref_slice %arg9[%add3A_63, %dma_start3A_70] : memref<10008x128xf32, #tpu.memory_space<vmem_shared>> -> memref<128x128xf32, #tpu.memory_space<vmem_shared>>
        %dma_start3A_72 = arith.constant 0 : i32
        %dma_start3A_73 = tpu.memref_slice %arg9[%add3A_63, %dma_start3A_72] : memref<10008x128xf32, #tpu.memory_space<vmem_shared>> -> memref<128x128xf32, #tpu.memory_space<vmem_shared>>
        %dma_start3A_74 = arith.constant 0 : i32
        %dma_start3A_75 = arith.constant 0 : i32
        %dma_start3A_76 = tpu.memref_slice %arg8[%dma_start3A_74, %dma_start3A_75] : memref<128x128xf32, #tpu.memory_space<vmem>> -> memref<128x128xf32, #tpu.memory_space<vmem>>
        tpu.enqueue_dma source(%dma_start3A_76 : memref<128x128xf32, #tpu.memory_space<vmem>>) target(%dma_start3A_73 : memref<128x128xf32, #tpu.memory_space<vmem_shared>>) target_semaphore(%run_scoped3A : memref<!tpu.dma_semaphore, #tpu.memory_space<semaphore_mem>>)
        %dma_wait3A = arith.constant 0 : i32
        %dma_wait3A_77 = arith.constant 0 : i32
        %dma_wait3A_78 = tpu.memref_slice %arg8[%dma_wait3A, %dma_wait3A_77] : memref<128x128xf32, #tpu.memory_space<vmem>> -> memref<128x128xf32, #tpu.memory_space<vmem>>
        %dma_wait3A_79 = arith.constant 0 : i32
        %dma_wait3A_80 = tpu.memref_slice %arg9[%add3A_63, %dma_wait3A_79] : memref<10008x128xf32, #tpu.memory_space<vmem_shared>> -> memref<128x128xf32, #tpu.memory_space<vmem_shared>>
        %dma_wait3A_81 = arith.constant 0 : i32
        %dma_wait3A_82 = tpu.memref_slice %arg9[%add3A_63, %dma_wait3A_81] : memref<10008x128xf32, #tpu.memory_space<vmem_shared>> -> memref<128x128xf32, #tpu.memory_space<vmem_shared>>
        %dma_wait3A_83 = arith.constant 0 : i32
        %dma_wait3A_84 = arith.constant 0 : i32
        %dma_wait3A_85 = tpu.memref_slice %arg8[%dma_wait3A_83, %dma_wait3A_84] : memref<128x128xf32, #tpu.memory_space<vmem>> -> memref<128x128xf32, #tpu.memory_space<vmem>>
        tpu.wait_dma2 semaphore(%run_scoped3A : memref<!tpu.dma_semaphore, #tpu.memory_space<semaphore_mem>>) src(%dma_wait3A_85 : memref<128x128xf32, #tpu.memory_space<vmem>>) dst(%dma_wait3A_82 : memref<128x128xf32, #tpu.memory_space<vmem_shared>>)
        tpu.yield
      }) : () -> ()
      %add3A_64 = arith.constant 384 : i32
      %add3A_65 = arith.addi %mul3A_5, %add3A_64 : i32
      "tpu.region"() ({
        %run_scoped3A = tpu.sem_alloc : memref<!tpu.dma_semaphore, #tpu.memory_space<semaphore_mem>>
        %dma_start3A = arith.constant 0 : i32
        %dma_start3A_68 = arith.constant 0 : i32
        %dma_start3A_69 = tpu.memref_slice %arg8[%dma_start3A, %dma_start3A_68] : memref<128x128xf32, #tpu.memory_space<vmem>> -> memref<128x128xf32, #tpu.memory_space<vmem>>
        %dma_start3A_70 = arith.constant 0 : i32
        %dma_start3A_71 = tpu.memref_slice %arg9[%add3A_65, %dma_start3A_70] : memref<10008x128xf32, #tpu.memory_space<vmem_shared>> -> memref<128x128xf32, #tpu.memory_space<vmem_shared>>
        %dma_start3A_72 = arith.constant 0 : i32
        %dma_start3A_73 = tpu.memref_slice %arg9[%add3A_65, %dma_start3A_72] : memref<10008x128xf32, #tpu.memory_space<vmem_shared>> -> memref<128x128xf32, #tpu.memory_space<vmem_shared>>
        %dma_start3A_74 = arith.constant 0 : i32
        %dma_start3A_75 = arith.constant 0 : i32
        %dma_start3A_76 = tpu.memref_slice %arg8[%dma_start3A_74, %dma_start3A_75] : memref<128x128xf32, #tpu.memory_space<vmem>> -> memref<128x128xf32, #tpu.memory_space<vmem>>
        tpu.enqueue_dma source(%dma_start3A_76 : memref<128x128xf32, #tpu.memory_space<vmem>>) target(%dma_start3A_73 : memref<128x128xf32, #tpu.memory_space<vmem_shared>>) target_semaphore(%run_scoped3A : memref<!tpu.dma_semaphore, #tpu.memory_space<semaphore_mem>>)
        %dma_wait3A = arith.constant 0 : i32
        %dma_wait3A_77 = arith.constant 0 : i32
        %dma_wait3A_78 = tpu.memref_slice %arg8[%dma_wait3A, %dma_wait3A_77] : memref<128x128xf32, #tpu.memory_space<vmem>> -> memref<128x128xf32, #tpu.memory_space<vmem>>
        %dma_wait3A_79 = arith.constant 0 : i32
        %dma_wait3A_80 = tpu.memref_slice %arg9[%add3A_65, %dma_wait3A_79] : memref<10008x128xf32, #tpu.memory_space<vmem_shared>> -> memref<128x128xf32, #tpu.memory_space<vmem_shared>>
        %dma_wait3A_81 = arith.constant 0 : i32
        %dma_wait3A_82 = tpu.memref_slice %arg9[%add3A_65, %dma_wait3A_81] : memref<10008x128xf32, #tpu.memory_space<vmem_shared>> -> memref<128x128xf32, #tpu.memory_space<vmem_shared>>
        %dma_wait3A_83 = arith.constant 0 : i32
        %dma_wait3A_84 = arith.constant 0 : i32
        %dma_wait3A_85 = tpu.memref_slice %arg8[%dma_wait3A_83, %dma_wait3A_84] : memref<128x128xf32, #tpu.memory_space<vmem>> -> memref<128x128xf32, #tpu.memory_space<vmem>>
        tpu.wait_dma2 semaphore(%run_scoped3A : memref<!tpu.dma_semaphore, #tpu.memory_space<semaphore_mem>>) src(%dma_wait3A_85 : memref<128x128xf32, #tpu.memory_space<vmem>>) dst(%dma_wait3A_82 : memref<128x128xf32, #tpu.memory_space<vmem_shared>>)
        tpu.yield
      }) : () -> ()
      %add3A_66 = arith.constant 512 : i32
      %add3A_67 = arith.addi %mul3A_5, %add3A_66 : i32
      "tpu.region"() ({
        %run_scoped3A = tpu.sem_alloc : memref<!tpu.dma_semaphore, #tpu.memory_space<semaphore_mem>>
        %dma_start3A = arith.constant 0 : i32
        %dma_start3A_68 = arith.constant 0 : i32
        %dma_start3A_69 = tpu.memref_slice %arg8[%dma_start3A, %dma_start3A_68] : memref<128x128xf32, #tpu.memory_space<vmem>> -> memref<120x128xf32, #tpu.memory_space<vmem>>
        %dma_start3A_70 = arith.constant 0 : i32
        %dma_start3A_71 = tpu.memref_slice %arg9[%add3A_67, %dma_start3A_70] : memref<10008x128xf32, #tpu.memory_space<vmem_shared>> -> memref<120x128xf32, #tpu.memory_space<vmem_shared>>
        %dma_start3A_72 = arith.constant 0 : i32
        %dma_start3A_73 = tpu.memref_slice %arg9[%add3A_67, %dma_start3A_72] : memref<10008x128xf32, #tpu.memory_space<vmem_shared>> -> memref<120x128xf32, #tpu.memory_space<vmem_shared>>
        %dma_start3A_74 = arith.constant 0 : i32
        %dma_start3A_75 = arith.constant 0 : i32
        %dma_start3A_76 = tpu.memref_slice %arg8[%dma_start3A_74, %dma_start3A_75] : memref<128x128xf32, #tpu.memory_space<vmem>> -> memref<120x128xf32, #tpu.memory_space<vmem>>
        tpu.enqueue_dma source(%dma_start3A_76 : memref<120x128xf32, #tpu.memory_space<vmem>>) target(%dma_start3A_73 : memref<120x128xf32, #tpu.memory_space<vmem_shared>>) target_semaphore(%run_scoped3A : memref<!tpu.dma_semaphore, #tpu.memory_space<semaphore_mem>>)
        %dma_wait3A = arith.constant 0 : i32
        %dma_wait3A_77 = arith.constant 0 : i32
        %dma_wait3A_78 = tpu.memref_slice %arg8[%dma_wait3A, %dma_wait3A_77] : memref<128x128xf32, #tpu.memory_space<vmem>> -> memref<120x128xf32, #tpu.memory_space<vmem>>
        %dma_wait3A_79 = arith.constant 0 : i32
        %dma_wait3A_80 = tpu.memref_slice %arg9[%add3A_67, %dma_wait3A_79] : memref<10008x128xf32, #tpu.memory_space<vmem_shared>> -> memref<120x128xf32, #tpu.memory_space<vmem_shared>>
        %dma_wait3A_81 = arith.constant 0 : i32
        %dma_wait3A_82 = tpu.memref_slice %arg9[%add3A_67, %dma_wait3A_81] : memref<10008x128xf32, #tpu.memory_space<vmem_shared>> -> memref<120x128xf32, #tpu.memory_space<vmem_shared>>
        %dma_wait3A_83 = arith.constant 0 : i32
        %dma_wait3A_84 = arith.constant 0 : i32
        %dma_wait3A_85 = tpu.memref_slice %arg8[%dma_wait3A_83, %dma_wait3A_84] : memref<128x128xf32, #tpu.memory_space<vmem>> -> memref<120x128xf32, #tpu.memory_space<vmem>>
        tpu.wait_dma2 semaphore(%run_scoped3A : memref<!tpu.dma_semaphore, #tpu.memory_space<semaphore_mem>>) src(%dma_wait3A_85 : memref<120x128xf32, #tpu.memory_space<vmem>>) dst(%dma_wait3A_82 : memref<120x128xf32, #tpu.memory_space<vmem_shared>>)
        tpu.yield
      }) : () -> ()
    } else {
    }
    %eq3A = arith.constant 15 : i32
    %eq3A_8 = arith.cmpi eq, %arg1, %eq3A : i32
    %convert_element_type3A_9 = arith.extui %eq3A_8 : i1 to i32
    %cond3A_10 = arith.constant 0 : i32
    %cond3A_11 = arith.cmpi ne, %convert_element_type3A_9, %cond3A_10 : i32
    scf.if %cond3A_11 {
      %add3A_58 = arith.constant 0 : i32
      %add3A_59 = arith.addi %mul3A_5, %add3A_58 : i32
      "tpu.region"() ({
        %run_scoped3A = tpu.sem_alloc : memref<!tpu.dma_semaphore, #tpu.memory_space<semaphore_mem>>
        %dma_start3A = arith.constant 0 : i32
        %dma_start3A_68 = arith.constant 0 : i32
        %dma_start3A_69 = tpu.memref_slice %arg8[%dma_start3A, %dma_start3A_68] : memref<128x128xf32, #tpu.memory_space<vmem>> -> memref<128x128xf32, #tpu.memory_space<vmem>>
        %dma_start3A_70 = arith.constant 0 : i32
        %dma_start3A_71 = tpu.memref_slice %arg9[%add3A_59, %dma_start3A_70] : memref<10008x128xf32, #tpu.memory_space<vmem_shared>> -> memref<128x128xf32, #tpu.memory_space<vmem_shared>>
        %dma_start3A_72 = arith.constant 0 : i32
        %dma_start3A_73 = tpu.memref_slice %arg9[%add3A_59, %dma_start3A_72] : memref<10008x128xf32, #tpu.memory_space<vmem_shared>> -> memref<128x128xf32, #tpu.memory_space<vmem_shared>>
        %dma_start3A_74 = arith.constant 0 : i32
        %dma_start3A_75 = arith.constant 0 : i32
        %dma_start3A_76 = tpu.memref_slice %arg8[%dma_start3A_74, %dma_start3A_75] : memref<128x128xf32, #tpu.memory_space<vmem>> -> memref<128x128xf32, #tpu.memory_space<vmem>>
        tpu.enqueue_dma source(%dma_start3A_76 : memref<128x128xf32, #tpu.memory_space<vmem>>) target(%dma_start3A_73 : memref<128x128xf32, #tpu.memory_space<vmem_shared>>) target_semaphore(%run_scoped3A : memref<!tpu.dma_semaphore, #tpu.memory_space<semaphore_mem>>)
        %dma_wait3A = arith.constant 0 : i32
        %dma_wait3A_77 = arith.constant 0 : i32
        %dma_wait3A_78 = tpu.memref_slice %arg8[%dma_wait3A, %dma_wait3A_77] : memref<128x128xf32, #tpu.memory_space<vmem>> -> memref<128x128xf32, #tpu.memory_space<vmem>>
        %dma_wait3A_79 = arith.constant 0 : i32
        %dma_wait3A_80 = tpu.memref_slice %arg9[%add3A_59, %dma_wait3A_79] : memref<10008x128xf32, #tpu.memory_space<vmem_shared>> -> memref<128x128xf32, #tpu.memory_space<vmem_shared>>
        %dma_wait3A_81 = arith.constant 0 : i32
        %dma_wait3A_82 = tpu.memref_slice %arg9[%add3A_59, %dma_wait3A_81] : memref<10008x128xf32, #tpu.memory_space<vmem_shared>> -> memref<128x128xf32, #tpu.memory_space<vmem_shared>>
        %dma_wait3A_83 = arith.constant 0 : i32
        %dma_wait3A_84 = arith.constant 0 : i32
        %dma_wait3A_85 = tpu.memref_slice %arg8[%dma_wait3A_83, %dma_wait3A_84] : memref<128x128xf32, #tpu.memory_space<vmem>> -> memref<128x128xf32, #tpu.memory_space<vmem>>
        tpu.wait_dma2 semaphore(%run_scoped3A : memref<!tpu.dma_semaphore, #tpu.memory_space<semaphore_mem>>) src(%dma_wait3A_85 : memref<128x128xf32, #tpu.memory_space<vmem>>) dst(%dma_wait3A_82 : memref<128x128xf32, #tpu.memory_space<vmem_shared>>)
        tpu.yield
      }) : () -> ()
      %add3A_60 = arith.constant 128 : i32
      %add3A_61 = arith.addi %mul3A_5, %add3A_60 : i32
      "tpu.region"() ({
        %run_scoped3A = tpu.sem_alloc : memref<!tpu.dma_semaphore, #tpu.memory_space<semaphore_mem>>
        %dma_start3A = arith.constant 0 : i32
        %dma_start3A_68 = arith.constant 0 : i32
        %dma_start3A_69 = tpu.memref_slice %arg8[%dma_start3A, %dma_start3A_68] : memref<128x128xf32, #tpu.memory_space<vmem>> -> memref<128x128xf32, #tpu.memory_space<vmem>>
        %dma_start3A_70 = arith.constant 0 : i32
        %dma_start3A_71 = tpu.memref_slice %arg9[%add3A_61, %dma_start3A_70] : memref<10008x128xf32, #tpu.memory_space<vmem_shared>> -> memref<128x128xf32, #tpu.memory_space<vmem_shared>>
        %dma_start3A_72 = arith.constant 0 : i32
        %dma_start3A_73 = tpu.memref_slice %arg9[%add3A_61, %dma_start3A_72] : memref<10008x128xf32, #tpu.memory_space<vmem_shared>> -> memref<128x128xf32, #tpu.memory_space<vmem_shared>>
        %dma_start3A_74 = arith.constant 0 : i32
        %dma_start3A_75 = arith.constant 0 : i32
        %dma_start3A_76 = tpu.memref_slice %arg8[%dma_start3A_74, %dma_start3A_75] : memref<128x128xf32, #tpu.memory_space<vmem>> -> memref<128x128xf32, #tpu.memory_space<vmem>>
        tpu.enqueue_dma source(%dma_start3A_76 : memref<128x128xf32, #tpu.memory_space<vmem>>) target(%dma_start3A_73 : memref<128x128xf32, #tpu.memory_space<vmem_shared>>) target_semaphore(%run_scoped3A : memref<!tpu.dma_semaphore, #tpu.memory_space<semaphore_mem>>)
        %dma_wait3A = arith.constant 0 : i32
        %dma_wait3A_77 = arith.constant 0 : i32
        %dma_wait3A_78 = tpu.memref_slice %arg8[%dma_wait3A, %dma_wait3A_77] : memref<128x128xf32, #tpu.memory_space<vmem>> -> memref<128x128xf32, #tpu.memory_space<vmem>>
        %dma_wait3A_79 = arith.constant 0 : i32
        %dma_wait3A_80 = tpu.memref_slice %arg9[%add3A_61, %dma_wait3A_79] : memref<10008x128xf32, #tpu.memory_space<vmem_shared>> -> memref<128x128xf32, #tpu.memory_space<vmem_shared>>
        %dma_wait3A_81 = arith.constant 0 : i32
        %dma_wait3A_82 = tpu.memref_slice %arg9[%add3A_61, %dma_wait3A_81] : memref<10008x128xf32, #tpu.memory_space<vmem_shared>> -> memref<128x128xf32, #tpu.memory_space<vmem_shared>>
        %dma_wait3A_83 = arith.constant 0 : i32
        %dma_wait3A_84 = arith.constant 0 : i32
        %dma_wait3A_85 = tpu.memref_slice %arg8[%dma_wait3A_83, %dma_wait3A_84] : memref<128x128xf32, #tpu.memory_space<vmem>> -> memref<128x128xf32, #tpu.memory_space<vmem>>
        tpu.wait_dma2 semaphore(%run_scoped3A : memref<!tpu.dma_semaphore, #tpu.memory_space<semaphore_mem>>) src(%dma_wait3A_85 : memref<128x128xf32, #tpu.memory_space<vmem>>) dst(%dma_wait3A_82 : memref<128x128xf32, #tpu.memory_space<vmem_shared>>)
        tpu.yield
      }) : () -> ()
      %add3A_62 = arith.constant 256 : i32
      %add3A_63 = arith.addi %mul3A_5, %add3A_62 : i32
      "tpu.region"() ({
        %run_scoped3A = tpu.sem_alloc : memref<!tpu.dma_semaphore, #tpu.memory_space<semaphore_mem>>
        %dma_start3A = arith.constant 0 : i32
        %dma_start3A_68 = arith.constant 0 : i32
        %dma_start3A_69 = tpu.memref_slice %arg8[%dma_start3A, %dma_start3A_68] : memref<128x128xf32, #tpu.memory_space<vmem>> -> memref<128x128xf32, #tpu.memory_space<vmem>>
        %dma_start3A_70 = arith.constant 0 : i32
        %dma_start3A_71 = tpu.memref_slice %arg9[%add3A_63, %dma_start3A_70] : memref<10008x128xf32, #tpu.memory_space<vmem_shared>> -> memref<128x128xf32, #tpu.memory_space<vmem_shared>>
        %dma_start3A_72 = arith.constant 0 : i32
        %dma_start3A_73 = tpu.memref_slice %arg9[%add3A_63, %dma_start3A_72] : memref<10008x128xf32, #tpu.memory_space<vmem_shared>> -> memref<128x128xf32, #tpu.memory_space<vmem_shared>>
        %dma_start3A_74 = arith.constant 0 : i32
        %dma_start3A_75 = arith.constant 0 : i32
        %dma_start3A_76 = tpu.memref_slice %arg8[%dma_start3A_74, %dma_start3A_75] : memref<128x128xf32, #tpu.memory_space<vmem>> -> memref<128x128xf32, #tpu.memory_space<vmem>>
        tpu.enqueue_dma source(%dma_start3A_76 : memref<128x128xf32, #tpu.memory_space<vmem>>) target(%dma_start3A_73 : memref<128x128xf32, #tpu.memory_space<vmem_shared>>) target_semaphore(%run_scoped3A : memref<!tpu.dma_semaphore, #tpu.memory_space<semaphore_mem>>)
        %dma_wait3A = arith.constant 0 : i32
        %dma_wait3A_77 = arith.constant 0 : i32
        %dma_wait3A_78 = tpu.memref_slice %arg8[%dma_wait3A, %dma_wait3A_77] : memref<128x128xf32, #tpu.memory_space<vmem>> -> memref<128x128xf32, #tpu.memory_space<vmem>>
        %dma_wait3A_79 = arith.constant 0 : i32
        %dma_wait3A_80 = tpu.memref_slice %arg9[%add3A_63, %dma_wait3A_79] : memref<10008x128xf32, #tpu.memory_space<vmem_shared>> -> memref<128x128xf32, #tpu.memory_space<vmem_shared>>
        %dma_wait3A_81 = arith.constant 0 : i32
        %dma_wait3A_82 = tpu.memref_slice %arg9[%add3A_63, %dma_wait3A_81] : memref<10008x128xf32, #tpu.memory_space<vmem_shared>> -> memref<128x128xf32, #tpu.memory_space<vmem_shared>>
        %dma_wait3A_83 = arith.constant 0 : i32
        %dma_wait3A_84 = arith.constant 0 : i32
        %dma_wait3A_85 = tpu.memref_slice %arg8[%dma_wait3A_83, %dma_wait3A_84] : memref<128x128xf32, #tpu.memory_space<vmem>> -> memref<128x128xf32, #tpu.memory_space<vmem>>
        tpu.wait_dma2 semaphore(%run_scoped3A : memref<!tpu.dma_semaphore, #tpu.memory_space<semaphore_mem>>) src(%dma_wait3A_85 : memref<128x128xf32, #tpu.memory_space<vmem>>) dst(%dma_wait3A_82 : memref<128x128xf32, #tpu.memory_space<vmem_shared>>)
        tpu.yield
      }) : () -> ()
      %add3A_64 = arith.constant 384 : i32
      %add3A_65 = arith.addi %mul3A_5, %add3A_64 : i32
      "tpu.region"() ({
        %run_scoped3A = tpu.sem_alloc : memref<!tpu.dma_semaphore, #tpu.memory_space<semaphore_mem>>
        %dma_start3A = arith.constant 0 : i32
        %dma_start3A_68 = arith.constant 0 : i32
        %dma_start3A_69 = tpu.memref_slice %arg8[%dma_start3A, %dma_start3A_68] : memref<128x128xf32, #tpu.memory_space<vmem>> -> memref<128x128xf32, #tpu.memory_space<vmem>>
        %dma_start3A_70 = arith.constant 0 : i32
        %dma_start3A_71 = tpu.memref_slice %arg9[%add3A_65, %dma_start3A_70] : memref<10008x128xf32, #tpu.memory_space<vmem_shared>> -> memref<128x128xf32, #tpu.memory_space<vmem_shared>>
        %dma_start3A_72 = arith.constant 0 : i32
        %dma_start3A_73 = tpu.memref_slice %arg9[%add3A_65, %dma_start3A_72] : memref<10008x128xf32, #tpu.memory_space<vmem_shared>> -> memref<128x128xf32, #tpu.memory_space<vmem_shared>>
        %dma_start3A_74 = arith.constant 0 : i32
        %dma_start3A_75 = arith.constant 0 : i32
        %dma_start3A_76 = tpu.memref_slice %arg8[%dma_start3A_74, %dma_start3A_75] : memref<128x128xf32, #tpu.memory_space<vmem>> -> memref<128x128xf32, #tpu.memory_space<vmem>>
        tpu.enqueue_dma source(%dma_start3A_76 : memref<128x128xf32, #tpu.memory_space<vmem>>) target(%dma_start3A_73 : memref<128x128xf32, #tpu.memory_space<vmem_shared>>) target_semaphore(%run_scoped3A : memref<!tpu.dma_semaphore, #tpu.memory_space<semaphore_mem>>)
        %dma_wait3A = arith.constant 0 : i32
        %dma_wait3A_77 = arith.constant 0 : i32
        %dma_wait3A_78 = tpu.memref_slice %arg8[%dma_wait3A, %dma_wait3A_77] : memref<128x128xf32, #tpu.memory_space<vmem>> -> memref<128x128xf32, #tpu.memory_space<vmem>>
        %dma_wait3A_79 = arith.constant 0 : i32
        %dma_wait3A_80 = tpu.memref_slice %arg9[%add3A_65, %dma_wait3A_79] : memref<10008x128xf32, #tpu.memory_space<vmem_shared>> -> memref<128x128xf32, #tpu.memory_space<vmem_shared>>
        %dma_wait3A_81 = arith.constant 0 : i32
        %dma_wait3A_82 = tpu.memref_slice %arg9[%add3A_65, %dma_wait3A_81] : memref<10008x128xf32, #tpu.memory_space<vmem_shared>> -> memref<128x128xf32, #tpu.memory_space<vmem_shared>>
        %dma_wait3A_83 = arith.constant 0 : i32
        %dma_wait3A_84 = arith.constant 0 : i32
        %dma_wait3A_85 = tpu.memref_slice %arg8[%dma_wait3A_83, %dma_wait3A_84] : memref<128x128xf32, #tpu.memory_space<vmem>> -> memref<128x128xf32, #tpu.memory_space<vmem>>
        tpu.wait_dma2 semaphore(%run_scoped3A : memref<!tpu.dma_semaphore, #tpu.memory_space<semaphore_mem>>) src(%dma_wait3A_85 : memref<128x128xf32, #tpu.memory_space<vmem>>) dst(%dma_wait3A_82 : memref<128x128xf32, #tpu.memory_space<vmem_shared>>)
        tpu.yield
      }) : () -> ()
      %add3A_66 = arith.constant 512 : i32
      %add3A_67 = arith.addi %mul3A_5, %add3A_66 : i32
      "tpu.region"() ({
        %run_scoped3A = tpu.sem_alloc : memref<!tpu.dma_semaphore, #tpu.memory_space<semaphore_mem>>
        %dma_start3A = arith.constant 0 : i32
        %dma_start3A_68 = arith.constant 0 : i32
        %dma_start3A_69 = tpu.memref_slice %arg8[%dma_start3A, %dma_start3A_68] : memref<128x128xf32, #tpu.memory_space<vmem>> -> memref<16x128xf32, #tpu.memory_space<vmem>>
        %dma_start3A_70 = arith.constant 0 : i32
        %dma_start3A_71 = tpu.memref_slice %arg9[%add3A_67, %dma_start3A_70] : memref<10008x128xf32, #tpu.memory_space<vmem_shared>> -> memref<16x128xf32, #tpu.memory_space<vmem_shared>>
        %dma_start3A_72 = arith.constant 0 : i32
        %dma_start3A_73 = tpu.memref_slice %arg9[%add3A_67, %dma_start3A_72] : memref<10008x128xf32, #tpu.memory_space<vmem_shared>> -> memref<16x128xf32, #tpu.memory_space<vmem_shared>>
        %dma_start3A_74 = arith.constant 0 : i32
        %dma_start3A_75 = arith.constant 0 : i32
        %dma_start3A_76 = tpu.memref_slice %arg8[%dma_start3A_74, %dma_start3A_75] : memref<128x128xf32, #tpu.memory_space<vmem>> -> memref<16x128xf32, #tpu.memory_space<vmem>>
        tpu.enqueue_dma source(%dma_start3A_76 : memref<16x128xf32, #tpu.memory_space<vmem>>) target(%dma_start3A_73 : memref<16x128xf32, #tpu.memory_space<vmem_shared>>) target_semaphore(%run_scoped3A : memref<!tpu.dma_semaphore, #tpu.memory_space<semaphore_mem>>)
        %dma_wait3A = arith.constant 0 : i32
        %dma_wait3A_77 = arith.constant 0 : i32
        %dma_wait3A_78 = tpu.memref_slice %arg8[%dma_wait3A, %dma_wait3A_77] : memref<128x128xf32, #tpu.memory_space<vmem>> -> memref<16x128xf32, #tpu.memory_space<vmem>>
        %dma_wait3A_79 = arith.constant 0 : i32
        %dma_wait3A_80 = tpu.memref_slice %arg9[%add3A_67, %dma_wait3A_79] : memref<10008x128xf32, #tpu.memory_space<vmem_shared>> -> memref<16x128xf32, #tpu.memory_space<vmem_shared>>
        %dma_wait3A_81 = arith.constant 0 : i32
        %dma_wait3A_82 = tpu.memref_slice %arg9[%add3A_67, %dma_wait3A_81] : memref<10008x128xf32, #tpu.memory_space<vmem_shared>> -> memref<16x128xf32, #tpu.memory_space<vmem_shared>>
        %dma_wait3A_83 = arith.constant 0 : i32
        %dma_wait3A_84 = arith.constant 0 : i32
        %dma_wait3A_85 = tpu.memref_slice %arg8[%dma_wait3A_83, %dma_wait3A_84] : memref<128x128xf32, #tpu.memory_space<vmem>> -> memref<16x128xf32, #tpu.memory_space<vmem>>
        tpu.wait_dma2 semaphore(%run_scoped3A : memref<!tpu.dma_semaphore, #tpu.memory_space<semaphore_mem>>) src(%dma_wait3A_85 : memref<16x128xf32, #tpu.memory_space<vmem>>) dst(%dma_wait3A_82 : memref<16x128xf32, #tpu.memory_space<vmem_shared>>)
        tpu.yield
      }) : () -> ()
    } else {
    }
    %barrier3A = arith.constant 0 : index
    tpu.barrier barrier_id(%barrier3A)
    %mul3A_12 = arith.constant 16 : i32
    %mul3A_13 = arith.muli %arg0, %mul3A_12 : i32
    %add3A = arith.addi %mul3A_13, %arg1 : i32
    %sub3A = arith.constant 2500 : i32
    %sub3A_14 = arith.subi %sub3A, %add3A : i32
    %add3A_15 = arith.constant 32 : i32
    %add3A_16 = arith.addi %sub3A_14, %add3A_15 : i32
    %sub3A_17 = arith.constant 1 : i32
    %sub3A_18 = arith.subi %add3A_16, %sub3A_17 : i32
    %jit3A = arith.constant 32 : i32
    %div3A = arith.divsi %sub3A_18, %jit3A : i32
    %sign3A = arith.constant 0 : i32
    %sign3A_19 = arith.cmpi sgt, %sub3A_18, %sign3A : i32
    %sign3A_20 = arith.extui %sign3A_19 : i1 to i32
    %sign3A_21 = arith.constant 0 : i32
    %sign3A_22 = arith.cmpi slt, %sub3A_18, %sign3A_21 : i32
    %sign3A_23 = arith.extui %sign3A_22 : i1 to i32
    %sign3A_24 = arith.subi %sign3A_20, %sign3A_23 : i32
    %sign3A_25 = arith.constant 0 : i32
    %sign3A_26 = arith.cmpi sgt, %jit3A, %sign3A_25 : i32
    %sign3A_27 = arith.extui %sign3A_26 : i1 to i32
    %sign3A_28 = arith.constant 0 : i32
    %sign3A_29 = arith.cmpi slt, %jit3A, %sign3A_28 : i32
    %sign3A_30 = arith.extui %sign3A_29 : i1 to i32
    %sign3A_31 = arith.subi %sign3A_27, %sign3A_30 : i32
    %ne3A = arith.cmpi ne, %sign3A_24, %sign3A_31 : i32
    %rem3A = arith.remsi %sub3A_18, %jit3A : i32
    %ne3A_32 = arith.constant 0 : i32
    %ne3A_33 = arith.cmpi ne, %rem3A, %ne3A_32 : i32
    %and3A = arith.andi %ne3A, %ne3A_33 : i1
    %sub3A_34 = arith.constant 1 : i32
    %sub3A_35 = arith.subi %div3A, %sub3A_34 : i32
    %select_n3A = arith.select %and3A, %sub3A_35, %div3A : i32
    %while3A = arith.constant 0 : i32
    %while3A_36 = arith.subi %select_n3A, %while3A : i32
    %while3A_37 = arith.addi %while3A, %while3A_36 : i32
    %while3A_38 = arith.constant 1 : i32
    %while3A_39 = arith.divsi %while3A_36, %while3A_38 : i32
    %while3A_40 = arith.muli %while3A_39, %while3A_38 : i32
    %while3A_41 = arith.addi %while3A, %while3A_40 : i32
    %while3A_42 = arith.constant 1 : i32
    scf.for %while3A_58 = %while3A to %while3A_41 step %while3A_42  : i32 {
      %mul3A_59 = arith.constant 32 : i32
      %mul3A_60 = arith.muli %while3A_58, %mul3A_59 : i32
      %add3A_61 = arith.addi %add3A, %mul3A_60 : i32
      %run_scoped3A = arith.constant 0 : i32
      "tpu.region"() ({
        %run_scoped3A_92 = tpu.sem_alloc : memref<!tpu.dma_semaphore, #tpu.memory_space<semaphore_mem>>
        %dma_start3A_93 = arith.constant 0 : i32
        %dma_start3A_94 = arith.constant 0 : i32
        %dma_start3A_95 = tpu.memref_slice %arg5[%dma_start3A_93, %run_scoped3A, %dma_start3A_94] : memref<2x8x128xi32, #tpu.memory_space<vmem>> -> memref<2x1x128xi32, #tpu.memory_space<vmem>>
        %dma_start3A_96 = tpu.memref_squeeze %dma_start3A_95 : memref<2x1x128xi32, #tpu.memory_space<vmem>> -> memref<2x128xi32, #tpu.memory_space<vmem>>
        %dma_start3A_97 = arith.constant 0 : i32
        %dma_start3A_98 = arith.constant 0 : i32
        %dma_start3A_99 = tpu.memref_slice %arg3[%dma_start3A_97, %add3A_61, %dma_start3A_98] : memref<2x2500x128xi32, #tpu.memory_space<hbm>> -> memref<2x1x128xi32, #tpu.memory_space<hbm>>
        %dma_start3A_100 = tpu.memref_squeeze %dma_start3A_99 : memref<2x1x128xi32, #tpu.memory_space<hbm>> -> memref<2x128xi32, #tpu.memory_space<hbm>>
        %dma_start3A_101 = arith.constant 0 : i32
        %dma_start3A_102 = arith.constant 0 : i32
        %dma_start3A_103 = tpu.memref_slice %arg5[%dma_start3A_101, %run_scoped3A, %dma_start3A_102] : memref<2x8x128xi32, #tpu.memory_space<vmem>> -> memref<2x1x128xi32, #tpu.memory_space<vmem>>
        %dma_start3A_104 = tpu.memref_squeeze %dma_start3A_103 : memref<2x1x128xi32, #tpu.memory_space<vmem>> -> memref<2x128xi32, #tpu.memory_space<vmem>>
        %dma_start3A_105 = arith.constant 0 : i32
        %dma_start3A_106 = arith.constant 0 : i32
        %dma_start3A_107 = tpu.memref_slice %arg3[%dma_start3A_105, %add3A_61, %dma_start3A_106] : memref<2x2500x128xi32, #tpu.memory_space<hbm>> -> memref<2x1x128xi32, #tpu.memory_space<hbm>>
        %dma_start3A_108 = tpu.memref_squeeze %dma_start3A_107 : memref<2x1x128xi32, #tpu.memory_space<hbm>> -> memref<2x128xi32, #tpu.memory_space<hbm>>
        tpu.enqueue_dma source(%dma_start3A_108 : memref<2x128xi32, #tpu.memory_space<hbm>>) target(%dma_start3A_104 : memref<2x128xi32, #tpu.memory_space<vmem>>) target_semaphore(%run_scoped3A_92 : memref<!tpu.dma_semaphore, #tpu.memory_space<semaphore_mem>>)
        %dma_wait3A_109 = arith.constant 0 : i32
        %dma_wait3A_110 = arith.constant 0 : i32
        %dma_wait3A_111 = tpu.memref_slice %arg5[%dma_wait3A_109, %run_scoped3A, %dma_wait3A_110] : memref<2x8x128xi32, #tpu.memory_space<vmem>> -> memref<2x1x128xi32, #tpu.memory_space<vmem>>
        %dma_wait3A_112 = tpu.memref_squeeze %dma_wait3A_111 : memref<2x1x128xi32, #tpu.memory_space<vmem>> -> memref<2x128xi32, #tpu.memory_space<vmem>>
        %dma_wait3A_113 = arith.constant 0 : i32
        %dma_wait3A_114 = arith.constant 0 : i32
        %dma_wait3A_115 = tpu.memref_slice %arg3[%dma_wait3A_113, %add3A_61, %dma_wait3A_114] : memref<2x2500x128xi32, #tpu.memory_space<hbm>> -> memref<2x1x128xi32, #tpu.memory_space<hbm>>
        %dma_wait3A_116 = tpu.memref_squeeze %dma_wait3A_115 : memref<2x1x128xi32, #tpu.memory_space<hbm>> -> memref<2x128xi32, #tpu.memory_space<hbm>>
        %dma_wait3A_117 = arith.constant 0 : i32
        %dma_wait3A_118 = arith.constant 0 : i32
        %dma_wait3A_119 = tpu.memref_slice %arg5[%dma_wait3A_117, %run_scoped3A, %dma_wait3A_118] : memref<2x8x128xi32, #tpu.memory_space<vmem>> -> memref<2x1x128xi32, #tpu.memory_space<vmem>>
        %dma_wait3A_120 = tpu.memref_squeeze %dma_wait3A_119 : memref<2x1x128xi32, #tpu.memory_space<vmem>> -> memref<2x128xi32, #tpu.memory_space<vmem>>
        %dma_wait3A_121 = arith.constant 0 : i32
        %dma_wait3A_122 = arith.constant 0 : i32
        %dma_wait3A_123 = tpu.memref_slice %arg3[%dma_wait3A_121, %add3A_61, %dma_wait3A_122] : memref<2x2500x128xi32, #tpu.memory_space<hbm>> -> memref<2x1x128xi32, #tpu.memory_space<hbm>>
        %dma_wait3A_124 = tpu.memref_squeeze %dma_wait3A_123 : memref<2x1x128xi32, #tpu.memory_space<hbm>> -> memref<2x128xi32, #tpu.memory_space<hbm>>
        tpu.wait_dma2 semaphore(%run_scoped3A_92 : memref<!tpu.dma_semaphore, #tpu.memory_space<semaphore_mem>>) src(%dma_wait3A_124 : memref<2x128xi32, #tpu.memory_space<hbm>>) dst(%dma_wait3A_120 : memref<2x128xi32, #tpu.memory_space<vmem>>)
        tpu.yield
      }) : () -> ()
      %dma_start3A = arith.constant 0 : i32
      %dma_start3A_62 = arith.constant 0 : i32
      %dma_start3A_63 = arith.constant 0 : i32
      %dma_start3A_64 = tpu.memref_slice %arg5[%dma_start3A, %dma_start3A_62, %dma_start3A_63] : memref<2x8x128xi32, #tpu.memory_space<vmem>> -> memref<1x1x128xi32, #tpu.memory_space<vmem>>
      %dma_start3A_65 = tpu.memref_squeeze %dma_start3A_64 : memref<1x1x128xi32, #tpu.memory_space<vmem>> -> memref<128xi32, #tpu.memory_space<vmem>>
      %dma_start3A_66 = arith.constant 0 : i32
      %dma_start3A_67 = arith.constant 0 : i32
      %dma_start3A_68 = tpu.memref_slice %arg2[%dma_start3A_66, %dma_start3A_67] : memref<10000x128xf32, #tpu.memory_space<hbm>> -> memref<10000x128xf32, #tpu.memory_space<hbm>>
      tpu.enqueue_indirect_dma source(%dma_start3A_68 : memref<10000x128xf32, #tpu.memory_space<hbm>>) target(%arg7 : memref<128x128xf32, #tpu.memory_space<vmem>>) offsets(%dma_start3A_65 : memref<128xi32, #tpu.memory_space<vmem>>) semaphore(%arg12 : memref<!tpu.dma_semaphore, #tpu.memory_space<semaphore_mem>>)
      %dma_wait3A = arith.constant 0 : i32
      %dma_wait3A_69 = arith.constant 0 : i32
      %dma_wait3A_70 = arith.constant 0 : i32
      %dma_wait3A_71 = tpu.memref_slice %arg5[%dma_wait3A, %dma_wait3A_69, %dma_wait3A_70] : memref<2x8x128xi32, #tpu.memory_space<vmem>> -> memref<1x1x128xi32, #tpu.memory_space<vmem>>
      %dma_wait3A_72 = tpu.memref_squeeze %dma_wait3A_71 : memref<1x1x128xi32, #tpu.memory_space<vmem>> -> memref<128xi32, #tpu.memory_space<vmem>>
      %dma_wait3A_73 = arith.constant 0 : i32
      %dma_wait3A_74 = arith.constant 0 : i32
      %dma_wait3A_75 = tpu.memref_slice %arg2[%dma_wait3A_73, %dma_wait3A_74] : memref<10000x128xf32, #tpu.memory_space<hbm>> -> memref<10000x128xf32, #tpu.memory_space<hbm>>
      tpu.wait_indirect_dma semaphore(%arg12 : memref<!tpu.dma_semaphore, #tpu.memory_space<semaphore_mem>>) src(%dma_wait3A_75 : memref<10000x128xf32, #tpu.memory_space<hbm>>) dst(%arg7 : memref<128x128xf32, #tpu.memory_space<vmem>>)
      %dma_start3A_76 = arith.constant 1 : i32
      %dma_start3A_77 = arith.constant 0 : i32
      %dma_start3A_78 = arith.constant 0 : i32
      %dma_start3A_79 = tpu.memref_slice %arg5[%dma_start3A_76, %dma_start3A_77, %dma_start3A_78] : memref<2x8x128xi32, #tpu.memory_space<vmem>> -> memref<1x1x128xi32, #tpu.memory_space<vmem>>
      %dma_start3A_80 = tpu.memref_squeeze %dma_start3A_79 : memref<1x1x128xi32, #tpu.memory_space<vmem>> -> memref<128xi32, #tpu.memory_space<vmem>>
      %dma_start3A_81 = arith.constant 0 : i32
      %dma_start3A_82 = arith.constant 0 : i32
      %dma_start3A_83 = tpu.memref_slice %arg9[%dma_start3A_81, %dma_start3A_82] : memref<10008x128xf32, #tpu.memory_space<vmem_shared>> -> memref<10008x128xf32, #tpu.memory_space<vmem_shared>>
      tpu.enqueue_indirect_dma source(%arg7 : memref<128x128xf32, #tpu.memory_space<vmem>>) target(%dma_start3A_83 : memref<10008x128xf32, #tpu.memory_space<vmem_shared>>) offsets(%dma_start3A_80 : memref<128xi32, #tpu.memory_space<vmem>>) semaphore(%arg14 : memref<!tpu.dma_semaphore, #tpu.memory_space<semaphore_mem>>) {add = true}
      %dma_wait3A_84 = arith.constant 1 : i32
      %dma_wait3A_85 = arith.constant 0 : i32
      %dma_wait3A_86 = arith.constant 0 : i32
      %dma_wait3A_87 = tpu.memref_slice %arg5[%dma_wait3A_84, %dma_wait3A_85, %dma_wait3A_86] : memref<2x8x128xi32, #tpu.memory_space<vmem>> -> memref<1x1x128xi32, #tpu.memory_space<vmem>>
      %dma_wait3A_88 = tpu.memref_squeeze %dma_wait3A_87 : memref<1x1x128xi32, #tpu.memory_space<vmem>> -> memref<128xi32, #tpu.memory_space<vmem>>
      %dma_wait3A_89 = arith.constant 0 : i32
      %dma_wait3A_90 = arith.constant 0 : i32
      %dma_wait3A_91 = tpu.memref_slice %arg9[%dma_wait3A_89, %dma_wait3A_90] : memref<10008x128xf32, #tpu.memory_space<vmem_shared>> -> memref<10008x128xf32, #tpu.memory_space<vmem_shared>>
      tpu.wait_indirect_dma semaphore(%arg14 : memref<!tpu.dma_semaphore, #tpu.memory_space<semaphore_mem>>) src(%arg7 : memref<128x128xf32, #tpu.memory_space<vmem>>) dst(%dma_wait3A_91 : memref<10008x128xf32, #tpu.memory_space<vmem_shared>>)
    }
    %while3A_43 = arith.constant 1 : i32
    scf.for %while3A_58 = %while3A_41 to %while3A_37 step %while3A_43  : i32 {
      %mul3A_59 = arith.constant 32 : i32
      %mul3A_60 = arith.muli %while3A_58, %mul3A_59 : i32
      %add3A_61 = arith.addi %add3A, %mul3A_60 : i32
      %run_scoped3A = arith.constant 0 : i32
      "tpu.region"() ({
        %run_scoped3A_92 = tpu.sem_alloc : memref<!tpu.dma_semaphore, #tpu.memory_space<semaphore_mem>>
        %dma_start3A_93 = arith.constant 0 : i32
        %dma_start3A_94 = arith.constant 0 : i32
        %dma_start3A_95 = tpu.memref_slice %arg5[%dma_start3A_93, %run_scoped3A, %dma_start3A_94] : memref<2x8x128xi32, #tpu.memory_space<vmem>> -> memref<2x1x128xi32, #tpu.memory_space<vmem>>
        %dma_start3A_96 = tpu.memref_squeeze %dma_start3A_95 : memref<2x1x128xi32, #tpu.memory_space<vmem>> -> memref<2x128xi32, #tpu.memory_space<vmem>>
        %dma_start3A_97 = arith.constant 0 : i32
        %dma_start3A_98 = arith.constant 0 : i32
        %dma_start3A_99 = tpu.memref_slice %arg3[%dma_start3A_97, %add3A_61, %dma_start3A_98] : memref<2x2500x128xi32, #tpu.memory_space<hbm>> -> memref<2x1x128xi32, #tpu.memory_space<hbm>>
        %dma_start3A_100 = tpu.memref_squeeze %dma_start3A_99 : memref<2x1x128xi32, #tpu.memory_space<hbm>> -> memref<2x128xi32, #tpu.memory_space<hbm>>
        %dma_start3A_101 = arith.constant 0 : i32
        %dma_start3A_102 = arith.constant 0 : i32
        %dma_start3A_103 = tpu.memref_slice %arg5[%dma_start3A_101, %run_scoped3A, %dma_start3A_102] : memref<2x8x128xi32, #tpu.memory_space<vmem>> -> memref<2x1x128xi32, #tpu.memory_space<vmem>>
        %dma_start3A_104 = tpu.memref_squeeze %dma_start3A_103 : memref<2x1x128xi32, #tpu.memory_space<vmem>> -> memref<2x128xi32, #tpu.memory_space<vmem>>
        %dma_start3A_105 = arith.constant 0 : i32
        %dma_start3A_106 = arith.constant 0 : i32
        %dma_start3A_107 = tpu.memref_slice %arg3[%dma_start3A_105, %add3A_61, %dma_start3A_106] : memref<2x2500x128xi32, #tpu.memory_space<hbm>> -> memref<2x1x128xi32, #tpu.memory_space<hbm>>
        %dma_start3A_108 = tpu.memref_squeeze %dma_start3A_107 : memref<2x1x128xi32, #tpu.memory_space<hbm>> -> memref<2x128xi32, #tpu.memory_space<hbm>>
        tpu.enqueue_dma source(%dma_start3A_108 : memref<2x128xi32, #tpu.memory_space<hbm>>) target(%dma_start3A_104 : memref<2x128xi32, #tpu.memory_space<vmem>>) target_semaphore(%run_scoped3A_92 : memref<!tpu.dma_semaphore, #tpu.memory_space<semaphore_mem>>)
        %dma_wait3A_109 = arith.constant 0 : i32
        %dma_wait3A_110 = arith.constant 0 : i32
        %dma_wait3A_111 = tpu.memref_slice %arg5[%dma_wait3A_109, %run_scoped3A, %dma_wait3A_110] : memref<2x8x128xi32, #tpu.memory_space<vmem>> -> memref<2x1x128xi32, #tpu.memory_space<vmem>>
        %dma_wait3A_112 = tpu.memref_squeeze %dma_wait3A_111 : memref<2x1x128xi32, #tpu.memory_space<vmem>> -> memref<2x128xi32, #tpu.memory_space<vmem>>
        %dma_wait3A_113 = arith.constant 0 : i32
        %dma_wait3A_114 = arith.constant 0 : i32
        %dma_wait3A_115 = tpu.memref_slice %arg3[%dma_wait3A_113, %add3A_61, %dma_wait3A_114] : memref<2x2500x128xi32, #tpu.memory_space<hbm>> -> memref<2x1x128xi32, #tpu.memory_space<hbm>>
        %dma_wait3A_116 = tpu.memref_squeeze %dma_wait3A_115 : memref<2x1x128xi32, #tpu.memory_space<hbm>> -> memref<2x128xi32, #tpu.memory_space<hbm>>
        %dma_wait3A_117 = arith.constant 0 : i32
        %dma_wait3A_118 = arith.constant 0 : i32
        %dma_wait3A_119 = tpu.memref_slice %arg5[%dma_wait3A_117, %run_scoped3A, %dma_wait3A_118] : memref<2x8x128xi32, #tpu.memory_space<vmem>> -> memref<2x1x128xi32, #tpu.memory_space<vmem>>
        %dma_wait3A_120 = tpu.memref_squeeze %dma_wait3A_119 : memref<2x1x128xi32, #tpu.memory_space<vmem>> -> memref<2x128xi32, #tpu.memory_space<vmem>>
        %dma_wait3A_121 = arith.constant 0 : i32
        %dma_wait3A_122 = arith.constant 0 : i32
        %dma_wait3A_123 = tpu.memref_slice %arg3[%dma_wait3A_121, %add3A_61, %dma_wait3A_122] : memref<2x2500x128xi32, #tpu.memory_space<hbm>> -> memref<2x1x128xi32, #tpu.memory_space<hbm>>
        %dma_wait3A_124 = tpu.memref_squeeze %dma_wait3A_123 : memref<2x1x128xi32, #tpu.memory_space<hbm>> -> memref<2x128xi32, #tpu.memory_space<hbm>>
        tpu.wait_dma2 semaphore(%run_scoped3A_92 : memref<!tpu.dma_semaphore, #tpu.memory_space<semaphore_mem>>) src(%dma_wait3A_124 : memref<2x128xi32, #tpu.memory_space<hbm>>) dst(%dma_wait3A_120 : memref<2x128xi32, #tpu.memory_space<vmem>>)
        tpu.yield
      }) : () -> ()
      %dma_start3A = arith.constant 0 : i32
      %dma_start3A_62 = arith.constant 0 : i32
      %dma_start3A_63 = arith.constant 0 : i32
      %dma_start3A_64 = tpu.memref_slice %arg5[%dma_start3A, %dma_start3A_62, %dma_start3A_63] : memref<2x8x128xi32, #tpu.memory_space<vmem>> -> memref<1x1x128xi32, #tpu.memory_space<vmem>>
      %dma_start3A_65 = tpu.memref_squeeze %dma_start3A_64 : memref<1x1x128xi32, #tpu.memory_space<vmem>> -> memref<128xi32, #tpu.memory_space<vmem>>
      %dma_start3A_66 = arith.constant 0 : i32
      %dma_start3A_67 = arith.constant 0 : i32
      %dma_start3A_68 = tpu.memref_slice %arg2[%dma_start3A_66, %dma_start3A_67] : memref<10000x128xf32, #tpu.memory_space<hbm>> -> memref<10000x128xf32, #tpu.memory_space<hbm>>
      tpu.enqueue_indirect_dma source(%dma_start3A_68 : memref<10000x128xf32, #tpu.memory_space<hbm>>) target(%arg7 : memref<128x128xf32, #tpu.memory_space<vmem>>) offsets(%dma_start3A_65 : memref<128xi32, #tpu.memory_space<vmem>>) semaphore(%arg12 : memref<!tpu.dma_semaphore, #tpu.memory_space<semaphore_mem>>)
      %dma_wait3A = arith.constant 0 : i32
      %dma_wait3A_69 = arith.constant 0 : i32
      %dma_wait3A_70 = arith.constant 0 : i32
      %dma_wait3A_71 = tpu.memref_slice %arg5[%dma_wait3A, %dma_wait3A_69, %dma_wait3A_70] : memref<2x8x128xi32, #tpu.memory_space<vmem>> -> memref<1x1x128xi32, #tpu.memory_space<vmem>>
      %dma_wait3A_72 = tpu.memref_squeeze %dma_wait3A_71 : memref<1x1x128xi32, #tpu.memory_space<vmem>> -> memref<128xi32, #tpu.memory_space<vmem>>
      %dma_wait3A_73 = arith.constant 0 : i32
      %dma_wait3A_74 = arith.constant 0 : i32
      %dma_wait3A_75 = tpu.memref_slice %arg2[%dma_wait3A_73, %dma_wait3A_74] : memref<10000x128xf32, #tpu.memory_space<hbm>> -> memref<10000x128xf32, #tpu.memory_space<hbm>>
      tpu.wait_indirect_dma semaphore(%arg12 : memref<!tpu.dma_semaphore, #tpu.memory_space<semaphore_mem>>) src(%dma_wait3A_75 : memref<10000x128xf32, #tpu.memory_space<hbm>>) dst(%arg7 : memref<128x128xf32, #tpu.memory_space<vmem>>)
      %dma_start3A_76 = arith.constant 1 : i32
      %dma_start3A_77 = arith.constant 0 : i32
      %dma_start3A_78 = arith.constant 0 : i32
      %dma_start3A_79 = tpu.memref_slice %arg5[%dma_start3A_76, %dma_start3A_77, %dma_start3A_78] : memref<2x8x128xi32, #tpu.memory_space<vmem>> -> memref<1x1x128xi32, #tpu.memory_space<vmem>>
      %dma_start3A_80 = tpu.memref_squeeze %dma_start3A_79 : memref<1x1x128xi32, #tpu.memory_space<vmem>> -> memref<128xi32, #tpu.memory_space<vmem>>
      %dma_start3A_81 = arith.constant 0 : i32
      %dma_start3A_82 = arith.constant 0 : i32
      %dma_start3A_83 = tpu.memref_slice %arg9[%dma_start3A_81, %dma_start3A_82] : memref<10008x128xf32, #tpu.memory_space<vmem_shared>> -> memref<10008x128xf32, #tpu.memory_space<vmem_shared>>
      tpu.enqueue_indirect_dma source(%arg7 : memref<128x128xf32, #tpu.memory_space<vmem>>) target(%dma_start3A_83 : memref<10008x128xf32, #tpu.memory_space<vmem_shared>>) offsets(%dma_start3A_80 : memref<128xi32, #tpu.memory_space<vmem>>) semaphore(%arg14 : memref<!tpu.dma_semaphore, #tpu.memory_space<semaphore_mem>>) {add = true}
      %dma_wait3A_84 = arith.constant 1 : i32
      %dma_wait3A_85 = arith.constant 0 : i32
      %dma_wait3A_86 = arith.constant 0 : i32
      %dma_wait3A_87 = tpu.memref_slice %arg5[%dma_wait3A_84, %dma_wait3A_85, %dma_wait3A_86] : memref<2x8x128xi32, #tpu.memory_space<vmem>> -> memref<1x1x128xi32, #tpu.memory_space<vmem>>
      %dma_wait3A_88 = tpu.memref_squeeze %dma_wait3A_87 : memref<1x1x128xi32, #tpu.memory_space<vmem>> -> memref<128xi32, #tpu.memory_space<vmem>>
      %dma_wait3A_89 = arith.constant 0 : i32
      %dma_wait3A_90 = arith.constant 0 : i32
      %dma_wait3A_91 = tpu.memref_slice %arg9[%dma_wait3A_89, %dma_wait3A_90] : memref<10008x128xf32, #tpu.memory_space<vmem_shared>> -> memref<10008x128xf32, #tpu.memory_space<vmem_shared>>
      tpu.wait_indirect_dma semaphore(%arg14 : memref<!tpu.dma_semaphore, #tpu.memory_space<semaphore_mem>>) src(%arg7 : memref<128x128xf32, #tpu.memory_space<vmem>>) dst(%dma_wait3A_91 : memref<10008x128xf32, #tpu.memory_space<vmem_shared>>)
    }
    %barrier3A_44 = arith.constant 0 : index
    tpu.barrier barrier_id(%barrier3A_44)
    %mul3A_45 = arith.constant 10000 : i32
    %mul3A_46 = arith.muli %arg0, %mul3A_45 : i32
    %add3A_47 = arith.addi %mul3A_46, %mul3A_5 : i32
    %lt3A_48 = arith.constant 15 : i32
    %lt3A_49 = arith.cmpi slt, %arg1, %lt3A_48 : i32
    %convert_element_type3A_50 = arith.extui %lt3A_49 : i1 to i32
    %cond3A_51 = arith.constant 0 : i32
    %cond3A_52 = arith.cmpi ne, %convert_element_type3A_50, %cond3A_51 : i32
    scf.if %cond3A_52 {
      %add3A_58 = arith.constant 0 : i32
      %add3A_59 = arith.addi %mul3A_5, %add3A_58 : i32
      "tpu.region"() ({
        %run_scoped3A = tpu.sem_alloc : memref<!tpu.dma_semaphore, #tpu.memory_space<semaphore_mem>>
        %dma_start3A = arith.constant 0 : i32
        %dma_start3A_78 = arith.constant 0 : i32
        %dma_start3A_79 = tpu.memref_slice %arg8[%dma_start3A, %dma_start3A_78] : memref<128x128xf32, #tpu.memory_space<vmem>> -> memref<128x128xf32, #tpu.memory_space<vmem>>
        %dma_start3A_80 = arith.constant 0 : i32
        %dma_start3A_81 = tpu.memref_slice %arg9[%add3A_59, %dma_start3A_80] : memref<10008x128xf32, #tpu.memory_space<vmem_shared>> -> memref<128x128xf32, #tpu.memory_space<vmem_shared>>
        %dma_start3A_82 = arith.constant 0 : i32
        %dma_start3A_83 = arith.constant 0 : i32
        %dma_start3A_84 = tpu.memref_slice %arg8[%dma_start3A_82, %dma_start3A_83] : memref<128x128xf32, #tpu.memory_space<vmem>> -> memref<128x128xf32, #tpu.memory_space<vmem>>
        %dma_start3A_85 = arith.constant 0 : i32
        %dma_start3A_86 = tpu.memref_slice %arg9[%add3A_59, %dma_start3A_85] : memref<10008x128xf32, #tpu.memory_space<vmem_shared>> -> memref<128x128xf32, #tpu.memory_space<vmem_shared>>
        tpu.enqueue_dma source(%dma_start3A_86 : memref<128x128xf32, #tpu.memory_space<vmem_shared>>) target(%dma_start3A_84 : memref<128x128xf32, #tpu.memory_space<vmem>>) target_semaphore(%run_scoped3A : memref<!tpu.dma_semaphore, #tpu.memory_space<semaphore_mem>>)
        %dma_wait3A = arith.constant 0 : i32
        %dma_wait3A_87 = arith.constant 0 : i32
        %dma_wait3A_88 = tpu.memref_slice %arg8[%dma_wait3A, %dma_wait3A_87] : memref<128x128xf32, #tpu.memory_space<vmem>> -> memref<128x128xf32, #tpu.memory_space<vmem>>
        %dma_wait3A_89 = arith.constant 0 : i32
        %dma_wait3A_90 = tpu.memref_slice %arg9[%add3A_59, %dma_wait3A_89] : memref<10008x128xf32, #tpu.memory_space<vmem_shared>> -> memref<128x128xf32, #tpu.memory_space<vmem_shared>>
        %dma_wait3A_91 = arith.constant 0 : i32
        %dma_wait3A_92 = arith.constant 0 : i32
        %dma_wait3A_93 = tpu.memref_slice %arg8[%dma_wait3A_91, %dma_wait3A_92] : memref<128x128xf32, #tpu.memory_space<vmem>> -> memref<128x128xf32, #tpu.memory_space<vmem>>
        %dma_wait3A_94 = arith.constant 0 : i32
        %dma_wait3A_95 = tpu.memref_slice %arg9[%add3A_59, %dma_wait3A_94] : memref<10008x128xf32, #tpu.memory_space<vmem_shared>> -> memref<128x128xf32, #tpu.memory_space<vmem_shared>>
        tpu.wait_dma2 semaphore(%run_scoped3A : memref<!tpu.dma_semaphore, #tpu.memory_space<semaphore_mem>>) src(%dma_wait3A_95 : memref<128x128xf32, #tpu.memory_space<vmem_shared>>) dst(%dma_wait3A_93 : memref<128x128xf32, #tpu.memory_space<vmem>>)
        tpu.yield
      }) : () -> ()
      %add3A_60 = arith.constant 0 : i32
      %add3A_61 = arith.addi %add3A_47, %add3A_60 : i32
      "tpu.region"() ({
        %run_scoped3A = tpu.sem_alloc : memref<!tpu.dma_semaphore, #tpu.memory_space<semaphore_mem>>
        %dma_start3A = arith.constant 0 : i32
        %dma_start3A_78 = arith.constant 0 : i32
        %dma_start3A_79 = tpu.memref_slice %arg8[%dma_start3A, %dma_start3A_78] : memref<128x128xf32, #tpu.memory_space<vmem>> -> memref<128x128xf32, #tpu.memory_space<vmem>>
        %dma_start3A_80 = arith.constant 0 : i32
        %dma_start3A_81 = tpu.memref_slice %arg4[%add3A_61, %dma_start3A_80] : memref<20000x128xf32, #tpu.memory_space<hbm>> -> memref<128x128xf32, #tpu.memory_space<hbm>>
        %dma_start3A_82 = arith.constant 0 : i32
        %dma_start3A_83 = tpu.memref_slice %arg4[%add3A_61, %dma_start3A_82] : memref<20000x128xf32, #tpu.memory_space<hbm>> -> memref<128x128xf32, #tpu.memory_space<hbm>>
        %dma_start3A_84 = arith.constant 0 : i32
        %dma_start3A_85 = arith.constant 0 : i32
        %dma_start3A_86 = tpu.memref_slice %arg8[%dma_start3A_84, %dma_start3A_85] : memref<128x128xf32, #tpu.memory_space<vmem>> -> memref<128x128xf32, #tpu.memory_space<vmem>>
        tpu.enqueue_dma source(%dma_start3A_86 : memref<128x128xf32, #tpu.memory_space<vmem>>) target(%dma_start3A_83 : memref<128x128xf32, #tpu.memory_space<hbm>>) target_semaphore(%run_scoped3A : memref<!tpu.dma_semaphore, #tpu.memory_space<semaphore_mem>>)
        %dma_wait3A = arith.constant 0 : i32
        %dma_wait3A_87 = arith.constant 0 : i32
        %dma_wait3A_88 = tpu.memref_slice %arg8[%dma_wait3A, %dma_wait3A_87] : memref<128x128xf32, #tpu.memory_space<vmem>> -> memref<128x128xf32, #tpu.memory_space<vmem>>
        %dma_wait3A_89 = arith.constant 0 : i32
        %dma_wait3A_90 = tpu.memref_slice %arg4[%add3A_61, %dma_wait3A_89] : memref<20000x128xf32, #tpu.memory_space<hbm>> -> memref<128x128xf32, #tpu.memory_space<hbm>>
        %dma_wait3A_91 = arith.constant 0 : i32
        %dma_wait3A_92 = tpu.memref_slice %arg4[%add3A_61, %dma_wait3A_91] : memref<20000x128xf32, #tpu.memory_space<hbm>> -> memref<128x128xf32, #tpu.memory_space<hbm>>
        %dma_wait3A_93 = arith.constant 0 : i32
        %dma_wait3A_94 = arith.constant 0 : i32
        %dma_wait3A_95 = tpu.memref_slice %arg8[%dma_wait3A_93, %dma_wait3A_94] : memref<128x128xf32, #tpu.memory_space<vmem>> -> memref<128x128xf32, #tpu.memory_space<vmem>>
        tpu.wait_dma2 semaphore(%run_scoped3A : memref<!tpu.dma_semaphore, #tpu.memory_space<semaphore_mem>>) src(%dma_wait3A_95 : memref<128x128xf32, #tpu.memory_space<vmem>>) dst(%dma_wait3A_92 : memref<128x128xf32, #tpu.memory_space<hbm>>)
        tpu.yield
      }) : () -> ()
      %add3A_62 = arith.constant 128 : i32
      %add3A_63 = arith.addi %mul3A_5, %add3A_62 : i32
      "tpu.region"() ({
        %run_scoped3A = tpu.sem_alloc : memref<!tpu.dma_semaphore, #tpu.memory_space<semaphore_mem>>
        %dma_start3A = arith.constant 0 : i32
        %dma_start3A_78 = arith.constant 0 : i32
        %dma_start3A_79 = tpu.memref_slice %arg8[%dma_start3A, %dma_start3A_78] : memref<128x128xf32, #tpu.memory_space<vmem>> -> memref<128x128xf32, #tpu.memory_space<vmem>>
        %dma_start3A_80 = arith.constant 0 : i32
        %dma_start3A_81 = tpu.memref_slice %arg9[%add3A_63, %dma_start3A_80] : memref<10008x128xf32, #tpu.memory_space<vmem_shared>> -> memref<128x128xf32, #tpu.memory_space<vmem_shared>>
        %dma_start3A_82 = arith.constant 0 : i32
        %dma_start3A_83 = arith.constant 0 : i32
        %dma_start3A_84 = tpu.memref_slice %arg8[%dma_start3A_82, %dma_start3A_83] : memref<128x128xf32, #tpu.memory_space<vmem>> -> memref<128x128xf32, #tpu.memory_space<vmem>>
        %dma_start3A_85 = arith.constant 0 : i32
        %dma_start3A_86 = tpu.memref_slice %arg9[%add3A_63, %dma_start3A_85] : memref<10008x128xf32, #tpu.memory_space<vmem_shared>> -> memref<128x128xf32, #tpu.memory_space<vmem_shared>>
        tpu.enqueue_dma source(%dma_start3A_86 : memref<128x128xf32, #tpu.memory_space<vmem_shared>>) target(%dma_start3A_84 : memref<128x128xf32, #tpu.memory_space<vmem>>) target_semaphore(%run_scoped3A : memref<!tpu.dma_semaphore, #tpu.memory_space<semaphore_mem>>)
        %dma_wait3A = arith.constant 0 : i32
        %dma_wait3A_87 = arith.constant 0 : i32
        %dma_wait3A_88 = tpu.memref_slice %arg8[%dma_wait3A, %dma_wait3A_87] : memref<128x128xf32, #tpu.memory_space<vmem>> -> memref<128x128xf32, #tpu.memory_space<vmem>>
        %dma_wait3A_89 = arith.constant 0 : i32
        %dma_wait3A_90 = tpu.memref_slice %arg9[%add3A_63, %dma_wait3A_89] : memref<10008x128xf32, #tpu.memory_space<vmem_shared>> -> memref<128x128xf32, #tpu.memory_space<vmem_shared>>
        %dma_wait3A_91 = arith.constant 0 : i32
        %dma_wait3A_92 = arith.constant 0 : i32
        %dma_wait3A_93 = tpu.memref_slice %arg8[%dma_wait3A_91, %dma_wait3A_92] : memref<128x128xf32, #tpu.memory_space<vmem>> -> memref<128x128xf32, #tpu.memory_space<vmem>>
        %dma_wait3A_94 = arith.constant 0 : i32
        %dma_wait3A_95 = tpu.memref_slice %arg9[%add3A_63, %dma_wait3A_94] : memref<10008x128xf32, #tpu.memory_space<vmem_shared>> -> memref<128x128xf32, #tpu.memory_space<vmem_shared>>
        tpu.wait_dma2 semaphore(%run_scoped3A : memref<!tpu.dma_semaphore, #tpu.memory_space<semaphore_mem>>) src(%dma_wait3A_95 : memref<128x128xf32, #tpu.memory_space<vmem_shared>>) dst(%dma_wait3A_93 : memref<128x128xf32, #tpu.memory_space<vmem>>)
        tpu.yield
      }) : () -> ()
      %add3A_64 = arith.constant 128 : i32
      %add3A_65 = arith.addi %add3A_47, %add3A_64 : i32
      "tpu.region"() ({
        %run_scoped3A = tpu.sem_alloc : memref<!tpu.dma_semaphore, #tpu.memory_space<semaphore_mem>>
        %dma_start3A = arith.constant 0 : i32
        %dma_start3A_78 = arith.constant 0 : i32
        %dma_start3A_79 = tpu.memref_slice %arg8[%dma_start3A, %dma_start3A_78] : memref<128x128xf32, #tpu.memory_space<vmem>> -> memref<128x128xf32, #tpu.memory_space<vmem>>
        %dma_start3A_80 = arith.constant 0 : i32
        %dma_start3A_81 = tpu.memref_slice %arg4[%add3A_65, %dma_start3A_80] : memref<20000x128xf32, #tpu.memory_space<hbm>> -> memref<128x128xf32, #tpu.memory_space<hbm>>
        %dma_start3A_82 = arith.constant 0 : i32
        %dma_start3A_83 = tpu.memref_slice %arg4[%add3A_65, %dma_start3A_82] : memref<20000x128xf32, #tpu.memory_space<hbm>> -> memref<128x128xf32, #tpu.memory_space<hbm>>
        %dma_start3A_84 = arith.constant 0 : i32
        %dma_start3A_85 = arith.constant 0 : i32
        %dma_start3A_86 = tpu.memref_slice %arg8[%dma_start3A_84, %dma_start3A_85] : memref<128x128xf32, #tpu.memory_space<vmem>> -> memref<128x128xf32, #tpu.memory_space<vmem>>
        tpu.enqueue_dma source(%dma_start3A_86 : memref<128x128xf32, #tpu.memory_space<vmem>>) target(%dma_start3A_83 : memref<128x128xf32, #tpu.memory_space<hbm>>) target_semaphore(%run_scoped3A : memref<!tpu.dma_semaphore, #tpu.memory_space<semaphore_mem>>)
        %dma_wait3A = arith.constant 0 : i32
        %dma_wait3A_87 = arith.constant 0 : i32
        %dma_wait3A_88 = tpu.memref_slice %arg8[%dma_wait3A, %dma_wait3A_87] : memref<128x128xf32, #tpu.memory_space<vmem>> -> memref<128x128xf32, #tpu.memory_space<vmem>>
        %dma_wait3A_89 = arith.constant 0 : i32
        %dma_wait3A_90 = tpu.memref_slice %arg4[%add3A_65, %dma_wait3A_89] : memref<20000x128xf32, #tpu.memory_space<hbm>> -> memref<128x128xf32, #tpu.memory_space<hbm>>
        %dma_wait3A_91 = arith.constant 0 : i32
        %dma_wait3A_92 = tpu.memref_slice %arg4[%add3A_65, %dma_wait3A_91] : memref<20000x128xf32, #tpu.memory_space<hbm>> -> memref<128x128xf32, #tpu.memory_space<hbm>>
        %dma_wait3A_93 = arith.constant 0 : i32
        %dma_wait3A_94 = arith.constant 0 : i32
        %dma_wait3A_95 = tpu.memref_slice %arg8[%dma_wait3A_93, %dma_wait3A_94] : memref<128x128xf32, #tpu.memory_space<vmem>> -> memref<128x128xf32, #tpu.memory_space<vmem>>
        tpu.wait_dma2 semaphore(%run_scoped3A : memref<!tpu.dma_semaphore, #tpu.memory_space<semaphore_mem>>) src(%dma_wait3A_95 : memref<128x128xf32, #tpu.memory_space<vmem>>) dst(%dma_wait3A_92 : memref<128x128xf32, #tpu.memory_space<hbm>>)
        tpu.yield
      }) : () -> ()
      %add3A_66 = arith.constant 256 : i32
      %add3A_67 = arith.addi %mul3A_5, %add3A_66 : i32
      "tpu.region"() ({
        %run_scoped3A = tpu.sem_alloc : memref<!tpu.dma_semaphore, #tpu.memory_space<semaphore_mem>>
        %dma_start3A = arith.constant 0 : i32
        %dma_start3A_78 = arith.constant 0 : i32
        %dma_start3A_79 = tpu.memref_slice %arg8[%dma_start3A, %dma_start3A_78] : memref<128x128xf32, #tpu.memory_space<vmem>> -> memref<128x128xf32, #tpu.memory_space<vmem>>
        %dma_start3A_80 = arith.constant 0 : i32
        %dma_start3A_81 = tpu.memref_slice %arg9[%add3A_67, %dma_start3A_80] : memref<10008x128xf32, #tpu.memory_space<vmem_shared>> -> memref<128x128xf32, #tpu.memory_space<vmem_shared>>
        %dma_start3A_82 = arith.constant 0 : i32
        %dma_start3A_83 = arith.constant 0 : i32
        %dma_start3A_84 = tpu.memref_slice %arg8[%dma_start3A_82, %dma_start3A_83] : memref<128x128xf32, #tpu.memory_space<vmem>> -> memref<128x128xf32, #tpu.memory_space<vmem>>
        %dma_start3A_85 = arith.constant 0 : i32
        %dma_start3A_86 = tpu.memref_slice %arg9[%add3A_67, %dma_start3A_85] : memref<10008x128xf32, #tpu.memory_space<vmem_shared>> -> memref<128x128xf32, #tpu.memory_space<vmem_shared>>
        tpu.enqueue_dma source(%dma_start3A_86 : memref<128x128xf32, #tpu.memory_space<vmem_shared>>) target(%dma_start3A_84 : memref<128x128xf32, #tpu.memory_space<vmem>>) target_semaphore(%run_scoped3A : memref<!tpu.dma_semaphore, #tpu.memory_space<semaphore_mem>>)
        %dma_wait3A = arith.constant 0 : i32
        %dma_wait3A_87 = arith.constant 0 : i32
        %dma_wait3A_88 = tpu.memref_slice %arg8[%dma_wait3A, %dma_wait3A_87] : memref<128x128xf32, #tpu.memory_space<vmem>> -> memref<128x128xf32, #tpu.memory_space<vmem>>
        %dma_wait3A_89 = arith.constant 0 : i32
        %dma_wait3A_90 = tpu.memref_slice %arg9[%add3A_67, %dma_wait3A_89] : memref<10008x128xf32, #tpu.memory_space<vmem_shared>> -> memref<128x128xf32, #tpu.memory_space<vmem_shared>>
        %dma_wait3A_91 = arith.constant 0 : i32
        %dma_wait3A_92 = arith.constant 0 : i32
        %dma_wait3A_93 = tpu.memref_slice %arg8[%dma_wait3A_91, %dma_wait3A_92] : memref<128x128xf32, #tpu.memory_space<vmem>> -> memref<128x128xf32, #tpu.memory_space<vmem>>
        %dma_wait3A_94 = arith.constant 0 : i32
        %dma_wait3A_95 = tpu.memref_slice %arg9[%add3A_67, %dma_wait3A_94] : memref<10008x128xf32, #tpu.memory_space<vmem_shared>> -> memref<128x128xf32, #tpu.memory_space<vmem_shared>>
        tpu.wait_dma2 semaphore(%run_scoped3A : memref<!tpu.dma_semaphore, #tpu.memory_space<semaphore_mem>>) src(%dma_wait3A_95 : memref<128x128xf32, #tpu.memory_space<vmem_shared>>) dst(%dma_wait3A_93 : memref<128x128xf32, #tpu.memory_space<vmem>>)
        tpu.yield
      }) : () -> ()
      %add3A_68 = arith.constant 256 : i32
      %add3A_69 = arith.addi %add3A_47, %add3A_68 : i32
      "tpu.region"() ({
        %run_scoped3A = tpu.sem_alloc : memref<!tpu.dma_semaphore, #tpu.memory_space<semaphore_mem>>
        %dma_start3A = arith.constant 0 : i32
        %dma_start3A_78 = arith.constant 0 : i32
        %dma_start3A_79 = tpu.memref_slice %arg8[%dma_start3A, %dma_start3A_78] : memref<128x128xf32, #tpu.memory_space<vmem>> -> memref<128x128xf32, #tpu.memory_space<vmem>>
        %dma_start3A_80 = arith.constant 0 : i32
        %dma_start3A_81 = tpu.memref_slice %arg4[%add3A_69, %dma_start3A_80] : memref<20000x128xf32, #tpu.memory_space<hbm>> -> memref<128x128xf32, #tpu.memory_space<hbm>>
        %dma_start3A_82 = arith.constant 0 : i32
        %dma_start3A_83 = tpu.memref_slice %arg4[%add3A_69, %dma_start3A_82] : memref<20000x128xf32, #tpu.memory_space<hbm>> -> memref<128x128xf32, #tpu.memory_space<hbm>>
        %dma_start3A_84 = arith.constant 0 : i32
        %dma_start3A_85 = arith.constant 0 : i32
        %dma_start3A_86 = tpu.memref_slice %arg8[%dma_start3A_84, %dma_start3A_85] : memref<128x128xf32, #tpu.memory_space<vmem>> -> memref<128x128xf32, #tpu.memory_space<vmem>>
        tpu.enqueue_dma source(%dma_start3A_86 : memref<128x128xf32, #tpu.memory_space<vmem>>) target(%dma_start3A_83 : memref<128x128xf32, #tpu.memory_space<hbm>>) target_semaphore(%run_scoped3A : memref<!tpu.dma_semaphore, #tpu.memory_space<semaphore_mem>>)
        %dma_wait3A = arith.constant 0 : i32
        %dma_wait3A_87 = arith.constant 0 : i32
        %dma_wait3A_88 = tpu.memref_slice %arg8[%dma_wait3A, %dma_wait3A_87] : memref<128x128xf32, #tpu.memory_space<vmem>> -> memref<128x128xf32, #tpu.memory_space<vmem>>
        %dma_wait3A_89 = arith.constant 0 : i32
        %dma_wait3A_90 = tpu.memref_slice %arg4[%add3A_69, %dma_wait3A_89] : memref<20000x128xf32, #tpu.memory_space<hbm>> -> memref<128x128xf32, #tpu.memory_space<hbm>>
        %dma_wait3A_91 = arith.constant 0 : i32
        %dma_wait3A_92 = tpu.memref_slice %arg4[%add3A_69, %dma_wait3A_91] : memref<20000x128xf32, #tpu.memory_space<hbm>> -> memref<128x128xf32, #tpu.memory_space<hbm>>
        %dma_wait3A_93 = arith.constant 0 : i32
        %dma_wait3A_94 = arith.constant 0 : i32
        %dma_wait3A_95 = tpu.memref_slice %arg8[%dma_wait3A_93, %dma_wait3A_94] : memref<128x128xf32, #tpu.memory_space<vmem>> -> memref<128x128xf32, #tpu.memory_space<vmem>>
        tpu.wait_dma2 semaphore(%run_scoped3A : memref<!tpu.dma_semaphore, #tpu.memory_space<semaphore_mem>>) src(%dma_wait3A_95 : memref<128x128xf32, #tpu.memory_space<vmem>>) dst(%dma_wait3A_92 : memref<128x128xf32, #tpu.memory_space<hbm>>)
        tpu.yield
      }) : () -> ()
      %add3A_70 = arith.constant 384 : i32
      %add3A_71 = arith.addi %mul3A_5, %add3A_70 : i32
      "tpu.region"() ({
        %run_scoped3A = tpu.sem_alloc : memref<!tpu.dma_semaphore, #tpu.memory_space<semaphore_mem>>
        %dma_start3A = arith.constant 0 : i32
        %dma_start3A_78 = arith.constant 0 : i32
        %dma_start3A_79 = tpu.memref_slice %arg8[%dma_start3A, %dma_start3A_78] : memref<128x128xf32, #tpu.memory_space<vmem>> -> memref<128x128xf32, #tpu.memory_space<vmem>>
        %dma_start3A_80 = arith.constant 0 : i32
        %dma_start3A_81 = tpu.memref_slice %arg9[%add3A_71, %dma_start3A_80] : memref<10008x128xf32, #tpu.memory_space<vmem_shared>> -> memref<128x128xf32, #tpu.memory_space<vmem_shared>>
        %dma_start3A_82 = arith.constant 0 : i32
        %dma_start3A_83 = arith.constant 0 : i32
        %dma_start3A_84 = tpu.memref_slice %arg8[%dma_start3A_82, %dma_start3A_83] : memref<128x128xf32, #tpu.memory_space<vmem>> -> memref<128x128xf32, #tpu.memory_space<vmem>>
        %dma_start3A_85 = arith.constant 0 : i32
        %dma_start3A_86 = tpu.memref_slice %arg9[%add3A_71, %dma_start3A_85] : memref<10008x128xf32, #tpu.memory_space<vmem_shared>> -> memref<128x128xf32, #tpu.memory_space<vmem_shared>>
        tpu.enqueue_dma source(%dma_start3A_86 : memref<128x128xf32, #tpu.memory_space<vmem_shared>>) target(%dma_start3A_84 : memref<128x128xf32, #tpu.memory_space<vmem>>) target_semaphore(%run_scoped3A : memref<!tpu.dma_semaphore, #tpu.memory_space<semaphore_mem>>)
        %dma_wait3A = arith.constant 0 : i32
        %dma_wait3A_87 = arith.constant 0 : i32
        %dma_wait3A_88 = tpu.memref_slice %arg8[%dma_wait3A, %dma_wait3A_87] : memref<128x128xf32, #tpu.memory_space<vmem>> -> memref<128x128xf32, #tpu.memory_space<vmem>>
        %dma_wait3A_89 = arith.constant 0 : i32
        %dma_wait3A_90 = tpu.memref_slice %arg9[%add3A_71, %dma_wait3A_89] : memref<10008x128xf32, #tpu.memory_space<vmem_shared>> -> memref<128x128xf32, #tpu.memory_space<vmem_shared>>
        %dma_wait3A_91 = arith.constant 0 : i32
        %dma_wait3A_92 = arith.constant 0 : i32
        %dma_wait3A_93 = tpu.memref_slice %arg8[%dma_wait3A_91, %dma_wait3A_92] : memref<128x128xf32, #tpu.memory_space<vmem>> -> memref<128x128xf32, #tpu.memory_space<vmem>>
        %dma_wait3A_94 = arith.constant 0 : i32
        %dma_wait3A_95 = tpu.memref_slice %arg9[%add3A_71, %dma_wait3A_94] : memref<10008x128xf32, #tpu.memory_space<vmem_shared>> -> memref<128x128xf32, #tpu.memory_space<vmem_shared>>
        tpu.wait_dma2 semaphore(%run_scoped3A : memref<!tpu.dma_semaphore, #tpu.memory_space<semaphore_mem>>) src(%dma_wait3A_95 : memref<128x128xf32, #tpu.memory_space<vmem_shared>>) dst(%dma_wait3A_93 : memref<128x128xf32, #tpu.memory_space<vmem>>)
        tpu.yield
      }) : () -> ()
      %add3A_72 = arith.constant 384 : i32
      %add3A_73 = arith.addi %add3A_47, %add3A_72 : i32
      "tpu.region"() ({
        %run_scoped3A = tpu.sem_alloc : memref<!tpu.dma_semaphore, #tpu.memory_space<semaphore_mem>>
        %dma_start3A = arith.constant 0 : i32
        %dma_start3A_78 = arith.constant 0 : i32
        %dma_start3A_79 = tpu.memref_slice %arg8[%dma_start3A, %dma_start3A_78] : memref<128x128xf32, #tpu.memory_space<vmem>> -> memref<128x128xf32, #tpu.memory_space<vmem>>
        %dma_start3A_80 = arith.constant 0 : i32
        %dma_start3A_81 = tpu.memref_slice %arg4[%add3A_73, %dma_start3A_80] : memref<20000x128xf32, #tpu.memory_space<hbm>> -> memref<128x128xf32, #tpu.memory_space<hbm>>
        %dma_start3A_82 = arith.constant 0 : i32
        %dma_start3A_83 = tpu.memref_slice %arg4[%add3A_73, %dma_start3A_82] : memref<20000x128xf32, #tpu.memory_space<hbm>> -> memref<128x128xf32, #tpu.memory_space<hbm>>
        %dma_start3A_84 = arith.constant 0 : i32
        %dma_start3A_85 = arith.constant 0 : i32
        %dma_start3A_86 = tpu.memref_slice %arg8[%dma_start3A_84, %dma_start3A_85] : memref<128x128xf32, #tpu.memory_space<vmem>> -> memref<128x128xf32, #tpu.memory_space<vmem>>
        tpu.enqueue_dma source(%dma_start3A_86 : memref<128x128xf32, #tpu.memory_space<vmem>>) target(%dma_start3A_83 : memref<128x128xf32, #tpu.memory_space<hbm>>) target_semaphore(%run_scoped3A : memref<!tpu.dma_semaphore, #tpu.memory_space<semaphore_mem>>)
        %dma_wait3A = arith.constant 0 : i32
        %dma_wait3A_87 = arith.constant 0 : i32
        %dma_wait3A_88 = tpu.memref_slice %arg8[%dma_wait3A, %dma_wait3A_87] : memref<128x128xf32, #tpu.memory_space<vmem>> -> memref<128x128xf32, #tpu.memory_space<vmem>>
        %dma_wait3A_89 = arith.constant 0 : i32
        %dma_wait3A_90 = tpu.memref_slice %arg4[%add3A_73, %dma_wait3A_89] : memref<20000x128xf32, #tpu.memory_space<hbm>> -> memref<128x128xf32, #tpu.memory_space<hbm>>
        %dma_wait3A_91 = arith.constant 0 : i32
        %dma_wait3A_92 = tpu.memref_slice %arg4[%add3A_73, %dma_wait3A_91] : memref<20000x128xf32, #tpu.memory_space<hbm>> -> memref<128x128xf32, #tpu.memory_space<hbm>>
        %dma_wait3A_93 = arith.constant 0 : i32
        %dma_wait3A_94 = arith.constant 0 : i32
        %dma_wait3A_95 = tpu.memref_slice %arg8[%dma_wait3A_93, %dma_wait3A_94] : memref<128x128xf32, #tpu.memory_space<vmem>> -> memref<128x128xf32, #tpu.memory_space<vmem>>
        tpu.wait_dma2 semaphore(%run_scoped3A : memref<!tpu.dma_semaphore, #tpu.memory_space<semaphore_mem>>) src(%dma_wait3A_95 : memref<128x128xf32, #tpu.memory_space<vmem>>) dst(%dma_wait3A_92 : memref<128x128xf32, #tpu.memory_space<hbm>>)
        tpu.yield
      }) : () -> ()
      %add3A_74 = arith.constant 512 : i32
      %add3A_75 = arith.addi %mul3A_5, %add3A_74 : i32
      "tpu.region"() ({
        %run_scoped3A = tpu.sem_alloc : memref<!tpu.dma_semaphore, #tpu.memory_space<semaphore_mem>>
        %dma_start3A = arith.constant 0 : i32
        %dma_start3A_78 = arith.constant 0 : i32
        %dma_start3A_79 = tpu.memref_slice %arg8[%dma_start3A, %dma_start3A_78] : memref<128x128xf32, #tpu.memory_space<vmem>> -> memref<120x128xf32, #tpu.memory_space<vmem>>
        %dma_start3A_80 = arith.constant 0 : i32
        %dma_start3A_81 = tpu.memref_slice %arg9[%add3A_75, %dma_start3A_80] : memref<10008x128xf32, #tpu.memory_space<vmem_shared>> -> memref<120x128xf32, #tpu.memory_space<vmem_shared>>
        %dma_start3A_82 = arith.constant 0 : i32
        %dma_start3A_83 = arith.constant 0 : i32
        %dma_start3A_84 = tpu.memref_slice %arg8[%dma_start3A_82, %dma_start3A_83] : memref<128x128xf32, #tpu.memory_space<vmem>> -> memref<120x128xf32, #tpu.memory_space<vmem>>
        %dma_start3A_85 = arith.constant 0 : i32
        %dma_start3A_86 = tpu.memref_slice %arg9[%add3A_75, %dma_start3A_85] : memref<10008x128xf32, #tpu.memory_space<vmem_shared>> -> memref<120x128xf32, #tpu.memory_space<vmem_shared>>
        tpu.enqueue_dma source(%dma_start3A_86 : memref<120x128xf32, #tpu.memory_space<vmem_shared>>) target(%dma_start3A_84 : memref<120x128xf32, #tpu.memory_space<vmem>>) target_semaphore(%run_scoped3A : memref<!tpu.dma_semaphore, #tpu.memory_space<semaphore_mem>>)
        %dma_wait3A = arith.constant 0 : i32
        %dma_wait3A_87 = arith.constant 0 : i32
        %dma_wait3A_88 = tpu.memref_slice %arg8[%dma_wait3A, %dma_wait3A_87] : memref<128x128xf32, #tpu.memory_space<vmem>> -> memref<120x128xf32, #tpu.memory_space<vmem>>
        %dma_wait3A_89 = arith.constant 0 : i32
        %dma_wait3A_90 = tpu.memref_slice %arg9[%add3A_75, %dma_wait3A_89] : memref<10008x128xf32, #tpu.memory_space<vmem_shared>> -> memref<120x128xf32, #tpu.memory_space<vmem_shared>>
        %dma_wait3A_91 = arith.constant 0 : i32
        %dma_wait3A_92 = arith.constant 0 : i32
        %dma_wait3A_93 = tpu.memref_slice %arg8[%dma_wait3A_91, %dma_wait3A_92] : memref<128x128xf32, #tpu.memory_space<vmem>> -> memref<120x128xf32, #tpu.memory_space<vmem>>
        %dma_wait3A_94 = arith.constant 0 : i32
        %dma_wait3A_95 = tpu.memref_slice %arg9[%add3A_75, %dma_wait3A_94] : memref<10008x128xf32, #tpu.memory_space<vmem_shared>> -> memref<120x128xf32, #tpu.memory_space<vmem_shared>>
        tpu.wait_dma2 semaphore(%run_scoped3A : memref<!tpu.dma_semaphore, #tpu.memory_space<semaphore_mem>>) src(%dma_wait3A_95 : memref<120x128xf32, #tpu.memory_space<vmem_shared>>) dst(%dma_wait3A_93 : memref<120x128xf32, #tpu.memory_space<vmem>>)
        tpu.yield
      }) : () -> ()
      %add3A_76 = arith.constant 512 : i32
      %add3A_77 = arith.addi %add3A_47, %add3A_76 : i32
      "tpu.region"() ({
        %run_scoped3A = tpu.sem_alloc : memref<!tpu.dma_semaphore, #tpu.memory_space<semaphore_mem>>
        %dma_start3A = arith.constant 0 : i32
        %dma_start3A_78 = arith.constant 0 : i32
        %dma_start3A_79 = tpu.memref_slice %arg8[%dma_start3A, %dma_start3A_78] : memref<128x128xf32, #tpu.memory_space<vmem>> -> memref<120x128xf32, #tpu.memory_space<vmem>>
        %dma_start3A_80 = arith.constant 0 : i32
        %dma_start3A_81 = tpu.memref_slice %arg4[%add3A_77, %dma_start3A_80] : memref<20000x128xf32, #tpu.memory_space<hbm>> -> memref<120x128xf32, #tpu.memory_space<hbm>>
        %dma_start3A_82 = arith.constant 0 : i32
        %dma_start3A_83 = tpu.memref_slice %arg4[%add3A_77, %dma_start3A_82] : memref<20000x128xf32, #tpu.memory_space<hbm>> -> memref<120x128xf32, #tpu.memory_space<hbm>>
        %dma_start3A_84 = arith.constant 0 : i32
        %dma_start3A_85 = arith.constant 0 : i32
        %dma_start3A_86 = tpu.memref_slice %arg8[%dma_start3A_84, %dma_start3A_85] : memref<128x128xf32, #tpu.memory_space<vmem>> -> memref<120x128xf32, #tpu.memory_space<vmem>>
        tpu.enqueue_dma source(%dma_start3A_86 : memref<120x128xf32, #tpu.memory_space<vmem>>) target(%dma_start3A_83 : memref<120x128xf32, #tpu.memory_space<hbm>>) target_semaphore(%run_scoped3A : memref<!tpu.dma_semaphore, #tpu.memory_space<semaphore_mem>>)
        %dma_wait3A = arith.constant 0 : i32
        %dma_wait3A_87 = arith.constant 0 : i32
        %dma_wait3A_88 = tpu.memref_slice %arg8[%dma_wait3A, %dma_wait3A_87] : memref<128x128xf32, #tpu.memory_space<vmem>> -> memref<120x128xf32, #tpu.memory_space<vmem>>
        %dma_wait3A_89 = arith.constant 0 : i32
        %dma_wait3A_90 = tpu.memref_slice %arg4[%add3A_77, %dma_wait3A_89] : memref<20000x128xf32, #tpu.memory_space<hbm>> -> memref<120x128xf32, #tpu.memory_space<hbm>>
        %dma_wait3A_91 = arith.constant 0 : i32
        %dma_wait3A_92 = tpu.memref_slice %arg4[%add3A_77, %dma_wait3A_91] : memref<20000x128xf32, #tpu.memory_space<hbm>> -> memref<120x128xf32, #tpu.memory_space<hbm>>
        %dma_wait3A_93 = arith.constant 0 : i32
        %dma_wait3A_94 = arith.constant 0 : i32
        %dma_wait3A_95 = tpu.memref_slice %arg8[%dma_wait3A_93, %dma_wait3A_94] : memref<128x128xf32, #tpu.memory_space<vmem>> -> memref<120x128xf32, #tpu.memory_space<vmem>>
        tpu.wait_dma2 semaphore(%run_scoped3A : memref<!tpu.dma_semaphore, #tpu.memory_space<semaphore_mem>>) src(%dma_wait3A_95 : memref<120x128xf32, #tpu.memory_space<vmem>>) dst(%dma_wait3A_92 : memref<120x128xf32, #tpu.memory_space<hbm>>)
        tpu.yield
      }) : () -> ()
    } else {
    }
    %eq3A_53 = arith.constant 15 : i32
    %eq3A_54 = arith.cmpi eq, %arg1, %eq3A_53 : i32
    %convert_element_type3A_55 = arith.extui %eq3A_54 : i1 to i32
    %cond3A_56 = arith.constant 0 : i32
    %cond3A_57 = arith.cmpi ne, %convert_element_type3A_55, %cond3A_56 : i32
    scf.if %cond3A_57 {
      %add3A_58 = arith.constant 0 : i32
      %add3A_59 = arith.addi %mul3A_5, %add3A_58 : i32
      "tpu.region"() ({
        %run_scoped3A = tpu.sem_alloc : memref<!tpu.dma_semaphore, #tpu.memory_space<semaphore_mem>>
        %dma_start3A = arith.constant 0 : i32
        %dma_start3A_78 = arith.constant 0 : i32
        %dma_start3A_79 = tpu.memref_slice %arg8[%dma_start3A, %dma_start3A_78] : memref<128x128xf32, #tpu.memory_space<vmem>> -> memref<128x128xf32, #tpu.memory_space<vmem>>
        %dma_start3A_80 = arith.constant 0 : i32
        %dma_start3A_81 = tpu.memref_slice %arg9[%add3A_59, %dma_start3A_80] : memref<10008x128xf32, #tpu.memory_space<vmem_shared>> -> memref<128x128xf32, #tpu.memory_space<vmem_shared>>
        %dma_start3A_82 = arith.constant 0 : i32
        %dma_start3A_83 = arith.constant 0 : i32
        %dma_start3A_84 = tpu.memref_slice %arg8[%dma_start3A_82, %dma_start3A_83] : memref<128x128xf32, #tpu.memory_space<vmem>> -> memref<128x128xf32, #tpu.memory_space<vmem>>
        %dma_start3A_85 = arith.constant 0 : i32
        %dma_start3A_86 = tpu.memref_slice %arg9[%add3A_59, %dma_start3A_85] : memref<10008x128xf32, #tpu.memory_space<vmem_shared>> -> memref<128x128xf32, #tpu.memory_space<vmem_shared>>
        tpu.enqueue_dma source(%dma_start3A_86 : memref<128x128xf32, #tpu.memory_space<vmem_shared>>) target(%dma_start3A_84 : memref<128x128xf32, #tpu.memory_space<vmem>>) target_semaphore(%run_scoped3A : memref<!tpu.dma_semaphore, #tpu.memory_space<semaphore_mem>>)
        %dma_wait3A = arith.constant 0 : i32
        %dma_wait3A_87 = arith.constant 0 : i32
        %dma_wait3A_88 = tpu.memref_slice %arg8[%dma_wait3A, %dma_wait3A_87] : memref<128x128xf32, #tpu.memory_space<vmem>> -> memref<128x128xf32, #tpu.memory_space<vmem>>
        %dma_wait3A_89 = arith.constant 0 : i32
        %dma_wait3A_90 = tpu.memref_slice %arg9[%add3A_59, %dma_wait3A_89] : memref<10008x128xf32, #tpu.memory_space<vmem_shared>> -> memref<128x128xf32, #tpu.memory_space<vmem_shared>>
        %dma_wait3A_91 = arith.constant 0 : i32
        %dma_wait3A_92 = arith.constant 0 : i32
        %dma_wait3A_93 = tpu.memref_slice %arg8[%dma_wait3A_91, %dma_wait3A_92] : memref<128x128xf32, #tpu.memory_space<vmem>> -> memref<128x128xf32, #tpu.memory_space<vmem>>
        %dma_wait3A_94 = arith.constant 0 : i32
        %dma_wait3A_95 = tpu.memref_slice %arg9[%add3A_59, %dma_wait3A_94] : memref<10008x128xf32, #tpu.memory_space<vmem_shared>> -> memref<128x128xf32, #tpu.memory_space<vmem_shared>>
        tpu.wait_dma2 semaphore(%run_scoped3A : memref<!tpu.dma_semaphore, #tpu.memory_space<semaphore_mem>>) src(%dma_wait3A_95 : memref<128x128xf32, #tpu.memory_space<vmem_shared>>) dst(%dma_wait3A_93 : memref<128x128xf32, #tpu.memory_space<vmem>>)
        tpu.yield
      }) : () -> ()
      %add3A_60 = arith.constant 0 : i32
      %add3A_61 = arith.addi %add3A_47, %add3A_60 : i32
      "tpu.region"() ({
        %run_scoped3A = tpu.sem_alloc : memref<!tpu.dma_semaphore, #tpu.memory_space<semaphore_mem>>
        %dma_start3A = arith.constant 0 : i32
        %dma_start3A_78 = arith.constant 0 : i32
        %dma_start3A_79 = tpu.memref_slice %arg8[%dma_start3A, %dma_start3A_78] : memref<128x128xf32, #tpu.memory_space<vmem>> -> memref<128x128xf32, #tpu.memory_space<vmem>>
        %dma_start3A_80 = arith.constant 0 : i32
        %dma_start3A_81 = tpu.memref_slice %arg4[%add3A_61, %dma_start3A_80] : memref<20000x128xf32, #tpu.memory_space<hbm>> -> memref<128x128xf32, #tpu.memory_space<hbm>>
        %dma_start3A_82 = arith.constant 0 : i32
        %dma_start3A_83 = tpu.memref_slice %arg4[%add3A_61, %dma_start3A_82] : memref<20000x128xf32, #tpu.memory_space<hbm>> -> memref<128x128xf32, #tpu.memory_space<hbm>>
        %dma_start3A_84 = arith.constant 0 : i32
        %dma_start3A_85 = arith.constant 0 : i32
        %dma_start3A_86 = tpu.memref_slice %arg8[%dma_start3A_84, %dma_start3A_85] : memref<128x128xf32, #tpu.memory_space<vmem>> -> memref<128x128xf32, #tpu.memory_space<vmem>>
        tpu.enqueue_dma source(%dma_start3A_86 : memref<128x128xf32, #tpu.memory_space<vmem>>) target(%dma_start3A_83 : memref<128x128xf32, #tpu.memory_space<hbm>>) target_semaphore(%run_scoped3A : memref<!tpu.dma_semaphore, #tpu.memory_space<semaphore_mem>>)
        %dma_wait3A = arith.constant 0 : i32
        %dma_wait3A_87 = arith.constant 0 : i32
        %dma_wait3A_88 = tpu.memref_slice %arg8[%dma_wait3A, %dma_wait3A_87] : memref<128x128xf32, #tpu.memory_space<vmem>> -> memref<128x128xf32, #tpu.memory_space<vmem>>
        %dma_wait3A_89 = arith.constant 0 : i32
        %dma_wait3A_90 = tpu.memref_slice %arg4[%add3A_61, %dma_wait3A_89] : memref<20000x128xf32, #tpu.memory_space<hbm>> -> memref<128x128xf32, #tpu.memory_space<hbm>>
        %dma_wait3A_91 = arith.constant 0 : i32
        %dma_wait3A_92 = tpu.memref_slice %arg4[%add3A_61, %dma_wait3A_91] : memref<20000x128xf32, #tpu.memory_space<hbm>> -> memref<128x128xf32, #tpu.memory_space<hbm>>
        %dma_wait3A_93 = arith.constant 0 : i32
        %dma_wait3A_94 = arith.constant 0 : i32
        %dma_wait3A_95 = tpu.memref_slice %arg8[%dma_wait3A_93, %dma_wait3A_94] : memref<128x128xf32, #tpu.memory_space<vmem>> -> memref<128x128xf32, #tpu.memory_space<vmem>>
        tpu.wait_dma2 semaphore(%run_scoped3A : memref<!tpu.dma_semaphore, #tpu.memory_space<semaphore_mem>>) src(%dma_wait3A_95 : memref<128x128xf32, #tpu.memory_space<vmem>>) dst(%dma_wait3A_92 : memref<128x128xf32, #tpu.memory_space<hbm>>)
        tpu.yield
      }) : () -> ()
      %add3A_62 = arith.constant 128 : i32
      %add3A_63 = arith.addi %mul3A_5, %add3A_62 : i32
      "tpu.region"() ({
        %run_scoped3A = tpu.sem_alloc : memref<!tpu.dma_semaphore, #tpu.memory_space<semaphore_mem>>
        %dma_start3A = arith.constant 0 : i32
        %dma_start3A_78 = arith.constant 0 : i32
        %dma_start3A_79 = tpu.memref_slice %arg8[%dma_start3A, %dma_start3A_78] : memref<128x128xf32, #tpu.memory_space<vmem>> -> memref<128x128xf32, #tpu.memory_space<vmem>>
        %dma_start3A_80 = arith.constant 0 : i32
        %dma_start3A_81 = tpu.memref_slice %arg9[%add3A_63, %dma_start3A_80] : memref<10008x128xf32, #tpu.memory_space<vmem_shared>> -> memref<128x128xf32, #tpu.memory_space<vmem_shared>>
        %dma_start3A_82 = arith.constant 0 : i32
        %dma_start3A_83 = arith.constant 0 : i32
        %dma_start3A_84 = tpu.memref_slice %arg8[%dma_start3A_82, %dma_start3A_83] : memref<128x128xf32, #tpu.memory_space<vmem>> -> memref<128x128xf32, #tpu.memory_space<vmem>>
        %dma_start3A_85 = arith.constant 0 : i32
        %dma_start3A_86 = tpu.memref_slice %arg9[%add3A_63, %dma_start3A_85] : memref<10008x128xf32, #tpu.memory_space<vmem_shared>> -> memref<128x128xf32, #tpu.memory_space<vmem_shared>>
        tpu.enqueue_dma source(%dma_start3A_86 : memref<128x128xf32, #tpu.memory_space<vmem_shared>>) target(%dma_start3A_84 : memref<128x128xf32, #tpu.memory_space<vmem>>) target_semaphore(%run_scoped3A : memref<!tpu.dma_semaphore, #tpu.memory_space<semaphore_mem>>)
        %dma_wait3A = arith.constant 0 : i32
        %dma_wait3A_87 = arith.constant 0 : i32
        %dma_wait3A_88 = tpu.memref_slice %arg8[%dma_wait3A, %dma_wait3A_87] : memref<128x128xf32, #tpu.memory_space<vmem>> -> memref<128x128xf32, #tpu.memory_space<vmem>>
        %dma_wait3A_89 = arith.constant 0 : i32
        %dma_wait3A_90 = tpu.memref_slice %arg9[%add3A_63, %dma_wait3A_89] : memref<10008x128xf32, #tpu.memory_space<vmem_shared>> -> memref<128x128xf32, #tpu.memory_space<vmem_shared>>
        %dma_wait3A_91 = arith.constant 0 : i32
        %dma_wait3A_92 = arith.constant 0 : i32
        %dma_wait3A_93 = tpu.memref_slice %arg8[%dma_wait3A_91, %dma_wait3A_92] : memref<128x128xf32, #tpu.memory_space<vmem>> -> memref<128x128xf32, #tpu.memory_space<vmem>>
        %dma_wait3A_94 = arith.constant 0 : i32
        %dma_wait3A_95 = tpu.memref_slice %arg9[%add3A_63, %dma_wait3A_94] : memref<10008x128xf32, #tpu.memory_space<vmem_shared>> -> memref<128x128xf32, #tpu.memory_space<vmem_shared>>
        tpu.wait_dma2 semaphore(%run_scoped3A : memref<!tpu.dma_semaphore, #tpu.memory_space<semaphore_mem>>) src(%dma_wait3A_95 : memref<128x128xf32, #tpu.memory_space<vmem_shared>>) dst(%dma_wait3A_93 : memref<128x128xf32, #tpu.memory_space<vmem>>)
        tpu.yield
      }) : () -> ()
      %add3A_64 = arith.constant 128 : i32
      %add3A_65 = arith.addi %add3A_47, %add3A_64 : i32
      "tpu.region"() ({
        %run_scoped3A = tpu.sem_alloc : memref<!tpu.dma_semaphore, #tpu.memory_space<semaphore_mem>>
        %dma_start3A = arith.constant 0 : i32
        %dma_start3A_78 = arith.constant 0 : i32
        %dma_start3A_79 = tpu.memref_slice %arg8[%dma_start3A, %dma_start3A_78] : memref<128x128xf32, #tpu.memory_space<vmem>> -> memref<128x128xf32, #tpu.memory_space<vmem>>
        %dma_start3A_80 = arith.constant 0 : i32
        %dma_start3A_81 = tpu.memref_slice %arg4[%add3A_65, %dma_start3A_80] : memref<20000x128xf32, #tpu.memory_space<hbm>> -> memref<128x128xf32, #tpu.memory_space<hbm>>
        %dma_start3A_82 = arith.constant 0 : i32
        %dma_start3A_83 = tpu.memref_slice %arg4[%add3A_65, %dma_start3A_82] : memref<20000x128xf32, #tpu.memory_space<hbm>> -> memref<128x128xf32, #tpu.memory_space<hbm>>
        %dma_start3A_84 = arith.constant 0 : i32
        %dma_start3A_85 = arith.constant 0 : i32
        %dma_start3A_86 = tpu.memref_slice %arg8[%dma_start3A_84, %dma_start3A_85] : memref<128x128xf32, #tpu.memory_space<vmem>> -> memref<128x128xf32, #tpu.memory_space<vmem>>
        tpu.enqueue_dma source(%dma_start3A_86 : memref<128x128xf32, #tpu.memory_space<vmem>>) target(%dma_start3A_83 : memref<128x128xf32, #tpu.memory_space<hbm>>) target_semaphore(%run_scoped3A : memref<!tpu.dma_semaphore, #tpu.memory_space<semaphore_mem>>)
        %dma_wait3A = arith.constant 0 : i32
        %dma_wait3A_87 = arith.constant 0 : i32
        %dma_wait3A_88 = tpu.memref_slice %arg8[%dma_wait3A, %dma_wait3A_87] : memref<128x128xf32, #tpu.memory_space<vmem>> -> memref<128x128xf32, #tpu.memory_space<vmem>>
        %dma_wait3A_89 = arith.constant 0 : i32
        %dma_wait3A_90 = tpu.memref_slice %arg4[%add3A_65, %dma_wait3A_89] : memref<20000x128xf32, #tpu.memory_space<hbm>> -> memref<128x128xf32, #tpu.memory_space<hbm>>
        %dma_wait3A_91 = arith.constant 0 : i32
        %dma_wait3A_92 = tpu.memref_slice %arg4[%add3A_65, %dma_wait3A_91] : memref<20000x128xf32, #tpu.memory_space<hbm>> -> memref<128x128xf32, #tpu.memory_space<hbm>>
        %dma_wait3A_93 = arith.constant 0 : i32
        %dma_wait3A_94 = arith.constant 0 : i32
        %dma_wait3A_95 = tpu.memref_slice %arg8[%dma_wait3A_93, %dma_wait3A_94] : memref<128x128xf32, #tpu.memory_space<vmem>> -> memref<128x128xf32, #tpu.memory_space<vmem>>
        tpu.wait_dma2 semaphore(%run_scoped3A : memref<!tpu.dma_semaphore, #tpu.memory_space<semaphore_mem>>) src(%dma_wait3A_95 : memref<128x128xf32, #tpu.memory_space<vmem>>) dst(%dma_wait3A_92 : memref<128x128xf32, #tpu.memory_space<hbm>>)
        tpu.yield
      }) : () -> ()
      %add3A_66 = arith.constant 256 : i32
      %add3A_67 = arith.addi %mul3A_5, %add3A_66 : i32
      "tpu.region"() ({
        %run_scoped3A = tpu.sem_alloc : memref<!tpu.dma_semaphore, #tpu.memory_space<semaphore_mem>>
        %dma_start3A = arith.constant 0 : i32
        %dma_start3A_78 = arith.constant 0 : i32
        %dma_start3A_79 = tpu.memref_slice %arg8[%dma_start3A, %dma_start3A_78] : memref<128x128xf32, #tpu.memory_space<vmem>> -> memref<128x128xf32, #tpu.memory_space<vmem>>
        %dma_start3A_80 = arith.constant 0 : i32
        %dma_start3A_81 = tpu.memref_slice %arg9[%add3A_67, %dma_start3A_80] : memref<10008x128xf32, #tpu.memory_space<vmem_shared>> -> memref<128x128xf32, #tpu.memory_space<vmem_shared>>
        %dma_start3A_82 = arith.constant 0 : i32
        %dma_start3A_83 = arith.constant 0 : i32
        %dma_start3A_84 = tpu.memref_slice %arg8[%dma_start3A_82, %dma_start3A_83] : memref<128x128xf32, #tpu.memory_space<vmem>> -> memref<128x128xf32, #tpu.memory_space<vmem>>
        %dma_start3A_85 = arith.constant 0 : i32
        %dma_start3A_86 = tpu.memref_slice %arg9[%add3A_67, %dma_start3A_85] : memref<10008x128xf32, #tpu.memory_space<vmem_shared>> -> memref<128x128xf32, #tpu.memory_space<vmem_shared>>
        tpu.enqueue_dma source(%dma_start3A_86 : memref<128x128xf32, #tpu.memory_space<vmem_shared>>) target(%dma_start3A_84 : memref<128x128xf32, #tpu.memory_space<vmem>>) target_semaphore(%run_scoped3A : memref<!tpu.dma_semaphore, #tpu.memory_space<semaphore_mem>>)
        %dma_wait3A = arith.constant 0 : i32
        %dma_wait3A_87 = arith.constant 0 : i32
        %dma_wait3A_88 = tpu.memref_slice %arg8[%dma_wait3A, %dma_wait3A_87] : memref<128x128xf32, #tpu.memory_space<vmem>> -> memref<128x128xf32, #tpu.memory_space<vmem>>
        %dma_wait3A_89 = arith.constant 0 : i32
        %dma_wait3A_90 = tpu.memref_slice %arg9[%add3A_67, %dma_wait3A_89] : memref<10008x128xf32, #tpu.memory_space<vmem_shared>> -> memref<128x128xf32, #tpu.memory_space<vmem_shared>>
        %dma_wait3A_91 = arith.constant 0 : i32
        %dma_wait3A_92 = arith.constant 0 : i32
        %dma_wait3A_93 = tpu.memref_slice %arg8[%dma_wait3A_91, %dma_wait3A_92] : memref<128x128xf32, #tpu.memory_space<vmem>> -> memref<128x128xf32, #tpu.memory_space<vmem>>
        %dma_wait3A_94 = arith.constant 0 : i32
        %dma_wait3A_95 = tpu.memref_slice %arg9[%add3A_67, %dma_wait3A_94] : memref<10008x128xf32, #tpu.memory_space<vmem_shared>> -> memref<128x128xf32, #tpu.memory_space<vmem_shared>>
        tpu.wait_dma2 semaphore(%run_scoped3A : memref<!tpu.dma_semaphore, #tpu.memory_space<semaphore_mem>>) src(%dma_wait3A_95 : memref<128x128xf32, #tpu.memory_space<vmem_shared>>) dst(%dma_wait3A_93 : memref<128x128xf32, #tpu.memory_space<vmem>>)
        tpu.yield
      }) : () -> ()
      %add3A_68 = arith.constant 256 : i32
      %add3A_69 = arith.addi %add3A_47, %add3A_68 : i32
      "tpu.region"() ({
        %run_scoped3A = tpu.sem_alloc : memref<!tpu.dma_semaphore, #tpu.memory_space<semaphore_mem>>
        %dma_start3A = arith.constant 0 : i32
        %dma_start3A_78 = arith.constant 0 : i32
        %dma_start3A_79 = tpu.memref_slice %arg8[%dma_start3A, %dma_start3A_78] : memref<128x128xf32, #tpu.memory_space<vmem>> -> memref<128x128xf32, #tpu.memory_space<vmem>>
        %dma_start3A_80 = arith.constant 0 : i32
        %dma_start3A_81 = tpu.memref_slice %arg4[%add3A_69, %dma_start3A_80] : memref<20000x128xf32, #tpu.memory_space<hbm>> -> memref<128x128xf32, #tpu.memory_space<hbm>>
        %dma_start3A_82 = arith.constant 0 : i32
        %dma_start3A_83 = tpu.memref_slice %arg4[%add3A_69, %dma_start3A_82] : memref<20000x128xf32, #tpu.memory_space<hbm>> -> memref<128x128xf32, #tpu.memory_space<hbm>>
        %dma_start3A_84 = arith.constant 0 : i32
        %dma_start3A_85 = arith.constant 0 : i32
        %dma_start3A_86 = tpu.memref_slice %arg8[%dma_start3A_84, %dma_start3A_85] : memref<128x128xf32, #tpu.memory_space<vmem>> -> memref<128x128xf32, #tpu.memory_space<vmem>>
        tpu.enqueue_dma source(%dma_start3A_86 : memref<128x128xf32, #tpu.memory_space<vmem>>) target(%dma_start3A_83 : memref<128x128xf32, #tpu.memory_space<hbm>>) target_semaphore(%run_scoped3A : memref<!tpu.dma_semaphore, #tpu.memory_space<semaphore_mem>>)
        %dma_wait3A = arith.constant 0 : i32
        %dma_wait3A_87 = arith.constant 0 : i32
        %dma_wait3A_88 = tpu.memref_slice %arg8[%dma_wait3A, %dma_wait3A_87] : memref<128x128xf32, #tpu.memory_space<vmem>> -> memref<128x128xf32, #tpu.memory_space<vmem>>
        %dma_wait3A_89 = arith.constant 0 : i32
        %dma_wait3A_90 = tpu.memref_slice %arg4[%add3A_69, %dma_wait3A_89] : memref<20000x128xf32, #tpu.memory_space<hbm>> -> memref<128x128xf32, #tpu.memory_space<hbm>>
        %dma_wait3A_91 = arith.constant 0 : i32
        %dma_wait3A_92 = tpu.memref_slice %arg4[%add3A_69, %dma_wait3A_91] : memref<20000x128xf32, #tpu.memory_space<hbm>> -> memref<128x128xf32, #tpu.memory_space<hbm>>
        %dma_wait3A_93 = arith.constant 0 : i32
        %dma_wait3A_94 = arith.constant 0 : i32
        %dma_wait3A_95 = tpu.memref_slice %arg8[%dma_wait3A_93, %dma_wait3A_94] : memref<128x128xf32, #tpu.memory_space<vmem>> -> memref<128x128xf32, #tpu.memory_space<vmem>>
        tpu.wait_dma2 semaphore(%run_scoped3A : memref<!tpu.dma_semaphore, #tpu.memory_space<semaphore_mem>>) src(%dma_wait3A_95 : memref<128x128xf32, #tpu.memory_space<vmem>>) dst(%dma_wait3A_92 : memref<128x128xf32, #tpu.memory_space<hbm>>)
        tpu.yield
      }) : () -> ()
      %add3A_70 = arith.constant 384 : i32
      %add3A_71 = arith.addi %mul3A_5, %add3A_70 : i32
      "tpu.region"() ({
        %run_scoped3A = tpu.sem_alloc : memref<!tpu.dma_semaphore, #tpu.memory_space<semaphore_mem>>
        %dma_start3A = arith.constant 0 : i32
        %dma_start3A_78 = arith.constant 0 : i32
        %dma_start3A_79 = tpu.memref_slice %arg8[%dma_start3A, %dma_start3A_78] : memref<128x128xf32, #tpu.memory_space<vmem>> -> memref<128x128xf32, #tpu.memory_space<vmem>>
        %dma_start3A_80 = arith.constant 0 : i32
        %dma_start3A_81 = tpu.memref_slice %arg9[%add3A_71, %dma_start3A_80] : memref<10008x128xf32, #tpu.memory_space<vmem_shared>> -> memref<128x128xf32, #tpu.memory_space<vmem_shared>>
        %dma_start3A_82 = arith.constant 0 : i32
        %dma_start3A_83 = arith.constant 0 : i32
        %dma_start3A_84 = tpu.memref_slice %arg8[%dma_start3A_82, %dma_start3A_83] : memref<128x128xf32, #tpu.memory_space<vmem>> -> memref<128x128xf32, #tpu.memory_space<vmem>>
        %dma_start3A_85 = arith.constant 0 : i32
        %dma_start3A_86 = tpu.memref_slice %arg9[%add3A_71, %dma_start3A_85] : memref<10008x128xf32, #tpu.memory_space<vmem_shared>> -> memref<128x128xf32, #tpu.memory_space<vmem_shared>>
        tpu.enqueue_dma source(%dma_start3A_86 : memref<128x128xf32, #tpu.memory_space<vmem_shared>>) target(%dma_start3A_84 : memref<128x128xf32, #tpu.memory_space<vmem>>) target_semaphore(%run_scoped3A : memref<!tpu.dma_semaphore, #tpu.memory_space<semaphore_mem>>)
        %dma_wait3A = arith.constant 0 : i32
        %dma_wait3A_87 = arith.constant 0 : i32
        %dma_wait3A_88 = tpu.memref_slice %arg8[%dma_wait3A, %dma_wait3A_87] : memref<128x128xf32, #tpu.memory_space<vmem>> -> memref<128x128xf32, #tpu.memory_space<vmem>>
        %dma_wait3A_89 = arith.constant 0 : i32
        %dma_wait3A_90 = tpu.memref_slice %arg9[%add3A_71, %dma_wait3A_89] : memref<10008x128xf32, #tpu.memory_space<vmem_shared>> -> memref<128x128xf32, #tpu.memory_space<vmem_shared>>
        %dma_wait3A_91 = arith.constant 0 : i32
        %dma_wait3A_92 = arith.constant 0 : i32
        %dma_wait3A_93 = tpu.memref_slice %arg8[%dma_wait3A_91, %dma_wait3A_92] : memref<128x128xf32, #tpu.memory_space<vmem>> -> memref<128x128xf32, #tpu.memory_space<vmem>>
        %dma_wait3A_94 = arith.constant 0 : i32
        %dma_wait3A_95 = tpu.memref_slice %arg9[%add3A_71, %dma_wait3A_94] : memref<10008x128xf32, #tpu.memory_space<vmem_shared>> -> memref<128x128xf32, #tpu.memory_space<vmem_shared>>
        tpu.wait_dma2 semaphore(%run_scoped3A : memref<!tpu.dma_semaphore, #tpu.memory_space<semaphore_mem>>) src(%dma_wait3A_95 : memref<128x128xf32, #tpu.memory_space<vmem_shared>>) dst(%dma_wait3A_93 : memref<128x128xf32, #tpu.memory_space<vmem>>)
        tpu.yield
      }) : () -> ()
      %add3A_72 = arith.constant 384 : i32
      %add3A_73 = arith.addi %add3A_47, %add3A_72 : i32
      "tpu.region"() ({
        %run_scoped3A = tpu.sem_alloc : memref<!tpu.dma_semaphore, #tpu.memory_space<semaphore_mem>>
        %dma_start3A = arith.constant 0 : i32
        %dma_start3A_78 = arith.constant 0 : i32
        %dma_start3A_79 = tpu.memref_slice %arg8[%dma_start3A, %dma_start3A_78] : memref<128x128xf32, #tpu.memory_space<vmem>> -> memref<128x128xf32, #tpu.memory_space<vmem>>
        %dma_start3A_80 = arith.constant 0 : i32
        %dma_start3A_81 = tpu.memref_slice %arg4[%add3A_73, %dma_start3A_80] : memref<20000x128xf32, #tpu.memory_space<hbm>> -> memref<128x128xf32, #tpu.memory_space<hbm>>
        %dma_start3A_82 = arith.constant 0 : i32
        %dma_start3A_83 = tpu.memref_slice %arg4[%add3A_73, %dma_start3A_82] : memref<20000x128xf32, #tpu.memory_space<hbm>> -> memref<128x128xf32, #tpu.memory_space<hbm>>
        %dma_start3A_84 = arith.constant 0 : i32
        %dma_start3A_85 = arith.constant 0 : i32
        %dma_start3A_86 = tpu.memref_slice %arg8[%dma_start3A_84, %dma_start3A_85] : memref<128x128xf32, #tpu.memory_space<vmem>> -> memref<128x128xf32, #tpu.memory_space<vmem>>
        tpu.enqueue_dma source(%dma_start3A_86 : memref<128x128xf32, #tpu.memory_space<vmem>>) target(%dma_start3A_83 : memref<128x128xf32, #tpu.memory_space<hbm>>) target_semaphore(%run_scoped3A : memref<!tpu.dma_semaphore, #tpu.memory_space<semaphore_mem>>)
        %dma_wait3A = arith.constant 0 : i32
        %dma_wait3A_87 = arith.constant 0 : i32
        %dma_wait3A_88 = tpu.memref_slice %arg8[%dma_wait3A, %dma_wait3A_87] : memref<128x128xf32, #tpu.memory_space<vmem>> -> memref<128x128xf32, #tpu.memory_space<vmem>>
        %dma_wait3A_89 = arith.constant 0 : i32
        %dma_wait3A_90 = tpu.memref_slice %arg4[%add3A_73, %dma_wait3A_89] : memref<20000x128xf32, #tpu.memory_space<hbm>> -> memref<128x128xf32, #tpu.memory_space<hbm>>
        %dma_wait3A_91 = arith.constant 0 : i32
        %dma_wait3A_92 = tpu.memref_slice %arg4[%add3A_73, %dma_wait3A_91] : memref<20000x128xf32, #tpu.memory_space<hbm>> -> memref<128x128xf32, #tpu.memory_space<hbm>>
        %dma_wait3A_93 = arith.constant 0 : i32
        %dma_wait3A_94 = arith.constant 0 : i32
        %dma_wait3A_95 = tpu.memref_slice %arg8[%dma_wait3A_93, %dma_wait3A_94] : memref<128x128xf32, #tpu.memory_space<vmem>> -> memref<128x128xf32, #tpu.memory_space<vmem>>
        tpu.wait_dma2 semaphore(%run_scoped3A : memref<!tpu.dma_semaphore, #tpu.memory_space<semaphore_mem>>) src(%dma_wait3A_95 : memref<128x128xf32, #tpu.memory_space<vmem>>) dst(%dma_wait3A_92 : memref<128x128xf32, #tpu.memory_space<hbm>>)
        tpu.yield
      }) : () -> ()
      %add3A_74 = arith.constant 512 : i32
      %add3A_75 = arith.addi %mul3A_5, %add3A_74 : i32
      "tpu.region"() ({
        %run_scoped3A = tpu.sem_alloc : memref<!tpu.dma_semaphore, #tpu.memory_space<semaphore_mem>>
        %dma_start3A = arith.constant 0 : i32
        %dma_start3A_78 = arith.constant 0 : i32
        %dma_start3A_79 = tpu.memref_slice %arg8[%dma_start3A, %dma_start3A_78] : memref<128x128xf32, #tpu.memory_space<vmem>> -> memref<8x128xf32, #tpu.memory_space<vmem>>
        %dma_start3A_80 = arith.constant 0 : i32
        %dma_start3A_81 = tpu.memref_slice %arg9[%add3A_75, %dma_start3A_80] : memref<10008x128xf32, #tpu.memory_space<vmem_shared>> -> memref<8x128xf32, #tpu.memory_space<vmem_shared>>
        %dma_start3A_82 = arith.constant 0 : i32
        %dma_start3A_83 = arith.constant 0 : i32
        %dma_start3A_84 = tpu.memref_slice %arg8[%dma_start3A_82, %dma_start3A_83] : memref<128x128xf32, #tpu.memory_space<vmem>> -> memref<8x128xf32, #tpu.memory_space<vmem>>
        %dma_start3A_85 = arith.constant 0 : i32
        %dma_start3A_86 = tpu.memref_slice %arg9[%add3A_75, %dma_start3A_85] : memref<10008x128xf32, #tpu.memory_space<vmem_shared>> -> memref<8x128xf32, #tpu.memory_space<vmem_shared>>
        tpu.enqueue_dma source(%dma_start3A_86 : memref<8x128xf32, #tpu.memory_space<vmem_shared>>) target(%dma_start3A_84 : memref<8x128xf32, #tpu.memory_space<vmem>>) target_semaphore(%run_scoped3A : memref<!tpu.dma_semaphore, #tpu.memory_space<semaphore_mem>>)
        %dma_wait3A = arith.constant 0 : i32
        %dma_wait3A_87 = arith.constant 0 : i32
        %dma_wait3A_88 = tpu.memref_slice %arg8[%dma_wait3A, %dma_wait3A_87] : memref<128x128xf32, #tpu.memory_space<vmem>> -> memref<8x128xf32, #tpu.memory_space<vmem>>
        %dma_wait3A_89 = arith.constant 0 : i32
        %dma_wait3A_90 = tpu.memref_slice %arg9[%add3A_75, %dma_wait3A_89] : memref<10008x128xf32, #tpu.memory_space<vmem_shared>> -> memref<8x128xf32, #tpu.memory_space<vmem_shared>>
        %dma_wait3A_91 = arith.constant 0 : i32
        %dma_wait3A_92 = arith.constant 0 : i32
        %dma_wait3A_93 = tpu.memref_slice %arg8[%dma_wait3A_91, %dma_wait3A_92] : memref<128x128xf32, #tpu.memory_space<vmem>> -> memref<8x128xf32, #tpu.memory_space<vmem>>
        %dma_wait3A_94 = arith.constant 0 : i32
        %dma_wait3A_95 = tpu.memref_slice %arg9[%add3A_75, %dma_wait3A_94] : memref<10008x128xf32, #tpu.memory_space<vmem_shared>> -> memref<8x128xf32, #tpu.memory_space<vmem_shared>>
        tpu.wait_dma2 semaphore(%run_scoped3A : memref<!tpu.dma_semaphore, #tpu.memory_space<semaphore_mem>>) src(%dma_wait3A_95 : memref<8x128xf32, #tpu.memory_space<vmem_shared>>) dst(%dma_wait3A_93 : memref<8x128xf32, #tpu.memory_space<vmem>>)
        tpu.yield
      }) : () -> ()
      %add3A_76 = arith.constant 512 : i32
      %add3A_77 = arith.addi %add3A_47, %add3A_76 : i32
      "tpu.region"() ({
        %run_scoped3A = tpu.sem_alloc : memref<!tpu.dma_semaphore, #tpu.memory_space<semaphore_mem>>
        %dma_start3A = arith.constant 0 : i32
        %dma_start3A_78 = arith.constant 0 : i32
        %dma_start3A_79 = tpu.memref_slice %arg8[%dma_start3A, %dma_start3A_78] : memref<128x128xf32, #tpu.memory_space<vmem>> -> memref<8x128xf32, #tpu.memory_space<vmem>>
        %dma_start3A_80 = arith.constant 0 : i32
        %dma_start3A_81 = tpu.memref_slice %arg4[%add3A_77, %dma_start3A_80] : memref<20000x128xf32, #tpu.memory_space<hbm>> -> memref<8x128xf32, #tpu.memory_space<hbm>>
        %dma_start3A_82 = arith.constant 0 : i32
        %dma_start3A_83 = tpu.memref_slice %arg4[%add3A_77, %dma_start3A_82] : memref<20000x128xf32, #tpu.memory_space<hbm>> -> memref<8x128xf32, #tpu.memory_space<hbm>>
        %dma_start3A_84 = arith.constant 0 : i32
        %dma_start3A_85 = arith.constant 0 : i32
        %dma_start3A_86 = tpu.memref_slice %arg8[%dma_start3A_84, %dma_start3A_85] : memref<128x128xf32, #tpu.memory_space<vmem>> -> memref<8x128xf32, #tpu.memory_space<vmem>>
        tpu.enqueue_dma source(%dma_start3A_86 : memref<8x128xf32, #tpu.memory_space<vmem>>) target(%dma_start3A_83 : memref<8x128xf32, #tpu.memory_space<hbm>>) target_semaphore(%run_scoped3A : memref<!tpu.dma_semaphore, #tpu.memory_space<semaphore_mem>>)
        %dma_wait3A = arith.constant 0 : i32
        %dma_wait3A_87 = arith.constant 0 : i32
        %dma_wait3A_88 = tpu.memref_slice %arg8[%dma_wait3A, %dma_wait3A_87] : memref<128x128xf32, #tpu.memory_space<vmem>> -> memref<8x128xf32, #tpu.memory_space<vmem>>
        %dma_wait3A_89 = arith.constant 0 : i32
        %dma_wait3A_90 = tpu.memref_slice %arg4[%add3A_77, %dma_wait3A_89] : memref<20000x128xf32, #tpu.memory_space<hbm>> -> memref<8x128xf32, #tpu.memory_space<hbm>>
        %dma_wait3A_91 = arith.constant 0 : i32
        %dma_wait3A_92 = tpu.memref_slice %arg4[%add3A_77, %dma_wait3A_91] : memref<20000x128xf32, #tpu.memory_space<hbm>> -> memref<8x128xf32, #tpu.memory_space<hbm>>
        %dma_wait3A_93 = arith.constant 0 : i32
        %dma_wait3A_94 = arith.constant 0 : i32
        %dma_wait3A_95 = tpu.memref_slice %arg8[%dma_wait3A_93, %dma_wait3A_94] : memref<128x128xf32, #tpu.memory_space<vmem>> -> memref<8x128xf32, #tpu.memory_space<vmem>>
        tpu.wait_dma2 semaphore(%run_scoped3A : memref<!tpu.dma_semaphore, #tpu.memory_space<semaphore_mem>>) src(%dma_wait3A_95 : memref<8x128xf32, #tpu.memory_space<vmem>>) dst(%dma_wait3A_92 : memref<8x128xf32, #tpu.memory_space<hbm>>)
        tpu.yield
      }) : () -> ()
    } else {
    }
    return
  }
}

module attributes {stable_mosaic.version = 14 : i64} {
  func.func @_linear_body(%arg0: i32, %arg1: memref<2000x128xf32, #tpu.memory_space<vmem>>, %arg2: memref<128x128xf32, #tpu.memory_space<vmem>>, %arg3: memref<1x128xf32, #tpu.memory_space<vmem>>, %arg4: memref<2000x128xf32, #tpu.memory_space<vmem>>) attributes {dimension_semantics = [#tpu.dimension_semantics<arbitrary>], iteration_bounds = array<i64: 5>, scalar_prefetch = 0 : i64, scratch_operands = 0 : i64, tpu.core_type = #tpu.core_type<tc>, window_params = [{transform_indices = @transform_0, window_bounds = array<i64: 2000, 128>}, {pipeline_mode = #tpu.pipeline_mode<synchronous>, transform_indices = @transform_1, window_bounds = array<i64: 128, 128>}, {pipeline_mode = #tpu.pipeline_mode<synchronous>, transform_indices = @transform_2, window_bounds = array<i64: 1, 128>}, {transform_indices = @transform_3, window_bounds = array<i64: 2000, 128>}]} {
    %get3A = arith.constant 0 : index
    %get3A_0 = arith.constant 0 : index
    %get3A_1 = vector.load %arg1[%get3A, %get3A_0] : memref<2000x128xf32, #tpu.memory_space<vmem>>, vector<2000x128xf32>
    %get3A_2 = arith.constant 0 : index
    %get3A_3 = arith.constant 0 : index
    %get3A_4 = vector.load %arg2[%get3A_2, %get3A_3] : memref<128x128xf32, #tpu.memory_space<vmem>>, vector<128x128xf32>
    %dot_general3A = arith.constant dense<0.000000e+00> : vector<2000x128xf32>
    %dot_general3A_5 = tpu.matmul %get3A_1, %get3A_4, %dot_general3A {dimension_numbers = #tpu.dot_dimension_numbers<[1], [0], [0], [1], [0, 0, 1, 1], [], []>, transpose_lhs_hint = false} : vector<2000x128xf32>, vector<128x128xf32>, vector<2000x128xf32> -> vector<2000x128xf32>
    %get3A_6 = arith.constant 0 : index
    %get3A_7 = arith.constant 0 : index
    %get3A_8 = vector.load %arg3[%get3A_6, %get3A_7] : memref<1x128xf32, #tpu.memory_space<vmem>>, vector<1x128xf32>
    %add3A = vector.broadcast %get3A_8 : vector<1x128xf32> to vector<2000x128xf32>
    %add3A_9 = arith.addf %dot_general3A_5, %add3A : vector<2000x128xf32>
    %swap3A = arith.constant 0 : index
    %swap3A_10 = arith.constant 0 : index
    %swap3A_11 = vector.load %arg4[%swap3A, %swap3A_10] : memref<2000x128xf32, #tpu.memory_space<vmem>>, vector<2000x128xf32>
    tpu.vector_store %arg4[%swap3A, %swap3A_10], %add3A_9 {strides = array<i32>} : memref<2000x128xf32, #tpu.memory_space<vmem>>, vector<2000x128xf32>,
    return
  }
  func.func @transform_0(%arg0: i32) -> (i32, i32) {
    %c0_i32 = arith.constant 0 : i32
    %c0_i32_0 = arith.constant 0 : i32
    return %arg0, %c0_i32 : i32, i32
  }
  func.func @transform_1(%arg0: i32) -> (i32, i32) {
    %c0_i32 = arith.constant 0 : i32
    %c0_i32_0 = arith.constant 0 : i32
    %c0_i32_1 = arith.constant 0 : i32
    return %c0_i32, %c0_i32_0 : i32, i32
  }
  func.func @transform_2(%arg0: i32) -> (i32, i32) {
    %c0_i32 = arith.constant 0 : i32
    %c0_i32_0 = arith.constant 0 : i32
    %c0_i32_1 = arith.constant 0 : i32
    return %c0_i32, %c0_i32_0 : i32, i32
  }
  func.func @transform_3(%arg0: i32) -> (i32, i32) {
    %c0_i32 = arith.constant 0 : i32
    %c0_i32_0 = arith.constant 0 : i32
    return %arg0, %c0_i32 : i32, i32
  }
}

module attributes {stable_mosaic.version = 14 : i64} {
  func.func @_mlp_body(%arg0: i32, %arg1: memref<2000x128xf32, #tpu.memory_space<vmem>>, %arg2: memref<2000x128xf32, #tpu.memory_space<vmem>>, %arg3: memref<2000x128xf32, #tpu.memory_space<vmem>>, %arg4: memref<128x128xf32, #tpu.memory_space<vmem>>, %arg5: memref<1x128xf32, #tpu.memory_space<vmem>>, %arg6: memref<128x128xf32, #tpu.memory_space<vmem>>, %arg7: memref<1x128xf32, #tpu.memory_space<vmem>>, %arg8: memref<2000x128xf32, #tpu.memory_space<vmem>>) attributes {dimension_semantics = [#tpu.dimension_semantics<arbitrary>], iteration_bounds = array<i64: 5>, scalar_prefetch = 0 : i64, scratch_operands = 0 : i64, tpu.core_type = #tpu.core_type<tc>, window_params = [{transform_indices = @transform_0, window_bounds = array<i64: 2000, 128>}, {transform_indices = @transform_1, window_bounds = array<i64: 2000, 128>}, {transform_indices = @transform_2, window_bounds = array<i64: 2000, 128>}, {pipeline_mode = #tpu.pipeline_mode<synchronous>, transform_indices = @transform_3, window_bounds = array<i64: 128, 128>}, {pipeline_mode = #tpu.pipeline_mode<synchronous>, transform_indices = @transform_4, window_bounds = array<i64: 1, 128>}, {pipeline_mode = #tpu.pipeline_mode<synchronous>, transform_indices = @transform_5, window_bounds = array<i64: 128, 128>}, {pipeline_mode = #tpu.pipeline_mode<synchronous>, transform_indices = @transform_6, window_bounds = array<i64: 1, 128>}, {transform_indices = @transform_7, window_bounds = array<i64: 2000, 128>}]} {
    %get3A = arith.constant 0 : index
    %get3A_0 = arith.constant 0 : index
    %get3A_1 = vector.load %arg1[%get3A, %get3A_0] : memref<2000x128xf32, #tpu.memory_space<vmem>>, vector<2000x128xf32>
    %get3A_2 = arith.constant 0 : index
    %get3A_3 = arith.constant 0 : index
    %get3A_4 = vector.load %arg2[%get3A_2, %get3A_3] : memref<2000x128xf32, #tpu.memory_space<vmem>>, vector<2000x128xf32>
    %add3A = arith.addf %get3A_1, %get3A_4 : vector<2000x128xf32>
    %get3A_5 = arith.constant 0 : index
    %get3A_6 = arith.constant 0 : index
    %get3A_7 = vector.load %arg3[%get3A_5, %get3A_6] : memref<2000x128xf32, #tpu.memory_space<vmem>>, vector<2000x128xf32>
    %add3A_8 = arith.addf %add3A, %get3A_7 : vector<2000x128xf32>
    %get3A_9 = arith.constant 0 : index
    %get3A_10 = arith.constant 0 : index
    %get3A_11 = vector.load %arg4[%get3A_9, %get3A_10] : memref<128x128xf32, #tpu.memory_space<vmem>>, vector<128x128xf32>
    %dot_general3A = arith.constant dense<0.000000e+00> : vector<2000x128xf32>
    %dot_general3A_12 = tpu.matmul %add3A_8, %get3A_11, %dot_general3A {dimension_numbers = #tpu.dot_dimension_numbers<[1], [0], [0], [1], [0, 0, 1, 1], [], []>, transpose_lhs_hint = false} : vector<2000x128xf32>, vector<128x128xf32>, vector<2000x128xf32> -> vector<2000x128xf32>
    %get3A_13 = arith.constant 0 : index
    %get3A_14 = arith.constant 0 : index
    %get3A_15 = vector.load %arg5[%get3A_13, %get3A_14] : memref<1x128xf32, #tpu.memory_space<vmem>>, vector<1x128xf32>
    %add3A_16 = vector.broadcast %get3A_15 : vector<1x128xf32> to vector<2000x128xf32>
    %add3A_17 = arith.addf %dot_general3A_12, %add3A_16 : vector<2000x128xf32>
    %max3A = arith.constant 0.000000e+00 : f32
    %max3A_18 = vector.broadcast %max3A : f32 to vector<2000x128xf32>
    %max3A_19 = arith.maximumf %add3A_17, %max3A_18 : vector<2000x128xf32>
    %get3A_20 = arith.constant 0 : index
    %get3A_21 = arith.constant 0 : index
    %get3A_22 = vector.load %arg6[%get3A_20, %get3A_21] : memref<128x128xf32, #tpu.memory_space<vmem>>, vector<128x128xf32>
    %dot_general3A_23 = arith.constant dense<0.000000e+00> : vector<2000x128xf32>
    %dot_general3A_24 = tpu.matmul %max3A_19, %get3A_22, %dot_general3A_23 {dimension_numbers = #tpu.dot_dimension_numbers<[1], [0], [0], [1], [0, 0, 1, 1], [], []>, transpose_lhs_hint = false} : vector<2000x128xf32>, vector<128x128xf32>, vector<2000x128xf32> -> vector<2000x128xf32>
    %get3A_25 = arith.constant 0 : index
    %get3A_26 = arith.constant 0 : index
    %get3A_27 = vector.load %arg7[%get3A_25, %get3A_26] : memref<1x128xf32, #tpu.memory_space<vmem>>, vector<1x128xf32>
    %add3A_28 = vector.broadcast %get3A_27 : vector<1x128xf32> to vector<2000x128xf32>
    %add3A_29 = arith.addf %dot_general3A_24, %add3A_28 : vector<2000x128xf32>
    %max3A_30 = arith.constant 0.000000e+00 : f32
    %max3A_31 = vector.broadcast %max3A_30 : f32 to vector<2000x128xf32>
    %max3A_32 = arith.maximumf %add3A_29, %max3A_31 : vector<2000x128xf32>
    %swap3A = arith.constant 0 : index
    %swap3A_33 = arith.constant 0 : index
    %swap3A_34 = vector.load %arg8[%swap3A, %swap3A_33] : memref<2000x128xf32, #tpu.memory_space<vmem>>, vector<2000x128xf32>
    tpu.vector_store %arg8[%swap3A, %swap3A_33], %max3A_32 {strides = array<i32>} : memref<2000x128xf32, #tpu.memory_space<vmem>>, vector<2000x128xf32>,
    return
  }
  func.func @transform_0(%arg0: i32) -> (i32, i32) {
    %c0_i32 = arith.constant 0 : i32
    %c0_i32_0 = arith.constant 0 : i32
    return %arg0, %c0_i32 : i32, i32
  }
  func.func @transform_1(%arg0: i32) -> (i32, i32) {
    %c0_i32 = arith.constant 0 : i32
    %c0_i32_0 = arith.constant 0 : i32
    return %arg0, %c0_i32 : i32, i32
  }
  func.func @transform_2(%arg0: i32) -> (i32, i32) {
    %c0_i32 = arith.constant 0 : i32
    %c0_i32_0 = arith.constant 0 : i32
    return %arg0, %c0_i32 : i32, i32
  }
  func.func @transform_3(%arg0: i32) -> (i32, i32) {
    %c0_i32 = arith.constant 0 : i32
    %c0_i32_0 = arith.constant 0 : i32
    %c0_i32_1 = arith.constant 0 : i32
    return %c0_i32, %c0_i32_0 : i32, i32
  }
  func.func @transform_4(%arg0: i32) -> (i32, i32) {
    %c0_i32 = arith.constant 0 : i32
    %c0_i32_0 = arith.constant 0 : i32
    %c0_i32_1 = arith.constant 0 : i32
    return %c0_i32, %c0_i32_0 : i32, i32
  }
  func.func @transform_5(%arg0: i32) -> (i32, i32) {
    %c0_i32 = arith.constant 0 : i32
    %c0_i32_0 = arith.constant 0 : i32
    %c0_i32_1 = arith.constant 0 : i32
    return %c0_i32, %c0_i32_0 : i32, i32
  }
  func.func @transform_6(%arg0: i32) -> (i32, i32) {
    %c0_i32 = arith.constant 0 : i32
    %c0_i32_0 = arith.constant 0 : i32
    %c0_i32_1 = arith.constant 0 : i32
    return %c0_i32, %c0_i32_0 : i32, i32
  }
  func.func @transform_7(%arg0: i32) -> (i32, i32) {
    %c0_i32 = arith.constant 0 : i32
    %c0_i32_0 = arith.constant 0 : i32
    return %arg0, %c0_i32 : i32, i32
  }
}

module attributes {stable_mosaic.version = 14 : i64} {
  func.func @_mlp_body(%arg0: i32, %arg1: memref<2000x128xf32, #tpu.memory_space<vmem>>, %arg2: memref<2000x128xf32, #tpu.memory_space<vmem>>, %arg3: memref<2000x128xf32, #tpu.memory_space<vmem>>, %arg4: memref<128x128xf32, #tpu.memory_space<vmem>>, %arg5: memref<1x128xf32, #tpu.memory_space<vmem>>, %arg6: memref<128x128xf32, #tpu.memory_space<vmem>>, %arg7: memref<1x128xf32, #tpu.memory_space<vmem>>, %arg8: memref<2000x128xf32, #tpu.memory_space<vmem>>) attributes {dimension_semantics = [#tpu.dimension_semantics<arbitrary>], iteration_bounds = array<i64: 5>, scalar_prefetch = 0 : i64, scratch_operands = 0 : i64, tpu.core_type = #tpu.core_type<tc>, window_params = [{transform_indices = @transform_0, window_bounds = array<i64: 2000, 128>}, {transform_indices = @transform_1, window_bounds = array<i64: 2000, 128>}, {transform_indices = @transform_2, window_bounds = array<i64: 2000, 128>}, {pipeline_mode = #tpu.pipeline_mode<synchronous>, transform_indices = @transform_3, window_bounds = array<i64: 128, 128>}, {pipeline_mode = #tpu.pipeline_mode<synchronous>, transform_indices = @transform_4, window_bounds = array<i64: 1, 128>}, {pipeline_mode = #tpu.pipeline_mode<synchronous>, transform_indices = @transform_5, window_bounds = array<i64: 128, 128>}, {pipeline_mode = #tpu.pipeline_mode<synchronous>, transform_indices = @transform_6, window_bounds = array<i64: 1, 128>}, {transform_indices = @transform_7, window_bounds = array<i64: 2000, 128>}]} {
    %get3A = arith.constant 0 : index
    %get3A_0 = arith.constant 0 : index
    %get3A_1 = vector.load %arg1[%get3A, %get3A_0] : memref<2000x128xf32, #tpu.memory_space<vmem>>, vector<2000x128xf32>
    %get3A_2 = arith.constant 0 : index
    %get3A_3 = arith.constant 0 : index
    %get3A_4 = vector.load %arg2[%get3A_2, %get3A_3] : memref<2000x128xf32, #tpu.memory_space<vmem>>, vector<2000x128xf32>
    %add3A = arith.addf %get3A_1, %get3A_4 : vector<2000x128xf32>
    %get3A_5 = arith.constant 0 : index
    %get3A_6 = arith.constant 0 : index
    %get3A_7 = vector.load %arg3[%get3A_5, %get3A_6] : memref<2000x128xf32, #tpu.memory_space<vmem>>, vector<2000x128xf32>
    %add3A_8 = arith.addf %add3A, %get3A_7 : vector<2000x128xf32>
    %get3A_9 = arith.constant 0 : index
    %get3A_10 = arith.constant 0 : index
    %get3A_11 = vector.load %arg4[%get3A_9, %get3A_10] : memref<128x128xf32, #tpu.memory_space<vmem>>, vector<128x128xf32>
    %dot_general3A = arith.constant dense<0.000000e+00> : vector<2000x128xf32>
    %dot_general3A_12 = tpu.matmul %add3A_8, %get3A_11, %dot_general3A {dimension_numbers = #tpu.dot_dimension_numbers<[1], [0], [0], [1], [0, 0, 1, 1], [], []>, transpose_lhs_hint = false} : vector<2000x128xf32>, vector<128x128xf32>, vector<2000x128xf32> -> vector<2000x128xf32>
    %get3A_13 = arith.constant 0 : index
    %get3A_14 = arith.constant 0 : index
    %get3A_15 = vector.load %arg5[%get3A_13, %get3A_14] : memref<1x128xf32, #tpu.memory_space<vmem>>, vector<1x128xf32>
    %add3A_16 = vector.broadcast %get3A_15 : vector<1x128xf32> to vector<2000x128xf32>
    %add3A_17 = arith.addf %dot_general3A_12, %add3A_16 : vector<2000x128xf32>
    %max3A = arith.constant 0.000000e+00 : f32
    %max3A_18 = vector.broadcast %max3A : f32 to vector<2000x128xf32>
    %max3A_19 = arith.maximumf %add3A_17, %max3A_18 : vector<2000x128xf32>
    %get3A_20 = arith.constant 0 : index
    %get3A_21 = arith.constant 0 : index
    %get3A_22 = vector.load %arg6[%get3A_20, %get3A_21] : memref<128x128xf32, #tpu.memory_space<vmem>>, vector<128x128xf32>
    %dot_general3A_23 = arith.constant dense<0.000000e+00> : vector<2000x128xf32>
    %dot_general3A_24 = tpu.matmul %max3A_19, %get3A_22, %dot_general3A_23 {dimension_numbers = #tpu.dot_dimension_numbers<[1], [0], [0], [1], [0, 0, 1, 1], [], []>, transpose_lhs_hint = false} : vector<2000x128xf32>, vector<128x128xf32>, vector<2000x128xf32> -> vector<2000x128xf32>
    %get3A_25 = arith.constant 0 : index
    %get3A_26 = arith.constant 0 : index
    %get3A_27 = vector.load %arg7[%get3A_25, %get3A_26] : memref<1x128xf32, #tpu.memory_space<vmem>>, vector<1x128xf32>
    %add3A_28 = vector.broadcast %get3A_27 : vector<1x128xf32> to vector<2000x128xf32>
    %add3A_29 = arith.addf %dot_general3A_24, %add3A_28 : vector<2000x128xf32>
    %max3A_30 = arith.constant 0.000000e+00 : f32
    %max3A_31 = vector.broadcast %max3A_30 : f32 to vector<2000x128xf32>
    %max3A_32 = arith.maximumf %add3A_29, %max3A_31 : vector<2000x128xf32>
    %swap3A = arith.constant 0 : index
    %swap3A_33 = arith.constant 0 : index
    %swap3A_34 = vector.load %arg8[%swap3A, %swap3A_33] : memref<2000x128xf32, #tpu.memory_space<vmem>>, vector<2000x128xf32>
    tpu.vector_store %arg8[%swap3A, %swap3A_33], %max3A_32 {strides = array<i32>} : memref<2000x128xf32, #tpu.memory_space<vmem>>, vector<2000x128xf32>,
    return
  }
  func.func @transform_0(%arg0: i32) -> (i32, i32) {
    %c0_i32 = arith.constant 0 : i32
    %c0_i32_0 = arith.constant 0 : i32
    return %arg0, %c0_i32 : i32, i32
  }
  func.func @transform_1(%arg0: i32) -> (i32, i32) {
    %c0_i32 = arith.constant 0 : i32
    %c0_i32_0 = arith.constant 0 : i32
    return %arg0, %c0_i32 : i32, i32
  }
  func.func @transform_2(%arg0: i32) -> (i32, i32) {
    %c0_i32 = arith.constant 0 : i32
    %c0_i32_0 = arith.constant 0 : i32
    return %arg0, %c0_i32 : i32, i32
  }
  func.func @transform_3(%arg0: i32) -> (i32, i32) {
    %c0_i32 = arith.constant 0 : i32
    %c0_i32_0 = arith.constant 0 : i32
    %c0_i32_1 = arith.constant 0 : i32
    return %c0_i32, %c0_i32_0 : i32, i32
  }
  func.func @transform_4(%arg0: i32) -> (i32, i32) {
    %c0_i32 = arith.constant 0 : i32
    %c0_i32_0 = arith.constant 0 : i32
    %c0_i32_1 = arith.constant 0 : i32
    return %c0_i32, %c0_i32_0 : i32, i32
  }
  func.func @transform_5(%arg0: i32) -> (i32, i32) {
    %c0_i32 = arith.constant 0 : i32
    %c0_i32_0 = arith.constant 0 : i32
    %c0_i32_1 = arith.constant 0 : i32
    return %c0_i32, %c0_i32_0 : i32, i32
  }
  func.func @transform_6(%arg0: i32) -> (i32, i32) {
    %c0_i32 = arith.constant 0 : i32
    %c0_i32_0 = arith.constant 0 : i32
    %c0_i32_1 = arith.constant 0 : i32
    return %c0_i32, %c0_i32_0 : i32, i32
  }
  func.func @transform_7(%arg0: i32) -> (i32, i32) {
    %c0_i32 = arith.constant 0 : i32
    %c0_i32_0 = arith.constant 0 : i32
    return %arg0, %c0_i32 : i32, i32
  }
}

</mosaic_0001>

<sc_bundles>
// kernel: kernel.12.cloned.1.call-start
scs
__scs_entry_jumppad:
0x0: {  	(pc) =	sbr.rel $0x88, $3  }
0x1: {  	(tag) =	ssettag $0x0;
	lr =	simm.s32 $0x1  }
0x2: {  	[smem:$0x3F99] =	sst lr;
	_ =	strace $0xD0000000  }
0x3: {  	_ = 	snop  }
0x4: {  	_ = 	snop  }
0x5: {  	_ = 	snop  }
0x6: {  	_ = 	snop  }
0x7: {  	_ = 	snop  }
__scs_overlays_trampoline_lowered:
0x8: {  	[smem:$0x3FA8] =	sst s0  }
0x9: {  	[smem:$0x3FA9] =	sst s1  }
0xa: {  	[smem:$0x3FAA] =	sst s2  }
0xb: {  	[smem:$0x3FAB] =	sst s3  }
0xc: {  	[smem:$0x3FAC] =	sst s4  }
0xd: {  	[smem:$0x3FAD] =	sst s5  }
0xe: {  	[smem:$0x3FAE] =	sst s6  }
0xf: {  	[smem:$0x3FAF] =	sst s7  }
0x10: {  	[smem:$0x3FB0] =	sst s8  }
0x11: {  	[smem:$0x3FB1] =	sst s9;
	s0 =	simm.s32 @!p0 $0x0  }
0x12: {  	s1 =	sld [smem:$0x3F97];
	s0 =	simm.s32 @p0 $0x1  }
0x13: {  	[smem:$0x3FB2] =	sst s0;
	s0 =	simm.s32 @!p1 $0x0  }
0x14: {  	s2 =	sld [smem:$0x3F96];
	s0 =	simm.s32 @p1 $0x1  }
0x15: {  	[smem:$0x3FB3] =	sst s0;
	s0 =	simm.s32 @!p2 $0x0  }
0x16: {  	s3 =	sld [smem:$0x3FDB];
	s0 =	simm.s32 @p2 $0x1  }
0x17: {  	s4 =	simm.s32 $0x1BF5;
	[smem:$0x3FB5] =	sst s0  }
0x18: {  	s0 =	sld [smem:$0x3F98];
	_ =	swait.ge [sflag:s4], $0x0  }
0x19: {  	s7 =	sld [smem:$0x3F99]  }
0x1a: {  	s8 =	sadd.s32 $0xFFFFE003, lr  }
0x1b: {  	s9 =	sadd.s32 $0xFFFFFEF7, lr;
	s5 =	simm.s32 $0xFFFFFFFF;
	p2 =	slt.u32 s8, $0xFFFFF086  }
0x1c: {  	p1 =	slt.u32 s9, $0xF7A;
	s5 =	simm.s32 @!p2 $0x0  }
0x1d: {  	s5 =	simm.s32 @p1 $0x1;
	p0 =	seq.s32 s7, s2  }
0x1e: {  	s7 =	smul.u32 @!p0 $0xF7A, s2;
	p2 =	seq.s32 @!p0 s5, $0x0  }
0x1f: {  	s9 =	smul.u32 $0xF7A, s1;
	s8 =	simm.s32 @!p0 $0x1BF5;
	p2 =	por !p2, p0  }
0x20: {  	[sflag:s8] =	ssyncset.s32 @!p0 $0xFFFFF086;
	s6 =	sadd.s32 @!p0 s3, s7;
	s7 =	simm.s32 @!p0 $0x108  }
0x21: {  	s3 =	sadd.s32 s3, s9;
	s6 =	sadd.s32 @!p0 $0x88, s6;
	s7 =	simm.s32 @p2 $0x1082  }
0x22: {  	[simem:s7], [sflag:s8] =	dma.local @!p0 [hbm:s6], $0xF7A  }
0x23: {  	s9 =	sor.u32 $0xD0000000, s2;
	s6 =	simm.s32 $0x108;
	_ =	swait.ge @!p0 [sflag:s8], $0x0  }
0x24: {  	s3 =	sadd.s32 $0x88, s3;
	s6 =	simm.s32 @!p1 $0x1082;
	[sflag:s4] =	ssyncset.s32 $0xFFFFF086  }
0x25: {  	[simem:s6], [sflag:s4] =	dma.local [hbm:s3], $0xF7A  }
0x26: {  	[smem:$0x3F99] =	sst s1;
	(tag) =	ssettag s2;
	_ =	strace s9  }
0x27: {  	s1 =	sld [smem:$0x3FA9]  }
0x28: {  	s2 =	sld [smem:$0x3FAA]  }
0x29: {  	s4 =	sld [smem:$0x3FAC]  }
0x2a: {  	p0 =	seq.s32 s5, $0x0;
	s5 =	sld [smem:$0x3FAD]  }
0x2b: {  	s6 =	sld [smem:$0x3FAE]  }
0x2c: {  	s7 =	sld [smem:$0x3FAF]  }
0x2d: {  	s3 =	simm.s32 $0x108;
	s8 =	sld [smem:$0x3FB0]  }
0x2e: {  	s3 =	simm.s32 @!p0 $0x1082;
	s9 =	sld [smem:$0x3FB1]  }
0x2f: {  	lr =	sadd.s32 s0, s3;
	s0 =	sld [smem:$0x3FA8]  }
0x30: {  	s3 =	sld [smem:$0x3FAB]  }
0x31: {  	[smem:$0x3FB4] =	sst s10  }
0x32: {  	s10 =	sld [smem:$0x3FB2];
	_ =	sdelay $0x3  }
0x33: {  	p0 =	seq.s32 s10, $0x1;
	s10 =	sld [smem:$0x3FB4];
	_ =	sdelay $0x3  }
0x34: {  	[smem:$0x3FB4] =	sst s10  }
0x35: {  	s10 =	sld [smem:$0x3FB3];
	_ =	sdelay $0x3  }
0x36: {  	p1 =	seq.s32 s10, $0x1;
	s10 =	sld [smem:$0x3FB4];
	_ =	sdelay $0x3  }
0x37: {  	[smem:$0x3FB4] =	sst s10  }
0x38: {  	s10 =	sld [smem:$0x3FB5]  }
0x39: {  	_ = 	snop;
	(pc) =	sbr.ind lr, $3  }
0x3a: {  	_ = 	snop  }
0x3b: {  	_ = 	snop  }
0x3c: {  	p2 =	seq.s32 s10, $0x1;
	s10 =	sld [smem:$0x3FB4]  }
0x3d: {  	_ =	shalt  }
0x3e: {  	_ =	shalt  }
0x3f: {  	_ =	shalt  }
0x40: {  	_ =	shalt  }
0x41: {  	_ =	shalt  }
0x42: {  	_ =	shalt  }
0x43: {  	_ =	shalt  }
0x44: {  	_ =	shalt  }
0x45: {  	_ =	shalt  }
0x46: {  	_ =	shalt  }
0x47: {  	_ =	shalt  }
0x48: {  	_ =	shalt  }
0x49: {  	_ =	shalt  }
0x4a: {  	_ =	shalt  }
0x4b: {  	_ =	shalt  }
0x4c: {  	_ =	shalt  }
0x4d: {  	_ =	shalt  }
0x4e: {  	_ =	shalt  }
0x4f: {  	_ =	shalt  }
0x50: {  	_ =	shalt  }
0x51: {  	_ =	shalt  }
0x52: {  	_ =	shalt  }
0x53: {  	_ =	shalt  }
0x54: {  	_ =	shalt  }
0x55: {  	_ =	shalt  }
0x56: {  	_ =	shalt  }
0x57: {  	_ =	shalt  }
0x58: {  	_ =	shalt  }
0x59: {  	_ =	shalt  }
0x5a: {  	_ =	shalt  }
0x5b: {  	_ =	shalt  }
0x5c: {  	_ =	shalt  }
0x5d: {  	_ =	shalt  }
0x5e: {  	_ =	shalt  }
0x5f: {  	_ =	shalt  }
0x60: {  	_ =	shalt  }
0x61: {  	_ =	shalt  }
0x62: {  	_ =	shalt  }
0x63: {  	_ =	shalt  }
0x64: {  	_ =	shalt  }
0x65: {  	_ =	shalt  }
0x66: {  	_ =	shalt  }
0x67: {  	_ =	shalt  }
0x68: {  	_ =	shalt  }
0x69: {  	_ =	shalt  }
0x6a: {  	_ =	shalt  }
0x6b: {  	_ =	shalt  }
0x6c: {  	_ =	shalt  }
0x6d: {  	_ =	shalt  }
0x6e: {  	_ =	shalt  }
0x6f: {  	_ =	shalt  }
0x70: {  	_ =	shalt  }
0x71: {  	_ =	shalt  }
0x72: {  	_ =	shalt  }
0x73: {  	_ =	shalt  }
0x74: {  	_ =	shalt  }
0x75: {  	_ =	shalt  }
0x76: {  	_ =	shalt  }
0x77: {  	_ =	shalt  }
0x78: {  	_ =	shalt  }
0x79: {  	_ =	shalt  }
0x7a: {  	_ =	shalt  }
0x7b: {  	_ =	shalt  }
0x7c: {  	_ =	shalt  }
0x7d: {  	_ =	shalt  }
0x7e: {  	_ =	shalt  }
0x7f: {  	_ =	shalt  }
0x80: {  	_ =	shalt  }
0x81: {  	_ =	shalt  }
0x82: {  	_ =	shalt  }
0x83: {  	_ =	shalt  }
0x84: {  	_ =	shalt  }
0x85: {  	_ =	shalt  }
0x86: {  	_ =	shalt  }
0x87: {  	_ =	shalt  }
.Lfunc_end0:
.L_simem_size_0:
called_computation.1_lowered:
.L_overlay_start_0:
0x88: {  	s2 =	sld [smem:$0x3FD9]  }
0x89: {  	s3 =	sld [smem:$0x3FFE];
	_ =	sdelay $0x1  }
0x8a: {  	s1 =	srdreg.scid  }
0x8b: {  	s0 =	sand.u32 $0x1, s1  }
0x8c: {  	s17 =	sshll.u32 s0, $0xA;
	s2 =	sadd.s32 s3, s2  }
0x8d: {  	s2 =	sadd.s32 s2, s17  }
0x8e: {  	[smem:$0x3FC0] =	sst s2  }
0x8f: {  	_ = 	snop  }
0x90: {  	s2 =	sld [smem:$0x3FD0];
	(tm) =	ssettm $0x1  }
0x91: {  	s18 =	sld [smem:$0x3FFB];
	_ =	sdelay $0x3  }
0x92: {  	_ =	strace s18  }
0x93: {  	s3 =	sld [smem:$0x3FFC];
	_ =	sdelay $0x3  }
0x94: {  	_ =	strace s3  }
0x95: {  	s3 =	sld [smem:$0x3FFD];
	_ =	sdelay $0x3  }
0x96: {  	_ =	strace s3  }
0x97: {  	_ =	strace $0x8FFFFFFF  }
0x98: {  	s19 =	sld [smem:$0x3FDB];
	_ =	sdelay $0x1  }
0x99: {  	s4 =	simm.s32 $_scs_section_size  }
0x9a: {  	s5 =	simm.s32 $_size__tile_overlayer_lowered;
	s6 =	simm.s32 $_tile_overlayer_lowered  }
0x9b: {  	s22 =	simm.s32 $0x1BFF;
	s21 =	sshll.u32 s6, $0x1;
	s3 =	sadd.s32 s4, s19  }
0x9c: {  	s7 =	simm.s32 $0x0;
	s20 =	sshll.u32 s5, $0x1;
	s5 =	sadd.s32 s21, s3  }
0x9d: {  	[timem:s7], [sflag:s22] =	dma.local [hbm:s5], s20  }
0x9e: {  	_ =	swait.ge [sflag:s22], s20  }
0x9f: {  	s4 =	ssub.s32 $0x0, s20;
	[sflag:s22] =	ssyncset.done $0x0  }
0xa0: {  	[sflag:s22] =	ssyncadd.s32 s4;
	_ =	sdelay $0x1  }
0xa1: {  	s23 =	simm.s32 $0x1B8B  }
0xa2: {  	_ =	swait.ge [sflag:s23], $0x1  }
0xa3: {  	[sflag:s23] =	ssyncset.done $0x0  }
0xa4: {  	s25 =	simm.s32 $0x1B8E;
	s24 =	sld [smem:$0x3FFE];
	[sflag:s23] =	ssyncadd.s32 $0xFFFFFFFF  }
0xa5: {  	s26 =	simm.s32 $execute0_lowered;
	[smem:$0x3FD2] =	sst s25  }
0xa6: {  	s5 =	sshll.u32 s26, $0x1;
	_ =	strace $0x80000049;
	[dreg:$0x1] =	wrdreg $0xFFFFFFFF  }
0xa7: {  	s28 =	simm.s32 $_size_execute0_lowered;
	s3 =	sadd.s32 s3, s5;
	[dreg:$0x0] =	wrdreg $0x0  }
0xa8: {  	s5 =	sshll.u32 s28, $0x1;
	[dreg:$0x2] =	wrdreg s3  }
0xa9: {  	[dreg:$0x3] =	wrdreg s5  }
0xaa: {  	[dreg:$0x4] =	wrdreg $0xC0  }
0xab: {  	_ =	task [dreg:s7], $0x5FFFF  }
0xac: {  	[dreg:$0x1] =	wrdreg $0xFFFFFFFF  }
0xad: {  	[dreg:$0x0] =	wrdreg $0x60  }
0xae: {  	[dreg:$0x2] =	wrdreg s2  }
0xaf: {  	[dreg:$0x3] =	wrdreg s24  }
0xb0: {  	[dreg:$0x4] =	wrdreg $0x88000  }
0xb1: {  	[dreg:$0x5] =	wrdreg $0x9  }
0xb2: {  	_ =	task.clear_ibuf [dreg:s7], $0x6FFFF;
	_ =	strace $0x90000049  }
0xb3: {  	s29 =	simm.s32 $0x9;
	_ =	strace $0x8000004B  }
0xb4: {  	_ =	swait.ge [sflag:s29], $0x1  }
0xb5: {  	[sflag:s29] =	ssyncadd.s32 $0xFFFFFFFF  }
0xb6: {  	_ =	strace $0x9000004B  }
0xb7: {  	_ =	sfence  }
0xb8: {  	s30 =	sld [smem:$0x0];
	_ =	sdelay $0x2  }
0xb9: {  	s31 =	sshll.u32 s1, $0xD;
	s1 =	sshrl.u32 s1, $0x2  }
0xba: {  	s3 =	sand.u32 $0x4000, s31;
	s1 =	sadd.s32 s1, s30  }
0xbb: {  	s0 =	sor.u32 s3, s0;
	s1 =	sshll.u32 s1, $0x11  }
0xbc: {  	s0 =	sor.u32 s1, s0  }
0xbd: {  	s0 =	sadd.s32 $0x8F2B, s0  }
0xbe: {  	[sflag:s0] =	ssyncadd.remote.s32 $0x1  }
0xbf: {  	_ =	sfence.sel $0xFFFF  }
0xc0: {  	[dreg:$0x0] =	wrdreg $0xFFFFFFFF;
	(pc) =	sbr.abs _section_cstart, $3  }
0xc1: {  	[dreg:$0x1] =	wrdreg $0xFFFFFFFF  }
0xc2: {  	_ =	task.clear_ibuf [dreg:s7], $0x2FFFF;
	_ =	strace $0x9FFFFFFF  }
0xc3: {  	(tm) =	ssettm $0x7FFFFFFF  }
tec
execute0_lowered:
.L_overlay_start_1:
0x0: {  	(tag) =	ssettag $0x1  }
0x1: {  	s1 =	rddreg [dreg:$0x0]  }
0x2: {  	s0 =	rddreg [dreg:$0x1];
	s2 =	srdreg.scid  }
0x3: {  	s10 =	stileid.u32;
	s3 =	rddreg [dreg:$0x2];
	s4 =	simm.s32 $0x0  }
0x4: {  	s28 =	simm.s32 $0x800;
	s29 =	simm.s32 $0x1;
	s5 =	smul.u32 $0x278, s10  }
0x5: {  	s30 =	simm.s32 $0x2;
	[smem:$0x7FF] =	sst s4;
	s8 =	smul.u32 $0x4F000, s10  }
0x6: {  	s31 =	simm.s32 $0x0;
	s12 =	sadd.s32 $0x12C400, s3;
	s13 =	sadd.s32 $0x130400, s3  }
0x7: {  	s7 =	sand.u32 $0x1, s2;
	s14 =	sadd.s32 $0x134400, s3;
	s15 =	sadd.s32 $0x138400, s3  }
0x8: {  	s23 =	sshll.u32 s10, $0x7;
	s2 =	sshll.u32 s2, $0xB;
	p0 =	seq.s32 s10, $0xF  }
0x9: {  	s6 =	smul.u32 $0x2710, s7;
	_ =	strace $0x8000004A;
	s9 =	ssub.s32 $0x2, s7  }
0xa: {  	s7 =	sshll.u32 s7, $0x4;
	s26 =	sor.u32 s2, s23;
	s8 =	sshrl.u32 s8, $0x2  }
0xb: {  	s19 =	sshrl.u32 s9, $0x1;
	s7 =	sor.u32 s7, s10;
	s6 =	sadd.s32 s5, s6  }
0xc: {  	s23 =	sand.u32 $0xF80, s26;
	s26 =	simm.s32 $0x80;
	s6 =	sshll.u32 s6, $0x4  }
0xd: {  	s5 =	sadd.s32 $0x3C00, s0;
	s0 =	sadd.s32 s6, s0;
	s6 =	sadd.s32 s8, s3  }
0xe: {  	s24 =	ssub.s32 $0x9E3, s7;
	s8 =	ssub.s32 s9, s19;
	s11 =	sadd.s32 $0x4000, s6  }
0xf: {  	s20 =	sadd.s32 $0x8000, s6;
	s21 =	sadd.s32 $0xC000, s6;
	[dreg:$0x4] =	wrdreg s11  }
0x10: {  	s22 =	sadd.s32 $0x10000, s6;
	s16 =	sadd.s32 $0x17600, s0;
	[dreg:$0x5] =	wrdreg s20  }
0x11: {  	s17 =	sadd.s32 $0x17E00, s0;
	s18 =	sadd.s32 $0x18600, s0;
	[dreg:$0x6] =	wrdreg s21  }
0x12: {  	s19 =	sadd.s32 $0x18E00, s0;
	s25 =	smax.u32 s8, $0x1;
	[dreg:$0x7] =	wrdreg s22  }
0x13: {  	s11 =	sadd.s32 $0x128400, s3;
	s20 =	sadd.s32 $0x19600, s0;
	[dreg:$0x8] =	wrdreg s25  }
0x14: {  	v0 =	vimm.f32 $0.0e+00;
	s22 =	sshrl.u32 s24, $0x5;
	s24 =	simm.s32 $0x400;
	s25 =	simm.s32 $0x3  }
.LBB2_1:
0x15: {  	s0 =	simm.s32 $0x0;
	s2 =	simm.s32 $0x200  }
.LBB2_2:
0x16: {  	p1 =	sne.s32 s2, $0xFE00;
	[tilespmem:s0+$0x4870] =	vst v0  }
0x17: {  	[tilespmem:s0+$0x4800] =	vst v0  }
0x18: {  	[tilespmem:s0+$0x4810] =	vst v0  }
.Ltmp0:
0x19: {  	[tilespmem:s0+$0x4820] =	vst v0;
	(pc) =	sbr.rel @p1 .LBB2_2-.Ltmp0, $4  }
0x1a: {  	[tilespmem:s0+$0x4830] =	vst v0  }
0x1b: {  	[tilespmem:s0+$0x4840] =	vst v0  }
0x1c: {  	[tilespmem:s0+$0x4850] =	vst v0  }
0x1d: {  	[tilespmem:s0+$0x4860] =	vst v0;
	s0 =	sshra.s32 s2, $0x2;
	s2 =	sadd.s32 $0x200, s2  }
0x1e: {  	[tilespmem:s0+$0x4870] =	vst v0  }
0x1f: {  	[tilespmem:s0+$0x4800] =	vst v0  }
0x20: {  	[tilespmem:s0+$0x4810] =	vst v0  }
0x21: {  	[tilespmem:s0+$0x4820] =	vst v0  }
0x22: {  	[tilespmem:s0+$0x4830] =	vst v0  }
0x23: {  	[tilespmem:s0+$0x4840] =	vst v0  }
0x24: {  	[tilespmem:s0+$0x4850] =	vst v0  }
0x25: {  	[tilespmem:s0+$0x4860] =	vst v0;
	s7 =	simm.s32 @p0 $0x4800;
	s21 =	simm.s32 @p0 $0x3  }
0x26: {  	[spmem:s11] =	stream.linear.scatter @p0 [tilespmem:s7], [sflag:$0x3], $0x4000, $0x38;
	[tilespmem:$0x1C0C0] =	vst v63  }
0x27: {  	_ =	swait.ge @p0 [sflag:s21], $0x4000  }
0x28: {  	[sflag:s21] =	ssyncset.done @p0 $0x0  }
0x29: {  	[sflag:s21] =	ssyncadd.s32 @p0 $0xFFFFC000  }
0x2a: {  	[spmem:s12] =	stream.linear.scatter @p0 [tilespmem:s7], [sflag:$0x3], $0x4000, $0x38;
	[tilespmem:$0x1C0C0] =	vst v63  }
0x2b: {  	_ =	swait.ge @p0 [sflag:s21], $0x4000  }
0x2c: {  	[sflag:s21] =	ssyncset.done @p0 $0x0  }
0x2d: {  	[sflag:s21] =	ssyncadd.s32 @p0 $0xFFFFC000  }
0x2e: {  	[spmem:s13] =	stream.linear.scatter @p0 [tilespmem:s7], [sflag:$0x3], $0x4000, $0x38;
	[tilespmem:$0x1C0C0] =	vst v63  }
0x2f: {  	_ =	swait.ge @p0 [sflag:s21], $0x4000  }
0x30: {  	[sflag:s21] =	ssyncset.done @p0 $0x0  }
0x31: {  	[sflag:s21] =	ssyncadd.s32 @p0 $0xFFFFC000  }
0x32: {  	[spmem:s14] =	stream.linear.scatter @p0 [tilespmem:s7], [sflag:$0x3], $0x4000, $0x38;
	[tilespmem:$0x1C0C0] =	vst v63  }
0x33: {  	_ =	swait.ge @p0 [sflag:s21], $0x4000  }
0x34: {  	[sflag:s21] =	ssyncset.done @p0 $0x0  }
0x35: {  	[sflag:s21] =	ssyncadd.s32 @p0 $0xFFFFC000  }
0x36: {  	[spmem:s15] =	stream.linear.scatter @p0 [tilespmem:s7], [sflag:$0x3], $0x800, $0x38;
	[tilespmem:$0x1C0C0] =	vst v63  }
0x37: {  	_ =	swait.ge @p0 [sflag:s21], $0x800  }
0x38: {  	[sflag:s21] =	ssyncset.done @p0 $0x0  }
0x39: {  	s0 =	simm.s32 @!p0 $0x4800;
	s2 =	simm.s32 @!p0 $0x3;
	[sflag:s21] =	ssyncadd.s32 @p0 $0xFFFFF800  }
0x3a: {  	[spmem:s6] =	stream.linear.scatter @!p0 [tilespmem:s0], [sflag:$0x3], $0x4000, $0x38;
	[tilespmem:$0x1C0C0] =	vst v63  }
0x3b: {  	_ =	swait.ge @!p0 [sflag:s2], $0x4000  }
0x3c: {  	[sflag:s2] =	ssyncset.done @!p0 $0x0  }
0x3d: {  	s8 =	rddreg [dreg:$0x4];
	[sflag:s2] =	ssyncadd.s32 @!p0 $0xFFFFC000  }
0x3e: {  	[spmem:s8] =	stream.linear.scatter @!p0 [tilespmem:s0], [sflag:$0x3], $0x4000, $0x38;
	[tilespmem:$0x1C0C0] =	vst v63  }
0x3f: {  	_ =	swait.ge @!p0 [sflag:s2], $0x4000  }
0x40: {  	[sflag:s2] =	ssyncset.done @!p0 $0x0  }
0x41: {  	s8 =	rddreg [dreg:$0x5];
	[sflag:s2] =	ssyncadd.s32 @!p0 $0xFFFFC000  }
0x42: {  	[spmem:s8] =	stream.linear.scatter @!p0 [tilespmem:s0], [sflag:$0x3], $0x4000, $0x38;
	[tilespmem:$0x1C0C0] =	vst v63  }
0x43: {  	_ =	swait.ge @!p0 [sflag:s2], $0x4000  }
0x44: {  	[sflag:s2] =	ssyncset.done @!p0 $0x0  }
0x45: {  	s8 =	rddreg [dreg:$0x6];
	[sflag:s2] =	ssyncadd.s32 @!p0 $0xFFFFC000  }
0x46: {  	[spmem:s8] =	stream.linear.scatter @!p0 [tilespmem:s0], [sflag:$0x3], $0x4000, $0x38;
	[tilespmem:$0x1C0C0] =	vst v63  }
0x47: {  	_ =	swait.ge @!p0 [sflag:s2], $0x4000  }
0x48: {  	[sflag:s2] =	ssyncset.done @!p0 $0x0  }
0x49: {  	p2 =	sne.s32 s22, $0x1;
	s8 =	rddreg [dreg:$0x7];
	[sflag:s2] =	ssyncadd.s32 @!p0 $0xFFFFC000  }
0x4a: {  	[spmem:s8] =	stream.linear.scatter @!p0 [tilespmem:s0], [sflag:$0x3], $0x3C00, $0x38;
	[tilespmem:$0x1C0C0] =	vst v63  }
.Ltmp1:
0x4b: {  	_ =	swait.ge @!p0 [sflag:s2], $0x3C00;
	(pc) =	sbr.rel @!p2 .LBB2_6-.Ltmp1, $4  }
0x4c: {  	[sflag:s2] =	ssyncset.done @!p0 $0x0  }
0x4d: {  	[sflag:s2] =	ssyncadd.s32 @!p0 $0xFFFFC400  }
0x4e: {  	[bflag:$0x0] =	sbarrier.arrive $0xFFFF  }
0x4f: {  	s10 =	sshrl.u32 s23, $0x3;
	p1 =	por $0x0, $0x0;
	s8 =	sadd.s32 $0xFFFFFFFF, s22  }
0x50: {  	s9 =	sadd.s32 s5, s10  }
0x51: {  	[tilespmem:s4], [sflag:$0x3] =	stream.linear.gather [hbm4b:s9+s4], $0x80, $0x38;
	[tilespmem:$0x1C0C0] =	vst v63  }
0x52: {  	s9 =	sadd.s32 $0x9C80, s9  }
0x53: {  	[tilespmem:s24], [sflag:$0x3] =	stream.linear.gather [hbm4b:s9+s4], $0x80, $0x38;
	[tilespmem:$0x1C0C0] =	vst v63  }
0x54: {  	_ =	swait.ge [sflag:s25], $0x100  }
0x55: {  	[sflag:s25] =	ssyncset.done $0x0  }
0x56: {  	[sflag:s25] =	ssyncadd.s32 $0xFFFFFF00  }
0x57: {  	[tilespmem:s28], [sflag:$0x1] =	stream.indirect.gather [hbm4b:s1+s26], $0x80, s4, s26, $0xb8;
	[tilespmem:$0x1C0C0] =	vst v63  }
0x58: {  	p2 =	sne.s32 s8, $0x1;
	_ =	swait.ge [sflag:s29], $0x4000  }
.Ltmp2:
0x59: {  	[sflag:s29] =	ssyncset.done $0x0;
	(pc) =	sbr.rel @!p2 .LBB2_6-.Ltmp2, $4  }
0x5a: {  	[sflag:s29] =	ssyncadd.s32 $0xFFFFC000  }
0x5b: {  	[spmem:s3] =	stream.indirect.scatter.add.f32 [tilespmem:s28], [sflag:$0x2], $0x80, s24, s26, $0xb8;
	[tilespmem:$0x1C0C0] =	vst v63  }
0x5c: {  	s8 =	sadd.s32 $0xFFFFFFFF, s8;
	s9 =	sadd.s32 $0x1000, s23;
	_ =	swait.ge [sflag:s30], $0x4000  }
0x5d: {  	p1 =	por $0x1, $0x1;
	s10 =	sshrl.u32 s9, $0x3;
	[sflag:s30] =	ssyncset.done $0x0  }
.LBB2_5:
0x5e: {  	p2 =	sne.s32 s8, $0x1;
	s10 =	sadd.s32 s5, s10;
	[sflag:s30] =	ssyncadd.s32 $0xFFFFC000  }
0x5f: {  	[tilespmem:s4], [sflag:$0x3] =	stream.linear.gather [hbm4b:s10+s4], $0x80, $0x38;
	[tilespmem:$0x1C0C0] =	vst v63  }
0x60: {  	s8 =	sadd.s32 $0xFFFFFFFF, s8;
	s10 =	sadd.s32 $0x9C80, s10  }
0x61: {  	[tilespmem:s24], [sflag:$0x3] =	stream.linear.gather [hbm4b:s10+s4], $0x80, $0x38;
	[tilespmem:$0x1C0C0] =	vst v63  }
0x62: {  	_ =	swait.ge [sflag:s25], $0x100  }
0x63: {  	[sflag:s25] =	ssyncset.done $0x0  }
0x64: {  	[sflag:s25] =	ssyncadd.s32 $0xFFFFFF00  }
0x65: {  	[tilespmem:s28], [sflag:$0x1] =	stream.indirect.gather [hbm4b:s1+s26], $0x80, s4, s26, $0xb8;
	[tilespmem:$0x1C0C0] =	vst v63  }
0x66: {  	_ =	swait.ge [sflag:s29], $0x4000  }
.Ltmp3:
0x67: {  	[sflag:s29] =	ssyncset.done $0x0;
	(pc) =	sbr.rel @p2 .LBB2_5-.Ltmp3, $4  }
0x68: {  	[sflag:s29] =	ssyncadd.s32 $0xFFFFC000  }
0x69: {  	[spmem:s3] =	stream.indirect.scatter.add.f32 [tilespmem:s28], [sflag:$0x2], $0x80, s24, s26, $0xb8;
	[tilespmem:$0x1C0C0] =	vst v63  }
0x6a: {  	s9 =	sadd.s32 $0x1000, s9;
	_ =	swait.ge [sflag:s30], $0x4000  }
0x6b: {  	s10 =	sshrl.u32 s9, $0x3;
	[sflag:s30] =	ssyncset.done $0x0  }
.LBB2_6:
0x6c: {  	s8 =	sadd.s32 s5, s10;
	[sflag:s30] =	ssyncadd.s32 @p1 $0xFFFFC000  }
0x6d: {  	[tilespmem:s4], [sflag:$0x3] =	stream.linear.gather [hbm4b:s8+s4], $0x80, $0x38;
	[tilespmem:$0x1C0C0] =	vst v63  }
0x6e: {  	s8 =	sadd.s32 $0x9C80, s8  }
0x6f: {  	[tilespmem:s24], [sflag:$0x3] =	stream.linear.gather [hbm4b:s8+s4], $0x80, $0x38;
	[tilespmem:$0x1C0C0] =	vst v63  }
0x70: {  	_ =	swait.ge [sflag:s25], $0x100  }
0x71: {  	[sflag:s25] =	ssyncset.done $0x0  }
0x72: {  	[sflag:s25] =	ssyncadd.s32 $0xFFFFFF00  }
0x73: {  	[tilespmem:s28], [sflag:$0x1] =	stream.indirect.gather [hbm4b:s1+s26], $0x80, s4, s26, $0xb8;
	[tilespmem:$0x1C0C0] =	vst v63  }
0x74: {  	_ =	swait.ge [sflag:s29], $0x4000  }
0x75: {  	[sflag:s29] =	ssyncset.done $0x0  }
0x76: {  	[sflag:s29] =	ssyncadd.s32 $0xFFFFC000  }
0x77: {  	[spmem:s3] =	stream.indirect.scatter.add.f32 [tilespmem:s28], [sflag:$0x2], $0x80, s24, s26, $0xb8;
	[tilespmem:$0x1C0C0] =	vst v63  }
0x78: {  	_ =	swait.ge [sflag:s30], $0x4000  }
0x79: {  	[sflag:s30] =	ssyncset.done $0x0  }
0x7a: {  	[sflag:s30] =	ssyncadd.s32 $0xFFFFC000  }
0x7b: {  	[bflag:$0x0] =	sbarrier.arrive $0xFFFF  }
0x7c: {  	[tilespmem:s7], [sflag:$0x3] =	stream.linear.gather @p0 [spmem:s11], $0x4000, $0x38;
	[tilespmem:$0x1C0C0] =	vst v63  }
0x7d: {  	_ =	swait.ge @p0 [sflag:s21], $0x4000  }
0x7e: {  	[sflag:s21] =	ssyncset.done @p0 $0x0  }
0x7f: {  	s8 =	simm.s32 @p0 $0x0;
	[sflag:s21] =	ssyncadd.s32 @p0 $0xFFFFC000  }
0x80: {  	[hbm4b:s16+s8] =	stream.linear.scatter @p0 [tilespmem:s7], [sflag:$0x3], $0x4000, $0x38;
	[tilespmem:$0x1C0C0] =	vst v63  }
0x81: {  	_ =	swait.ge @p0 [sflag:s21], $0x4000  }
0x82: {  	[sflag:s21] =	ssyncset.done @p0 $0x0  }
0x83: {  	[sflag:s21] =	ssyncadd.s32 @p0 $0xFFFFC000  }
0x84: {  	[tilespmem:s7], [sflag:$0x3] =	stream.linear.gather @p0 [spmem:s12], $0x4000, $0x38;
	[tilespmem:$0x1C0C0] =	vst v63  }
0x85: {  	_ =	swait.ge @p0 [sflag:s21], $0x4000  }
0x86: {  	[sflag:s21] =	ssyncset.done @p0 $0x0  }
0x87: {  	[sflag:s21] =	ssyncadd.s32 @p0 $0xFFFFC000  }
0x88: {  	[hbm4b:s17+s8] =	stream.linear.scatter @p0 [tilespmem:s7], [sflag:$0x3], $0x4000, $0x38;
	[tilespmem:$0x1C0C0] =	vst v63  }
0x89: {  	_ =	swait.ge @p0 [sflag:s21], $0x4000  }
0x8a: {  	[sflag:s21] =	ssyncset.done @p0 $0x0  }
0x8b: {  	[sflag:s21] =	ssyncadd.s32 @p0 $0xFFFFC000  }
0x8c: {  	[tilespmem:s7], [sflag:$0x3] =	stream.linear.gather @p0 [spmem:s13], $0x4000, $0x38;
	[tilespmem:$0x1C0C0] =	vst v63  }
0x8d: {  	_ =	swait.ge @p0 [sflag:s21], $0x4000  }
0x8e: {  	[sflag:s21] =	ssyncset.done @p0 $0x0  }
0x8f: {  	[sflag:s21] =	ssyncadd.s32 @p0 $0xFFFFC000  }
0x90: {  	[hbm4b:s18+s8] =	stream.linear.scatter @p0 [tilespmem:s7], [sflag:$0x3], $0x4000, $0x38;
	[tilespmem:$0x1C0C0] =	vst v63  }
0x91: {  	_ =	swait.ge @p0 [sflag:s21], $0x4000  }
0x92: {  	[sflag:s21] =	ssyncset.done @p0 $0x0  }
0x93: {  	[sflag:s21] =	ssyncadd.s32 @p0 $0xFFFFC000  }
0x94: {  	[tilespmem:s7], [sflag:$0x3] =	stream.linear.gather @p0 [spmem:s14], $0x4000, $0x38;
	[tilespmem:$0x1C0C0] =	vst v63  }
0x95: {  	_ =	swait.ge @p0 [sflag:s21], $0x4000  }
0x96: {  	[sflag:s21] =	ssyncset.done @p0 $0x0  }
0x97: {  	[sflag:s21] =	ssyncadd.s32 @p0 $0xFFFFC000  }
0x98: {  	[hbm4b:s19+s8] =	stream.linear.scatter @p0 [tilespmem:s7], [sflag:$0x3], $0x4000, $0x38;
	[tilespmem:$0x1C0C0] =	vst v63  }
0x99: {  	_ =	swait.ge @p0 [sflag:s21], $0x4000  }
0x9a: {  	[sflag:s21] =	ssyncset.done @p0 $0x0  }
0x9b: {  	[sflag:s21] =	ssyncadd.s32 @p0 $0xFFFFC000  }
0x9c: {  	[tilespmem:s7], [sflag:$0x3] =	stream.linear.gather @p0 [spmem:s15], $0x400, $0x38;
	[tilespmem:$0x1C0C0] =	vst v63  }
0x9d: {  	_ =	swait.ge @p0 [sflag:s21], $0x400  }
0x9e: {  	[sflag:s21] =	ssyncset.done @p0 $0x0  }
0x9f: {  	[sflag:s21] =	ssyncadd.s32 @p0 $0xFFFFFC00  }
0xa0: {  	[hbm4b:s20+s8] =	stream.linear.scatter @p0 [tilespmem:s7], [sflag:$0x3], $0x400, $0x38;
	[tilespmem:$0x1C0C0] =	vst v63  }
0xa1: {  	_ =	swait.ge @p0 [sflag:s21], $0x400  }
0xa2: {  	[sflag:s21] =	ssyncset.done @p0 $0x0  }
0xa3: {  	[sflag:s21] =	ssyncadd.s32 @p0 $0xFFFFFC00  }
0xa4: {  	[tilespmem:s0], [sflag:$0x3] =	stream.linear.gather @!p0 [spmem:s6], $0x4000, $0x38;
	[tilespmem:$0x1C0C0] =	vst v63  }
0xa5: {  	_ =	swait.ge @!p0 [sflag:s2], $0x4000  }
0xa6: {  	[sflag:s2] =	ssyncset.done @!p0 $0x0  }
0xa7: {  	s7 =	simm.s32 @!p0 $0x0;
	[sflag:s2] =	ssyncadd.s32 @!p0 $0xFFFFC000  }
0xa8: {  	[hbm4b:s16+s7] =	stream.linear.scatter @!p0 [tilespmem:s0], [sflag:$0x3], $0x4000, $0x38;
	[tilespmem:$0x1C0C0] =	vst v63  }
0xa9: {  	_ =	swait.ge @!p0 [sflag:s2], $0x4000  }
0xaa: {  	[sflag:s2] =	ssyncset.done @!p0 $0x0  }
0xab: {  	s8 =	rddreg [dreg:$0x4];
	[sflag:s2] =	ssyncadd.s32 @!p0 $0xFFFFC000  }
0xac: {  	[tilespmem:s0], [sflag:$0x3] =	stream.linear.gather @!p0 [spmem:s8], $0x4000, $0x38;
	[tilespmem:$0x1C0C0] =	vst v63  }
0xad: {  	_ =	swait.ge @!p0 [sflag:s2], $0x4000  }
0xae: {  	[sflag:s2] =	ssyncset.done @!p0 $0x0  }
0xaf: {  	[sflag:s2] =	ssyncadd.s32 @!p0 $0xFFFFC000  }
0xb0: {  	[hbm4b:s17+s7] =	stream.linear.scatter @!p0 [tilespmem:s0], [sflag:$0x3], $0x4000, $0x38;
	[tilespmem:$0x1C0C0] =	vst v63  }
0xb1: {  	_ =	swait.ge @!p0 [sflag:s2], $0x4000  }
0xb2: {  	[sflag:s2] =	ssyncset.done @!p0 $0x0  }
0xb3: {  	s8 =	rddreg [dreg:$0x5];
	[sflag:s2] =	ssyncadd.s32 @!p0 $0xFFFFC000  }
0xb4: {  	[tilespmem:s0], [sflag:$0x3] =	stream.linear.gather @!p0 [spmem:s8], $0x4000, $0x38;
	[tilespmem:$0x1C0C0] =	vst v63  }
0xb5: {  	_ =	swait.ge @!p0 [sflag:s2], $0x4000  }
0xb6: {  	[sflag:s2] =	ssyncset.done @!p0 $0x0  }
0xb7: {  	[sflag:s2] =	ssyncadd.s32 @!p0 $0xFFFFC000  }
0xb8: {  	[hbm4b:s18+s7] =	stream.linear.scatter @!p0 [tilespmem:s0], [sflag:$0x3], $0x4000, $0x38;
	[tilespmem:$0x1C0C0] =	vst v63  }
0xb9: {  	_ =	swait.ge @!p0 [sflag:s2], $0x4000  }
0xba: {  	[sflag:s2] =	ssyncset.done @!p0 $0x0  }
0xbb: {  	s8 =	rddreg [dreg:$0x6];
	[sflag:s2] =	ssyncadd.s32 @!p0 $0xFFFFC000  }
0xbc: {  	[tilespmem:s0], [sflag:$0x3] =	stream.linear.gather @!p0 [spmem:s8], $0x4000, $0x38;
	[tilespmem:$0x1C0C0] =	vst v63  }
0xbd: {  	_ =	swait.ge @!p0 [sflag:s2], $0x4000  }
0xbe: {  	[sflag:s2] =	ssyncset.done @!p0 $0x0  }
0xbf: {  	[sflag:s2] =	ssyncadd.s32 @!p0 $0xFFFFC000  }
0xc0: {  	[hbm4b:s19+s7] =	stream.linear.scatter @!p0 [tilespmem:s0], [sflag:$0x3], $0x4000, $0x38;
	[tilespmem:$0x1C0C0] =	vst v63  }
0xc1: {  	_ =	swait.ge @!p0 [sflag:s2], $0x4000  }
0xc2: {  	[sflag:s2] =	ssyncset.done @!p0 $0x0  }
0xc3: {  	s8 =	rddreg [dreg:$0x7];
	[sflag:s2] =	ssyncadd.s32 @!p0 $0xFFFFC000  }
0xc4: {  	[tilespmem:s0], [sflag:$0x3] =	stream.linear.gather @!p0 [spmem:s8], $0x3C00, $0x38;
	[tilespmem:$0x1C0C0] =	vst v63  }
0xc5: {  	_ =	swait.ge @!p0 [sflag:s2], $0x3C00  }
0xc6: {  	[sflag:s2] =	ssyncset.done @!p0 $0x0  }
0xc7: {  	[sflag:s2] =	ssyncadd.s32 @!p0 $0xFFFFC400  }
0xc8: {  	[hbm4b:s20+s7] =	stream.linear.scatter @!p0 [tilespmem:s0], [sflag:$0x3], $0x3C00, $0x38;
	[tilespmem:$0x1C0C0] =	vst v63  }
0xc9: {  	_ =	swait.ge @!p0 [sflag:s2], $0x3C00  }
0xca: {  	s31 =	sadd.s32 $0x1, s31;
	s21 =	rddreg [dreg:$0x8]  }
0xcb: {  	p1 =	sne.s32 s31, s21  }
.Ltmp4:
0xcc: {  	_ = 	snop;
	(pc) =	sbr.rel @p1 .LBB2_1-.Ltmp4, $3  }
0xcd: {  	_ =	sdelay $0x1  }
0xce: {  	[sflag:s2] =	ssyncset.done @!p0 $0x0  }
0xcf: {  	[sflag:s2] =	ssyncadd.s32 @!p0 $0xFFFFC400  }
0xd0: {  	_ =	sfence.sel $0x180000  }
0xd1: {  	[bflag:$0x0] =	sbarrier.arrive $0xFFFF  }
0xd2: {  	_ =	strace $0x9000004A  }
0xd3: {  	s0 =	stileid.u32;
	[bflag:$0x2] =	sbarrier.arrive $0xFFFF  }
0xd4: {  	p0 =	sne.s32 s0, $0x0;
	s0 =	rddreg [dreg:$0x3]  }
0xd5: {  	s0 =	sadd.s32 @!p0 $0x100000, s0  }
0xd6: {  	[sflag:s0] =	ssyncadd.tile.s32 @!p0 $0x1;
	_ =	shalt  }
.Lfunc_end2:
_tile_overlayer_lowered:
.L_overlay_start_2:
0xd7: {  	(tag) =	ssettag $0x2  }
0xd8: {  	s0 =	rddreg [dreg:$0x0];
	s2 =	stileid.u32  }
0xd9: {  	s1 =	rddreg [dreg:$0x1];
	p0 =	sne.s32 s2, $0x0  }
0xda: {  	s3 =	rddreg [dreg:$0x2];
	[bflag:$0x3] =	sbarrier.arrive $0xFFFF;
	s2 =	simm.s32 @!p0 $0x1C03  }
0xdb: {  	[timem:s3], [sflag:s2] =	dma.local @!p0 [hbm:s0], s1  }
0xdc: {  	s0 =	simm.s32 @!p0 $0x3  }
0xdd: {  	_ =	swait.ge @!p0 [sflag:s0], s1  }
0xde: {  	s1 =	ssub.s32 @!p0 $0x0, s1;
	[sflag:s0] =	ssyncset.done @!p0 $0x0  }
0xdf: {  	[sflag:s0] =	ssyncadd.s32 @!p0 s1  }
0xe0: {  	[bflag:$0x3] =	sbarrier.arrive $0xFFFF  }
0xe1: {  	_ =	shalt  }

// kernel: kernel.15.cloned.1.call-start
scs
__scs_entry_jumppad:
0x0: {  	(pc) =	sbr.rel $0x88, $3  }
0x1: {  	(tag) =	ssettag $0x0;
	lr =	simm.s32 $0x1  }
0x2: {  	[smem:$0x3F99] =	sst lr;
	_ =	strace $0xD0000000  }
0x3: {  	_ = 	snop  }
0x4: {  	_ = 	snop  }
0x5: {  	_ = 	snop  }
0x6: {  	_ = 	snop  }
0x7: {  	_ = 	snop  }
__scs_overlays_trampoline_lowered:
0x8: {  	[smem:$0x3FA8] =	sst s0  }
0x9: {  	[smem:$0x3FA9] =	sst s1  }
0xa: {  	[smem:$0x3FAA] =	sst s2  }
0xb: {  	[smem:$0x3FAB] =	sst s3  }
0xc: {  	[smem:$0x3FAC] =	sst s4  }
0xd: {  	[smem:$0x3FAD] =	sst s5  }
0xe: {  	[smem:$0x3FAE] =	sst s6  }
0xf: {  	[smem:$0x3FAF] =	sst s7  }
0x10: {  	[smem:$0x3FB0] =	sst s8  }
0x11: {  	[smem:$0x3FB1] =	sst s9;
	s0 =	simm.s32 @!p0 $0x0  }
0x12: {  	s1 =	sld [smem:$0x3F97];
	s0 =	simm.s32 @p0 $0x1  }
0x13: {  	[smem:$0x3FB2] =	sst s0;
	s0 =	simm.s32 @!p1 $0x0  }
0x14: {  	s2 =	sld [smem:$0x3F96];
	s0 =	simm.s32 @p1 $0x1  }
0x15: {  	[smem:$0x3FB3] =	sst s0;
	s0 =	simm.s32 @!p2 $0x0  }
0x16: {  	s3 =	sld [smem:$0x3FDB];
	s0 =	simm.s32 @p2 $0x1  }
0x17: {  	s4 =	simm.s32 $0x1BF5;
	[smem:$0x3FB5] =	sst s0  }
0x18: {  	s0 =	sld [smem:$0x3F98];
	_ =	swait.ge [sflag:s4], $0x0  }
0x19: {  	s7 =	sld [smem:$0x3F99]  }
0x1a: {  	s8 =	sadd.s32 $0xFFFFE003, lr  }
0x1b: {  	s9 =	sadd.s32 $0xFFFFFEF7, lr;
	s5 =	simm.s32 $0xFFFFFFFF;
	p2 =	slt.u32 s8, $0xFFFFF086  }
0x1c: {  	p1 =	slt.u32 s9, $0xF7A;
	s5 =	simm.s32 @!p2 $0x0  }
0x1d: {  	s5 =	simm.s32 @p1 $0x1;
	p0 =	seq.s32 s7, s2  }
0x1e: {  	s7 =	smul.u32 @!p0 $0xF7A, s2;
	p2 =	seq.s32 @!p0 s5, $0x0  }
0x1f: {  	s9 =	smul.u32 $0xF7A, s1;
	s8 =	simm.s32 @!p0 $0x1BF5;
	p2 =	por !p2, p0  }
0x20: {  	[sflag:s8] =	ssyncset.s32 @!p0 $0xFFFFF086;
	s6 =	sadd.s32 @!p0 s3, s7;
	s7 =	simm.s32 @!p0 $0x108  }
0x21: {  	s3 =	sadd.s32 s3, s9;
	s6 =	sadd.s32 @!p0 $0x88, s6;
	s7 =	simm.s32 @p2 $0x1082  }
0x22: {  	[simem:s7], [sflag:s8] =	dma.local @!p0 [hbm:s6], $0xF7A  }
0x23: {  	s9 =	sor.u32 $0xD0000000, s2;
	s6 =	simm.s32 $0x108;
	_ =	swait.ge @!p0 [sflag:s8], $0x0  }
0x24: {  	s3 =	sadd.s32 $0x88, s3;
	s6 =	simm.s32 @!p1 $0x1082;
	[sflag:s4] =	ssyncset.s32 $0xFFFFF086  }
0x25: {  	[simem:s6], [sflag:s4] =	dma.local [hbm:s3], $0xF7A  }
0x26: {  	[smem:$0x3F99] =	sst s1;
	(tag) =	ssettag s2;
	_ =	strace s9  }
0x27: {  	s1 =	sld [smem:$0x3FA9]  }
0x28: {  	s2 =	sld [smem:$0x3FAA]  }
0x29: {  	s4 =	sld [smem:$0x3FAC]  }
0x2a: {  	p0 =	seq.s32 s5, $0x0;
	s5 =	sld [smem:$0x3FAD]  }
0x2b: {  	s6 =	sld [smem:$0x3FAE]  }
0x2c: {  	s7 =	sld [smem:$0x3FAF]  }
0x2d: {  	s3 =	simm.s32 $0x108;
	s8 =	sld [smem:$0x3FB0]  }
0x2e: {  	s3 =	simm.s32 @!p0 $0x1082;
	s9 =	sld [smem:$0x3FB1]  }
0x2f: {  	lr =	sadd.s32 s0, s3;
	s0 =	sld [smem:$0x3FA8]  }
0x30: {  	s3 =	sld [smem:$0x3FAB]  }
0x31: {  	[smem:$0x3FB4] =	sst s10  }
0x32: {  	s10 =	sld [smem:$0x3FB2];
	_ =	sdelay $0x3  }
0x33: {  	p0 =	seq.s32 s10, $0x1;
	s10 =	sld [smem:$0x3FB4];
	_ =	sdelay $0x3  }
0x34: {  	[smem:$0x3FB4] =	sst s10  }
0x35: {  	s10 =	sld [smem:$0x3FB3];
	_ =	sdelay $0x3  }
0x36: {  	p1 =	seq.s32 s10, $0x1;
	s10 =	sld [smem:$0x3FB4];
	_ =	sdelay $0x3  }
0x37: {  	[smem:$0x3FB4] =	sst s10  }
0x38: {  	s10 =	sld [smem:$0x3FB5]  }
0x39: {  	_ = 	snop;
	(pc) =	sbr.ind lr, $3  }
0x3a: {  	_ = 	snop  }
0x3b: {  	_ = 	snop  }
0x3c: {  	p2 =	seq.s32 s10, $0x1;
	s10 =	sld [smem:$0x3FB4]  }
0x3d: {  	_ =	shalt  }
0x3e: {  	_ =	shalt  }
0x3f: {  	_ =	shalt  }
0x40: {  	_ =	shalt  }
0x41: {  	_ =	shalt  }
0x42: {  	_ =	shalt  }
0x43: {  	_ =	shalt  }
0x44: {  	_ =	shalt  }
0x45: {  	_ =	shalt  }
0x46: {  	_ =	shalt  }
0x47: {  	_ =	shalt  }
0x48: {  	_ =	shalt  }
0x49: {  	_ =	shalt  }
0x4a: {  	_ =	shalt  }
0x4b: {  	_ =	shalt  }
0x4c: {  	_ =	shalt  }
0x4d: {  	_ =	shalt  }
0x4e: {  	_ =	shalt  }
0x4f: {  	_ =	shalt  }
0x50: {  	_ =	shalt  }
0x51: {  	_ =	shalt  }
0x52: {  	_ =	shalt  }
0x53: {  	_ =	shalt  }
0x54: {  	_ =	shalt  }
0x55: {  	_ =	shalt  }
0x56: {  	_ =	shalt  }
0x57: {  	_ =	shalt  }
0x58: {  	_ =	shalt  }
0x59: {  	_ =	shalt  }
0x5a: {  	_ =	shalt  }
0x5b: {  	_ =	shalt  }
0x5c: {  	_ =	shalt  }
0x5d: {  	_ =	shalt  }
0x5e: {  	_ =	shalt  }
0x5f: {  	_ =	shalt  }
0x60: {  	_ =	shalt  }
0x61: {  	_ =	shalt  }
0x62: {  	_ =	shalt  }
0x63: {  	_ =	shalt  }
0x64: {  	_ =	shalt  }
0x65: {  	_ =	shalt  }
0x66: {  	_ =	shalt  }
0x67: {  	_ =	shalt  }
0x68: {  	_ =	shalt  }
0x69: {  	_ =	shalt  }
0x6a: {  	_ =	shalt  }
0x6b: {  	_ =	shalt  }
0x6c: {  	_ =	shalt  }
0x6d: {  	_ =	shalt  }
0x6e: {  	_ =	shalt  }
0x6f: {  	_ =	shalt  }
0x70: {  	_ =	shalt  }
0x71: {  	_ =	shalt  }
0x72: {  	_ =	shalt  }
0x73: {  	_ =	shalt  }
0x74: {  	_ =	shalt  }
0x75: {  	_ =	shalt  }
0x76: {  	_ =	shalt  }
0x77: {  	_ =	shalt  }
0x78: {  	_ =	shalt  }
0x79: {  	_ =	shalt  }
0x7a: {  	_ =	shalt  }
0x7b: {  	_ =	shalt  }
0x7c: {  	_ =	shalt  }
0x7d: {  	_ =	shalt  }
0x7e: {  	_ =	shalt  }
0x7f: {  	_ =	shalt  }
0x80: {  	_ =	shalt  }
0x81: {  	_ =	shalt  }
0x82: {  	_ =	shalt  }
0x83: {  	_ =	shalt  }
0x84: {  	_ =	shalt  }
0x85: {  	_ =	shalt  }
0x86: {  	_ =	shalt  }
0x87: {  	_ =	shalt  }
.Lfunc_end0:
.L_simem_size_0:
called_computation.2_lowered:
.L_overlay_start_0:
0x88: {  	s2 =	sld [smem:$0x3FD9]  }
0x89: {  	s3 =	sld [smem:$0x3FFE];
	_ =	sdelay $0x1  }
0x8a: {  	s1 =	srdreg.scid  }
0x8b: {  	s0 =	sand.u32 $0x1, s1  }
0x8c: {  	s17 =	sshll.u32 s0, $0xA;
	s2 =	sadd.s32 s3, s2  }
0x8d: {  	s2 =	sadd.s32 s2, s17  }
0x8e: {  	[smem:$0x3FC0] =	sst s2  }
0x8f: {  	_ = 	snop  }
0x90: {  	s2 =	sld [smem:$0x3FD0];
	(tm) =	ssettm $0x1  }
0x91: {  	s18 =	sld [smem:$0x3FFB];
	_ =	sdelay $0x3  }
0x92: {  	_ =	strace s18  }
0x93: {  	s3 =	sld [smem:$0x3FFC];
	_ =	sdelay $0x3  }
0x94: {  	_ =	strace s3  }
0x95: {  	s3 =	sld [smem:$0x3FFD];
	_ =	sdelay $0x3  }
0x96: {  	_ =	strace s3  }
0x97: {  	_ =	strace $0x8FFFFFFF  }
0x98: {  	s19 =	sld [smem:$0x3FDB];
	_ =	sdelay $0x1  }
0x99: {  	s4 =	simm.s32 $_scs_section_size  }
0x9a: {  	s5 =	simm.s32 $_size__tile_overlayer_lowered;
	s6 =	simm.s32 $_tile_overlayer_lowered  }
0x9b: {  	s22 =	simm.s32 $0x1BFF;
	s21 =	sshll.u32 s6, $0x1;
	s3 =	sadd.s32 s4, s19  }
0x9c: {  	s7 =	simm.s32 $0x0;
	s20 =	sshll.u32 s5, $0x1;
	s5 =	sadd.s32 s21, s3  }
0x9d: {  	[timem:s7], [sflag:s22] =	dma.local [hbm:s5], s20  }
0x9e: {  	_ =	swait.ge [sflag:s22], s20  }
0x9f: {  	s4 =	ssub.s32 $0x0, s20;
	[sflag:s22] =	ssyncset.done $0x0  }
0xa0: {  	[sflag:s22] =	ssyncadd.s32 s4;
	_ =	sdelay $0x1  }
0xa1: {  	s23 =	simm.s32 $0x1B8B  }
0xa2: {  	_ =	swait.ge [sflag:s23], $0x1  }
0xa3: {  	[sflag:s23] =	ssyncset.done $0x0  }
0xa4: {  	s25 =	simm.s32 $0x1B8E;
	s24 =	sld [smem:$0x3FFE];
	[sflag:s23] =	ssyncadd.s32 $0xFFFFFFFF  }
0xa5: {  	s26 =	simm.s32 $execute0_lowered;
	[smem:$0x3FD2] =	sst s25  }
0xa6: {  	s5 =	sshll.u32 s26, $0x1;
	_ =	strace $0x8000004C;
	[dreg:$0x1] =	wrdreg $0xFFFFFFFF  }
0xa7: {  	s28 =	simm.s32 $_size_execute0_lowered;
	s3 =	sadd.s32 s3, s5;
	[dreg:$0x0] =	wrdreg $0x0  }
0xa8: {  	s5 =	sshll.u32 s28, $0x1;
	[dreg:$0x2] =	wrdreg s3  }
0xa9: {  	[dreg:$0x3] =	wrdreg s5  }
0xaa: {  	[dreg:$0x4] =	wrdreg $0xC0  }
0xab: {  	_ =	task [dreg:s7], $0x5FFFF  }
0xac: {  	[dreg:$0x1] =	wrdreg $0xFFFFFFFF  }
0xad: {  	[dreg:$0x0] =	wrdreg $0x60  }
0xae: {  	[dreg:$0x2] =	wrdreg s2  }
0xaf: {  	[dreg:$0x3] =	wrdreg s24  }
0xb0: {  	[dreg:$0x4] =	wrdreg $0x88000  }
0xb1: {  	[dreg:$0x5] =	wrdreg $0x9  }
0xb2: {  	_ =	task.clear_ibuf [dreg:s7], $0x6FFFF;
	_ =	strace $0x9000004C  }
0xb3: {  	s29 =	simm.s32 $0x9;
	_ =	strace $0x8000004E  }
0xb4: {  	_ =	swait.ge [sflag:s29], $0x1  }
0xb5: {  	[sflag:s29] =	ssyncadd.s32 $0xFFFFFFFF  }
0xb6: {  	_ =	strace $0x9000004E  }
0xb7: {  	_ =	sfence  }
0xb8: {  	s30 =	sld [smem:$0x0];
	_ =	sdelay $0x2  }
0xb9: {  	s31 =	sshll.u32 s1, $0xD;
	s1 =	sshrl.u32 s1, $0x2  }
0xba: {  	s3 =	sand.u32 $0x4000, s31;
	s1 =	sadd.s32 s1, s30  }
0xbb: {  	s0 =	sor.u32 s3, s0;
	s1 =	sshll.u32 s1, $0x11  }
0xbc: {  	s0 =	sor.u32 s1, s0  }
0xbd: {  	s0 =	sadd.s32 $0x8F2B, s0  }
0xbe: {  	[sflag:s0] =	ssyncadd.remote.s32 $0x1  }
0xbf: {  	_ =	sfence.sel $0xFFFF  }
0xc0: {  	[dreg:$0x0] =	wrdreg $0xFFFFFFFF;
	(pc) =	sbr.abs _section_cstart, $3  }
0xc1: {  	[dreg:$0x1] =	wrdreg $0xFFFFFFFF  }
0xc2: {  	_ =	task.clear_ibuf [dreg:s7], $0x2FFFF;
	_ =	strace $0x9FFFFFFF  }
0xc3: {  	(tm) =	ssettm $0x7FFFFFFF  }
tec
execute0_lowered:
.L_overlay_start_1:
0x0: {  	(tag) =	ssettag $0x1  }
0x1: {  	s1 =	rddreg [dreg:$0x0]  }
0x2: {  	s0 =	rddreg [dreg:$0x1];
	s2 =	srdreg.scid  }
0x3: {  	s10 =	stileid.u32;
	s3 =	rddreg [dreg:$0x2];
	s4 =	simm.s32 $0x0  }
0x4: {  	s28 =	simm.s32 $0x800;
	s29 =	simm.s32 $0x1;
	s5 =	smul.u32 $0x278, s10  }
0x5: {  	s30 =	simm.s32 $0x2;
	[smem:$0x7FF] =	sst s4;
	s8 =	smul.u32 $0x4F000, s10  }
0x6: {  	s31 =	simm.s32 $0x0;
	s12 =	sadd.s32 $0x12C400, s3;
	s13 =	sadd.s32 $0x130400, s3  }
0x7: {  	s7 =	sand.u32 $0x1, s2;
	s14 =	sadd.s32 $0x134400, s3;
	s15 =	sadd.s32 $0x138400, s3  }
0x8: {  	s23 =	sshll.u32 s10, $0x7;
	s2 =	sshll.u32 s2, $0xB;
	p0 =	seq.s32 s10, $0xF  }
0x9: {  	s6 =	smul.u32 $0x2710, s7;
	_ =	strace $0x8000004D;
	s9 =	ssub.s32 $0x2, s7  }
0xa: {  	s7 =	sshll.u32 s7, $0x4;
	s26 =	sor.u32 s2, s23;
	s8 =	sshrl.u32 s8, $0x2  }
0xb: {  	s19 =	sshrl.u32 s9, $0x1;
	s7 =	sor.u32 s7, s10;
	s6 =	sadd.s32 s5, s6  }
0xc: {  	s23 =	sand.u32 $0xF80, s26;
	s26 =	simm.s32 $0x80;
	s6 =	sshll.u32 s6, $0x4  }
0xd: {  	s5 =	sadd.s32 $0x3C00, s0;
	s0 =	sadd.s32 s6, s0;
	s6 =	sadd.s32 s8, s3  }
0xe: {  	s24 =	ssub.s32 $0x9E3, s7;
	s8 =	ssub.s32 s9, s19;
	s11 =	sadd.s32 $0x4000, s6  }
0xf: {  	s20 =	sadd.s32 $0x8000, s6;
	s21 =	sadd.s32 $0xC000, s6;
	[dreg:$0x4] =	wrdreg s11  }
0x10: {  	s22 =	sadd.s32 $0x10000, s6;
	s16 =	sadd.s32 $0x17600, s0;
	[dreg:$0x5] =	wrdreg s20  }
0x11: {  	s17 =	sadd.s32 $0x17E00, s0;
	s18 =	sadd.s32 $0x18600, s0;
	[dreg:$0x6] =	wrdreg s21  }
0x12: {  	s19 =	sadd.s32 $0x18E00, s0;
	s25 =	smax.u32 s8, $0x1;
	[dreg:$0x7] =	wrdreg s22  }
0x13: {  	s11 =	sadd.s32 $0x128400, s3;
	s20 =	sadd.s32 $0x19600, s0;
	[dreg:$0x8] =	wrdreg s25  }
0x14: {  	v0 =	vimm.f32 $0.0e+00;
	s22 =	sshrl.u32 s24, $0x5;
	s24 =	simm.s32 $0x400;
	s25 =	simm.s32 $0x3  }
.LBB2_1:
0x15: {  	s0 =	simm.s32 $0x0;
	s2 =	simm.s32 $0x200  }
.LBB2_2:
0x16: {  	p1 =	sne.s32 s2, $0xFE00;
	[tilespmem:s0+$0x4870] =	vst v0  }
0x17: {  	[tilespmem:s0+$0x4800] =	vst v0  }
0x18: {  	[tilespmem:s0+$0x4810] =	vst v0  }
.Ltmp0:
0x19: {  	[tilespmem:s0+$0x4820] =	vst v0;
	(pc) =	sbr.rel @p1 .LBB2_2-.Ltmp0, $4  }
0x1a: {  	[tilespmem:s0+$0x4830] =	vst v0  }
0x1b: {  	[tilespmem:s0+$0x4840] =	vst v0  }
0x1c: {  	[tilespmem:s0+$0x4850] =	vst v0  }
0x1d: {  	[tilespmem:s0+$0x4860] =	vst v0;
	s0 =	sshra.s32 s2, $0x2;
	s2 =	sadd.s32 $0x200, s2  }
0x1e: {  	[tilespmem:s0+$0x4870] =	vst v0  }
0x1f: {  	[tilespmem:s0+$0x4800] =	vst v0  }
0x20: {  	[tilespmem:s0+$0x4810] =	vst v0  }
0x21: {  	[tilespmem:s0+$0x4820] =	vst v0  }
0x22: {  	[tilespmem:s0+$0x4830] =	vst v0  }
0x23: {  	[tilespmem:s0+$0x4840] =	vst v0  }
0x24: {  	[tilespmem:s0+$0x4850] =	vst v0  }
0x25: {  	[tilespmem:s0+$0x4860] =	vst v0;
	s7 =	simm.s32 @p0 $0x4800;
	s21 =	simm.s32 @p0 $0x3  }
0x26: {  	[spmem:s11] =	stream.linear.scatter @p0 [tilespmem:s7], [sflag:$0x3], $0x4000, $0x38;
	[tilespmem:$0x1C0C0] =	vst v63  }
0x27: {  	_ =	swait.ge @p0 [sflag:s21], $0x4000  }
0x28: {  	[sflag:s21] =	ssyncset.done @p0 $0x0  }
0x29: {  	[sflag:s21] =	ssyncadd.s32 @p0 $0xFFFFC000  }
0x2a: {  	[spmem:s12] =	stream.linear.scatter @p0 [tilespmem:s7], [sflag:$0x3], $0x4000, $0x38;
	[tilespmem:$0x1C0C0] =	vst v63  }
0x2b: {  	_ =	swait.ge @p0 [sflag:s21], $0x4000  }
0x2c: {  	[sflag:s21] =	ssyncset.done @p0 $0x0  }
0x2d: {  	[sflag:s21] =	ssyncadd.s32 @p0 $0xFFFFC000  }
0x2e: {  	[spmem:s13] =	stream.linear.scatter @p0 [tilespmem:s7], [sflag:$0x3], $0x4000, $0x38;
	[tilespmem:$0x1C0C0] =	vst v63  }
0x2f: {  	_ =	swait.ge @p0 [sflag:s21], $0x4000  }
0x30: {  	[sflag:s21] =	ssyncset.done @p0 $0x0  }
0x31: {  	[sflag:s21] =	ssyncadd.s32 @p0 $0xFFFFC000  }
0x32: {  	[spmem:s14] =	stream.linear.scatter @p0 [tilespmem:s7], [sflag:$0x3], $0x4000, $0x38;
	[tilespmem:$0x1C0C0] =	vst v63  }
0x33: {  	_ =	swait.ge @p0 [sflag:s21], $0x4000  }
0x34: {  	[sflag:s21] =	ssyncset.done @p0 $0x0  }
0x35: {  	[sflag:s21] =	ssyncadd.s32 @p0 $0xFFFFC000  }
0x36: {  	[spmem:s15] =	stream.linear.scatter @p0 [tilespmem:s7], [sflag:$0x3], $0x800, $0x38;
	[tilespmem:$0x1C0C0] =	vst v63  }
0x37: {  	_ =	swait.ge @p0 [sflag:s21], $0x800  }
0x38: {  	[sflag:s21] =	ssyncset.done @p0 $0x0  }
0x39: {  	s0 =	simm.s32 @!p0 $0x4800;
	s2 =	simm.s32 @!p0 $0x3;
	[sflag:s21] =	ssyncadd.s32 @p0 $0xFFFFF800  }
0x3a: {  	[spmem:s6] =	stream.linear.scatter @!p0 [tilespmem:s0], [sflag:$0x3], $0x4000, $0x38;
	[tilespmem:$0x1C0C0] =	vst v63  }
0x3b: {  	_ =	swait.ge @!p0 [sflag:s2], $0x4000  }
0x3c: {  	[sflag:s2] =	ssyncset.done @!p0 $0x0  }
0x3d: {  	s8 =	rddreg [dreg:$0x4];
	[sflag:s2] =	ssyncadd.s32 @!p0 $0xFFFFC000  }
0x3e: {  	[spmem:s8] =	stream.linear.scatter @!p0 [tilespmem:s0], [sflag:$0x3], $0x4000, $0x38;
	[tilespmem:$0x1C0C0] =	vst v63  }
0x3f: {  	_ =	swait.ge @!p0 [sflag:s2], $0x4000  }
0x40: {  	[sflag:s2] =	ssyncset.done @!p0 $0x0  }
0x41: {  	s8 =	rddreg [dreg:$0x5];
	[sflag:s2] =	ssyncadd.s32 @!p0 $0xFFFFC000  }
0x42: {  	[spmem:s8] =	stream.linear.scatter @!p0 [tilespmem:s0], [sflag:$0x3], $0x4000, $0x38;
	[tilespmem:$0x1C0C0] =	vst v63  }
0x43: {  	_ =	swait.ge @!p0 [sflag:s2], $0x4000  }
0x44: {  	[sflag:s2] =	ssyncset.done @!p0 $0x0  }
0x45: {  	s8 =	rddreg [dreg:$0x6];
	[sflag:s2] =	ssyncadd.s32 @!p0 $0xFFFFC000  }
0x46: {  	[spmem:s8] =	stream.linear.scatter @!p0 [tilespmem:s0], [sflag:$0x3], $0x4000, $0x38;
	[tilespmem:$0x1C0C0] =	vst v63  }
0x47: {  	_ =	swait.ge @!p0 [sflag:s2], $0x4000  }
0x48: {  	[sflag:s2] =	ssyncset.done @!p0 $0x0  }
0x49: {  	p2 =	sne.s32 s22, $0x1;
	s8 =	rddreg [dreg:$0x7];
	[sflag:s2] =	ssyncadd.s32 @!p0 $0xFFFFC000  }
0x4a: {  	[spmem:s8] =	stream.linear.scatter @!p0 [tilespmem:s0], [sflag:$0x3], $0x3C00, $0x38;
	[tilespmem:$0x1C0C0] =	vst v63  }
.Ltmp1:
0x4b: {  	_ =	swait.ge @!p0 [sflag:s2], $0x3C00;
	(pc) =	sbr.rel @!p2 .LBB2_6-.Ltmp1, $4  }
0x4c: {  	[sflag:s2] =	ssyncset.done @!p0 $0x0  }
0x4d: {  	[sflag:s2] =	ssyncadd.s32 @!p0 $0xFFFFC400  }
0x4e: {  	[bflag:$0x0] =	sbarrier.arrive $0xFFFF  }
0x4f: {  	s10 =	sshrl.u32 s23, $0x3;
	p1 =	por $0x0, $0x0;
	s8 =	sadd.s32 $0xFFFFFFFF, s22  }
0x50: {  	s9 =	sadd.s32 s5, s10  }
0x51: {  	[tilespmem:s4], [sflag:$0x3] =	stream.linear.gather [hbm4b:s9+s4], $0x80, $0x38;
	[tilespmem:$0x1C0C0] =	vst v63  }
0x52: {  	s9 =	sadd.s32 $0x9C80, s9  }
0x53: {  	[tilespmem:s24], [sflag:$0x3] =	stream.linear.gather [hbm4b:s9+s4], $0x80, $0x38;
	[tilespmem:$0x1C0C0] =	vst v63  }
0x54: {  	_ =	swait.ge [sflag:s25], $0x100  }
0x55: {  	[sflag:s25] =	ssyncset.done $0x0  }
0x56: {  	[sflag:s25] =	ssyncadd.s32 $0xFFFFFF00  }
0x57: {  	[tilespmem:s28], [sflag:$0x1] =	stream.indirect.gather [hbm4b:s1+s26], $0x80, s4, s26, $0xb8;
	[tilespmem:$0x1C0C0] =	vst v63  }
0x58: {  	p2 =	sne.s32 s8, $0x1;
	_ =	swait.ge [sflag:s29], $0x4000  }
.Ltmp2:
0x59: {  	[sflag:s29] =	ssyncset.done $0x0;
	(pc) =	sbr.rel @!p2 .LBB2_6-.Ltmp2, $4  }
0x5a: {  	[sflag:s29] =	ssyncadd.s32 $0xFFFFC000  }
0x5b: {  	[spmem:s3] =	stream.indirect.scatter.add.f32 [tilespmem:s28], [sflag:$0x2], $0x80, s24, s26, $0xb8;
	[tilespmem:$0x1C0C0] =	vst v63  }
0x5c: {  	s8 =	sadd.s32 $0xFFFFFFFF, s8;
	s9 =	sadd.s32 $0x1000, s23;
	_ =	swait.ge [sflag:s30], $0x4000  }
0x5d: {  	p1 =	por $0x1, $0x1;
	s10 =	sshrl.u32 s9, $0x3;
	[sflag:s30] =	ssyncset.done $0x0  }
.LBB2_5:
0x5e: {  	p2 =	sne.s32 s8, $0x1;
	s10 =	sadd.s32 s5, s10;
	[sflag:s30] =	ssyncadd.s32 $0xFFFFC000  }
0x5f: {  	[tilespmem:s4], [sflag:$0x3] =	stream.linear.gather [hbm4b:s10+s4], $0x80, $0x38;
	[tilespmem:$0x1C0C0] =	vst v63  }
0x60: {  	s8 =	sadd.s32 $0xFFFFFFFF, s8;
	s10 =	sadd.s32 $0x9C80, s10  }
0x61: {  	[tilespmem:s24], [sflag:$0x3] =	stream.linear.gather [hbm4b:s10+s4], $0x80, $0x38;
	[tilespmem:$0x1C0C0] =	vst v63  }
0x62: {  	_ =	swait.ge [sflag:s25], $0x100  }
0x63: {  	[sflag:s25] =	ssyncset.done $0x0  }
0x64: {  	[sflag:s25] =	ssyncadd.s32 $0xFFFFFF00  }
0x65: {  	[tilespmem:s28], [sflag:$0x1] =	stream.indirect.gather [hbm4b:s1+s26], $0x80, s4, s26, $0xb8;
	[tilespmem:$0x1C0C0] =	vst v63  }
0x66: {  	_ =	swait.ge [sflag:s29], $0x4000  }
.Ltmp3:
0x67: {  	[sflag:s29] =	ssyncset.done $0x0;
	(pc) =	sbr.rel @p2 .LBB2_5-.Ltmp3, $4  }
0x68: {  	[sflag:s29] =	ssyncadd.s32 $0xFFFFC000  }
0x69: {  	[spmem:s3] =	stream.indirect.scatter.add.f32 [tilespmem:s28], [sflag:$0x2], $0x80, s24, s26, $0xb8;
	[tilespmem:$0x1C0C0] =	vst v63  }
0x6a: {  	s9 =	sadd.s32 $0x1000, s9;
	_ =	swait.ge [sflag:s30], $0x4000  }
0x6b: {  	s10 =	sshrl.u32 s9, $0x3;
	[sflag:s30] =	ssyncset.done $0x0  }
.LBB2_6:
0x6c: {  	s8 =	sadd.s32 s5, s10;
	[sflag:s30] =	ssyncadd.s32 @p1 $0xFFFFC000  }
0x6d: {  	[tilespmem:s4], [sflag:$0x3] =	stream.linear.gather [hbm4b:s8+s4], $0x80, $0x38;
	[tilespmem:$0x1C0C0] =	vst v63  }
0x6e: {  	s8 =	sadd.s32 $0x9C80, s8  }
0x6f: {  	[tilespmem:s24], [sflag:$0x3] =	stream.linear.gather [hbm4b:s8+s4], $0x80, $0x38;
	[tilespmem:$0x1C0C0] =	vst v63  }
0x70: {  	_ =	swait.ge [sflag:s25], $0x100  }
0x71: {  	[sflag:s25] =	ssyncset.done $0x0  }
0x72: {  	[sflag:s25] =	ssyncadd.s32 $0xFFFFFF00  }
0x73: {  	[tilespmem:s28], [sflag:$0x1] =	stream.indirect.gather [hbm4b:s1+s26], $0x80, s4, s26, $0xb8;
	[tilespmem:$0x1C0C0] =	vst v63  }
0x74: {  	_ =	swait.ge [sflag:s29], $0x4000  }
0x75: {  	[sflag:s29] =	ssyncset.done $0x0  }
0x76: {  	[sflag:s29] =	ssyncadd.s32 $0xFFFFC000  }
0x77: {  	[spmem:s3] =	stream.indirect.scatter.add.f32 [tilespmem:s28], [sflag:$0x2], $0x80, s24, s26, $0xb8;
	[tilespmem:$0x1C0C0] =	vst v63  }
0x78: {  	_ =	swait.ge [sflag:s30], $0x4000  }
0x79: {  	[sflag:s30] =	ssyncset.done $0x0  }
0x7a: {  	[sflag:s30] =	ssyncadd.s32 $0xFFFFC000  }
0x7b: {  	[bflag:$0x0] =	sbarrier.arrive $0xFFFF  }
0x7c: {  	[tilespmem:s7], [sflag:$0x3] =	stream.linear.gather @p0 [spmem:s11], $0x4000, $0x38;
	[tilespmem:$0x1C0C0] =	vst v63  }
0x7d: {  	_ =	swait.ge @p0 [sflag:s21], $0x4000  }
0x7e: {  	[sflag:s21] =	ssyncset.done @p0 $0x0  }
0x7f: {  	s8 =	simm.s32 @p0 $0x0;
	[sflag:s21] =	ssyncadd.s32 @p0 $0xFFFFC000  }
0x80: {  	[hbm4b:s16+s8] =	stream.linear.scatter @p0 [tilespmem:s7], [sflag:$0x3], $0x4000, $0x38;
	[tilespmem:$0x1C0C0] =	vst v63  }
0x81: {  	_ =	swait.ge @p0 [sflag:s21], $0x4000  }
0x82: {  	[sflag:s21] =	ssyncset.done @p0 $0x0  }
0x83: {  	[sflag:s21] =	ssyncadd.s32 @p0 $0xFFFFC000  }
0x84: {  	[tilespmem:s7], [sflag:$0x3] =	stream.linear.gather @p0 [spmem:s12], $0x4000, $0x38;
	[tilespmem:$0x1C0C0] =	vst v63  }
0x85: {  	_ =	swait.ge @p0 [sflag:s21], $0x4000  }
0x86: {  	[sflag:s21] =	ssyncset.done @p0 $0x0  }
0x87: {  	[sflag:s21] =	ssyncadd.s32 @p0 $0xFFFFC000  }
0x88: {  	[hbm4b:s17+s8] =	stream.linear.scatter @p0 [tilespmem:s7], [sflag:$0x3], $0x4000, $0x38;
	[tilespmem:$0x1C0C0] =	vst v63  }
0x89: {  	_ =	swait.ge @p0 [sflag:s21], $0x4000  }
0x8a: {  	[sflag:s21] =	ssyncset.done @p0 $0x0  }
0x8b: {  	[sflag:s21] =	ssyncadd.s32 @p0 $0xFFFFC000  }
0x8c: {  	[tilespmem:s7], [sflag:$0x3] =	stream.linear.gather @p0 [spmem:s13], $0x4000, $0x38;
	[tilespmem:$0x1C0C0] =	vst v63  }
0x8d: {  	_ =	swait.ge @p0 [sflag:s21], $0x4000  }
0x8e: {  	[sflag:s21] =	ssyncset.done @p0 $0x0  }
0x8f: {  	[sflag:s21] =	ssyncadd.s32 @p0 $0xFFFFC000  }
0x90: {  	[hbm4b:s18+s8] =	stream.linear.scatter @p0 [tilespmem:s7], [sflag:$0x3], $0x4000, $0x38;
	[tilespmem:$0x1C0C0] =	vst v63  }
0x91: {  	_ =	swait.ge @p0 [sflag:s21], $0x4000  }
0x92: {  	[sflag:s21] =	ssyncset.done @p0 $0x0  }
0x93: {  	[sflag:s21] =	ssyncadd.s32 @p0 $0xFFFFC000  }
0x94: {  	[tilespmem:s7], [sflag:$0x3] =	stream.linear.gather @p0 [spmem:s14], $0x4000, $0x38;
	[tilespmem:$0x1C0C0] =	vst v63  }
0x95: {  	_ =	swait.ge @p0 [sflag:s21], $0x4000  }
0x96: {  	[sflag:s21] =	ssyncset.done @p0 $0x0  }
0x97: {  	[sflag:s21] =	ssyncadd.s32 @p0 $0xFFFFC000  }
0x98: {  	[hbm4b:s19+s8] =	stream.linear.scatter @p0 [tilespmem:s7], [sflag:$0x3], $0x4000, $0x38;
	[tilespmem:$0x1C0C0] =	vst v63  }
0x99: {  	_ =	swait.ge @p0 [sflag:s21], $0x4000  }
0x9a: {  	[sflag:s21] =	ssyncset.done @p0 $0x0  }
0x9b: {  	[sflag:s21] =	ssyncadd.s32 @p0 $0xFFFFC000  }
0x9c: {  	[tilespmem:s7], [sflag:$0x3] =	stream.linear.gather @p0 [spmem:s15], $0x400, $0x38;
	[tilespmem:$0x1C0C0] =	vst v63  }
0x9d: {  	_ =	swait.ge @p0 [sflag:s21], $0x400  }
0x9e: {  	[sflag:s21] =	ssyncset.done @p0 $0x0  }
0x9f: {  	[sflag:s21] =	ssyncadd.s32 @p0 $0xFFFFFC00  }
0xa0: {  	[hbm4b:s20+s8] =	stream.linear.scatter @p0 [tilespmem:s7], [sflag:$0x3], $0x400, $0x38;
	[tilespmem:$0x1C0C0] =	vst v63  }
0xa1: {  	_ =	swait.ge @p0 [sflag:s21], $0x400  }
0xa2: {  	[sflag:s21] =	ssyncset.done @p0 $0x0  }
0xa3: {  	[sflag:s21] =	ssyncadd.s32 @p0 $0xFFFFFC00  }
0xa4: {  	[tilespmem:s0], [sflag:$0x3] =	stream.linear.gather @!p0 [spmem:s6], $0x4000, $0x38;
	[tilespmem:$0x1C0C0] =	vst v63  }
0xa5: {  	_ =	swait.ge @!p0 [sflag:s2], $0x4000  }
0xa6: {  	[sflag:s2] =	ssyncset.done @!p0 $0x0  }
0xa7: {  	s7 =	simm.s32 @!p0 $0x0;
	[sflag:s2] =	ssyncadd.s32 @!p0 $0xFFFFC000  }
0xa8: {  	[hbm4b:s16+s7] =	stream.linear.scatter @!p0 [tilespmem:s0], [sflag:$0x3], $0x4000, $0x38;
	[tilespmem:$0x1C0C0] =	vst v63  }
0xa9: {  	_ =	swait.ge @!p0 [sflag:s2], $0x4000  }
0xaa: {  	[sflag:s2] =	ssyncset.done @!p0 $0x0  }
0xab: {  	s8 =	rddreg [dreg:$0x4];
	[sflag:s2] =	ssyncadd.s32 @!p0 $0xFFFFC000  }
0xac: {  	[tilespmem:s0], [sflag:$0x3] =	stream.linear.gather @!p0 [spmem:s8], $0x4000, $0x38;
	[tilespmem:$0x1C0C0] =	vst v63  }
0xad: {  	_ =	swait.ge @!p0 [sflag:s2], $0x4000  }
0xae: {  	[sflag:s2] =	ssyncset.done @!p0 $0x0  }
0xaf: {  	[sflag:s2] =	ssyncadd.s32 @!p0 $0xFFFFC000  }
0xb0: {  	[hbm4b:s17+s7] =	stream.linear.scatter @!p0 [tilespmem:s0], [sflag:$0x3], $0x4000, $0x38;
	[tilespmem:$0x1C0C0] =	vst v63  }
0xb1: {  	_ =	swait.ge @!p0 [sflag:s2], $0x4000  }
0xb2: {  	[sflag:s2] =	ssyncset.done @!p0 $0x0  }
0xb3: {  	s8 =	rddreg [dreg:$0x5];
	[sflag:s2] =	ssyncadd.s32 @!p0 $0xFFFFC000  }
0xb4: {  	[tilespmem:s0], [sflag:$0x3] =	stream.linear.gather @!p0 [spmem:s8], $0x4000, $0x38;
	[tilespmem:$0x1C0C0] =	vst v63  }
0xb5: {  	_ =	swait.ge @!p0 [sflag:s2], $0x4000  }
0xb6: {  	[sflag:s2] =	ssyncset.done @!p0 $0x0  }
0xb7: {  	[sflag:s2] =	ssyncadd.s32 @!p0 $0xFFFFC000  }
0xb8: {  	[hbm4b:s18+s7] =	stream.linear.scatter @!p0 [tilespmem:s0], [sflag:$0x3], $0x4000, $0x38;
	[tilespmem:$0x1C0C0] =	vst v63  }
0xb9: {  	_ =	swait.ge @!p0 [sflag:s2], $0x4000  }
0xba: {  	[sflag:s2] =	ssyncset.done @!p0 $0x0  }
0xbb: {  	s8 =	rddreg [dreg:$0x6];
	[sflag:s2] =	ssyncadd.s32 @!p0 $0xFFFFC000  }
0xbc: {  	[tilespmem:s0], [sflag:$0x3] =	stream.linear.gather @!p0 [spmem:s8], $0x4000, $0x38;
	[tilespmem:$0x1C0C0] =	vst v63  }
0xbd: {  	_ =	swait.ge @!p0 [sflag:s2], $0x4000  }
0xbe: {  	[sflag:s2] =	ssyncset.done @!p0 $0x0  }
0xbf: {  	[sflag:s2] =	ssyncadd.s32 @!p0 $0xFFFFC000  }
0xc0: {  	[hbm4b:s19+s7] =	stream.linear.scatter @!p0 [tilespmem:s0], [sflag:$0x3], $0x4000, $0x38;
	[tilespmem:$0x1C0C0] =	vst v63  }
0xc1: {  	_ =	swait.ge @!p0 [sflag:s2], $0x4000  }
0xc2: {  	[sflag:s2] =	ssyncset.done @!p0 $0x0  }
0xc3: {  	s8 =	rddreg [dreg:$0x7];
	[sflag:s2] =	ssyncadd.s32 @!p0 $0xFFFFC000  }
0xc4: {  	[tilespmem:s0], [sflag:$0x3] =	stream.linear.gather @!p0 [spmem:s8], $0x3C00, $0x38;
	[tilespmem:$0x1C0C0] =	vst v63  }
0xc5: {  	_ =	swait.ge @!p0 [sflag:s2], $0x3C00  }
0xc6: {  	[sflag:s2] =	ssyncset.done @!p0 $0x0  }
0xc7: {  	[sflag:s2] =	ssyncadd.s32 @!p0 $0xFFFFC400  }
0xc8: {  	[hbm4b:s20+s7] =	stream.linear.scatter @!p0 [tilespmem:s0], [sflag:$0x3], $0x3C00, $0x38;
	[tilespmem:$0x1C0C0] =	vst v63  }
0xc9: {  	_ =	swait.ge @!p0 [sflag:s2], $0x3C00  }
0xca: {  	s31 =	sadd.s32 $0x1, s31;
	s21 =	rddreg [dreg:$0x8]  }
0xcb: {  	p1 =	sne.s32 s31, s21  }
.Ltmp4:
0xcc: {  	_ = 	snop;
	(pc) =	sbr.rel @p1 .LBB2_1-.Ltmp4, $3  }
0xcd: {  	_ =	sdelay $0x1  }
0xce: {  	[sflag:s2] =	ssyncset.done @!p0 $0x0  }
0xcf: {  	[sflag:s2] =	ssyncadd.s32 @!p0 $0xFFFFC400  }
0xd0: {  	_ =	sfence.sel $0x180000  }
0xd1: {  	[bflag:$0x0] =	sbarrier.arrive $0xFFFF  }
0xd2: {  	_ =	strace $0x9000004D  }
0xd3: {  	s0 =	stileid.u32;
	[bflag:$0x2] =	sbarrier.arrive $0xFFFF  }
0xd4: {  	p0 =	sne.s32 s0, $0x0;
	s0 =	rddreg [dreg:$0x3]  }
0xd5: {  	s0 =	sadd.s32 @!p0 $0x100000, s0  }
0xd6: {  	[sflag:s0] =	ssyncadd.tile.s32 @!p0 $0x1;
	_ =	shalt  }
.Lfunc_end2:
_tile_overlayer_lowered:
.L_overlay_start_2:
0xd7: {  	(tag) =	ssettag $0x2  }
0xd8: {  	s0 =	rddreg [dreg:$0x0];
	s2 =	stileid.u32  }
0xd9: {  	s1 =	rddreg [dreg:$0x1];
	p0 =	sne.s32 s2, $0x0  }
0xda: {  	s3 =	rddreg [dreg:$0x2];
	[bflag:$0x3] =	sbarrier.arrive $0xFFFF;
	s2 =	simm.s32 @!p0 $0x1C03  }
0xdb: {  	[timem:s3], [sflag:s2] =	dma.local @!p0 [hbm:s0], s1  }
0xdc: {  	s0 =	simm.s32 @!p0 $0x3  }
0xdd: {  	_ =	swait.ge @!p0 [sflag:s0], s1  }
0xde: {  	s1 =	ssub.s32 @!p0 $0x0, s1;
	[sflag:s0] =	ssyncset.done @!p0 $0x0  }
0xdf: {  	[sflag:s0] =	ssyncadd.s32 @!p0 s1  }
0xe0: {  	[bflag:$0x3] =	sbarrier.arrive $0xFFFF  }
0xe1: {  	_ =	shalt  }

// kernel: kernel.9.cloned.1.call-start
scs
__scs_entry_jumppad:
0x0: {  	(pc) =	sbr.rel $0x88, $3  }
0x1: {  	(tag) =	ssettag $0x0;
	lr =	simm.s32 $0x1  }
0x2: {  	[smem:$0x3F99] =	sst lr;
	_ =	strace $0xD0000000  }
0x3: {  	_ = 	snop  }
0x4: {  	_ = 	snop  }
0x5: {  	_ = 	snop  }
0x6: {  	_ = 	snop  }
0x7: {  	_ = 	snop  }
__scs_overlays_trampoline_lowered:
0x8: {  	[smem:$0x3FA8] =	sst s0  }
0x9: {  	[smem:$0x3FA9] =	sst s1  }
0xa: {  	[smem:$0x3FAA] =	sst s2  }
0xb: {  	[smem:$0x3FAB] =	sst s3  }
0xc: {  	[smem:$0x3FAC] =	sst s4  }
0xd: {  	[smem:$0x3FAD] =	sst s5  }
0xe: {  	[smem:$0x3FAE] =	sst s6  }
0xf: {  	[smem:$0x3FAF] =	sst s7  }
0x10: {  	[smem:$0x3FB0] =	sst s8  }
0x11: {  	[smem:$0x3FB1] =	sst s9;
	s0 =	simm.s32 @!p0 $0x0  }
0x12: {  	s1 =	sld [smem:$0x3F97];
	s0 =	simm.s32 @p0 $0x1  }
0x13: {  	[smem:$0x3FB2] =	sst s0;
	s0 =	simm.s32 @!p1 $0x0  }
0x14: {  	s2 =	sld [smem:$0x3F96];
	s0 =	simm.s32 @p1 $0x1  }
0x15: {  	[smem:$0x3FB3] =	sst s0;
	s0 =	simm.s32 @!p2 $0x0  }
0x16: {  	s3 =	sld [smem:$0x3FDB];
	s0 =	simm.s32 @p2 $0x1  }
0x17: {  	s4 =	simm.s32 $0x1BF5;
	[smem:$0x3FB5] =	sst s0  }
0x18: {  	s0 =	sld [smem:$0x3F98];
	_ =	swait.ge [sflag:s4], $0x0  }
0x19: {  	s7 =	sld [smem:$0x3F99]  }
0x1a: {  	s8 =	sadd.s32 $0xFFFFE003, lr  }
0x1b: {  	s9 =	sadd.s32 $0xFFFFFEF7, lr;
	s5 =	simm.s32 $0xFFFFFFFF;
	p2 =	slt.u32 s8, $0xFFFFF086  }
0x1c: {  	p1 =	slt.u32 s9, $0xF7A;
	s5 =	simm.s32 @!p2 $0x0  }
0x1d: {  	s5 =	simm.s32 @p1 $0x1;
	p0 =	seq.s32 s7, s2  }
0x1e: {  	s7 =	smul.u32 @!p0 $0xF7A, s2;
	p2 =	seq.s32 @!p0 s5, $0x0  }
0x1f: {  	s9 =	smul.u32 $0xF7A, s1;
	s8 =	simm.s32 @!p0 $0x1BF5;
	p2 =	por !p2, p0  }
0x20: {  	[sflag:s8] =	ssyncset.s32 @!p0 $0xFFFFF086;
	s6 =	sadd.s32 @!p0 s3, s7;
	s7 =	simm.s32 @!p0 $0x108  }
0x21: {  	s3 =	sadd.s32 s3, s9;
	s6 =	sadd.s32 @!p0 $0x88, s6;
	s7 =	simm.s32 @p2 $0x1082  }
0x22: {  	[simem:s7], [sflag:s8] =	dma.local @!p0 [hbm:s6], $0xF7A  }
0x23: {  	s9 =	sor.u32 $0xD0000000, s2;
	s6 =	simm.s32 $0x108;
	_ =	swait.ge @!p0 [sflag:s8], $0x0  }
0x24: {  	s3 =	sadd.s32 $0x88, s3;
	s6 =	simm.s32 @!p1 $0x1082;
	[sflag:s4] =	ssyncset.s32 $0xFFFFF086  }
0x25: {  	[simem:s6], [sflag:s4] =	dma.local [hbm:s3], $0xF7A  }
0x26: {  	[smem:$0x3F99] =	sst s1;
	(tag) =	ssettag s2;
	_ =	strace s9  }
0x27: {  	s1 =	sld [smem:$0x3FA9]  }
0x28: {  	s2 =	sld [smem:$0x3FAA]  }
0x29: {  	s4 =	sld [smem:$0x3FAC]  }
0x2a: {  	p0 =	seq.s32 s5, $0x0;
	s5 =	sld [smem:$0x3FAD]  }
0x2b: {  	s6 =	sld [smem:$0x3FAE]  }
0x2c: {  	s7 =	sld [smem:$0x3FAF]  }
0x2d: {  	s3 =	simm.s32 $0x108;
	s8 =	sld [smem:$0x3FB0]  }
0x2e: {  	s3 =	simm.s32 @!p0 $0x1082;
	s9 =	sld [smem:$0x3FB1]  }
0x2f: {  	lr =	sadd.s32 s0, s3;
	s0 =	sld [smem:$0x3FA8]  }
0x30: {  	s3 =	sld [smem:$0x3FAB]  }
0x31: {  	[smem:$0x3FB4] =	sst s10  }
0x32: {  	s10 =	sld [smem:$0x3FB2];
	_ =	sdelay $0x3  }
0x33: {  	p0 =	seq.s32 s10, $0x1;
	s10 =	sld [smem:$0x3FB4];
	_ =	sdelay $0x3  }
0x34: {  	[smem:$0x3FB4] =	sst s10  }
0x35: {  	s10 =	sld [smem:$0x3FB3];
	_ =	sdelay $0x3  }
0x36: {  	p1 =	seq.s32 s10, $0x1;
	s10 =	sld [smem:$0x3FB4];
	_ =	sdelay $0x3  }
0x37: {  	[smem:$0x3FB4] =	sst s10  }
0x38: {  	s10 =	sld [smem:$0x3FB5]  }
0x39: {  	_ = 	snop;
	(pc) =	sbr.ind lr, $3  }
0x3a: {  	_ = 	snop  }
0x3b: {  	_ = 	snop  }
0x3c: {  	p2 =	seq.s32 s10, $0x1;
	s10 =	sld [smem:$0x3FB4]  }
0x3d: {  	_ =	shalt  }
0x3e: {  	_ =	shalt  }
0x3f: {  	_ =	shalt  }
0x40: {  	_ =	shalt  }
0x41: {  	_ =	shalt  }
0x42: {  	_ =	shalt  }
0x43: {  	_ =	shalt  }
0x44: {  	_ =	shalt  }
0x45: {  	_ =	shalt  }
0x46: {  	_ =	shalt  }
0x47: {  	_ =	shalt  }
0x48: {  	_ =	shalt  }
0x49: {  	_ =	shalt  }
0x4a: {  	_ =	shalt  }
0x4b: {  	_ =	shalt  }
0x4c: {  	_ =	shalt  }
0x4d: {  	_ =	shalt  }
0x4e: {  	_ =	shalt  }
0x4f: {  	_ =	shalt  }
0x50: {  	_ =	shalt  }
0x51: {  	_ =	shalt  }
0x52: {  	_ =	shalt  }
0x53: {  	_ =	shalt  }
0x54: {  	_ =	shalt  }
0x55: {  	_ =	shalt  }
0x56: {  	_ =	shalt  }
0x57: {  	_ =	shalt  }
0x58: {  	_ =	shalt  }
0x59: {  	_ =	shalt  }
0x5a: {  	_ =	shalt  }
0x5b: {  	_ =	shalt  }
0x5c: {  	_ =	shalt  }
0x5d: {  	_ =	shalt  }
0x5e: {  	_ =	shalt  }
0x5f: {  	_ =	shalt  }
0x60: {  	_ =	shalt  }
0x61: {  	_ =	shalt  }
0x62: {  	_ =	shalt  }
0x63: {  	_ =	shalt  }
0x64: {  	_ =	shalt  }
0x65: {  	_ =	shalt  }
0x66: {  	_ =	shalt  }
0x67: {  	_ =	shalt  }
0x68: {  	_ =	shalt  }
0x69: {  	_ =	shalt  }
0x6a: {  	_ =	shalt  }
0x6b: {  	_ =	shalt  }
0x6c: {  	_ =	shalt  }
0x6d: {  	_ =	shalt  }
0x6e: {  	_ =	shalt  }
0x6f: {  	_ =	shalt  }
0x70: {  	_ =	shalt  }
0x71: {  	_ =	shalt  }
0x72: {  	_ =	shalt  }
0x73: {  	_ =	shalt  }
0x74: {  	_ =	shalt  }
0x75: {  	_ =	shalt  }
0x76: {  	_ =	shalt  }
0x77: {  	_ =	shalt  }
0x78: {  	_ =	shalt  }
0x79: {  	_ =	shalt  }
0x7a: {  	_ =	shalt  }
0x7b: {  	_ =	shalt  }
0x7c: {  	_ =	shalt  }
0x7d: {  	_ =	shalt  }
0x7e: {  	_ =	shalt  }
0x7f: {  	_ =	shalt  }
0x80: {  	_ =	shalt  }
0x81: {  	_ =	shalt  }
0x82: {  	_ =	shalt  }
0x83: {  	_ =	shalt  }
0x84: {  	_ =	shalt  }
0x85: {  	_ =	shalt  }
0x86: {  	_ =	shalt  }
0x87: {  	_ =	shalt  }
.Lfunc_end0:
.L_simem_size_0:
called_computation_lowered:
.L_overlay_start_0:
0x88: {  	s2 =	sld [smem:$0x3FD9]  }
0x89: {  	s3 =	sld [smem:$0x3FFE];
	_ =	sdelay $0x1  }
0x8a: {  	s1 =	srdreg.scid  }
0x8b: {  	s0 =	sand.u32 $0x1, s1  }
0x8c: {  	s17 =	sshll.u32 s0, $0xA;
	s2 =	sadd.s32 s3, s2  }
0x8d: {  	s2 =	sadd.s32 s2, s17  }
0x8e: {  	[smem:$0x3FC0] =	sst s2  }
0x8f: {  	_ = 	snop  }
0x90: {  	s2 =	sld [smem:$0x3FD0];
	(tm) =	ssettm $0x1  }
0x91: {  	s18 =	sld [smem:$0x3FFB];
	_ =	sdelay $0x3  }
0x92: {  	_ =	strace s18  }
0x93: {  	s3 =	sld [smem:$0x3FFC];
	_ =	sdelay $0x3  }
0x94: {  	_ =	strace s3  }
0x95: {  	s3 =	sld [smem:$0x3FFD];
	_ =	sdelay $0x3  }
0x96: {  	_ =	strace s3  }
0x97: {  	_ =	strace $0x8FFFFFFF  }
0x98: {  	s19 =	sld [smem:$0x3FDB];
	_ =	sdelay $0x1  }
0x99: {  	s4 =	simm.s32 $_scs_section_size  }
0x9a: {  	s5 =	simm.s32 $_size__tile_overlayer_lowered;
	s6 =	simm.s32 $_tile_overlayer_lowered  }
0x9b: {  	s22 =	simm.s32 $0x1BFF;
	s21 =	sshll.u32 s6, $0x1;
	s3 =	sadd.s32 s4, s19  }
0x9c: {  	s7 =	simm.s32 $0x0;
	s20 =	sshll.u32 s5, $0x1;
	s5 =	sadd.s32 s21, s3  }
0x9d: {  	[timem:s7], [sflag:s22] =	dma.local [hbm:s5], s20  }
0x9e: {  	_ =	swait.ge [sflag:s22], s20  }
0x9f: {  	s4 =	ssub.s32 $0x0, s20;
	[sflag:s22] =	ssyncset.done $0x0  }
0xa0: {  	[sflag:s22] =	ssyncadd.s32 s4;
	_ =	sdelay $0x1  }
0xa1: {  	s23 =	simm.s32 $0x1B8B  }
0xa2: {  	_ =	swait.ge [sflag:s23], $0x1  }
0xa3: {  	[sflag:s23] =	ssyncset.done $0x0  }
0xa4: {  	s25 =	simm.s32 $0x1B8E;
	s24 =	sld [smem:$0x3FFE];
	[sflag:s23] =	ssyncadd.s32 $0xFFFFFFFF  }
0xa5: {  	s26 =	simm.s32 $execute0_lowered;
	[smem:$0x3FD2] =	sst s25  }
0xa6: {  	s5 =	sshll.u32 s26, $0x1;
	_ =	strace $0x80000046;
	[dreg:$0x1] =	wrdreg $0xFFFFFFFF  }
0xa7: {  	s28 =	simm.s32 $_size_execute0_lowered;
	s3 =	sadd.s32 s3, s5;
	[dreg:$0x0] =	wrdreg $0x0  }
0xa8: {  	s5 =	sshll.u32 s28, $0x1;
	[dreg:$0x2] =	wrdreg s3  }
0xa9: {  	[dreg:$0x3] =	wrdreg s5  }
0xaa: {  	[dreg:$0x4] =	wrdreg $0xC0  }
0xab: {  	_ =	task [dreg:s7], $0x5FFFF  }
0xac: {  	[dreg:$0x1] =	wrdreg $0xFFFFFFFF  }
0xad: {  	[dreg:$0x0] =	wrdreg $0x60  }
0xae: {  	[dreg:$0x2] =	wrdreg s2  }
0xaf: {  	[dreg:$0x3] =	wrdreg s24  }
0xb0: {  	[dreg:$0x4] =	wrdreg $0x88000  }
0xb1: {  	[dreg:$0x5] =	wrdreg $0x9  }
0xb2: {  	_ =	task.clear_ibuf [dreg:s7], $0x6FFFF;
	_ =	strace $0x90000046  }
0xb3: {  	s29 =	simm.s32 $0x9;
	_ =	strace $0x80000048  }
0xb4: {  	_ =	swait.ge [sflag:s29], $0x1  }
0xb5: {  	[sflag:s29] =	ssyncadd.s32 $0xFFFFFFFF  }
0xb6: {  	_ =	strace $0x90000048  }
0xb7: {  	_ =	sfence  }
0xb8: {  	s30 =	sld [smem:$0x0];
	_ =	sdelay $0x2  }
0xb9: {  	s31 =	sshll.u32 s1, $0xD;
	s1 =	sshrl.u32 s1, $0x2  }
0xba: {  	s3 =	sand.u32 $0x4000, s31;
	s1 =	sadd.s32 s1, s30  }
0xbb: {  	s0 =	sor.u32 s3, s0;
	s1 =	sshll.u32 s1, $0x11  }
0xbc: {  	s0 =	sor.u32 s1, s0  }
0xbd: {  	s0 =	sadd.s32 $0x8F2B, s0  }
0xbe: {  	[sflag:s0] =	ssyncadd.remote.s32 $0x1  }
0xbf: {  	_ =	sfence.sel $0xFFFF  }
0xc0: {  	[dreg:$0x0] =	wrdreg $0xFFFFFFFF;
	(pc) =	sbr.abs _section_cstart, $3  }
0xc1: {  	[dreg:$0x1] =	wrdreg $0xFFFFFFFF  }
0xc2: {  	_ =	task.clear_ibuf [dreg:s7], $0x2FFFF;
	_ =	strace $0x9FFFFFFF  }
0xc3: {  	(tm) =	ssettm $0x7FFFFFFF  }
tec
execute0_lowered:
.L_overlay_start_1:
0x0: {  	(tag) =	ssettag $0x1  }
0x1: {  	s1 =	rddreg [dreg:$0x0]  }
0x2: {  	s0 =	rddreg [dreg:$0x1];
	s2 =	srdreg.scid  }
0x3: {  	s10 =	stileid.u32;
	s3 =	rddreg [dreg:$0x2];
	s4 =	simm.s32 $0x0  }
0x4: {  	s28 =	simm.s32 $0x800;
	s29 =	simm.s32 $0x1;
	s5 =	smul.u32 $0x278, s10  }
0x5: {  	s30 =	simm.s32 $0x2;
	[smem:$0x7FF] =	sst s4;
	s8 =	smul.u32 $0x4F000, s10  }
0x6: {  	s31 =	simm.s32 $0x0;
	s12 =	sadd.s32 $0x12C400, s3;
	s13 =	sadd.s32 $0x130400, s3  }
0x7: {  	s7 =	sand.u32 $0x1, s2;
	s14 =	sadd.s32 $0x134400, s3;
	s15 =	sadd.s32 $0x138400, s3  }
0x8: {  	s23 =	sshll.u32 s10, $0x7;
	s2 =	sshll.u32 s2, $0xB;
	p0 =	seq.s32 s10, $0xF  }
0x9: {  	s6 =	smul.u32 $0x2710, s7;
	_ =	strace $0x80000047;
	s9 =	ssub.s32 $0x2, s7  }
0xa: {  	s7 =	sshll.u32 s7, $0x4;
	s26 =	sor.u32 s2, s23;
	s8 =	sshrl.u32 s8, $0x2  }
0xb: {  	s19 =	sshrl.u32 s9, $0x1;
	s7 =	sor.u32 s7, s10;
	s6 =	sadd.s32 s5, s6  }
0xc: {  	s23 =	sand.u32 $0xF80, s26;
	s26 =	simm.s32 $0x80;
	s6 =	sshll.u32 s6, $0x4  }
0xd: {  	s5 =	sadd.s32 $0x3C00, s0;
	s0 =	sadd.s32 s6, s0;
	s6 =	sadd.s32 s8, s3  }
0xe: {  	s24 =	ssub.s32 $0x9E3, s7;
	s8 =	ssub.s32 s9, s19;
	s11 =	sadd.s32 $0x4000, s6  }
0xf: {  	s20 =	sadd.s32 $0x8000, s6;
	s21 =	sadd.s32 $0xC000, s6;
	[dreg:$0x4] =	wrdreg s11  }
0x10: {  	s22 =	sadd.s32 $0x10000, s6;
	s16 =	sadd.s32 $0x17600, s0;
	[dreg:$0x5] =	wrdreg s20  }
0x11: {  	s17 =	sadd.s32 $0x17E00, s0;
	s18 =	sadd.s32 $0x18600, s0;
	[dreg:$0x6] =	wrdreg s21  }
0x12: {  	s19 =	sadd.s32 $0x18E00, s0;
	s25 =	smax.u32 s8, $0x1;
	[dreg:$0x7] =	wrdreg s22  }
0x13: {  	s11 =	sadd.s32 $0x128400, s3;
	s20 =	sadd.s32 $0x19600, s0;
	[dreg:$0x8] =	wrdreg s25  }
0x14: {  	v0 =	vimm.f32 $0.0e+00;
	s22 =	sshrl.u32 s24, $0x5;
	s24 =	simm.s32 $0x400;
	s25 =	simm.s32 $0x3  }
.LBB2_1:
0x15: {  	s0 =	simm.s32 $0x0;
	s2 =	simm.s32 $0x200  }
.LBB2_2:
0x16: {  	p1 =	sne.s32 s2, $0xFE00;
	[tilespmem:s0+$0x4870] =	vst v0  }
0x17: {  	[tilespmem:s0+$0x4800] =	vst v0  }
0x18: {  	[tilespmem:s0+$0x4810] =	vst v0  }
.Ltmp0:
0x19: {  	[tilespmem:s0+$0x4820] =	vst v0;
	(pc) =	sbr.rel @p1 .LBB2_2-.Ltmp0, $4  }
0x1a: {  	[tilespmem:s0+$0x4830] =	vst v0  }
0x1b: {  	[tilespmem:s0+$0x4840] =	vst v0  }
0x1c: {  	[tilespmem:s0+$0x4850] =	vst v0  }
0x1d: {  	[tilespmem:s0+$0x4860] =	vst v0;
	s0 =	sshra.s32 s2, $0x2;
	s2 =	sadd.s32 $0x200, s2  }
0x1e: {  	[tilespmem:s0+$0x4870] =	vst v0  }
0x1f: {  	[tilespmem:s0+$0x4800] =	vst v0  }
0x20: {  	[tilespmem:s0+$0x4810] =	vst v0  }
0x21: {  	[tilespmem:s0+$0x4820] =	vst v0  }
0x22: {  	[tilespmem:s0+$0x4830] =	vst v0  }
0x23: {  	[tilespmem:s0+$0x4840] =	vst v0  }
0x24: {  	[tilespmem:s0+$0x4850] =	vst v0  }
0x25: {  	[tilespmem:s0+$0x4860] =	vst v0;
	s7 =	simm.s32 @p0 $0x4800;
	s21 =	simm.s32 @p0 $0x3  }
0x26: {  	[spmem:s11] =	stream.linear.scatter @p0 [tilespmem:s7], [sflag:$0x3], $0x4000, $0x38;
	[tilespmem:$0x1C0C0] =	vst v63  }
0x27: {  	_ =	swait.ge @p0 [sflag:s21], $0x4000  }
0x28: {  	[sflag:s21] =	ssyncset.done @p0 $0x0  }
0x29: {  	[sflag:s21] =	ssyncadd.s32 @p0 $0xFFFFC000  }
0x2a: {  	[spmem:s12] =	stream.linear.scatter @p0 [tilespmem:s7], [sflag:$0x3], $0x4000, $0x38;
	[tilespmem:$0x1C0C0] =	vst v63  }
0x2b: {  	_ =	swait.ge @p0 [sflag:s21], $0x4000  }
0x2c: {  	[sflag:s21] =	ssyncset.done @p0 $0x0  }
0x2d: {  	[sflag:s21] =	ssyncadd.s32 @p0 $0xFFFFC000  }
0x2e: {  	[spmem:s13] =	stream.linear.scatter @p0 [tilespmem:s7], [sflag:$0x3], $0x4000, $0x38;
	[tilespmem:$0x1C0C0] =	vst v63  }
0x2f: {  	_ =	swait.ge @p0 [sflag:s21], $0x4000  }
0x30: {  	[sflag:s21] =	ssyncset.done @p0 $0x0  }
0x31: {  	[sflag:s21] =	ssyncadd.s32 @p0 $0xFFFFC000  }
0x32: {  	[spmem:s14] =	stream.linear.scatter @p0 [tilespmem:s7], [sflag:$0x3], $0x4000, $0x38;
	[tilespmem:$0x1C0C0] =	vst v63  }
0x33: {  	_ =	swait.ge @p0 [sflag:s21], $0x4000  }
0x34: {  	[sflag:s21] =	ssyncset.done @p0 $0x0  }
0x35: {  	[sflag:s21] =	ssyncadd.s32 @p0 $0xFFFFC000  }
0x36: {  	[spmem:s15] =	stream.linear.scatter @p0 [tilespmem:s7], [sflag:$0x3], $0x800, $0x38;
	[tilespmem:$0x1C0C0] =	vst v63  }
0x37: {  	_ =	swait.ge @p0 [sflag:s21], $0x800  }
0x38: {  	[sflag:s21] =	ssyncset.done @p0 $0x0  }
0x39: {  	s0 =	simm.s32 @!p0 $0x4800;
	s2 =	simm.s32 @!p0 $0x3;
	[sflag:s21] =	ssyncadd.s32 @p0 $0xFFFFF800  }
0x3a: {  	[spmem:s6] =	stream.linear.scatter @!p0 [tilespmem:s0], [sflag:$0x3], $0x4000, $0x38;
	[tilespmem:$0x1C0C0] =	vst v63  }
0x3b: {  	_ =	swait.ge @!p0 [sflag:s2], $0x4000  }
0x3c: {  	[sflag:s2] =	ssyncset.done @!p0 $0x0  }
0x3d: {  	s8 =	rddreg [dreg:$0x4];
	[sflag:s2] =	ssyncadd.s32 @!p0 $0xFFFFC000  }
0x3e: {  	[spmem:s8] =	stream.linear.scatter @!p0 [tilespmem:s0], [sflag:$0x3], $0x4000, $0x38;
	[tilespmem:$0x1C0C0] =	vst v63  }
0x3f: {  	_ =	swait.ge @!p0 [sflag:s2], $0x4000  }
0x40: {  	[sflag:s2] =	ssyncset.done @!p0 $0x0  }
0x41: {  	s8 =	rddreg [dreg:$0x5];
	[sflag:s2] =	ssyncadd.s32 @!p0 $0xFFFFC000  }
0x42: {  	[spmem:s8] =	stream.linear.scatter @!p0 [tilespmem:s0], [sflag:$0x3], $0x4000, $0x38;
	[tilespmem:$0x1C0C0] =	vst v63  }
0x43: {  	_ =	swait.ge @!p0 [sflag:s2], $0x4000  }
0x44: {  	[sflag:s2] =	ssyncset.done @!p0 $0x0  }
0x45: {  	s8 =	rddreg [dreg:$0x6];
	[sflag:s2] =	ssyncadd.s32 @!p0 $0xFFFFC000  }
0x46: {  	[spmem:s8] =	stream.linear.scatter @!p0 [tilespmem:s0], [sflag:$0x3], $0x4000, $0x38;
	[tilespmem:$0x1C0C0] =	vst v63  }
0x47: {  	_ =	swait.ge @!p0 [sflag:s2], $0x4000  }
0x48: {  	[sflag:s2] =	ssyncset.done @!p0 $0x0  }
0x49: {  	p2 =	sne.s32 s22, $0x1;
	s8 =	rddreg [dreg:$0x7];
	[sflag:s2] =	ssyncadd.s32 @!p0 $0xFFFFC000  }
0x4a: {  	[spmem:s8] =	stream.linear.scatter @!p0 [tilespmem:s0], [sflag:$0x3], $0x3C00, $0x38;
	[tilespmem:$0x1C0C0] =	vst v63  }
.Ltmp1:
0x4b: {  	_ =	swait.ge @!p0 [sflag:s2], $0x3C00;
	(pc) =	sbr.rel @!p2 .LBB2_6-.Ltmp1, $4  }
0x4c: {  	[sflag:s2] =	ssyncset.done @!p0 $0x0  }
0x4d: {  	[sflag:s2] =	ssyncadd.s32 @!p0 $0xFFFFC400  }
0x4e: {  	[bflag:$0x0] =	sbarrier.arrive $0xFFFF  }
0x4f: {  	s10 =	sshrl.u32 s23, $0x3;
	p1 =	por $0x0, $0x0;
	s8 =	sadd.s32 $0xFFFFFFFF, s22  }
0x50: {  	s9 =	sadd.s32 s5, s10  }
0x51: {  	[tilespmem:s4], [sflag:$0x3] =	stream.linear.gather [hbm4b:s9+s4], $0x80, $0x38;
	[tilespmem:$0x1C0C0] =	vst v63  }
0x52: {  	s9 =	sadd.s32 $0x9C80, s9  }
0x53: {  	[tilespmem:s24], [sflag:$0x3] =	stream.linear.gather [hbm4b:s9+s4], $0x80, $0x38;
	[tilespmem:$0x1C0C0] =	vst v63  }
0x54: {  	_ =	swait.ge [sflag:s25], $0x100  }
0x55: {  	[sflag:s25] =	ssyncset.done $0x0  }
0x56: {  	[sflag:s25] =	ssyncadd.s32 $0xFFFFFF00  }
0x57: {  	[tilespmem:s28], [sflag:$0x1] =	stream.indirect.gather [hbm4b:s1+s26], $0x80, s4, s26, $0xb8;
	[tilespmem:$0x1C0C0] =	vst v63  }
0x58: {  	p2 =	sne.s32 s8, $0x1;
	_ =	swait.ge [sflag:s29], $0x4000  }
.Ltmp2:
0x59: {  	[sflag:s29] =	ssyncset.done $0x0;
	(pc) =	sbr.rel @!p2 .LBB2_6-.Ltmp2, $4  }
0x5a: {  	[sflag:s29] =	ssyncadd.s32 $0xFFFFC000  }
0x5b: {  	[spmem:s3] =	stream.indirect.scatter.add.f32 [tilespmem:s28], [sflag:$0x2], $0x80, s24, s26, $0xb8;
	[tilespmem:$0x1C0C0] =	vst v63  }
0x5c: {  	s8 =	sadd.s32 $0xFFFFFFFF, s8;
	s9 =	sadd.s32 $0x1000, s23;
	_ =	swait.ge [sflag:s30], $0x4000  }
0x5d: {  	p1 =	por $0x1, $0x1;
	s10 =	sshrl.u32 s9, $0x3;
	[sflag:s30] =	ssyncset.done $0x0  }
.LBB2_5:
0x5e: {  	p2 =	sne.s32 s8, $0x1;
	s10 =	sadd.s32 s5, s10;
	[sflag:s30] =	ssyncadd.s32 $0xFFFFC000  }
0x5f: {  	[tilespmem:s4], [sflag:$0x3] =	stream.linear.gather [hbm4b:s10+s4], $0x80, $0x38;
	[tilespmem:$0x1C0C0] =	vst v63  }
0x60: {  	s8 =	sadd.s32 $0xFFFFFFFF, s8;
	s10 =	sadd.s32 $0x9C80, s10  }
0x61: {  	[tilespmem:s24], [sflag:$0x3] =	stream.linear.gather [hbm4b:s10+s4], $0x80, $0x38;
	[tilespmem:$0x1C0C0] =	vst v63  }
0x62: {  	_ =	swait.ge [sflag:s25], $0x100  }
0x63: {  	[sflag:s25] =	ssyncset.done $0x0  }
0x64: {  	[sflag:s25] =	ssyncadd.s32 $0xFFFFFF00  }
0x65: {  	[tilespmem:s28], [sflag:$0x1] =	stream.indirect.gather [hbm4b:s1+s26], $0x80, s4, s26, $0xb8;
	[tilespmem:$0x1C0C0] =	vst v63  }
0x66: {  	_ =	swait.ge [sflag:s29], $0x4000  }
.Ltmp3:
0x67: {  	[sflag:s29] =	ssyncset.done $0x0;
	(pc) =	sbr.rel @p2 .LBB2_5-.Ltmp3, $4  }
0x68: {  	[sflag:s29] =	ssyncadd.s32 $0xFFFFC000  }
0x69: {  	[spmem:s3] =	stream.indirect.scatter.add.f32 [tilespmem:s28], [sflag:$0x2], $0x80, s24, s26, $0xb8;
	[tilespmem:$0x1C0C0] =	vst v63  }
0x6a: {  	s9 =	sadd.s32 $0x1000, s9;
	_ =	swait.ge [sflag:s30], $0x4000  }
0x6b: {  	s10 =	sshrl.u32 s9, $0x3;
	[sflag:s30] =	ssyncset.done $0x0  }
.LBB2_6:
0x6c: {  	s8 =	sadd.s32 s5, s10;
	[sflag:s30] =	ssyncadd.s32 @p1 $0xFFFFC000  }
0x6d: {  	[tilespmem:s4], [sflag:$0x3] =	stream.linear.gather [hbm4b:s8+s4], $0x80, $0x38;
	[tilespmem:$0x1C0C0] =	vst v63  }
0x6e: {  	s8 =	sadd.s32 $0x9C80, s8  }
0x6f: {  	[tilespmem:s24], [sflag:$0x3] =	stream.linear.gather [hbm4b:s8+s4], $0x80, $0x38;
	[tilespmem:$0x1C0C0] =	vst v63  }
0x70: {  	_ =	swait.ge [sflag:s25], $0x100  }
0x71: {  	[sflag:s25] =	ssyncset.done $0x0  }
0x72: {  	[sflag:s25] =	ssyncadd.s32 $0xFFFFFF00  }
0x73: {  	[tilespmem:s28], [sflag:$0x1] =	stream.indirect.gather [hbm4b:s1+s26], $0x80, s4, s26, $0xb8;
	[tilespmem:$0x1C0C0] =	vst v63  }
0x74: {  	_ =	swait.ge [sflag:s29], $0x4000  }
0x75: {  	[sflag:s29] =	ssyncset.done $0x0  }
0x76: {  	[sflag:s29] =	ssyncadd.s32 $0xFFFFC000  }
0x77: {  	[spmem:s3] =	stream.indirect.scatter.add.f32 [tilespmem:s28], [sflag:$0x2], $0x80, s24, s26, $0xb8;
	[tilespmem:$0x1C0C0] =	vst v63  }
0x78: {  	_ =	swait.ge [sflag:s30], $0x4000  }
0x79: {  	[sflag:s30] =	ssyncset.done $0x0  }
0x7a: {  	[sflag:s30] =	ssyncadd.s32 $0xFFFFC000  }
0x7b: {  	[bflag:$0x0] =	sbarrier.arrive $0xFFFF  }
0x7c: {  	[tilespmem:s7], [sflag:$0x3] =	stream.linear.gather @p0 [spmem:s11], $0x4000, $0x38;
	[tilespmem:$0x1C0C0] =	vst v63  }
0x7d: {  	_ =	swait.ge @p0 [sflag:s21], $0x4000  }
0x7e: {  	[sflag:s21] =	ssyncset.done @p0 $0x0  }
0x7f: {  	s8 =	simm.s32 @p0 $0x0;
	[sflag:s21] =	ssyncadd.s32 @p0 $0xFFFFC000  }
0x80: {  	[hbm4b:s16+s8] =	stream.linear.scatter @p0 [tilespmem:s7], [sflag:$0x3], $0x4000, $0x38;
	[tilespmem:$0x1C0C0] =	vst v63  }
0x81: {  	_ =	swait.ge @p0 [sflag:s21], $0x4000  }
0x82: {  	[sflag:s21] =	ssyncset.done @p0 $0x0  }
0x83: {  	[sflag:s21] =	ssyncadd.s32 @p0 $0xFFFFC000  }
0x84: {  	[tilespmem:s7], [sflag:$0x3] =	stream.linear.gather @p0 [spmem:s12], $0x4000, $0x38;
	[tilespmem:$0x1C0C0] =	vst v63  }
0x85: {  	_ =	swait.ge @p0 [sflag:s21], $0x4000  }
0x86: {  	[sflag:s21] =	ssyncset.done @p0 $0x0  }
0x87: {  	[sflag:s21] =	ssyncadd.s32 @p0 $0xFFFFC000  }
0x88: {  	[hbm4b:s17+s8] =	stream.linear.scatter @p0 [tilespmem:s7], [sflag:$0x3], $0x4000, $0x38;
	[tilespmem:$0x1C0C0] =	vst v63  }
0x89: {  	_ =	swait.ge @p0 [sflag:s21], $0x4000  }
0x8a: {  	[sflag:s21] =	ssyncset.done @p0 $0x0  }
0x8b: {  	[sflag:s21] =	ssyncadd.s32 @p0 $0xFFFFC000  }
0x8c: {  	[tilespmem:s7], [sflag:$0x3] =	stream.linear.gather @p0 [spmem:s13], $0x4000, $0x38;
	[tilespmem:$0x1C0C0] =	vst v63  }
0x8d: {  	_ =	swait.ge @p0 [sflag:s21], $0x4000  }
0x8e: {  	[sflag:s21] =	ssyncset.done @p0 $0x0  }
0x8f: {  	[sflag:s21] =	ssyncadd.s32 @p0 $0xFFFFC000  }
0x90: {  	[hbm4b:s18+s8] =	stream.linear.scatter @p0 [tilespmem:s7], [sflag:$0x3], $0x4000, $0x38;
	[tilespmem:$0x1C0C0] =	vst v63  }
0x91: {  	_ =	swait.ge @p0 [sflag:s21], $0x4000  }
0x92: {  	[sflag:s21] =	ssyncset.done @p0 $0x0  }
0x93: {  	[sflag:s21] =	ssyncadd.s32 @p0 $0xFFFFC000  }
0x94: {  	[tilespmem:s7], [sflag:$0x3] =	stream.linear.gather @p0 [spmem:s14], $0x4000, $0x38;
	[tilespmem:$0x1C0C0] =	vst v63  }
0x95: {  	_ =	swait.ge @p0 [sflag:s21], $0x4000  }
0x96: {  	[sflag:s21] =	ssyncset.done @p0 $0x0  }
0x97: {  	[sflag:s21] =	ssyncadd.s32 @p0 $0xFFFFC000  }
0x98: {  	[hbm4b:s19+s8] =	stream.linear.scatter @p0 [tilespmem:s7], [sflag:$0x3], $0x4000, $0x38;
	[tilespmem:$0x1C0C0] =	vst v63  }
0x99: {  	_ =	swait.ge @p0 [sflag:s21], $0x4000  }
0x9a: {  	[sflag:s21] =	ssyncset.done @p0 $0x0  }
0x9b: {  	[sflag:s21] =	ssyncadd.s32 @p0 $0xFFFFC000  }
0x9c: {  	[tilespmem:s7], [sflag:$0x3] =	stream.linear.gather @p0 [spmem:s15], $0x400, $0x38;
	[tilespmem:$0x1C0C0] =	vst v63  }
0x9d: {  	_ =	swait.ge @p0 [sflag:s21], $0x400  }
0x9e: {  	[sflag:s21] =	ssyncset.done @p0 $0x0  }
0x9f: {  	[sflag:s21] =	ssyncadd.s32 @p0 $0xFFFFFC00  }
0xa0: {  	[hbm4b:s20+s8] =	stream.linear.scatter @p0 [tilespmem:s7], [sflag:$0x3], $0x400, $0x38;
	[tilespmem:$0x1C0C0] =	vst v63  }
0xa1: {  	_ =	swait.ge @p0 [sflag:s21], $0x400  }
0xa2: {  	[sflag:s21] =	ssyncset.done @p0 $0x0  }
0xa3: {  	[sflag:s21] =	ssyncadd.s32 @p0 $0xFFFFFC00  }
0xa4: {  	[tilespmem:s0], [sflag:$0x3] =	stream.linear.gather @!p0 [spmem:s6], $0x4000, $0x38;
	[tilespmem:$0x1C0C0] =	vst v63  }
0xa5: {  	_ =	swait.ge @!p0 [sflag:s2], $0x4000  }
0xa6: {  	[sflag:s2] =	ssyncset.done @!p0 $0x0  }
0xa7: {  	s7 =	simm.s32 @!p0 $0x0;
	[sflag:s2] =	ssyncadd.s32 @!p0 $0xFFFFC000  }
0xa8: {  	[hbm4b:s16+s7] =	stream.linear.scatter @!p0 [tilespmem:s0], [sflag:$0x3], $0x4000, $0x38;
	[tilespmem:$0x1C0C0] =	vst v63  }
0xa9: {  	_ =	swait.ge @!p0 [sflag:s2], $0x4000  }
0xaa: {  	[sflag:s2] =	ssyncset.done @!p0 $0x0  }
0xab: {  	s8 =	rddreg [dreg:$0x4];
	[sflag:s2] =	ssyncadd.s32 @!p0 $0xFFFFC000  }
0xac: {  	[tilespmem:s0], [sflag:$0x3] =	stream.linear.gather @!p0 [spmem:s8], $0x4000, $0x38;
	[tilespmem:$0x1C0C0] =	vst v63  }
0xad: {  	_ =	swait.ge @!p0 [sflag:s2], $0x4000  }
0xae: {  	[sflag:s2] =	ssyncset.done @!p0 $0x0  }
0xaf: {  	[sflag:s2] =	ssyncadd.s32 @!p0 $0xFFFFC000  }
0xb0: {  	[hbm4b:s17+s7] =	stream.linear.scatter @!p0 [tilespmem:s0], [sflag:$0x3], $0x4000, $0x38;
	[tilespmem:$0x1C0C0] =	vst v63  }
0xb1: {  	_ =	swait.ge @!p0 [sflag:s2], $0x4000  }
0xb2: {  	[sflag:s2] =	ssyncset.done @!p0 $0x0  }
0xb3: {  	s8 =	rddreg [dreg:$0x5];
	[sflag:s2] =	ssyncadd.s32 @!p0 $0xFFFFC000  }
0xb4: {  	[tilespmem:s0], [sflag:$0x3] =	stream.linear.gather @!p0 [spmem:s8], $0x4000, $0x38;
	[tilespmem:$0x1C0C0] =	vst v63  }
0xb5: {  	_ =	swait.ge @!p0 [sflag:s2], $0x4000  }
0xb6: {  	[sflag:s2] =	ssyncset.done @!p0 $0x0  }
0xb7: {  	[sflag:s2] =	ssyncadd.s32 @!p0 $0xFFFFC000  }
0xb8: {  	[hbm4b:s18+s7] =	stream.linear.scatter @!p0 [tilespmem:s0], [sflag:$0x3], $0x4000, $0x38;
	[tilespmem:$0x1C0C0] =	vst v63  }
0xb9: {  	_ =	swait.ge @!p0 [sflag:s2], $0x4000  }
0xba: {  	[sflag:s2] =	ssyncset.done @!p0 $0x0  }
0xbb: {  	s8 =	rddreg [dreg:$0x6];
	[sflag:s2] =	ssyncadd.s32 @!p0 $0xFFFFC000  }
0xbc: {  	[tilespmem:s0], [sflag:$0x3] =	stream.linear.gather @!p0 [spmem:s8], $0x4000, $0x38;
	[tilespmem:$0x1C0C0] =	vst v63  }
0xbd: {  	_ =	swait.ge @!p0 [sflag:s2], $0x4000  }
0xbe: {  	[sflag:s2] =	ssyncset.done @!p0 $0x0  }
0xbf: {  	[sflag:s2] =	ssyncadd.s32 @!p0 $0xFFFFC000  }
0xc0: {  	[hbm4b:s19+s7] =	stream.linear.scatter @!p0 [tilespmem:s0], [sflag:$0x3], $0x4000, $0x38;
	[tilespmem:$0x1C0C0] =	vst v63  }
0xc1: {  	_ =	swait.ge @!p0 [sflag:s2], $0x4000  }
0xc2: {  	[sflag:s2] =	ssyncset.done @!p0 $0x0  }
0xc3: {  	s8 =	rddreg [dreg:$0x7];
	[sflag:s2] =	ssyncadd.s32 @!p0 $0xFFFFC000  }
0xc4: {  	[tilespmem:s0], [sflag:$0x3] =	stream.linear.gather @!p0 [spmem:s8], $0x3C00, $0x38;
	[tilespmem:$0x1C0C0] =	vst v63  }
0xc5: {  	_ =	swait.ge @!p0 [sflag:s2], $0x3C00  }
0xc6: {  	[sflag:s2] =	ssyncset.done @!p0 $0x0  }
0xc7: {  	[sflag:s2] =	ssyncadd.s32 @!p0 $0xFFFFC400  }
0xc8: {  	[hbm4b:s20+s7] =	stream.linear.scatter @!p0 [tilespmem:s0], [sflag:$0x3], $0x3C00, $0x38;
	[tilespmem:$0x1C0C0] =	vst v63  }
0xc9: {  	_ =	swait.ge @!p0 [sflag:s2], $0x3C00  }
0xca: {  	s31 =	sadd.s32 $0x1, s31;
	s21 =	rddreg [dreg:$0x8]  }
0xcb: {  	p1 =	sne.s32 s31, s21  }
.Ltmp4:
0xcc: {  	_ = 	snop;
	(pc) =	sbr.rel @p1 .LBB2_1-.Ltmp4, $3  }
0xcd: {  	_ =	sdelay $0x1  }
0xce: {  	[sflag:s2] =	ssyncset.done @!p0 $0x0  }
0xcf: {  	[sflag:s2] =	ssyncadd.s32 @!p0 $0xFFFFC400  }
0xd0: {  	_ =	sfence.sel $0x180000  }
0xd1: {  	[bflag:$0x0] =	sbarrier.arrive $0xFFFF  }
0xd2: {  	_ =	strace $0x90000047  }
0xd3: {  	s0 =	stileid.u32;
	[bflag:$0x2] =	sbarrier.arrive $0xFFFF  }
0xd4: {  	p0 =	sne.s32 s0, $0x0;
	s0 =	rddreg [dreg:$0x3]  }
0xd5: {  	s0 =	sadd.s32 @!p0 $0x100000, s0  }
0xd6: {  	[sflag:s0] =	ssyncadd.tile.s32 @!p0 $0x1;
	_ =	shalt  }
.Lfunc_end2:
_tile_overlayer_lowered:
.L_overlay_start_2:
0xd7: {  	(tag) =	ssettag $0x2  }
0xd8: {  	s0 =	rddreg [dreg:$0x0];
	s2 =	stileid.u32  }
0xd9: {  	s1 =	rddreg [dreg:$0x1];
	p0 =	sne.s32 s2, $0x0  }
0xda: {  	s3 =	rddreg [dreg:$0x2];
	[bflag:$0x3] =	sbarrier.arrive $0xFFFF;
	s2 =	simm.s32 @!p0 $0x1C03  }
0xdb: {  	[timem:s3], [sflag:s2] =	dma.local @!p0 [hbm:s0], s1  }
0xdc: {  	s0 =	simm.s32 @!p0 $0x3  }
0xdd: {  	_ =	swait.ge @!p0 [sflag:s0], s1  }
0xde: {  	s1 =	ssub.s32 @!p0 $0x0, s1;
	[sflag:s0] =	ssyncset.done @!p0 $0x0  }
0xdf: {  	[sflag:s0] =	ssyncadd.s32 @!p0 s1  }
0xe0: {  	[bflag:$0x3] =	sbarrier.arrive $0xFFFF  }
0xe1: {  	_ =	shalt  }

</sc_bundles>
